<compile_context>
chip_gen: v7x
topology: tpu7x:2x2x1
jax: 0.10.2.dev20260603
libtpu: 0.0.44.dev20260713+nightly
codegen_flags: <defaults>
</compile_context>

<pallas_src>
import jax
import jax.numpy as jnp
from jax import lax
from jax.experimental import pallas as pl
from jax.experimental.pallas import tpu as pltpu
from jax.experimental.pallas import tpu_sc as plsc

NC, NS, L = 2, 16, 16


def _tables_body(x_ref, pos_ref, wsrc_ref, wdst_ref, wlin_ref, wpos_ref,
                 bpos_ref, ta_ref, tb_ref):
    x = x_ref[...]
    posw = jnp.dot(pos_ref[...], wpos_ref[...],
                   preferred_element_type=jnp.float32)
    bp = bpos_ref[...]
    t1 = jnp.dot(x, wsrc_ref[...],
                 preferred_element_type=jnp.float32) + posw + bp
    t2 = jnp.dot(x, wdst_ref[...],
                 preferred_element_type=jnp.float32) + posw
    t3 = jnp.dot(x, wlin_ref[...],
                 preferred_element_type=jnp.float32) - posw
    t4 = posw + bp
    ta_ref[...] = jnp.concatenate([t1, t4], axis=1)
    tb_ref[...] = jnp.concatenate([t2, t3], axis=1)


def _make_tables(x, pos, W_src, W_dst, W_lin, W_pos, b_pos):
    n, d = x.shape
    blk = 1000
    nb = n // blk
    return pl.pallas_call(
        _tables_body,
        grid=(nb,),
        in_specs=[
            pl.BlockSpec((blk, d), lambda i: (i, 0)),
            pl.BlockSpec((blk, 3), lambda i: (i, 0)),
            pl.BlockSpec((d, d), lambda i: (0, 0)),
            pl.BlockSpec((d, d), lambda i: (0, 0)),
            pl.BlockSpec((d, d), lambda i: (0, 0)),
            pl.BlockSpec((3, d), lambda i: (0, 0)),
            pl.BlockSpec((1, d), lambda i: (0, 0)),
        ],
        out_specs=[pl.BlockSpec((blk, 2 * d), lambda i: (i, 0))] * 2,
        out_shape=[jax.ShapeDtypeStruct((n, 2 * d), jnp.float32)] * 2,
    )(x, pos, W_src, W_dst, W_lin, W_pos, b_pos.reshape(1, d))


def _alpha_sc_body(ta_hbm, tb_hbm, rows_hbm, cols_hbm, alpha_hbm, val_hbm,
                   rowb0, rowb1, colb0, colb1, tab0, tab1, tbb0, tbb1,
                   isem0, isem1, gsem0, gsem1, wsem0, wsem1):
    e_total = alpha_hbm.shape[0]
    nchunks = e_total // 80
    iters = nchunks // (NC * NS)
    cc = lax.axis_index("c")
    ss = lax.axis_index("s")
    wid = cc * NS + ss
    rowb = (rowb0, rowb1)
    colb = (colb0, colb1)
    tab = (tab0, tab1)
    tbb = (tbb0, tbb1)
    isem = (isem0, isem1)
    gsem = (gsem0, gsem1)
    wsem = (wsem0, wsem1)

    def e_of(k):
        return (wid + k * NC * NS) * 80

    def idx_copies(k, p):
        e0 = e_of(k)
        return (pltpu.make_async_copy(rows_hbm.at[pl.ds(e0, 80)], rowb[p],
                                      isem[p]),
                pltpu.make_async_copy(cols_hbm.at[pl.ds(e0, 80)], colb[p],
                                      isem[p]))

    def gather_copies(p):
        return (pltpu.make_async_copy(ta_hbm.at[rowb[p]], tab[p], gsem[p]),
                pltpu.make_async_copy(tb_hbm.at[colb[p]], tbb[p], gsem[p]))

    def write_copies(k, p):
        e0 = e_of(k)
        return (
            pltpu.make_async_copy(tab[p].at[pl.ds(0, 80), pl.ds(0, 128)],
                                  alpha_hbm.at[pl.ds(e0, 80)], wsem[p]),
            pltpu.make_async_copy(tab[p].at[pl.ds(0, 80), pl.ds(128, 128)],
                                  val_hbm.at[pl.ds(e0, 80)], wsem[p]))

    def compute(p):
        t, u = tab[p], tbb[p]

        def row_body(r, c2):
            for l in range(8):
                sl = pl.ds(l * 16, 16)
                t[r, sl] = t[r, sl] - u[r, sl]
            for l in range(8, 16):
                sl = pl.ds(l * 16, 16)
                t[r, sl] = t[r, sl] + u[r, sl]
            return c2
        lax.fori_loop(0, 80, row_body, 0)

    for d in idx_copies(0, 0):
        d.start()
    for d in idx_copies(1, 1):
        d.start()
    for d in idx_copies(0, 0):
        d.wait()
    for d in gather_copies(0):
        d.start()

    def step(k, p, k_is_first):
        p1 = 1 - p
        @pl.when(k + 1 < iters)
        def _():
            for d in idx_copies(k + 1, p1):
                d.wait()
            if not k_is_first:
                for d in write_copies(k - 1, p1):
                    d.wait()
            for d in gather_copies(p1):
                d.start()

        @pl.when(jnp.logical_and(k + 1 >= iters, k >= 1))
        def _():
            for d in write_copies(k - 1, p1):
                d.wait()
        for d in gather_copies(p):
            d.wait()
        @pl.when(k + 2 < iters)
        def _():
            for d in idx_copies(k + 2, p):
                d.start()
        compute(p)
        for d in write_copies(k, p):
            d.start()

    step(jnp.int32(0), 0, True)

    def pair(i, carry):
        step(2 * i + 1, 1, False)
        step(2 * i + 2, 0, False)
        return carry
    lax.fori_loop(0, (iters - 1) // 2, pair, 0)
    for d in write_copies(iters - 1, 0):
        d.wait()


def _alpha_gather(ta, tb, rows1d, cols1d, e_total):
    mesh = plsc.VectorSubcoreMesh(core_axis_name="c", subcore_axis_name="s")
    return pl.kernel(
        _alpha_sc_body,
        out_type=[
            jax.ShapeDtypeStruct((e_total, 128), jnp.float32),
            jax.ShapeDtypeStruct((e_total, 128), jnp.float32),
        ],
        mesh=mesh,
        scratch_types=(
            [pltpu.VMEM((80,), jnp.int32)] * 4 +
            [pltpu.VMEM((80, 256), jnp.float32)] * 4 +
            [pltpu.SemaphoreType.DMA] * 6
        ),
    )(ta, tb, rows1d, cols1d)


def _mlp_body(a_ref, wa1_ref, ba1_ref, wa2_ref, ba2_ref, a2_ref, mx_ref):
    h = jnp.maximum(
        jnp.dot(a_ref[...], wa1_ref[...],
                preferred_element_type=jnp.float32) + ba1_ref[...], 0.0)
    a2 = jnp.dot(h, wa2_ref[...],
                 preferred_element_type=jnp.float32) + ba2_ref[...]
    a2_ref[...] = a2
    mx_ref[...] = jnp.max(a2, axis=0, keepdims=True)[None]


def _edge_mlp(alpha, W_a1, b_a1, W_a2, b_a2):
    e_total, d = alpha.shape
    blk = 2000
    nb = e_total // blk
    a2, mx = pl.pallas_call(
        _mlp_body,
        grid=(nb,),
        in_specs=[
            pl.BlockSpec((blk, d), lambda i: (i, 0)),
            pl.BlockSpec((d, d), lambda i: (0, 0)),
            pl.BlockSpec((1, d), lambda i: (0, 0)),
            pl.BlockSpec((d, d), lambda i: (0, 0)),
            pl.BlockSpec((1, d), lambda i: (0, 0)),
        ],
        out_specs=[
            pl.BlockSpec((blk, d), lambda i: (i, 0)),
            pl.BlockSpec((1, 1, d), lambda i: (i, 0, 0)),
        ],
        out_shape=[
            jax.ShapeDtypeStruct((e_total, d), jnp.float32),
            jax.ShapeDtypeStruct((nb, 1, d), jnp.float32),
        ],
    )(alpha, W_a1, b_a1.reshape(1, d), W_a2, b_a2.reshape(1, d))
    return a2, mx


def _agg_sc_body(a2_hbm, val_hbm, rows_hbm, cvec_hbm, zeros_hbm,
                 s_hbm, o_hbm, rb0, rb1, a2b0, a2b1, vb0, vb1, cbuf,
                 acc_sp, lsem0, lsem1, ssem0, ssem1):
    n = s_hbm.shape[0]
    e_total = a2_hbm.shape[0]
    per_sub = e_total // NS
    iters = per_sub // 80
    cc = lax.axis_index("c")
    ss = lax.axis_index("s")
    rb = (rb0, rb1)
    a2b = (a2b0, a2b1)
    vb = (vb0, vb1)
    lsem = (lsem0, lsem1)
    ssem = (ssem0, ssem1)

    zbase = ((ss * (n // NS)) // 8) * 8
    pltpu.sync_copy(zeros_hbm, acc_sp.at[pl.ds(zbase, 632)])
    pltpu.sync_copy(cvec_hbm, cbuf)
    plsc.subcore_barrier()
    cv = cbuf[...]

    def load_copies(k, p):
        e0 = ss * per_sub + k * 80
        out = [pltpu.make_async_copy(rows_hbm.at[pl.ds(e0, 80)], rb[p],
                                     lsem[p]),
               pltpu.make_async_copy(a2_hbm.at[pl.ds(e0, 80)], a2b[p],
                                     lsem[p])]
        return out

    def val_copy(k, p):
        e0 = ss * per_sub + k * 80
        return pltpu.make_async_copy(val_hbm.at[pl.ds(e0, 80)], vb[p],
                                     lsem[p])

    def scat_copy(p, src):
        return pltpu.make_async_copy(src, acc_sp.at[rb[p]], ssem[p])

    def issue_loads(k, p):
        for d in load_copies(k, p):
            d.start()

        @pl.when(cc == 1)
        def _():
            val_copy(k, p).start()

    def wait_loads(k, p):
        for d in load_copies(k, p):
            d.wait()

        @pl.when(cc == 1)
        def _():
            val_copy(k, p).wait()

    def step(k, p, k_is_first):
        p1 = 1 - p
        if not k_is_first:
            @pl.when(cc == 0)
            def _():
                scat_copy(p1, a2b[p1]).wait()

            @pl.when(cc == 1)
            def _():
                scat_copy(p1, vb[p1]).wait()
        @pl.when(k + 1 < iters)
        def _():
            issue_loads(k + 1, p1)
        wait_loads(k, p)

        @pl.when(cc == 1)
        def _():
            def row_body1(r, c2):
                for l in range(8):
                    sl = pl.ds(l * 16, 16)
                    e = jnp.exp(a2b[p][r, sl] - cv)
                    vb[p][r, sl] = e * vb[p][r, sl]
                return c2
            lax.fori_loop(0, 80, row_body1, 0)
            scat_copy(p, vb[p]).start(add=True)

        @pl.when(cc == 0)
        def _():
            def row_body0(r, c2):
                for l in range(8):
                    sl = pl.ds(l * 16, 16)
                    a2b[p][r, sl] = jnp.exp(a2b[p][r, sl] - cv)
                return c2
            lax.fori_loop(0, 80, row_body0, 0)
            scat_copy(p, a2b[p]).start(add=True)

    issue_loads(jnp.int32(0), 0)
    step(jnp.int32(0), 0, True)

    def pair(i, carry):
        step(2 * i + 1, 1, False)
        step(2 * i + 2, 0, False)
        return carry
    lax.fori_loop(0, (iters - 2) // 2, pair, 0)
    step(jnp.int32(iters - 1), 1, False)
    @pl.when(cc == 0)
    def _():
        scat_copy(1, a2b[1]).wait()

    @pl.when(cc == 1)
    def _():
        scat_copy(1, vb[1]).wait()
    plsc.subcore_barrier()

    @pl.when(cc == 0)
    def _():
        pltpu.sync_copy(acc_sp.at[pl.ds(zbase, 632)],
                        s_hbm.at[pl.ds(zbase, 632)])

    @pl.when(cc == 1)
    def _():
        pltpu.sync_copy(acc_sp.at[pl.ds(zbase, 632)],
                        o_hbm.at[pl.ds(zbase, 632)])


def _softmax_agg(a2, val, rows1d, cvec, zeros, n):
    mesh = plsc.VectorSubcoreMesh(core_axis_name="c", subcore_axis_name="s")
    return pl.kernel(
        _agg_sc_body,
        out_type=[
            jax.ShapeDtypeStruct((n, 128), jnp.float32),
            jax.ShapeDtypeStruct((n, 128), jnp.float32),
        ],
        mesh=mesh,
        scratch_types=(
            [pltpu.VMEM((80,), jnp.int32)] * 2 +
            [pltpu.VMEM((80, 128), jnp.float32)] * 4 +
            [
                pltpu.VMEM((16,), jnp.float32),
                pltpu.VMEM_SHARED((n, 128), jnp.float32),
            ] +
            [pltpu.SemaphoreType.DMA] * 4
        ),
    )(a2, val, rows1d, cvec, zeros)


def _div_body(o_ref, s_ref, out_ref):
    out_ref[...] = o_ref[...] / (s_ref[...] + 1e-12)


def _divide(o_arr, s_arr):
    n, d = o_arr.shape
    blk = 1000
    return pl.pallas_call(
        _div_body,
        grid=(n // blk,),
        in_specs=[pl.BlockSpec((blk, d), lambda i: (i, 0))] * 2,
        out_specs=pl.BlockSpec((blk, d), lambda i: (i, 0)),
        out_shape=jax.ShapeDtypeStruct((n, d), jnp.float32),
    )(o_arr, s_arr)


def kernel(x, pos, edge_index, W_lin, W_src, W_dst, W_pos, b_pos,
           W_a1, b_a1, W_a2, b_a2):
    n = x.shape[0]
    e_total = edge_index.shape[0]
    rows = edge_index[:, 0]
    cols = edge_index[:, 1]

    ta, tb = _make_tables(x, pos, W_src, W_dst, W_lin, W_pos, b_pos)
    alpha, val = _alpha_gather(ta, tb, rows, cols, e_total)
    a2, mx = _edge_mlp(alpha, W_a1, b_a1, W_a2, b_a2)
    c = jnp.max(mx)
    cvec = jnp.full((16,), c, jnp.float32)
    zeros = jnp.zeros((632, 128), jnp.float32)
    s_arr, o_arr = _softmax_agg(a2, val, rows, cvec, zeros, n)
    return _divide(o_arr, s_arr)

# --- scband reference (transcript-rebuilt; emitter-appended) ---
"""Pipeline reference for scband-my-point-transformer-conv-1219770712820 (READ-ONLY COPY).

The authoritative reference and input builder live on the scoring server;
editing this copy changes nothing except your own understanding.
"""

import jax, jax.numpy as jnp
import numpy as np

N, E, D = 10000, 320000, 128

def setup_inputs(seed: int = 0) -> dict:
    key = jax.random.key(seed)
    ks = jax.random.split(key, 12)
    x = jax.random.normal(ks[0], (N, D), dtype=jnp.float32)
    pos = jax.random.normal(ks[1], (N, 3), dtype=jnp.float32)
    edge_index = jax.random.randint(ks[2], (E, 2), 0, N, dtype=jnp.int32)
    s = 1.0 / np.sqrt(D)
    W_lin = jax.random.uniform(ks[3], (D, D), jnp.float32, -s, s)
    W_src = jax.random.uniform(ks[4], (D, D), jnp.float32, -s, s)
    W_dst = jax.random.uniform(ks[5], (D, D), jnp.float32, -s, s)
    sp = 1.0 / np.sqrt(3.0)
    W_pos = jax.random.uniform(ks[6], (3, D), jnp.float32, -sp, sp)
    b_pos = jax.random.uniform(ks[7], (D,), jnp.float32, -sp, sp)
    W_a1 = jax.random.uniform(ks[8], (D, D), jnp.float32, -s, s)
    b_a1 = jax.random.uniform(ks[9], (D,), jnp.float32, -s, s)
    W_a2 = jax.random.uniform(ks[10], (D, D), jnp.float32, -s, s)
    b_a2 = jax.random.uniform(ks[11], (D,), jnp.float32, -s, s)
    return {"x": x, "pos": pos, "edge_index": edge_index, "W_lin": W_lin, "W_src": W_src, "W_dst": W_dst, "W_pos": W_pos, "b_pos": b_pos, "W_a1": W_a1, "b_a1": b_a1, "W_a2": W_a2, "b_a2": b_a2}


def reference(x, pos, edge_index, W_lin, W_src, W_dst, W_pos, b_pos, W_a1, b_a1, W_a2, b_a2):
    row = edge_index[:, 0]
    col = edge_index[:, 1]
    n = x.shape[0]
    x_proj = x @ W_lin
    alpha_src = x @ W_src
    alpha_dst = x @ W_dst
    x_j = x_proj[col]
    alpha_i = alpha_src[row]
    alpha_j = alpha_dst[col]
    delta = (pos[row] - pos[col]) @ W_pos + b_pos
    alpha = alpha_i - alpha_j + delta
    h = jax.nn.relu(alpha @ W_a1 + b_a1)
    alpha2 = h @ W_a2 + b_a2
    # softmax_edge: torch scatter_reduce amax over a zeros tensor includes self -> max(0, segmax)
    segmax = jax.ops.segment_max(alpha2, row, num_segments=n)
    max_per_node = jnp.maximum(segmax, 0.0)
    alpha_stable = alpha2 - max_per_node[row]
    exp_alpha = jnp.exp(alpha_stable)
    sum_per_node = jax.ops.segment_sum(exp_alpha, row, num_segments=n)
    att = exp_alpha / (sum_per_node[row] + 1e-12)
    msg = att * (x_j + delta)
    out = jax.ops.segment_sum(msg, row, num_segments=n)
    return out

if __name__ == "__main__":
    import jax
    _d = setup_inputs()
    print(jax.jit(kernel)(*tuple(_d.values())))

</pallas_src>

<mosaic_0001>
#map = affine_map<(d0, d1) -> (0, 0)>
#map1 = affine_map<(d0, d1) -> (0)>
module attributes {stable_mosaic.version = 14 : i64} {
  func.func @_alpha_sc_body(%arg0: i32, %arg1: i32, %arg2: memref<10000x256xf32, #tpu.memory_space<hbm>>, %arg3: memref<10000x256xf32, #tpu.memory_space<hbm>>, %arg4: memref<320000xi32, #tpu.memory_space<hbm>>, %arg5: memref<320000xi32, #tpu.memory_space<hbm>>, %arg6: memref<320000x128xf32, #tpu.memory_space<hbm>>, %arg7: memref<320000x128xf32, #tpu.memory_space<hbm>>, %arg8: memref<80xi32, #tpu.memory_space<vmem>>, %arg9: memref<80xi32, #tpu.memory_space<vmem>>, %arg10: memref<80xi32, #tpu.memory_space<vmem>>, %arg11: memref<80xi32, #tpu.memory_space<vmem>>, %arg12: memref<80x256xf32, #tpu.memory_space<vmem>>, %arg13: memref<80x256xf32, #tpu.memory_space<vmem>>, %arg14: memref<80x256xf32, #tpu.memory_space<vmem>>, %arg15: memref<80x256xf32, #tpu.memory_space<vmem>>, %arg16: memref<!tpu.dma_semaphore, #tpu.memory_space<semaphore_mem>>, %arg17: memref<!tpu.dma_semaphore, #tpu.memory_space<semaphore_mem>>, %arg18: memref<!tpu.dma_semaphore, #tpu.memory_space<semaphore_mem>>, %arg19: memref<!tpu.dma_semaphore, #tpu.memory_space<semaphore_mem>>, %arg20: memref<!tpu.dma_semaphore, #tpu.memory_space<semaphore_mem>>, %arg21: memref<!tpu.dma_semaphore, #tpu.memory_space<semaphore_mem>>) attributes {dimension_semantics = [#tpu.dimension_semantics<core_parallel>, #tpu.dimension_semantics<subcore_parallel>], iteration_bounds = array<i64: 2, 16>, scalar_prefetch = 0 : i64, scratch_operands = 14 : i64, tpu.core_type = #tpu.core_type<sc_vector_subcore>, window_params = [{transform_indices = #map}, {transform_indices = #map}, {transform_indices = #map1}, {transform_indices = #map1}, {transform_indices = #map}, {transform_indices = #map}]} {
    %mul3A = arith.constant 16 : i32
    %mul3A_0 = arith.muli %arg0, %mul3A : i32
    %add3A = arith.addi %mul3A_0, %arg1 : i32
    %add3A_1 = arith.constant 0 : i32
    %add3A_2 = arith.addi %add3A, %add3A_1 : i32
    %mul3A_3 = arith.constant 80 : i32
    %mul3A_4 = arith.muli %add3A_2, %mul3A_3 : i32
    %dma_start3A = tpu.memref_slice %arg4[%mul3A_4] : memref<320000xi32, #tpu.memory_space<hbm>> -> memref<80xi32, #tpu.memory_space<hbm>>
    %dma_start3A_5 = tpu.memref_slice %arg4[%mul3A_4] : memref<320000xi32, #tpu.memory_space<hbm>> -> memref<80xi32, #tpu.memory_space<hbm>>
    tpu.enqueue_dma source(%dma_start3A_5 : memref<80xi32, #tpu.memory_space<hbm>>) target(%arg8 : memref<80xi32, #tpu.memory_space<vmem>>) target_semaphore(%arg16 : memref<!tpu.dma_semaphore, #tpu.memory_space<semaphore_mem>>)
    %dma_start3A_6 = tpu.memref_slice %arg5[%mul3A_4] : memref<320000xi32, #tpu.memory_space<hbm>> -> memref<80xi32, #tpu.memory_space<hbm>>
    %dma_start3A_7 = tpu.memref_slice %arg5[%mul3A_4] : memref<320000xi32, #tpu.memory_space<hbm>> -> memref<80xi32, #tpu.memory_space<hbm>>
    tpu.enqueue_dma source(%dma_start3A_7 : memref<80xi32, #tpu.memory_space<hbm>>) target(%arg10 : memref<80xi32, #tpu.memory_space<vmem>>) target_semaphore(%arg16 : memref<!tpu.dma_semaphore, #tpu.memory_space<semaphore_mem>>)
    %add3A_8 = arith.constant 32 : i32
    %add3A_9 = arith.addi %add3A, %add3A_8 : i32
    %mul3A_10 = arith.constant 80 : i32
    %mul3A_11 = arith.muli %add3A_9, %mul3A_10 : i32
    %dma_start3A_12 = tpu.memref_slice %arg4[%mul3A_11] : memref<320000xi32, #tpu.memory_space<hbm>> -> memref<80xi32, #tpu.memory_space<hbm>>
    %dma_start3A_13 = tpu.memref_slice %arg4[%mul3A_11] : memref<320000xi32, #tpu.memory_space<hbm>> -> memref<80xi32, #tpu.memory_space<hbm>>
    tpu.enqueue_dma source(%dma_start3A_13 : memref<80xi32, #tpu.memory_space<hbm>>) target(%arg9 : memref<80xi32, #tpu.memory_space<vmem>>) target_semaphore(%arg17 : memref<!tpu.dma_semaphore, #tpu.memory_space<semaphore_mem>>)
    %dma_start3A_14 = tpu.memref_slice %arg5[%mul3A_11] : memref<320000xi32, #tpu.memory_space<hbm>> -> memref<80xi32, #tpu.memory_space<hbm>>
    %dma_start3A_15 = tpu.memref_slice %arg5[%mul3A_11] : memref<320000xi32, #tpu.memory_space<hbm>> -> memref<80xi32, #tpu.memory_space<hbm>>
    tpu.enqueue_dma source(%dma_start3A_15 : memref<80xi32, #tpu.memory_space<hbm>>) target(%arg11 : memref<80xi32, #tpu.memory_space<vmem>>) target_semaphore(%arg17 : memref<!tpu.dma_semaphore, #tpu.memory_space<semaphore_mem>>)
    %add3A_16 = arith.constant 0 : i32
    %add3A_17 = arith.addi %add3A, %add3A_16 : i32
    %mul3A_18 = arith.constant 80 : i32
    %mul3A_19 = arith.muli %add3A_17, %mul3A_18 : i32
    %dma_wait3A = tpu.memref_slice %arg4[%mul3A_19] : memref<320000xi32, #tpu.memory_space<hbm>> -> memref<80xi32, #tpu.memory_space<hbm>>
    %dma_wait3A_20 = tpu.memref_slice %arg4[%mul3A_19] : memref<320000xi32, #tpu.memory_space<hbm>> -> memref<80xi32, #tpu.memory_space<hbm>>
    tpu.wait_dma2 semaphore(%arg16 : memref<!tpu.dma_semaphore, #tpu.memory_space<semaphore_mem>>) src(%dma_wait3A_20 : memref<80xi32, #tpu.memory_space<hbm>>) dst(%arg8 : memref<80xi32, #tpu.memory_space<vmem>>)
    %dma_wait3A_21 = tpu.memref_slice %arg5[%mul3A_19] : memref<320000xi32, #tpu.memory_space<hbm>> -> memref<80xi32, #tpu.memory_space<hbm>>
    %dma_wait3A_22 = tpu.memref_slice %arg5[%mul3A_19] : memref<320000xi32, #tpu.memory_space<hbm>> -> memref<80xi32, #tpu.memory_space<hbm>>
    tpu.wait_dma2 semaphore(%arg16 : memref<!tpu.dma_semaphore, #tpu.memory_space<semaphore_mem>>) src(%dma_wait3A_22 : memref<80xi32, #tpu.memory_space<hbm>>) dst(%arg10 : memref<80xi32, #tpu.memory_space<vmem>>)
    %dma_start3A_23 = arith.constant 0 : i32
    %dma_start3A_24 = arith.constant 0 : i32
    %dma_start3A_25 = tpu.memref_slice %arg2[%dma_start3A_23, %dma_start3A_24] : memref<10000x256xf32, #tpu.memory_space<hbm>> -> memref<10000x256xf32, #tpu.memory_space<hbm>>
    tpu.enqueue_indirect_dma source(%dma_start3A_25 : memref<10000x256xf32, #tpu.memory_space<hbm>>) target(%arg12 : memref<80x256xf32, #tpu.memory_space<vmem>>) offsets(%arg8 : memref<80xi32, #tpu.memory_space<vmem>>) semaphore(%arg18 : memref<!tpu.dma_semaphore, #tpu.memory_space<semaphore_mem>>)
    %dma_start3A_26 = arith.constant 0 : i32
    %dma_start3A_27 = arith.constant 0 : i32
    %dma_start3A_28 = tpu.memref_slice %arg3[%dma_start3A_26, %dma_start3A_27] : memref<10000x256xf32, #tpu.memory_space<hbm>> -> memref<10000x256xf32, #tpu.memory_space<hbm>>
    tpu.enqueue_indirect_dma source(%dma_start3A_28 : memref<10000x256xf32, #tpu.memory_space<hbm>>) target(%arg14 : memref<80x256xf32, #tpu.memory_space<vmem>>) offsets(%arg10 : memref<80xi32, #tpu.memory_space<vmem>>) semaphore(%arg18 : memref<!tpu.dma_semaphore, #tpu.memory_space<semaphore_mem>>)
    %add3A_29 = arith.constant 0 : i32
    %add3A_30 = arith.constant 1 : i32
    %add3A_31 = arith.addi %add3A_29, %add3A_30 : i32
    %lt3A = arith.constant 125 : i32
    %lt3A_32 = arith.cmpi slt, %add3A_31, %lt3A : i32
    %convert_element_type3A = arith.extui %lt3A_32 : i1 to i32
    %cond3A = arith.constant 0 : i32
    %cond3A_33 = arith.constant 0 : i32
    %cond3A_34 = arith.cmpi ne, %convert_element_type3A, %cond3A_33 : i32
    scf.if %cond3A_34 {
      %add3A_124 = arith.constant 1 : i32
      %add3A_125 = arith.addi %cond3A, %add3A_124 : i32
      %mul3A_126 = arith.constant 2 : i32
      %mul3A_127 = arith.muli %add3A_125, %mul3A_126 : i32
      %mul3A_128 = arith.constant 16 : i32
      %mul3A_129 = arith.muli %mul3A_127, %mul3A_128 : i32
      %add3A_130 = arith.addi %add3A, %mul3A_129 : i32
      %mul3A_131 = arith.constant 80 : i32
      %mul3A_132 = arith.muli %add3A_130, %mul3A_131 : i32
      %dma_wait3A_133 = tpu.memref_slice %arg4[%mul3A_132] : memref<320000xi32, #tpu.memory_space<hbm>> -> memref<80xi32, #tpu.memory_space<hbm>>
      %dma_wait3A_134 = tpu.memref_slice %arg4[%mul3A_132] : memref<320000xi32, #tpu.memory_space<hbm>> -> memref<80xi32, #tpu.memory_space<hbm>>
      tpu.wait_dma2 semaphore(%arg17 : memref<!tpu.dma_semaphore, #tpu.memory_space<semaphore_mem>>) src(%dma_wait3A_134 : memref<80xi32, #tpu.memory_space<hbm>>) dst(%arg9 : memref<80xi32, #tpu.memory_space<vmem>>)
      %dma_wait3A_135 = tpu.memref_slice %arg5[%mul3A_132] : memref<320000xi32, #tpu.memory_space<hbm>> -> memref<80xi32, #tpu.memory_space<hbm>>
      %dma_wait3A_136 = tpu.memref_slice %arg5[%mul3A_132] : memref<320000xi32, #tpu.memory_space<hbm>> -> memref<80xi32, #tpu.memory_space<hbm>>
      tpu.wait_dma2 semaphore(%arg17 : memref<!tpu.dma_semaphore, #tpu.memory_space<semaphore_mem>>) src(%dma_wait3A_136 : memref<80xi32, #tpu.memory_space<hbm>>) dst(%arg11 : memref<80xi32, #tpu.memory_space<vmem>>)
      %dma_start3A_137 = arith.constant 0 : i32
      %dma_start3A_138 = arith.constant 0 : i32
      %dma_start3A_139 = tpu.memref_slice %arg2[%dma_start3A_137, %dma_start3A_138] : memref<10000x256xf32, #tpu.memory_space<hbm>> -> memref<10000x256xf32, #tpu.memory_space<hbm>>
      tpu.enqueue_indirect_dma source(%dma_start3A_139 : memref<10000x256xf32, #tpu.memory_space<hbm>>) target(%arg13 : memref<80x256xf32, #tpu.memory_space<vmem>>) offsets(%arg9 : memref<80xi32, #tpu.memory_space<vmem>>) semaphore(%arg19 : memref<!tpu.dma_semaphore, #tpu.memory_space<semaphore_mem>>)
      %dma_start3A_140 = arith.constant 0 : i32
      %dma_start3A_141 = arith.constant 0 : i32
      %dma_start3A_142 = tpu.memref_slice %arg3[%dma_start3A_140, %dma_start3A_141] : memref<10000x256xf32, #tpu.memory_space<hbm>> -> memref<10000x256xf32, #tpu.memory_space<hbm>>
      tpu.enqueue_indirect_dma source(%dma_start3A_142 : memref<10000x256xf32, #tpu.memory_space<hbm>>) target(%arg15 : memref<80x256xf32, #tpu.memory_space<vmem>>) offsets(%arg11 : memref<80xi32, #tpu.memory_space<vmem>>) semaphore(%arg19 : memref<!tpu.dma_semaphore, #tpu.memory_space<semaphore_mem>>)
    } else {
    }
    %add3A_35 = arith.constant 0 : i32
    %add3A_36 = arith.constant 1 : i32
    %add3A_37 = arith.addi %add3A_35, %add3A_36 : i32
    %ge3A = arith.constant 125 : i32
    %ge3A_38 = arith.cmpi sge, %add3A_37, %ge3A : i32
    %ge3A_39 = arith.constant 0 : i32
    %ge3A_40 = arith.constant 1 : i32
    %ge3A_41 = arith.cmpi sge, %ge3A_39, %ge3A_40 : i32
    %and3A = arith.andi %ge3A_38, %ge3A_41 : i1
    %convert_element_type3A_42 = arith.extui %and3A : i1 to i32
    %cond3A_43 = arith.constant 0 : i32
    %cond3A_44 = arith.constant 0 : i32
    %cond3A_45 = arith.cmpi ne, %convert_element_type3A_42, %cond3A_44 : i32
    scf.if %cond3A_45 {
      %sub3A = arith.constant 1 : i32
      %sub3A_124 = arith.subi %cond3A_43, %sub3A : i32
      %mul3A_125 = arith.constant 2 : i32
      %mul3A_126 = arith.muli %sub3A_124, %mul3A_125 : i32
      %mul3A_127 = arith.constant 16 : i32
      %mul3A_128 = arith.muli %mul3A_126, %mul3A_127 : i32
      %add3A_129 = arith.addi %add3A, %mul3A_128 : i32
      %mul3A_130 = arith.constant 80 : i32
      %mul3A_131 = arith.muli %add3A_129, %mul3A_130 : i32
      %dma_wait3A_132 = arith.constant 0 : i32
      %dma_wait3A_133 = arith.constant 0 : i32
      %dma_wait3A_134 = tpu.memref_slice %arg13[%dma_wait3A_132, %dma_wait3A_133] : memref<80x256xf32, #tpu.memory_space<vmem>> -> memref<80x128xf32, #tpu.memory_space<vmem>>
      %dma_wait3A_135 = arith.constant 0 : i32
      %dma_wait3A_136 = tpu.memref_slice %arg6[%mul3A_131, %dma_wait3A_135] : memref<320000x128xf32, #tpu.memory_space<hbm>> -> memref<80x128xf32, #tpu.memory_space<hbm>>
      %dma_wait3A_137 = arith.constant 0 : i32
      %dma_wait3A_138 = tpu.memref_slice %arg6[%mul3A_131, %dma_wait3A_137] : memref<320000x128xf32, #tpu.memory_space<hbm>> -> memref<80x128xf32, #tpu.memory_space<hbm>>
      %dma_wait3A_139 = arith.constant 0 : i32
      %dma_wait3A_140 = arith.constant 0 : i32
      %dma_wait3A_141 = tpu.memref_slice %arg13[%dma_wait3A_139, %dma_wait3A_140] : memref<80x256xf32, #tpu.memory_space<vmem>> -> memref<80x128xf32, #tpu.memory_space<vmem>>
      tpu.wait_dma2 semaphore(%arg21 : memref<!tpu.dma_semaphore, #tpu.memory_space<semaphore_mem>>) src(%dma_wait3A_141 : memref<80x128xf32, #tpu.memory_space<vmem>>) dst(%dma_wait3A_138 : memref<80x128xf32, #tpu.memory_space<hbm>>)
      %dma_wait3A_142 = arith.constant 0 : i32
      %dma_wait3A_143 = arith.constant 128 : i32
      %dma_wait3A_144 = tpu.memref_slice %arg13[%dma_wait3A_142, %dma_wait3A_143] : memref<80x256xf32, #tpu.memory_space<vmem>> -> memref<80x128xf32, #tpu.memory_space<vmem>>
      %dma_wait3A_145 = arith.constant 0 : i32
      %dma_wait3A_146 = tpu.memref_slice %arg7[%mul3A_131, %dma_wait3A_145] : memref<320000x128xf32, #tpu.memory_space<hbm>> -> memref<80x128xf32, #tpu.memory_space<hbm>>
      %dma_wait3A_147 = arith.constant 0 : i32
      %dma_wait3A_148 = tpu.memref_slice %arg7[%mul3A_131, %dma_wait3A_147] : memref<320000x128xf32, #tpu.memory_space<hbm>> -> memref<80x128xf32, #tpu.memory_space<hbm>>
      %dma_wait3A_149 = arith.constant 0 : i32
      %dma_wait3A_150 = arith.constant 128 : i32
      %dma_wait3A_151 = tpu.memref_slice %arg13[%dma_wait3A_149, %dma_wait3A_150] : memref<80x256xf32, #tpu.memory_space<vmem>> -> memref<80x128xf32, #tpu.memory_space<vmem>>
      tpu.wait_dma2 semaphore(%arg21 : memref<!tpu.dma_semaphore, #tpu.memory_space<semaphore_mem>>) src(%dma_wait3A_151 : memref<80x128xf32, #tpu.memory_space<vmem>>) dst(%dma_wait3A_148 : memref<80x128xf32, #tpu.memory_space<hbm>>)
    } else {
    }
    %dma_wait3A_46 = arith.constant 0 : i32
    %dma_wait3A_47 = arith.constant 0 : i32
    %dma_wait3A_48 = tpu.memref_slice %arg2[%dma_wait3A_46, %dma_wait3A_47] : memref<10000x256xf32, #tpu.memory_space<hbm>> -> memref<10000x256xf32, #tpu.memory_space<hbm>>
    tpu.wait_indirect_dma semaphore(%arg18 : memref<!tpu.dma_semaphore, #tpu.memory_space<semaphore_mem>>) src(%dma_wait3A_48 : memref<10000x256xf32, #tpu.memory_space<hbm>>) dst(%arg12 : memref<80x256xf32, #tpu.memory_space<vmem>>)
    %dma_wait3A_49 = arith.constant 0 : i32
    %dma_wait3A_50 = arith.constant 0 : i32
    %dma_wait3A_51 = tpu.memref_slice %arg3[%dma_wait3A_49, %dma_wait3A_50] : memref<10000x256xf32, #tpu.memory_space<hbm>> -> memref<10000x256xf32, #tpu.memory_space<hbm>>
    tpu.wait_indirect_dma semaphore(%arg18 : memref<!tpu.dma_semaphore, #tpu.memory_space<semaphore_mem>>) src(%dma_wait3A_51 : memref<10000x256xf32, #tpu.memory_space<hbm>>) dst(%arg14 : memref<80x256xf32, #tpu.memory_space<vmem>>)
    %add3A_52 = arith.constant 0 : i32
    %add3A_53 = arith.constant 2 : i32
    %add3A_54 = arith.addi %add3A_52, %add3A_53 : i32
    %lt3A_55 = arith.constant 125 : i32
    %lt3A_56 = arith.cmpi slt, %add3A_54, %lt3A_55 : i32
    %convert_element_type3A_57 = arith.extui %lt3A_56 : i1 to i32
    %cond3A_58 = arith.constant 0 : i32
    %cond3A_59 = arith.constant 0 : i32
    %cond3A_60 = arith.cmpi ne, %convert_element_type3A_57, %cond3A_59 : i32
    scf.if %cond3A_60 {
      %add3A_124 = arith.constant 2 : i32
      %add3A_125 = arith.addi %cond3A_58, %add3A_124 : i32
      %mul3A_126 = arith.constant 2 : i32
      %mul3A_127 = arith.muli %add3A_125, %mul3A_126 : i32
      %mul3A_128 = arith.constant 16 : i32
      %mul3A_129 = arith.muli %mul3A_127, %mul3A_128 : i32
      %add3A_130 = arith.addi %add3A, %mul3A_129 : i32
      %mul3A_131 = arith.constant 80 : i32
      %mul3A_132 = arith.muli %add3A_130, %mul3A_131 : i32
      %dma_start3A_133 = tpu.memref_slice %arg4[%mul3A_132] : memref<320000xi32, #tpu.memory_space<hbm>> -> memref<80xi32, #tpu.memory_space<hbm>>
      %dma_start3A_134 = tpu.memref_slice %arg4[%mul3A_132] : memref<320000xi32, #tpu.memory_space<hbm>> -> memref<80xi32, #tpu.memory_space<hbm>>
      tpu.enqueue_dma source(%dma_start3A_134 : memref<80xi32, #tpu.memory_space<hbm>>) target(%arg8 : memref<80xi32, #tpu.memory_space<vmem>>) target_semaphore(%arg16 : memref<!tpu.dma_semaphore, #tpu.memory_space<semaphore_mem>>)
      %dma_start3A_135 = tpu.memref_slice %arg5[%mul3A_132] : memref<320000xi32, #tpu.memory_space<hbm>> -> memref<80xi32, #tpu.memory_space<hbm>>
      %dma_start3A_136 = tpu.memref_slice %arg5[%mul3A_132] : memref<320000xi32, #tpu.memory_space<hbm>> -> memref<80xi32, #tpu.memory_space<hbm>>
      tpu.enqueue_dma source(%dma_start3A_136 : memref<80xi32, #tpu.memory_space<hbm>>) target(%arg10 : memref<80xi32, #tpu.memory_space<vmem>>) target_semaphore(%arg16 : memref<!tpu.dma_semaphore, #tpu.memory_space<semaphore_mem>>)
    } else {
    }
    %scan3A = arith.constant 0 : i32
    %scan3A_61 = arith.constant 0 : i32
    %scan3A_62 = arith.constant 80 : i32
    %scan3A_63 = arith.addi %scan3A_61, %scan3A_62 : i32
    %scan3A_64 = arith.constant 1 : i32
    scf.for %scan3A_124 = %scan3A_61 to %scan3A_63 step %scan3A_64  : i32 {
      %get3A = arith.index_cast %scan3A_124 : i32 to index
      %get3A_125 = arith.constant 0 : index
      %get3A_126 = tpu.vector_load %arg12[%get3A, %get3A_125] {strides = array<i32>} : memref<80x256xf32, #tpu.memory_space<vmem>>, vector<1x16xf32>,
      %get3A_127 = vector.shape_cast %get3A_126 : vector<1x16xf32> to vector<16xf32>
      %get3A_128 = arith.index_cast %scan3A_124 : i32 to index
      %get3A_129 = arith.constant 0 : index
      %get3A_130 = tpu.vector_load %arg14[%get3A_128, %get3A_129] {strides = array<i32>} : memref<80x256xf32, #tpu.memory_space<vmem>>, vector<1x16xf32>,
      %get3A_131 = vector.shape_cast %get3A_130 : vector<1x16xf32> to vector<16xf32>
      %sub3A = arith.subf %get3A_127, %get3A_131 : vector<16xf32>
      %swap3A = arith.index_cast %scan3A_124 : i32 to index
      %swap3A_132 = arith.constant 0 : index
      %swap3A_133 = tpu.vector_load %arg12[%swap3A, %swap3A_132] {strides = array<i32>} : memref<80x256xf32, #tpu.memory_space<vmem>>, vector<1x16xf32>,
      %swap3A_134 = vector.shape_cast %swap3A_133 : vector<1x16xf32> to vector<16xf32>
      %swap3A_135 = vector.shape_cast %sub3A : vector<16xf32> to vector<1x16xf32>
      tpu.vector_store %arg12[%swap3A, %swap3A_132], %swap3A_135 {strides = array<i32>} : memref<80x256xf32, #tpu.memory_space<vmem>>, vector<1x16xf32>,
      %get3A_136 = arith.index_cast %scan3A_124 : i32 to index
      %get3A_137 = arith.constant 16 : index
      %get3A_138 = tpu.vector_load %arg12[%get3A_136, %get3A_137] {strides = array<i32>} : memref<80x256xf32, #tpu.memory_space<vmem>>, vector<1x16xf32>,
      %get3A_139 = vector.shape_cast %get3A_138 : vector<1x16xf32> to vector<16xf32>
      %get3A_140 = arith.index_cast %scan3A_124 : i32 to index
      %get3A_141 = arith.constant 16 : index
      %get3A_142 = tpu.vector_load %arg14[%get3A_140, %get3A_141] {strides = array<i32>} : memref<80x256xf32, #tpu.memory_space<vmem>>, vector<1x16xf32>,
      %get3A_143 = vector.shape_cast %get3A_142 : vector<1x16xf32> to vector<16xf32>
      %sub3A_144 = arith.subf %get3A_139, %get3A_143 : vector<16xf32>
      %swap3A_145 = arith.index_cast %scan3A_124 : i32 to index
      %swap3A_146 = arith.constant 16 : index
      %swap3A_147 = tpu.vector_load %arg12[%swap3A_145, %swap3A_146] {strides = array<i32>} : memref<80x256xf32, #tpu.memory_space<vmem>>, vector<1x16xf32>,
      %swap3A_148 = vector.shape_cast %swap3A_147 : vector<1x16xf32> to vector<16xf32>
      %swap3A_149 = vector.shape_cast %sub3A_144 : vector<16xf32> to vector<1x16xf32>
      tpu.vector_store %arg12[%swap3A_145, %swap3A_146], %swap3A_149 {strides = array<i32>} : memref<80x256xf32, #tpu.memory_space<vmem>>, vector<1x16xf32>,
      %get3A_150 = arith.index_cast %scan3A_124 : i32 to index
      %get3A_151 = arith.constant 32 : index
      %get3A_152 = tpu.vector_load %arg12[%get3A_150, %get3A_151] {strides = array<i32>} : memref<80x256xf32, #tpu.memory_space<vmem>>, vector<1x16xf32>,
      %get3A_153 = vector.shape_cast %get3A_152 : vector<1x16xf32> to vector<16xf32>
      %get3A_154 = arith.index_cast %scan3A_124 : i32 to index
      %get3A_155 = arith.constant 32 : index
      %get3A_156 = tpu.vector_load %arg14[%get3A_154, %get3A_155] {strides = array<i32>} : memref<80x256xf32, #tpu.memory_space<vmem>>, vector<1x16xf32>,
      %get3A_157 = vector.shape_cast %get3A_156 : vector<1x16xf32> to vector<16xf32>
      %sub3A_158 = arith.subf %get3A_153, %get3A_157 : vector<16xf32>
      %swap3A_159 = arith.index_cast %scan3A_124 : i32 to index
      %swap3A_160 = arith.constant 32 : index
      %swap3A_161 = tpu.vector_load %arg12[%swap3A_159, %swap3A_160] {strides = array<i32>} : memref<80x256xf32, #tpu.memory_space<vmem>>, vector<1x16xf32>,
      %swap3A_162 = vector.shape_cast %swap3A_161 : vector<1x16xf32> to vector<16xf32>
      %swap3A_163 = vector.shape_cast %sub3A_158 : vector<16xf32> to vector<1x16xf32>
      tpu.vector_store %arg12[%swap3A_159, %swap3A_160], %swap3A_163 {strides = array<i32>} : memref<80x256xf32, #tpu.memory_space<vmem>>, vector<1x16xf32>,
      %get3A_164 = arith.index_cast %scan3A_124 : i32 to index
      %get3A_165 = arith.constant 48 : index
      %get3A_166 = tpu.vector_load %arg12[%get3A_164, %get3A_165] {strides = array<i32>} : memref<80x256xf32, #tpu.memory_space<vmem>>, vector<1x16xf32>,
      %get3A_167 = vector.shape_cast %get3A_166 : vector<1x16xf32> to vector<16xf32>
      %get3A_168 = arith.index_cast %scan3A_124 : i32 to index
      %get3A_169 = arith.constant 48 : index
      %get3A_170 = tpu.vector_load %arg14[%get3A_168, %get3A_169] {strides = array<i32>} : memref<80x256xf32, #tpu.memory_space<vmem>>, vector<1x16xf32>,
      %get3A_171 = vector.shape_cast %get3A_170 : vector<1x16xf32> to vector<16xf32>
      %sub3A_172 = arith.subf %get3A_167, %get3A_171 : vector<16xf32>
      %swap3A_173 = arith.index_cast %scan3A_124 : i32 to index
      %swap3A_174 = arith.constant 48 : index
      %swap3A_175 = tpu.vector_load %arg12[%swap3A_173, %swap3A_174] {strides = array<i32>} : memref<80x256xf32, #tpu.memory_space<vmem>>, vector<1x16xf32>,
      %swap3A_176 = vector.shape_cast %swap3A_175 : vector<1x16xf32> to vector<16xf32>
      %swap3A_177 = vector.shape_cast %sub3A_172 : vector<16xf32> to vector<1x16xf32>
      tpu.vector_store %arg12[%swap3A_173, %swap3A_174], %swap3A_177 {strides = array<i32>} : memref<80x256xf32, #tpu.memory_space<vmem>>, vector<1x16xf32>,
      %get3A_178 = arith.index_cast %scan3A_124 : i32 to index
      %get3A_179 = arith.constant 64 : index
      %get3A_180 = tpu.vector_load %arg12[%get3A_178, %get3A_179] {strides = array<i32>} : memref<80x256xf32, #tpu.memory_space<vmem>>, vector<1x16xf32>,
      %get3A_181 = vector.shape_cast %get3A_180 : vector<1x16xf32> to vector<16xf32>
      %get3A_182 = arith.index_cast %scan3A_124 : i32 to index
      %get3A_183 = arith.constant 64 : index
      %get3A_184 = tpu.vector_load %arg14[%get3A_182, %get3A_183] {strides = array<i32>} : memref<80x256xf32, #tpu.memory_space<vmem>>, vector<1x16xf32>,
      %get3A_185 = vector.shape_cast %get3A_184 : vector<1x16xf32> to vector<16xf32>
      %sub3A_186 = arith.subf %get3A_181, %get3A_185 : vector<16xf32>
      %swap3A_187 = arith.index_cast %scan3A_124 : i32 to index
      %swap3A_188 = arith.constant 64 : index
      %swap3A_189 = tpu.vector_load %arg12[%swap3A_187, %swap3A_188] {strides = array<i32>} : memref<80x256xf32, #tpu.memory_space<vmem>>, vector<1x16xf32>,
      %swap3A_190 = vector.shape_cast %swap3A_189 : vector<1x16xf32> to vector<16xf32>
      %swap3A_191 = vector.shape_cast %sub3A_186 : vector<16xf32> to vector<1x16xf32>
      tpu.vector_store %arg12[%swap3A_187, %swap3A_188], %swap3A_191 {strides = array<i32>} : memref<80x256xf32, #tpu.memory_space<vmem>>, vector<1x16xf32>,
      %get3A_192 = arith.index_cast %scan3A_124 : i32 to index
      %get3A_193 = arith.constant 80 : index
      %get3A_194 = tpu.vector_load %arg12[%get3A_192, %get3A_193] {strides = array<i32>} : memref<80x256xf32, #tpu.memory_space<vmem>>, vector<1x16xf32>,
      %get3A_195 = vector.shape_cast %get3A_194 : vector<1x16xf32> to vector<16xf32>
      %get3A_196 = arith.index_cast %scan3A_124 : i32 to index
      %get3A_197 = arith.constant 80 : index
      %get3A_198 = tpu.vector_load %arg14[%get3A_196, %get3A_197] {strides = array<i32>} : memref<80x256xf32, #tpu.memory_space<vmem>>, vector<1x16xf32>,
      %get3A_199 = vector.shape_cast %get3A_198 : vector<1x16xf32> to vector<16xf32>
      %sub3A_200 = arith.subf %get3A_195, %get3A_199 : vector<16xf32>
      %swap3A_201 = arith.index_cast %scan3A_124 : i32 to index
      %swap3A_202 = arith.constant 80 : index
      %swap3A_203 = tpu.vector_load %arg12[%swap3A_201, %swap3A_202] {strides = array<i32>} : memref<80x256xf32, #tpu.memory_space<vmem>>, vector<1x16xf32>,
      %swap3A_204 = vector.shape_cast %swap3A_203 : vector<1x16xf32> to vector<16xf32>
      %swap3A_205 = vector.shape_cast %sub3A_200 : vector<16xf32> to vector<1x16xf32>
      tpu.vector_store %arg12[%swap3A_201, %swap3A_202], %swap3A_205 {strides = array<i32>} : memref<80x256xf32, #tpu.memory_space<vmem>>, vector<1x16xf32>,
      %get3A_206 = arith.index_cast %scan3A_124 : i32 to index
      %get3A_207 = arith.constant 96 : index
      %get3A_208 = tpu.vector_load %arg12[%get3A_206, %get3A_207] {strides = array<i32>} : memref<80x256xf32, #tpu.memory_space<vmem>>, vector<1x16xf32>,
      %get3A_209 = vector.shape_cast %get3A_208 : vector<1x16xf32> to vector<16xf32>
      %get3A_210 = arith.index_cast %scan3A_124 : i32 to index
      %get3A_211 = arith.constant 96 : index
      %get3A_212 = tpu.vector_load %arg14[%get3A_210, %get3A_211] {strides = array<i32>} : memref<80x256xf32, #tpu.memory_space<vmem>>, vector<1x16xf32>,
      %get3A_213 = vector.shape_cast %get3A_212 : vector<1x16xf32> to vector<16xf32>
      %sub3A_214 = arith.subf %get3A_209, %get3A_213 : vector<16xf32>
      %swap3A_215 = arith.index_cast %scan3A_124 : i32 to index
      %swap3A_216 = arith.constant 96 : index
      %swap3A_217 = tpu.vector_load %arg12[%swap3A_215, %swap3A_216] {strides = array<i32>} : memref<80x256xf32, #tpu.memory_space<vmem>>, vector<1x16xf32>,
      %swap3A_218 = vector.shape_cast %swap3A_217 : vector<1x16xf32> to vector<16xf32>
      %swap3A_219 = vector.shape_cast %sub3A_214 : vector<16xf32> to vector<1x16xf32>
      tpu.vector_store %arg12[%swap3A_215, %swap3A_216], %swap3A_219 {strides = array<i32>} : memref<80x256xf32, #tpu.memory_space<vmem>>, vector<1x16xf32>,
      %get3A_220 = arith.index_cast %scan3A_124 : i32 to index
      %get3A_221 = arith.constant 112 : index
      %get3A_222 = tpu.vector_load %arg12[%get3A_220, %get3A_221] {strides = array<i32>} : memref<80x256xf32, #tpu.memory_space<vmem>>, vector<1x16xf32>,
      %get3A_223 = vector.shape_cast %get3A_222 : vector<1x16xf32> to vector<16xf32>
      %get3A_224 = arith.index_cast %scan3A_124 : i32 to index
      %get3A_225 = arith.constant 112 : index
      %get3A_226 = tpu.vector_load %arg14[%get3A_224, %get3A_225] {strides = array<i32>} : memref<80x256xf32, #tpu.memory_space<vmem>>, vector<1x16xf32>,
      %get3A_227 = vector.shape_cast %get3A_226 : vector<1x16xf32> to vector<16xf32>
      %sub3A_228 = arith.subf %get3A_223, %get3A_227 : vector<16xf32>
      %swap3A_229 = arith.index_cast %scan3A_124 : i32 to index
      %swap3A_230 = arith.constant 112 : index
      %swap3A_231 = tpu.vector_load %arg12[%swap3A_229, %swap3A_230] {strides = array<i32>} : memref<80x256xf32, #tpu.memory_space<vmem>>, vector<1x16xf32>,
      %swap3A_232 = vector.shape_cast %swap3A_231 : vector<1x16xf32> to vector<16xf32>
      %swap3A_233 = vector.shape_cast %sub3A_228 : vector<16xf32> to vector<1x16xf32>
      tpu.vector_store %arg12[%swap3A_229, %swap3A_230], %swap3A_233 {strides = array<i32>} : memref<80x256xf32, #tpu.memory_space<vmem>>, vector<1x16xf32>,
      %get3A_234 = arith.index_cast %scan3A_124 : i32 to index
      %get3A_235 = arith.constant 128 : index
      %get3A_236 = tpu.vector_load %arg12[%get3A_234, %get3A_235] {strides = array<i32>} : memref<80x256xf32, #tpu.memory_space<vmem>>, vector<1x16xf32>,
      %get3A_237 = vector.shape_cast %get3A_236 : vector<1x16xf32> to vector<16xf32>
      %get3A_238 = arith.index_cast %scan3A_124 : i32 to index
      %get3A_239 = arith.constant 128 : index
      %get3A_240 = tpu.vector_load %arg14[%get3A_238, %get3A_239] {strides = array<i32>} : memref<80x256xf32, #tpu.memory_space<vmem>>, vector<1x16xf32>,
      %get3A_241 = vector.shape_cast %get3A_240 : vector<1x16xf32> to vector<16xf32>
      %add3A_242 = arith.addf %get3A_237, %get3A_241 : vector<16xf32>
      %swap3A_243 = arith.index_cast %scan3A_124 : i32 to index
      %swap3A_244 = arith.constant 128 : index
      %swap3A_245 = tpu.vector_load %arg12[%swap3A_243, %swap3A_244] {strides = array<i32>} : memref<80x256xf32, #tpu.memory_space<vmem>>, vector<1x16xf32>,
      %swap3A_246 = vector.shape_cast %swap3A_245 : vector<1x16xf32> to vector<16xf32>
      %swap3A_247 = vector.shape_cast %add3A_242 : vector<16xf32> to vector<1x16xf32>
      tpu.vector_store %arg12[%swap3A_243, %swap3A_244], %swap3A_247 {strides = array<i32>} : memref<80x256xf32, #tpu.memory_space<vmem>>, vector<1x16xf32>,
      %get3A_248 = arith.index_cast %scan3A_124 : i32 to index
      %get3A_249 = arith.constant 144 : index
      %get3A_250 = tpu.vector_load %arg12[%get3A_248, %get3A_249] {strides = array<i32>} : memref<80x256xf32, #tpu.memory_space<vmem>>, vector<1x16xf32>,
      %get3A_251 = vector.shape_cast %get3A_250 : vector<1x16xf32> to vector<16xf32>
      %get3A_252 = arith.index_cast %scan3A_124 : i32 to index
      %get3A_253 = arith.constant 144 : index
      %get3A_254 = tpu.vector_load %arg14[%get3A_252, %get3A_253] {strides = array<i32>} : memref<80x256xf32, #tpu.memory_space<vmem>>, vector<1x16xf32>,
      %get3A_255 = vector.shape_cast %get3A_254 : vector<1x16xf32> to vector<16xf32>
      %add3A_256 = arith.addf %get3A_251, %get3A_255 : vector<16xf32>
      %swap3A_257 = arith.index_cast %scan3A_124 : i32 to index
      %swap3A_258 = arith.constant 144 : index
      %swap3A_259 = tpu.vector_load %arg12[%swap3A_257, %swap3A_258] {strides = array<i32>} : memref<80x256xf32, #tpu.memory_space<vmem>>, vector<1x16xf32>,
      %swap3A_260 = vector.shape_cast %swap3A_259 : vector<1x16xf32> to vector<16xf32>
      %swap3A_261 = vector.shape_cast %add3A_256 : vector<16xf32> to vector<1x16xf32>
      tpu.vector_store %arg12[%swap3A_257, %swap3A_258], %swap3A_261 {strides = array<i32>} : memref<80x256xf32, #tpu.memory_space<vmem>>, vector<1x16xf32>,
      %get3A_262 = arith.index_cast %scan3A_124 : i32 to index
      %get3A_263 = arith.constant 160 : index
      %get3A_264 = tpu.vector_load %arg12[%get3A_262, %get3A_263] {strides = array<i32>} : memref<80x256xf32, #tpu.memory_space<vmem>>, vector<1x16xf32>,
      %get3A_265 = vector.shape_cast %get3A_264 : vector<1x16xf32> to vector<16xf32>
      %get3A_266 = arith.index_cast %scan3A_124 : i32 to index
      %get3A_267 = arith.constant 160 : index
      %get3A_268 = tpu.vector_load %arg14[%get3A_266, %get3A_267] {strides = array<i32>} : memref<80x256xf32, #tpu.memory_space<vmem>>, vector<1x16xf32>,
      %get3A_269 = vector.shape_cast %get3A_268 : vector<1x16xf32> to vector<16xf32>
      %add3A_270 = arith.addf %get3A_265, %get3A_269 : vector<16xf32>
      %swap3A_271 = arith.index_cast %scan3A_124 : i32 to index
      %swap3A_272 = arith.constant 160 : index
      %swap3A_273 = tpu.vector_load %arg12[%swap3A_271, %swap3A_272] {strides = array<i32>} : memref<80x256xf32, #tpu.memory_space<vmem>>, vector<1x16xf32>,
      %swap3A_274 = vector.shape_cast %swap3A_273 : vector<1x16xf32> to vector<16xf32>
      %swap3A_275 = vector.shape_cast %add3A_270 : vector<16xf32> to vector<1x16xf32>
      tpu.vector_store %arg12[%swap3A_271, %swap3A_272], %swap3A_275 {strides = array<i32>} : memref<80x256xf32, #tpu.memory_space<vmem>>, vector<1x16xf32>,
      %get3A_276 = arith.index_cast %scan3A_124 : i32 to index
      %get3A_277 = arith.constant 176 : index
      %get3A_278 = tpu.vector_load %arg12[%get3A_276, %get3A_277] {strides = array<i32>} : memref<80x256xf32, #tpu.memory_space<vmem>>, vector<1x16xf32>,
      %get3A_279 = vector.shape_cast %get3A_278 : vector<1x16xf32> to vector<16xf32>
      %get3A_280 = arith.index_cast %scan3A_124 : i32 to index
      %get3A_281 = arith.constant 176 : index
      %get3A_282 = tpu.vector_load %arg14[%get3A_280, %get3A_281] {strides = array<i32>} : memref<80x256xf32, #tpu.memory_space<vmem>>, vector<1x16xf32>,
      %get3A_283 = vector.shape_cast %get3A_282 : vector<1x16xf32> to vector<16xf32>
      %add3A_284 = arith.addf %get3A_279, %get3A_283 : vector<16xf32>
      %swap3A_285 = arith.index_cast %scan3A_124 : i32 to index
      %swap3A_286 = arith.constant 176 : index
      %swap3A_287 = tpu.vector_load %arg12[%swap3A_285, %swap3A_286] {strides = array<i32>} : memref<80x256xf32, #tpu.memory_space<vmem>>, vector<1x16xf32>,
      %swap3A_288 = vector.shape_cast %swap3A_287 : vector<1x16xf32> to vector<16xf32>
      %swap3A_289 = vector.shape_cast %add3A_284 : vector<16xf32> to vector<1x16xf32>
      tpu.vector_store %arg12[%swap3A_285, %swap3A_286], %swap3A_289 {strides = array<i32>} : memref<80x256xf32, #tpu.memory_space<vmem>>, vector<1x16xf32>,
      %get3A_290 = arith.index_cast %scan3A_124 : i32 to index
      %get3A_291 = arith.constant 192 : index
      %get3A_292 = tpu.vector_load %arg12[%get3A_290, %get3A_291] {strides = array<i32>} : memref<80x256xf32, #tpu.memory_space<vmem>>, vector<1x16xf32>,
      %get3A_293 = vector.shape_cast %get3A_292 : vector<1x16xf32> to vector<16xf32>
      %get3A_294 = arith.index_cast %scan3A_124 : i32 to index
      %get3A_295 = arith.constant 192 : index
      %get3A_296 = tpu.vector_load %arg14[%get3A_294, %get3A_295] {strides = array<i32>} : memref<80x256xf32, #tpu.memory_space<vmem>>, vector<1x16xf32>,
      %get3A_297 = vector.shape_cast %get3A_296 : vector<1x16xf32> to vector<16xf32>
      %add3A_298 = arith.addf %get3A_293, %get3A_297 : vector<16xf32>
      %swap3A_299 = arith.index_cast %scan3A_124 : i32 to index
      %swap3A_300 = arith.constant 192 : index
      %swap3A_301 = tpu.vector_load %arg12[%swap3A_299, %swap3A_300] {strides = array<i32>} : memref<80x256xf32, #tpu.memory_space<vmem>>, vector<1x16xf32>,
      %swap3A_302 = vector.shape_cast %swap3A_301 : vector<1x16xf32> to vector<16xf32>
      %swap3A_303 = vector.shape_cast %add3A_298 : vector<16xf32> to vector<1x16xf32>
      tpu.vector_store %arg12[%swap3A_299, %swap3A_300], %swap3A_303 {strides = array<i32>} : memref<80x256xf32, #tpu.memory_space<vmem>>, vector<1x16xf32>,
      %get3A_304 = arith.index_cast %scan3A_124 : i32 to index
      %get3A_305 = arith.constant 208 : index
      %get3A_306 = tpu.vector_load %arg12[%get3A_304, %get3A_305] {strides = array<i32>} : memref<80x256xf32, #tpu.memory_space<vmem>>, vector<1x16xf32>,
      %get3A_307 = vector.shape_cast %get3A_306 : vector<1x16xf32> to vector<16xf32>
      %get3A_308 = arith.index_cast %scan3A_124 : i32 to index
      %get3A_309 = arith.constant 208 : index
      %get3A_310 = tpu.vector_load %arg14[%get3A_308, %get3A_309] {strides = array<i32>} : memref<80x256xf32, #tpu.memory_space<vmem>>, vector<1x16xf32>,
      %get3A_311 = vector.shape_cast %get3A_310 : vector<1x16xf32> to vector<16xf32>
      %add3A_312 = arith.addf %get3A_307, %get3A_311 : vector<16xf32>
      %swap3A_313 = arith.index_cast %scan3A_124 : i32 to index
      %swap3A_314 = arith.constant 208 : index
      %swap3A_315 = tpu.vector_load %arg12[%swap3A_313, %swap3A_314] {strides = array<i32>} : memref<80x256xf32, #tpu.memory_space<vmem>>, vector<1x16xf32>,
      %swap3A_316 = vector.shape_cast %swap3A_315 : vector<1x16xf32> to vector<16xf32>
      %swap3A_317 = vector.shape_cast %add3A_312 : vector<16xf32> to vector<1x16xf32>
      tpu.vector_store %arg12[%swap3A_313, %swap3A_314], %swap3A_317 {strides = array<i32>} : memref<80x256xf32, #tpu.memory_space<vmem>>, vector<1x16xf32>,
      %get3A_318 = arith.index_cast %scan3A_124 : i32 to index
      %get3A_319 = arith.constant 224 : index
      %get3A_320 = tpu.vector_load %arg12[%get3A_318, %get3A_319] {strides = array<i32>} : memref<80x256xf32, #tpu.memory_space<vmem>>, vector<1x16xf32>,
      %get3A_321 = vector.shape_cast %get3A_320 : vector<1x16xf32> to vector<16xf32>
      %get3A_322 = arith.index_cast %scan3A_124 : i32 to index
      %get3A_323 = arith.constant 224 : index
      %get3A_324 = tpu.vector_load %arg14[%get3A_322, %get3A_323] {strides = array<i32>} : memref<80x256xf32, #tpu.memory_space<vmem>>, vector<1x16xf32>,
      %get3A_325 = vector.shape_cast %get3A_324 : vector<1x16xf32> to vector<16xf32>
      %add3A_326 = arith.addf %get3A_321, %get3A_325 : vector<16xf32>
      %swap3A_327 = arith.index_cast %scan3A_124 : i32 to index
      %swap3A_328 = arith.constant 224 : index
      %swap3A_329 = tpu.vector_load %arg12[%swap3A_327, %swap3A_328] {strides = array<i32>} : memref<80x256xf32, #tpu.memory_space<vmem>>, vector<1x16xf32>,
      %swap3A_330 = vector.shape_cast %swap3A_329 : vector<1x16xf32> to vector<16xf32>
      %swap3A_331 = vector.shape_cast %add3A_326 : vector<16xf32> to vector<1x16xf32>
      tpu.vector_store %arg12[%swap3A_327, %swap3A_328], %swap3A_331 {strides = array<i32>} : memref<80x256xf32, #tpu.memory_space<vmem>>, vector<1x16xf32>,
      %get3A_332 = arith.index_cast %scan3A_124 : i32 to index
      %get3A_333 = arith.constant 240 : index
      %get3A_334 = tpu.vector_load %arg12[%get3A_332, %get3A_333] {strides = array<i32>} : memref<80x256xf32, #tpu.memory_space<vmem>>, vector<1x16xf32>,
      %get3A_335 = vector.shape_cast %get3A_334 : vector<1x16xf32> to vector<16xf32>
      %get3A_336 = arith.index_cast %scan3A_124 : i32 to index
      %get3A_337 = arith.constant 240 : index
      %get3A_338 = tpu.vector_load %arg14[%get3A_336, %get3A_337] {strides = array<i32>} : memref<80x256xf32, #tpu.memory_space<vmem>>, vector<1x16xf32>,
      %get3A_339 = vector.shape_cast %get3A_338 : vector<1x16xf32> to vector<16xf32>
      %add3A_340 = arith.addf %get3A_335, %get3A_339 : vector<16xf32>
      %swap3A_341 = arith.index_cast %scan3A_124 : i32 to index
      %swap3A_342 = arith.constant 240 : index
      %swap3A_343 = tpu.vector_load %arg12[%swap3A_341, %swap3A_342] {strides = array<i32>} : memref<80x256xf32, #tpu.memory_space<vmem>>, vector<1x16xf32>,
      %swap3A_344 = vector.shape_cast %swap3A_343 : vector<1x16xf32> to vector<16xf32>
      %swap3A_345 = vector.shape_cast %add3A_340 : vector<16xf32> to vector<1x16xf32>
      tpu.vector_store %arg12[%swap3A_341, %swap3A_342], %swap3A_345 {strides = array<i32>} : memref<80x256xf32, #tpu.memory_space<vmem>>, vector<1x16xf32>,
    }
    %scan3A_65 = arith.constant 80 : i32
    %mul3A_66 = arith.constant 0 : i32
    %mul3A_67 = arith.constant 2 : i32
    %mul3A_68 = arith.muli %mul3A_66, %mul3A_67 : i32
    %mul3A_69 = arith.constant 16 : i32
    %mul3A_70 = arith.muli %mul3A_68, %mul3A_69 : i32
    %add3A_71 = arith.addi %add3A, %mul3A_70 : i32
    %mul3A_72 = arith.constant 80 : i32
    %mul3A_73 = arith.muli %add3A_71, %mul3A_72 : i32
    %dma_start3A_74 = arith.constant 0 : i32
    %dma_start3A_75 = arith.constant 0 : i32
    %dma_start3A_76 = tpu.memref_slice %arg12[%dma_start3A_74, %dma_start3A_75] : memref<80x256xf32, #tpu.memory_space<vmem>> -> memref<80x128xf32, #tpu.memory_space<vmem>>
    %dma_start3A_77 = arith.constant 0 : i32
    %dma_start3A_78 = tpu.memref_slice %arg6[%mul3A_73, %dma_start3A_77] : memref<320000x128xf32, #tpu.memory_space<hbm>> -> memref<80x128xf32, #tpu.memory_space<hbm>>
    %dma_start3A_79 = arith.constant 0 : i32
    %dma_start3A_80 = tpu.memref_slice %arg6[%mul3A_73, %dma_start3A_79] : memref<320000x128xf32, #tpu.memory_space<hbm>> -> memref<80x128xf32, #tpu.memory_space<hbm>>
    %dma_start3A_81 = arith.constant 0 : i32
    %dma_start3A_82 = arith.constant 0 : i32
    %dma_start3A_83 = tpu.memref_slice %arg12[%dma_start3A_81, %dma_start3A_82] : memref<80x256xf32, #tpu.memory_space<vmem>> -> memref<80x128xf32, #tpu.memory_space<vmem>>
    tpu.enqueue_dma source(%dma_start3A_83 : memref<80x128xf32, #tpu.memory_space<vmem>>) target(%dma_start3A_80 : memref<80x128xf32, #tpu.memory_space<hbm>>) target_semaphore(%arg20 : memref<!tpu.dma_semaphore, #tpu.memory_space<semaphore_mem>>)
    %dma_start3A_84 = arith.constant 0 : i32
    %dma_start3A_85 = arith.constant 128 : i32
    %dma_start3A_86 = tpu.memref_slice %arg12[%dma_start3A_84, %dma_start3A_85] : memref<80x256xf32, #tpu.memory_space<vmem>> -> memref<80x128xf32, #tpu.memory_space<vmem>>
    %dma_start3A_87 = arith.constant 0 : i32
    %dma_start3A_88 = tpu.memref_slice %arg7[%mul3A_73, %dma_start3A_87] : memref<320000x128xf32, #tpu.memory_space<hbm>> -> memref<80x128xf32, #tpu.memory_space<hbm>>
    %dma_start3A_89 = arith.constant 0 : i32
    %dma_start3A_90 = tpu.memref_slice %arg7[%mul3A_73, %dma_start3A_89] : memref<320000x128xf32, #tpu.memory_space<hbm>> -> memref<80x128xf32, #tpu.memory_space<hbm>>
    %dma_start3A_91 = arith.constant 0 : i32
    %dma_start3A_92 = arith.constant 128 : i32
    %dma_start3A_93 = tpu.memref_slice %arg12[%dma_start3A_91, %dma_start3A_92] : memref<80x256xf32, #tpu.memory_space<vmem>> -> memref<80x128xf32, #tpu.memory_space<vmem>>
    tpu.enqueue_dma source(%dma_start3A_93 : memref<80x128xf32, #tpu.memory_space<vmem>>) target(%dma_start3A_90 : memref<80x128xf32, #tpu.memory_space<hbm>>) target_semaphore(%arg20 : memref<!tpu.dma_semaphore, #tpu.memory_space<semaphore_mem>>)
    %scan3A_94 = arith.constant 0 : i32
    %scan3A_95 = arith.constant 0 : i32
    %scan3A_96 = arith.constant 62 : i32
    %scan3A_97 = arith.addi %scan3A_95, %scan3A_96 : i32
    %scan3A_98 = arith.constant 1 : i32
    scf.for %scan3A_124 = %scan3A_95 to %scan3A_97 step %scan3A_98  : i32 {
      %mul3A_125 = arith.constant 2 : i32
      %mul3A_126 = arith.muli %mul3A_125, %scan3A_124 : i32
      %add3A_127 = arith.constant 1 : i32
      %add3A_128 = arith.addi %mul3A_126, %add3A_127 : i32
      %add3A_129 = arith.constant 1 : i32
      %add3A_130 = arith.addi %add3A_128, %add3A_129 : i32
      %lt3A_131 = arith.constant 125 : i32
      %lt3A_132 = arith.cmpi slt, %add3A_130, %lt3A_131 : i32
      %convert_element_type3A_133 = arith.extui %lt3A_132 : i1 to i32
      %cond3A_134 = arith.constant 0 : i32
      %cond3A_135 = arith.cmpi ne, %convert_element_type3A_133, %cond3A_134 : i32
      scf.if %cond3A_135 {
        %add3A_259 = arith.constant 1 : i32
        %add3A_260 = arith.addi %add3A_128, %add3A_259 : i32
        %mul3A_261 = arith.constant 2 : i32
        %mul3A_262 = arith.muli %add3A_260, %mul3A_261 : i32
        %mul3A_263 = arith.constant 16 : i32
        %mul3A_264 = arith.muli %mul3A_262, %mul3A_263 : i32
        %add3A_265 = arith.addi %add3A, %mul3A_264 : i32
        %mul3A_266 = arith.constant 80 : i32
        %mul3A_267 = arith.muli %add3A_265, %mul3A_266 : i32
        %dma_wait3A_268 = tpu.memref_slice %arg4[%mul3A_267] : memref<320000xi32, #tpu.memory_space<hbm>> -> memref<80xi32, #tpu.memory_space<hbm>>
        %dma_wait3A_269 = tpu.memref_slice %arg4[%mul3A_267] : memref<320000xi32, #tpu.memory_space<hbm>> -> memref<80xi32, #tpu.memory_space<hbm>>
        tpu.wait_dma2 semaphore(%arg16 : memref<!tpu.dma_semaphore, #tpu.memory_space<semaphore_mem>>) src(%dma_wait3A_269 : memref<80xi32, #tpu.memory_space<hbm>>) dst(%arg8 : memref<80xi32, #tpu.memory_space<vmem>>)
        %dma_wait3A_270 = tpu.memref_slice %arg5[%mul3A_267] : memref<320000xi32, #tpu.memory_space<hbm>> -> memref<80xi32, #tpu.memory_space<hbm>>
        %dma_wait3A_271 = tpu.memref_slice %arg5[%mul3A_267] : memref<320000xi32, #tpu.memory_space<hbm>> -> memref<80xi32, #tpu.memory_space<hbm>>
        tpu.wait_dma2 semaphore(%arg16 : memref<!tpu.dma_semaphore, #tpu.memory_space<semaphore_mem>>) src(%dma_wait3A_271 : memref<80xi32, #tpu.memory_space<hbm>>) dst(%arg10 : memref<80xi32, #tpu.memory_space<vmem>>)
        %sub3A = arith.constant 1 : i32
        %sub3A_272 = arith.subi %add3A_128, %sub3A : i32
        %mul3A_273 = arith.constant 2 : i32
        %mul3A_274 = arith.muli %sub3A_272, %mul3A_273 : i32
        %mul3A_275 = arith.constant 16 : i32
        %mul3A_276 = arith.muli %mul3A_274, %mul3A_275 : i32
        %add3A_277 = arith.addi %add3A, %mul3A_276 : i32
        %mul3A_278 = arith.constant 80 : i32
        %mul3A_279 = arith.muli %add3A_277, %mul3A_278 : i32
        %dma_wait3A_280 = arith.constant 0 : i32
        %dma_wait3A_281 = arith.constant 0 : i32
        %dma_wait3A_282 = tpu.memref_slice %arg12[%dma_wait3A_280, %dma_wait3A_281] : memref<80x256xf32, #tpu.memory_space<vmem>> -> memref<80x128xf32, #tpu.memory_space<vmem>>
        %dma_wait3A_283 = arith.constant 0 : i32
        %dma_wait3A_284 = tpu.memref_slice %arg6[%mul3A_279, %dma_wait3A_283] : memref<320000x128xf32, #tpu.memory_space<hbm>> -> memref<80x128xf32, #tpu.memory_space<hbm>>
        %dma_wait3A_285 = arith.constant 0 : i32
        %dma_wait3A_286 = tpu.memref_slice %arg6[%mul3A_279, %dma_wait3A_285] : memref<320000x128xf32, #tpu.memory_space<hbm>> -> memref<80x128xf32, #tpu.memory_space<hbm>>
        %dma_wait3A_287 = arith.constant 0 : i32
        %dma_wait3A_288 = arith.constant 0 : i32
        %dma_wait3A_289 = tpu.memref_slice %arg12[%dma_wait3A_287, %dma_wait3A_288] : memref<80x256xf32, #tpu.memory_space<vmem>> -> memref<80x128xf32, #tpu.memory_space<vmem>>
        tpu.wait_dma2 semaphore(%arg20 : memref<!tpu.dma_semaphore, #tpu.memory_space<semaphore_mem>>) src(%dma_wait3A_289 : memref<80x128xf32, #tpu.memory_space<vmem>>) dst(%dma_wait3A_286 : memref<80x128xf32, #tpu.memory_space<hbm>>)
        %dma_wait3A_290 = arith.constant 0 : i32
        %dma_wait3A_291 = arith.constant 128 : i32
        %dma_wait3A_292 = tpu.memref_slice %arg12[%dma_wait3A_290, %dma_wait3A_291] : memref<80x256xf32, #tpu.memory_space<vmem>> -> memref<80x128xf32, #tpu.memory_space<vmem>>
        %dma_wait3A_293 = arith.constant 0 : i32
        %dma_wait3A_294 = tpu.memref_slice %arg7[%mul3A_279, %dma_wait3A_293] : memref<320000x128xf32, #tpu.memory_space<hbm>> -> memref<80x128xf32, #tpu.memory_space<hbm>>
        %dma_wait3A_295 = arith.constant 0 : i32
        %dma_wait3A_296 = tpu.memref_slice %arg7[%mul3A_279, %dma_wait3A_295] : memref<320000x128xf32, #tpu.memory_space<hbm>> -> memref<80x128xf32, #tpu.memory_space<hbm>>
        %dma_wait3A_297 = arith.constant 0 : i32
        %dma_wait3A_298 = arith.constant 128 : i32
        %dma_wait3A_299 = tpu.memref_slice %arg12[%dma_wait3A_297, %dma_wait3A_298] : memref<80x256xf32, #tpu.memory_space<vmem>> -> memref<80x128xf32, #tpu.memory_space<vmem>>
        tpu.wait_dma2 semaphore(%arg20 : memref<!tpu.dma_semaphore, #tpu.memory_space<semaphore_mem>>) src(%dma_wait3A_299 : memref<80x128xf32, #tpu.memory_space<vmem>>) dst(%dma_wait3A_296 : memref<80x128xf32, #tpu.memory_space<hbm>>)
        %dma_start3A_300 = arith.constant 0 : i32
        %dma_start3A_301 = arith.constant 0 : i32
        %dma_start3A_302 = tpu.memref_slice %arg2[%dma_start3A_300, %dma_start3A_301] : memref<10000x256xf32, #tpu.memory_space<hbm>> -> memref<10000x256xf32, #tpu.memory_space<hbm>>
        tpu.enqueue_indirect_dma source(%dma_start3A_302 : memref<10000x256xf32, #tpu.memory_space<hbm>>) target(%arg12 : memref<80x256xf32, #tpu.memory_space<vmem>>) offsets(%arg8 : memref<80xi32, #tpu.memory_space<vmem>>) semaphore(%arg18 : memref<!tpu.dma_semaphore, #tpu.memory_space<semaphore_mem>>)
        %dma_start3A_303 = arith.constant 0 : i32
        %dma_start3A_304 = arith.constant 0 : i32
        %dma_start3A_305 = tpu.memref_slice %arg3[%dma_start3A_303, %dma_start3A_304] : memref<10000x256xf32, #tpu.memory_space<hbm>> -> memref<10000x256xf32, #tpu.memory_space<hbm>>
        tpu.enqueue_indirect_dma source(%dma_start3A_305 : memref<10000x256xf32, #tpu.memory_space<hbm>>) target(%arg14 : memref<80x256xf32, #tpu.memory_space<vmem>>) offsets(%arg10 : memref<80xi32, #tpu.memory_space<vmem>>) semaphore(%arg18 : memref<!tpu.dma_semaphore, #tpu.memory_space<semaphore_mem>>)
      } else {
      }
      %add3A_136 = arith.constant 1 : i32
      %add3A_137 = arith.addi %add3A_128, %add3A_136 : i32
      %ge3A_138 = arith.constant 125 : i32
      %ge3A_139 = arith.cmpi sge, %add3A_137, %ge3A_138 : i32
      %ge3A_140 = arith.constant 1 : i32
      %ge3A_141 = arith.cmpi sge, %add3A_128, %ge3A_140 : i32
      %and3A_142 = arith.andi %ge3A_139, %ge3A_141 : i1
      %convert_element_type3A_143 = arith.extui %and3A_142 : i1 to i32
      %cond3A_144 = arith.constant 0 : i32
      %cond3A_145 = arith.cmpi ne, %convert_element_type3A_143, %cond3A_144 : i32
      scf.if %cond3A_145 {
        %sub3A = arith.constant 1 : i32
        %sub3A_259 = arith.subi %add3A_128, %sub3A : i32
        %mul3A_260 = arith.constant 2 : i32
        %mul3A_261 = arith.muli %sub3A_259, %mul3A_260 : i32
        %mul3A_262 = arith.constant 16 : i32
        %mul3A_263 = arith.muli %mul3A_261, %mul3A_262 : i32
        %add3A_264 = arith.addi %add3A, %mul3A_263 : i32
        %mul3A_265 = arith.constant 80 : i32
        %mul3A_266 = arith.muli %add3A_264, %mul3A_265 : i32
        %dma_wait3A_267 = arith.constant 0 : i32
        %dma_wait3A_268 = arith.constant 0 : i32
        %dma_wait3A_269 = tpu.memref_slice %arg12[%dma_wait3A_267, %dma_wait3A_268] : memref<80x256xf32, #tpu.memory_space<vmem>> -> memref<80x128xf32, #tpu.memory_space<vmem>>
        %dma_wait3A_270 = arith.constant 0 : i32
        %dma_wait3A_271 = tpu.memref_slice %arg6[%mul3A_266, %dma_wait3A_270] : memref<320000x128xf32, #tpu.memory_space<hbm>> -> memref<80x128xf32, #tpu.memory_space<hbm>>
        %dma_wait3A_272 = arith.constant 0 : i32
        %dma_wait3A_273 = tpu.memref_slice %arg6[%mul3A_266, %dma_wait3A_272] : memref<320000x128xf32, #tpu.memory_space<hbm>> -> memref<80x128xf32, #tpu.memory_space<hbm>>
        %dma_wait3A_274 = arith.constant 0 : i32
        %dma_wait3A_275 = arith.constant 0 : i32
        %dma_wait3A_276 = tpu.memref_slice %arg12[%dma_wait3A_274, %dma_wait3A_275] : memref<80x256xf32, #tpu.memory_space<vmem>> -> memref<80x128xf32, #tpu.memory_space<vmem>>
        tpu.wait_dma2 semaphore(%arg20 : memref<!tpu.dma_semaphore, #tpu.memory_space<semaphore_mem>>) src(%dma_wait3A_276 : memref<80x128xf32, #tpu.memory_space<vmem>>) dst(%dma_wait3A_273 : memref<80x128xf32, #tpu.memory_space<hbm>>)
        %dma_wait3A_277 = arith.constant 0 : i32
        %dma_wait3A_278 = arith.constant 128 : i32
        %dma_wait3A_279 = tpu.memref_slice %arg12[%dma_wait3A_277, %dma_wait3A_278] : memref<80x256xf32, #tpu.memory_space<vmem>> -> memref<80x128xf32, #tpu.memory_space<vmem>>
        %dma_wait3A_280 = arith.constant 0 : i32
        %dma_wait3A_281 = tpu.memref_slice %arg7[%mul3A_266, %dma_wait3A_280] : memref<320000x128xf32, #tpu.memory_space<hbm>> -> memref<80x128xf32, #tpu.memory_space<hbm>>
        %dma_wait3A_282 = arith.constant 0 : i32
        %dma_wait3A_283 = tpu.memref_slice %arg7[%mul3A_266, %dma_wait3A_282] : memref<320000x128xf32, #tpu.memory_space<hbm>> -> memref<80x128xf32, #tpu.memory_space<hbm>>
        %dma_wait3A_284 = arith.constant 0 : i32
        %dma_wait3A_285 = arith.constant 128 : i32
        %dma_wait3A_286 = tpu.memref_slice %arg12[%dma_wait3A_284, %dma_wait3A_285] : memref<80x256xf32, #tpu.memory_space<vmem>> -> memref<80x128xf32, #tpu.memory_space<vmem>>
        tpu.wait_dma2 semaphore(%arg20 : memref<!tpu.dma_semaphore, #tpu.memory_space<semaphore_mem>>) src(%dma_wait3A_286 : memref<80x128xf32, #tpu.memory_space<vmem>>) dst(%dma_wait3A_283 : memref<80x128xf32, #tpu.memory_space<hbm>>)
      } else {
      }
      %dma_wait3A_146 = arith.constant 0 : i32
      %dma_wait3A_147 = arith.constant 0 : i32
      %dma_wait3A_148 = tpu.memref_slice %arg2[%dma_wait3A_146, %dma_wait3A_147] : memref<10000x256xf32, #tpu.memory_space<hbm>> -> memref<10000x256xf32, #tpu.memory_space<hbm>>
      tpu.wait_indirect_dma semaphore(%arg19 : memref<!tpu.dma_semaphore, #tpu.memory_space<semaphore_mem>>) src(%dma_wait3A_148 : memref<10000x256xf32, #tpu.memory_space<hbm>>) dst(%arg13 : memref<80x256xf32, #tpu.memory_space<vmem>>)
      %dma_wait3A_149 = arith.constant 0 : i32
      %dma_wait3A_150 = arith.constant 0 : i32
      %dma_wait3A_151 = tpu.memref_slice %arg3[%dma_wait3A_149, %dma_wait3A_150] : memref<10000x256xf32, #tpu.memory_space<hbm>> -> memref<10000x256xf32, #tpu.memory_space<hbm>>
      tpu.wait_indirect_dma semaphore(%arg19 : memref<!tpu.dma_semaphore, #tpu.memory_space<semaphore_mem>>) src(%dma_wait3A_151 : memref<10000x256xf32, #tpu.memory_space<hbm>>) dst(%arg15 : memref<80x256xf32, #tpu.memory_space<vmem>>)
      %add3A_152 = arith.constant 2 : i32
      %add3A_153 = arith.addi %add3A_128, %add3A_152 : i32
      %lt3A_154 = arith.constant 125 : i32
      %lt3A_155 = arith.cmpi slt, %add3A_153, %lt3A_154 : i32
      %convert_element_type3A_156 = arith.extui %lt3A_155 : i1 to i32
      %cond3A_157 = arith.constant 0 : i32
      %cond3A_158 = arith.cmpi ne, %convert_element_type3A_156, %cond3A_157 : i32
      scf.if %cond3A_158 {
        %add3A_259 = arith.constant 2 : i32
        %add3A_260 = arith.addi %add3A_128, %add3A_259 : i32
        %mul3A_261 = arith.constant 2 : i32
        %mul3A_262 = arith.muli %add3A_260, %mul3A_261 : i32
        %mul3A_263 = arith.constant 16 : i32
        %mul3A_264 = arith.muli %mul3A_262, %mul3A_263 : i32
        %add3A_265 = arith.addi %add3A, %mul3A_264 : i32
        %mul3A_266 = arith.constant 80 : i32
        %mul3A_267 = arith.muli %add3A_265, %mul3A_266 : i32
        %dma_start3A_268 = tpu.memref_slice %arg4[%mul3A_267] : memref<320000xi32, #tpu.memory_space<hbm>> -> memref<80xi32, #tpu.memory_space<hbm>>
        %dma_start3A_269 = tpu.memref_slice %arg4[%mul3A_267] : memref<320000xi32, #tpu.memory_space<hbm>> -> memref<80xi32, #tpu.memory_space<hbm>>
        tpu.enqueue_dma source(%dma_start3A_269 : memref<80xi32, #tpu.memory_space<hbm>>) target(%arg9 : memref<80xi32, #tpu.memory_space<vmem>>) target_semaphore(%arg17 : memref<!tpu.dma_semaphore, #tpu.memory_space<semaphore_mem>>)
        %dma_start3A_270 = tpu.memref_slice %arg5[%mul3A_267] : memref<320000xi32, #tpu.memory_space<hbm>> -> memref<80xi32, #tpu.memory_space<hbm>>
        %dma_start3A_271 = tpu.memref_slice %arg5[%mul3A_267] : memref<320000xi32, #tpu.memory_space<hbm>> -> memref<80xi32, #tpu.memory_space<hbm>>
        tpu.enqueue_dma source(%dma_start3A_271 : memref<80xi32, #tpu.memory_space<hbm>>) target(%arg11 : memref<80xi32, #tpu.memory_space<vmem>>) target_semaphore(%arg17 : memref<!tpu.dma_semaphore, #tpu.memory_space<semaphore_mem>>)
      } else {
      }
      %scan3A_159 = arith.constant 0 : i32
      %scan3A_160 = arith.constant 0 : i32
      %scan3A_161 = arith.constant 80 : i32
      %scan3A_162 = arith.addi %scan3A_160, %scan3A_161 : i32
      %scan3A_163 = arith.constant 1 : i32
      scf.for %scan3A_259 = %scan3A_160 to %scan3A_162 step %scan3A_163  : i32 {
        %get3A = arith.index_cast %scan3A_259 : i32 to index
        %get3A_260 = arith.constant 0 : index
        %get3A_261 = tpu.vector_load %arg13[%get3A, %get3A_260] {strides = array<i32>} : memref<80x256xf32, #tpu.memory_space<vmem>>, vector<1x16xf32>,
        %get3A_262 = vector.shape_cast %get3A_261 : vector<1x16xf32> to vector<16xf32>
        %get3A_263 = arith.index_cast %scan3A_259 : i32 to index
        %get3A_264 = arith.constant 0 : index
        %get3A_265 = tpu.vector_load %arg15[%get3A_263, %get3A_264] {strides = array<i32>} : memref<80x256xf32, #tpu.memory_space<vmem>>, vector<1x16xf32>,
        %get3A_266 = vector.shape_cast %get3A_265 : vector<1x16xf32> to vector<16xf32>
        %sub3A = arith.subf %get3A_262, %get3A_266 : vector<16xf32>
        %swap3A = arith.index_cast %scan3A_259 : i32 to index
        %swap3A_267 = arith.constant 0 : index
        %swap3A_268 = tpu.vector_load %arg13[%swap3A, %swap3A_267] {strides = array<i32>} : memref<80x256xf32, #tpu.memory_space<vmem>>, vector<1x16xf32>,
        %swap3A_269 = vector.shape_cast %swap3A_268 : vector<1x16xf32> to vector<16xf32>
        %swap3A_270 = vector.shape_cast %sub3A : vector<16xf32> to vector<1x16xf32>
        tpu.vector_store %arg13[%swap3A, %swap3A_267], %swap3A_270 {strides = array<i32>} : memref<80x256xf32, #tpu.memory_space<vmem>>, vector<1x16xf32>,
        %get3A_271 = arith.index_cast %scan3A_259 : i32 to index
        %get3A_272 = arith.constant 16 : index
        %get3A_273 = tpu.vector_load %arg13[%get3A_271, %get3A_272] {strides = array<i32>} : memref<80x256xf32, #tpu.memory_space<vmem>>, vector<1x16xf32>,
        %get3A_274 = vector.shape_cast %get3A_273 : vector<1x16xf32> to vector<16xf32>
        %get3A_275 = arith.index_cast %scan3A_259 : i32 to index
        %get3A_276 = arith.constant 16 : index
        %get3A_277 = tpu.vector_load %arg15[%get3A_275, %get3A_276] {strides = array<i32>} : memref<80x256xf32, #tpu.memory_space<vmem>>, vector<1x16xf32>,
        %get3A_278 = vector.shape_cast %get3A_277 : vector<1x16xf32> to vector<16xf32>
        %sub3A_279 = arith.subf %get3A_274, %get3A_278 : vector<16xf32>
        %swap3A_280 = arith.index_cast %scan3A_259 : i32 to index
        %swap3A_281 = arith.constant 16 : index
        %swap3A_282 = tpu.vector_load %arg13[%swap3A_280, %swap3A_281] {strides = array<i32>} : memref<80x256xf32, #tpu.memory_space<vmem>>, vector<1x16xf32>,
        %swap3A_283 = vector.shape_cast %swap3A_282 : vector<1x16xf32> to vector<16xf32>
        %swap3A_284 = vector.shape_cast %sub3A_279 : vector<16xf32> to vector<1x16xf32>
        tpu.vector_store %arg13[%swap3A_280, %swap3A_281], %swap3A_284 {strides = array<i32>} : memref<80x256xf32, #tpu.memory_space<vmem>>, vector<1x16xf32>,
        %get3A_285 = arith.index_cast %scan3A_259 : i32 to index
        %get3A_286 = arith.constant 32 : index
        %get3A_287 = tpu.vector_load %arg13[%get3A_285, %get3A_286] {strides = array<i32>} : memref<80x256xf32, #tpu.memory_space<vmem>>, vector<1x16xf32>,
        %get3A_288 = vector.shape_cast %get3A_287 : vector<1x16xf32> to vector<16xf32>
        %get3A_289 = arith.index_cast %scan3A_259 : i32 to index
        %get3A_290 = arith.constant 32 : index
        %get3A_291 = tpu.vector_load %arg15[%get3A_289, %get3A_290] {strides = array<i32>} : memref<80x256xf32, #tpu.memory_space<vmem>>, vector<1x16xf32>,
        %get3A_292 = vector.shape_cast %get3A_291 : vector<1x16xf32> to vector<16xf32>
        %sub3A_293 = arith.subf %get3A_288, %get3A_292 : vector<16xf32>
        %swap3A_294 = arith.index_cast %scan3A_259 : i32 to index
        %swap3A_295 = arith.constant 32 : index
        %swap3A_296 = tpu.vector_load %arg13[%swap3A_294, %swap3A_295] {strides = array<i32>} : memref<80x256xf32, #tpu.memory_space<vmem>>, vector<1x16xf32>,
        %swap3A_297 = vector.shape_cast %swap3A_296 : vector<1x16xf32> to vector<16xf32>
        %swap3A_298 = vector.shape_cast %sub3A_293 : vector<16xf32> to vector<1x16xf32>
        tpu.vector_store %arg13[%swap3A_294, %swap3A_295], %swap3A_298 {strides = array<i32>} : memref<80x256xf32, #tpu.memory_space<vmem>>, vector<1x16xf32>,
        %get3A_299 = arith.index_cast %scan3A_259 : i32 to index
        %get3A_300 = arith.constant 48 : index
        %get3A_301 = tpu.vector_load %arg13[%get3A_299, %get3A_300] {strides = array<i32>} : memref<80x256xf32, #tpu.memory_space<vmem>>, vector<1x16xf32>,
        %get3A_302 = vector.shape_cast %get3A_301 : vector<1x16xf32> to vector<16xf32>
        %get3A_303 = arith.index_cast %scan3A_259 : i32 to index
        %get3A_304 = arith.constant 48 : index
        %get3A_305 = tpu.vector_load %arg15[%get3A_303, %get3A_304] {strides = array<i32>} : memref<80x256xf32, #tpu.memory_space<vmem>>, vector<1x16xf32>,
        %get3A_306 = vector.shape_cast %get3A_305 : vector<1x16xf32> to vector<16xf32>
        %sub3A_307 = arith.subf %get3A_302, %get3A_306 : vector<16xf32>
        %swap3A_308 = arith.index_cast %scan3A_259 : i32 to index
        %swap3A_309 = arith.constant 48 : index
        %swap3A_310 = tpu.vector_load %arg13[%swap3A_308, %swap3A_309] {strides = array<i32>} : memref<80x256xf32, #tpu.memory_space<vmem>>, vector<1x16xf32>,
        %swap3A_311 = vector.shape_cast %swap3A_310 : vector<1x16xf32> to vector<16xf32>
        %swap3A_312 = vector.shape_cast %sub3A_307 : vector<16xf32> to vector<1x16xf32>
        tpu.vector_store %arg13[%swap3A_308, %swap3A_309], %swap3A_312 {strides = array<i32>} : memref<80x256xf32, #tpu.memory_space<vmem>>, vector<1x16xf32>,
        %get3A_313 = arith.index_cast %scan3A_259 : i32 to index
        %get3A_314 = arith.constant 64 : index
        %get3A_315 = tpu.vector_load %arg13[%get3A_313, %get3A_314] {strides = array<i32>} : memref<80x256xf32, #tpu.memory_space<vmem>>, vector<1x16xf32>,
        %get3A_316 = vector.shape_cast %get3A_315 : vector<1x16xf32> to vector<16xf32>
        %get3A_317 = arith.index_cast %scan3A_259 : i32 to index
        %get3A_318 = arith.constant 64 : index
        %get3A_319 = tpu.vector_load %arg15[%get3A_317, %get3A_318] {strides = array<i32>} : memref<80x256xf32, #tpu.memory_space<vmem>>, vector<1x16xf32>,
        %get3A_320 = vector.shape_cast %get3A_319 : vector<1x16xf32> to vector<16xf32>
        %sub3A_321 = arith.subf %get3A_316, %get3A_320 : vector<16xf32>
        %swap3A_322 = arith.index_cast %scan3A_259 : i32 to index
        %swap3A_323 = arith.constant 64 : index
        %swap3A_324 = tpu.vector_load %arg13[%swap3A_322, %swap3A_323] {strides = array<i32>} : memref<80x256xf32, #tpu.memory_space<vmem>>, vector<1x16xf32>,
        %swap3A_325 = vector.shape_cast %swap3A_324 : vector<1x16xf32> to vector<16xf32>
        %swap3A_326 = vector.shape_cast %sub3A_321 : vector<16xf32> to vector<1x16xf32>
        tpu.vector_store %arg13[%swap3A_322, %swap3A_323], %swap3A_326 {strides = array<i32>} : memref<80x256xf32, #tpu.memory_space<vmem>>, vector<1x16xf32>,
        %get3A_327 = arith.index_cast %scan3A_259 : i32 to index
        %get3A_328 = arith.constant 80 : index
        %get3A_329 = tpu.vector_load %arg13[%get3A_327, %get3A_328] {strides = array<i32>} : memref<80x256xf32, #tpu.memory_space<vmem>>, vector<1x16xf32>,
        %get3A_330 = vector.shape_cast %get3A_329 : vector<1x16xf32> to vector<16xf32>
        %get3A_331 = arith.index_cast %scan3A_259 : i32 to index
        %get3A_332 = arith.constant 80 : index
        %get3A_333 = tpu.vector_load %arg15[%get3A_331, %get3A_332] {strides = array<i32>} : memref<80x256xf32, #tpu.memory_space<vmem>>, vector<1x16xf32>,
        %get3A_334 = vector.shape_cast %get3A_333 : vector<1x16xf32> to vector<16xf32>
        %sub3A_335 = arith.subf %get3A_330, %get3A_334 : vector<16xf32>
        %swap3A_336 = arith.index_cast %scan3A_259 : i32 to index
        %swap3A_337 = arith.constant 80 : index
        %swap3A_338 = tpu.vector_load %arg13[%swap3A_336, %swap3A_337] {strides = array<i32>} : memref<80x256xf32, #tpu.memory_space<vmem>>, vector<1x16xf32>,
        %swap3A_339 = vector.shape_cast %swap3A_338 : vector<1x16xf32> to vector<16xf32>
        %swap3A_340 = vector.shape_cast %sub3A_335 : vector<16xf32> to vector<1x16xf32>
        tpu.vector_store %arg13[%swap3A_336, %swap3A_337], %swap3A_340 {strides = array<i32>} : memref<80x256xf32, #tpu.memory_space<vmem>>, vector<1x16xf32>,
        %get3A_341 = arith.index_cast %scan3A_259 : i32 to index
        %get3A_342 = arith.constant 96 : index
        %get3A_343 = tpu.vector_load %arg13[%get3A_341, %get3A_342] {strides = array<i32>} : memref<80x256xf32, #tpu.memory_space<vmem>>, vector<1x16xf32>,
        %get3A_344 = vector.shape_cast %get3A_343 : vector<1x16xf32> to vector<16xf32>
        %get3A_345 = arith.index_cast %scan3A_259 : i32 to index
        %get3A_346 = arith.constant 96 : index
        %get3A_347 = tpu.vector_load %arg15[%get3A_345, %get3A_346] {strides = array<i32>} : memref<80x256xf32, #tpu.memory_space<vmem>>, vector<1x16xf32>,
        %get3A_348 = vector.shape_cast %get3A_347 : vector<1x16xf32> to vector<16xf32>
        %sub3A_349 = arith.subf %get3A_344, %get3A_348 : vector<16xf32>
        %swap3A_350 = arith.index_cast %scan3A_259 : i32 to index
        %swap3A_351 = arith.constant 96 : index
        %swap3A_352 = tpu.vector_load %arg13[%swap3A_350, %swap3A_351] {strides = array<i32>} : memref<80x256xf32, #tpu.memory_space<vmem>>, vector<1x16xf32>,
        %swap3A_353 = vector.shape_cast %swap3A_352 : vector<1x16xf32> to vector<16xf32>
        %swap3A_354 = vector.shape_cast %sub3A_349 : vector<16xf32> to vector<1x16xf32>
        tpu.vector_store %arg13[%swap3A_350, %swap3A_351], %swap3A_354 {strides = array<i32>} : memref<80x256xf32, #tpu.memory_space<vmem>>, vector<1x16xf32>,
        %get3A_355 = arith.index_cast %scan3A_259 : i32 to index
        %get3A_356 = arith.constant 112 : index
        %get3A_357 = tpu.vector_load %arg13[%get3A_355, %get3A_356] {strides = array<i32>} : memref<80x256xf32, #tpu.memory_space<vmem>>, vector<1x16xf32>,
        %get3A_358 = vector.shape_cast %get3A_357 : vector<1x16xf32> to vector<16xf32>
        %get3A_359 = arith.index_cast %scan3A_259 : i32 to index
        %get3A_360 = arith.constant 112 : index
        %get3A_361 = tpu.vector_load %arg15[%get3A_359, %get3A_360] {strides = array<i32>} : memref<80x256xf32, #tpu.memory_space<vmem>>, vector<1x16xf32>,
        %get3A_362 = vector.shape_cast %get3A_361 : vector<1x16xf32> to vector<16xf32>
        %sub3A_363 = arith.subf %get3A_358, %get3A_362 : vector<16xf32>
        %swap3A_364 = arith.index_cast %scan3A_259 : i32 to index
        %swap3A_365 = arith.constant 112 : index
        %swap3A_366 = tpu.vector_load %arg13[%swap3A_364, %swap3A_365] {strides = array<i32>} : memref<80x256xf32, #tpu.memory_space<vmem>>, vector<1x16xf32>,
        %swap3A_367 = vector.shape_cast %swap3A_366 : vector<1x16xf32> to vector<16xf32>
        %swap3A_368 = vector.shape_cast %sub3A_363 : vector<16xf32> to vector<1x16xf32>
        tpu.vector_store %arg13[%swap3A_364, %swap3A_365], %swap3A_368 {strides = array<i32>} : memref<80x256xf32, #tpu.memory_space<vmem>>, vector<1x16xf32>,
        %get3A_369 = arith.index_cast %scan3A_259 : i32 to index
        %get3A_370 = arith.constant 128 : index
        %get3A_371 = tpu.vector_load %arg13[%get3A_369, %get3A_370] {strides = array<i32>} : memref<80x256xf32, #tpu.memory_space<vmem>>, vector<1x16xf32>,
        %get3A_372 = vector.shape_cast %get3A_371 : vector<1x16xf32> to vector<16xf32>
        %get3A_373 = arith.index_cast %scan3A_259 : i32 to index
        %get3A_374 = arith.constant 128 : index
        %get3A_375 = tpu.vector_load %arg15[%get3A_373, %get3A_374] {strides = array<i32>} : memref<80x256xf32, #tpu.memory_space<vmem>>, vector<1x16xf32>,
        %get3A_376 = vector.shape_cast %get3A_375 : vector<1x16xf32> to vector<16xf32>
        %add3A_377 = arith.addf %get3A_372, %get3A_376 : vector<16xf32>
        %swap3A_378 = arith.index_cast %scan3A_259 : i32 to index
        %swap3A_379 = arith.constant 128 : index
        %swap3A_380 = tpu.vector_load %arg13[%swap3A_378, %swap3A_379] {strides = array<i32>} : memref<80x256xf32, #tpu.memory_space<vmem>>, vector<1x16xf32>,
        %swap3A_381 = vector.shape_cast %swap3A_380 : vector<1x16xf32> to vector<16xf32>
        %swap3A_382 = vector.shape_cast %add3A_377 : vector<16xf32> to vector<1x16xf32>
        tpu.vector_store %arg13[%swap3A_378, %swap3A_379], %swap3A_382 {strides = array<i32>} : memref<80x256xf32, #tpu.memory_space<vmem>>, vector<1x16xf32>,
        %get3A_383 = arith.index_cast %scan3A_259 : i32 to index
        %get3A_384 = arith.constant 144 : index
        %get3A_385 = tpu.vector_load %arg13[%get3A_383, %get3A_384] {strides = array<i32>} : memref<80x256xf32, #tpu.memory_space<vmem>>, vector<1x16xf32>,
        %get3A_386 = vector.shape_cast %get3A_385 : vector<1x16xf32> to vector<16xf32>
        %get3A_387 = arith.index_cast %scan3A_259 : i32 to index
        %get3A_388 = arith.constant 144 : index
        %get3A_389 = tpu.vector_load %arg15[%get3A_387, %get3A_388] {strides = array<i32>} : memref<80x256xf32, #tpu.memory_space<vmem>>, vector<1x16xf32>,
        %get3A_390 = vector.shape_cast %get3A_389 : vector<1x16xf32> to vector<16xf32>
        %add3A_391 = arith.addf %get3A_386, %get3A_390 : vector<16xf32>
        %swap3A_392 = arith.index_cast %scan3A_259 : i32 to index
        %swap3A_393 = arith.constant 144 : index
        %swap3A_394 = tpu.vector_load %arg13[%swap3A_392, %swap3A_393] {strides = array<i32>} : memref<80x256xf32, #tpu.memory_space<vmem>>, vector<1x16xf32>,
        %swap3A_395 = vector.shape_cast %swap3A_394 : vector<1x16xf32> to vector<16xf32>
        %swap3A_396 = vector.shape_cast %add3A_391 : vector<16xf32> to vector<1x16xf32>
        tpu.vector_store %arg13[%swap3A_392, %swap3A_393], %swap3A_396 {strides = array<i32>} : memref<80x256xf32, #tpu.memory_space<vmem>>, vector<1x16xf32>,
        %get3A_397 = arith.index_cast %scan3A_259 : i32 to index
        %get3A_398 = arith.constant 160 : index
        %get3A_399 = tpu.vector_load %arg13[%get3A_397, %get3A_398] {strides = array<i32>} : memref<80x256xf32, #tpu.memory_space<vmem>>, vector<1x16xf32>,
        %get3A_400 = vector.shape_cast %get3A_399 : vector<1x16xf32> to vector<16xf32>
        %get3A_401 = arith.index_cast %scan3A_259 : i32 to index
        %get3A_402 = arith.constant 160 : index
        %get3A_403 = tpu.vector_load %arg15[%get3A_401, %get3A_402] {strides = array<i32>} : memref<80x256xf32, #tpu.memory_space<vmem>>, vector<1x16xf32>,
        %get3A_404 = vector.shape_cast %get3A_403 : vector<1x16xf32> to vector<16xf32>
        %add3A_405 = arith.addf %get3A_400, %get3A_404 : vector<16xf32>
        %swap3A_406 = arith.index_cast %scan3A_259 : i32 to index
        %swap3A_407 = arith.constant 160 : index
        %swap3A_408 = tpu.vector_load %arg13[%swap3A_406, %swap3A_407] {strides = array<i32>} : memref<80x256xf32, #tpu.memory_space<vmem>>, vector<1x16xf32>,
        %swap3A_409 = vector.shape_cast %swap3A_408 : vector<1x16xf32> to vector<16xf32>
        %swap3A_410 = vector.shape_cast %add3A_405 : vector<16xf32> to vector<1x16xf32>
        tpu.vector_store %arg13[%swap3A_406, %swap3A_407], %swap3A_410 {strides = array<i32>} : memref<80x256xf32, #tpu.memory_space<vmem>>, vector<1x16xf32>,
        %get3A_411 = arith.index_cast %scan3A_259 : i32 to index
        %get3A_412 = arith.constant 176 : index
        %get3A_413 = tpu.vector_load %arg13[%get3A_411, %get3A_412] {strides = array<i32>} : memref<80x256xf32, #tpu.memory_space<vmem>>, vector<1x16xf32>,
        %get3A_414 = vector.shape_cast %get3A_413 : vector<1x16xf32> to vector<16xf32>
        %get3A_415 = arith.index_cast %scan3A_259 : i32 to index
        %get3A_416 = arith.constant 176 : index
        %get3A_417 = tpu.vector_load %arg15[%get3A_415, %get3A_416] {strides = array<i32>} : memref<80x256xf32, #tpu.memory_space<vmem>>, vector<1x16xf32>,
        %get3A_418 = vector.shape_cast %get3A_417 : vector<1x16xf32> to vector<16xf32>
        %add3A_419 = arith.addf %get3A_414, %get3A_418 : vector<16xf32>
        %swap3A_420 = arith.index_cast %scan3A_259 : i32 to index
        %swap3A_421 = arith.constant 176 : index
        %swap3A_422 = tpu.vector_load %arg13[%swap3A_420, %swap3A_421] {strides = array<i32>} : memref<80x256xf32, #tpu.memory_space<vmem>>, vector<1x16xf32>,
        %swap3A_423 = vector.shape_cast %swap3A_422 : vector<1x16xf32> to vector<16xf32>
        %swap3A_424 = vector.shape_cast %add3A_419 : vector<16xf32> to vector<1x16xf32>
        tpu.vector_store %arg13[%swap3A_420, %swap3A_421], %swap3A_424 {strides = array<i32>} : memref<80x256xf32, #tpu.memory_space<vmem>>, vector<1x16xf32>,
        %get3A_425 = arith.index_cast %scan3A_259 : i32 to index
        %get3A_426 = arith.constant 192 : index
        %get3A_427 = tpu.vector_load %arg13[%get3A_425, %get3A_426] {strides = array<i32>} : memref<80x256xf32, #tpu.memory_space<vmem>>, vector<1x16xf32>,
        %get3A_428 = vector.shape_cast %get3A_427 : vector<1x16xf32> to vector<16xf32>
        %get3A_429 = arith.index_cast %scan3A_259 : i32 to index
        %get3A_430 = arith.constant 192 : index
        %get3A_431 = tpu.vector_load %arg15[%get3A_429, %get3A_430] {strides = array<i32>} : memref<80x256xf32, #tpu.memory_space<vmem>>, vector<1x16xf32>,
        %get3A_432 = vector.shape_cast %get3A_431 : vector<1x16xf32> to vector<16xf32>
        %add3A_433 = arith.addf %get3A_428, %get3A_432 : vector<16xf32>
        %swap3A_434 = arith.index_cast %scan3A_259 : i32 to index
        %swap3A_435 = arith.constant 192 : index
        %swap3A_436 = tpu.vector_load %arg13[%swap3A_434, %swap3A_435] {strides = array<i32>} : memref<80x256xf32, #tpu.memory_space<vmem>>, vector<1x16xf32>,
        %swap3A_437 = vector.shape_cast %swap3A_436 : vector<1x16xf32> to vector<16xf32>
        %swap3A_438 = vector.shape_cast %add3A_433 : vector<16xf32> to vector<1x16xf32>
        tpu.vector_store %arg13[%swap3A_434, %swap3A_435], %swap3A_438 {strides = array<i32>} : memref<80x256xf32, #tpu.memory_space<vmem>>, vector<1x16xf32>,
        %get3A_439 = arith.index_cast %scan3A_259 : i32 to index
        %get3A_440 = arith.constant 208 : index
        %get3A_441 = tpu.vector_load %arg13[%get3A_439, %get3A_440] {strides = array<i32>} : memref<80x256xf32, #tpu.memory_space<vmem>>, vector<1x16xf32>,
        %get3A_442 = vector.shape_cast %get3A_441 : vector<1x16xf32> to vector<16xf32>
        %get3A_443 = arith.index_cast %scan3A_259 : i32 to index
        %get3A_444 = arith.constant 208 : index
        %get3A_445 = tpu.vector_load %arg15[%get3A_443, %get3A_444] {strides = array<i32>} : memref<80x256xf32, #tpu.memory_space<vmem>>, vector<1x16xf32>,
        %get3A_446 = vector.shape_cast %get3A_445 : vector<1x16xf32> to vector<16xf32>
        %add3A_447 = arith.addf %get3A_442, %get3A_446 : vector<16xf32>
        %swap3A_448 = arith.index_cast %scan3A_259 : i32 to index
        %swap3A_449 = arith.constant 208 : index
        %swap3A_450 = tpu.vector_load %arg13[%swap3A_448, %swap3A_449] {strides = array<i32>} : memref<80x256xf32, #tpu.memory_space<vmem>>, vector<1x16xf32>,
        %swap3A_451 = vector.shape_cast %swap3A_450 : vector<1x16xf32> to vector<16xf32>
        %swap3A_452 = vector.shape_cast %add3A_447 : vector<16xf32> to vector<1x16xf32>
        tpu.vector_store %arg13[%swap3A_448, %swap3A_449], %swap3A_452 {strides = array<i32>} : memref<80x256xf32, #tpu.memory_space<vmem>>, vector<1x16xf32>,
        %get3A_453 = arith.index_cast %scan3A_259 : i32 to index
        %get3A_454 = arith.constant 224 : index
        %get3A_455 = tpu.vector_load %arg13[%get3A_453, %get3A_454] {strides = array<i32>} : memref<80x256xf32, #tpu.memory_space<vmem>>, vector<1x16xf32>,
        %get3A_456 = vector.shape_cast %get3A_455 : vector<1x16xf32> to vector<16xf32>
        %get3A_457 = arith.index_cast %scan3A_259 : i32 to index
        %get3A_458 = arith.constant 224 : index
        %get3A_459 = tpu.vector_load %arg15[%get3A_457, %get3A_458] {strides = array<i32>} : memref<80x256xf32, #tpu.memory_space<vmem>>, vector<1x16xf32>,
        %get3A_460 = vector.shape_cast %get3A_459 : vector<1x16xf32> to vector<16xf32>
        %add3A_461 = arith.addf %get3A_456, %get3A_460 : vector<16xf32>
        %swap3A_462 = arith.index_cast %scan3A_259 : i32 to index
        %swap3A_463 = arith.constant 224 : index
        %swap3A_464 = tpu.vector_load %arg13[%swap3A_462, %swap3A_463] {strides = array<i32>} : memref<80x256xf32, #tpu.memory_space<vmem>>, vector<1x16xf32>,
        %swap3A_465 = vector.shape_cast %swap3A_464 : vector<1x16xf32> to vector<16xf32>
        %swap3A_466 = vector.shape_cast %add3A_461 : vector<16xf32> to vector<1x16xf32>
        tpu.vector_store %arg13[%swap3A_462, %swap3A_463], %swap3A_466 {strides = array<i32>} : memref<80x256xf32, #tpu.memory_space<vmem>>, vector<1x16xf32>,
        %get3A_467 = arith.index_cast %scan3A_259 : i32 to index
        %get3A_468 = arith.constant 240 : index
        %get3A_469 = tpu.vector_load %arg13[%get3A_467, %get3A_468] {strides = array<i32>} : memref<80x256xf32, #tpu.memory_space<vmem>>, vector<1x16xf32>,
        %get3A_470 = vector.shape_cast %get3A_469 : vector<1x16xf32> to vector<16xf32>
        %get3A_471 = arith.index_cast %scan3A_259 : i32 to index
        %get3A_472 = arith.constant 240 : index
        %get3A_473 = tpu.vector_load %arg15[%get3A_471, %get3A_472] {strides = array<i32>} : memref<80x256xf32, #tpu.memory_space<vmem>>, vector<1x16xf32>,
        %get3A_474 = vector.shape_cast %get3A_473 : vector<1x16xf32> to vector<16xf32>
        %add3A_475 = arith.addf %get3A_470, %get3A_474 : vector<16xf32>
        %swap3A_476 = arith.index_cast %scan3A_259 : i32 to index
        %swap3A_477 = arith.constant 240 : index
        %swap3A_478 = tpu.vector_load %arg13[%swap3A_476, %swap3A_477] {strides = array<i32>} : memref<80x256xf32, #tpu.memory_space<vmem>>, vector<1x16xf32>,
        %swap3A_479 = vector.shape_cast %swap3A_478 : vector<1x16xf32> to vector<16xf32>
        %swap3A_480 = vector.shape_cast %add3A_475 : vector<16xf32> to vector<1x16xf32>
        tpu.vector_store %arg13[%swap3A_476, %swap3A_477], %swap3A_480 {strides = array<i32>} : memref<80x256xf32, #tpu.memory_space<vmem>>, vector<1x16xf32>,
      }
      %scan3A_164 = arith.constant 80 : i32
      %mul3A_165 = arith.constant 2 : i32
      %mul3A_166 = arith.muli %add3A_128, %mul3A_165 : i32
      %mul3A_167 = arith.constant 16 : i32
      %mul3A_168 = arith.muli %mul3A_166, %mul3A_167 : i32
      %add3A_169 = arith.addi %add3A, %mul3A_168 : i32
      %mul3A_170 = arith.constant 80 : i32
      %mul3A_171 = arith.muli %add3A_169, %mul3A_170 : i32
      %dma_start3A_172 = arith.constant 0 : i32
      %dma_start3A_173 = arith.constant 0 : i32
      %dma_start3A_174 = tpu.memref_slice %arg13[%dma_start3A_172, %dma_start3A_173] : memref<80x256xf32, #tpu.memory_space<vmem>> -> memref<80x128xf32, #tpu.memory_space<vmem>>
      %dma_start3A_175 = arith.constant 0 : i32
      %dma_start3A_176 = tpu.memref_slice %arg6[%mul3A_171, %dma_start3A_175] : memref<320000x128xf32, #tpu.memory_space<hbm>> -> memref<80x128xf32, #tpu.memory_space<hbm>>
      %dma_start3A_177 = arith.constant 0 : i32
      %dma_start3A_178 = tpu.memref_slice %arg6[%mul3A_171, %dma_start3A_177] : memref<320000x128xf32, #tpu.memory_space<hbm>> -> memref<80x128xf32, #tpu.memory_space<hbm>>
      %dma_start3A_179 = arith.constant 0 : i32
      %dma_start3A_180 = arith.constant 0 : i32
      %dma_start3A_181 = tpu.memref_slice %arg13[%dma_start3A_179, %dma_start3A_180] : memref<80x256xf32, #tpu.memory_space<vmem>> -> memref<80x128xf32, #tpu.memory_space<vmem>>
      tpu.enqueue_dma source(%dma_start3A_181 : memref<80x128xf32, #tpu.memory_space<vmem>>) target(%dma_start3A_178 : memref<80x128xf32, #tpu.memory_space<hbm>>) target_semaphore(%arg21 : memref<!tpu.dma_semaphore, #tpu.memory_space<semaphore_mem>>)
      %dma_start3A_182 = arith.constant 0 : i32
      %dma_start3A_183 = arith.constant 128 : i32
      %dma_start3A_184 = tpu.memref_slice %arg13[%dma_start3A_182, %dma_start3A_183] : memref<80x256xf32, #tpu.memory_space<vmem>> -> memref<80x128xf32, #tpu.memory_space<vmem>>
      %dma_start3A_185 = arith.constant 0 : i32
      %dma_start3A_186 = tpu.memref_slice %arg7[%mul3A_171, %dma_start3A_185] : memref<320000x128xf32, #tpu.memory_space<hbm>> -> memref<80x128xf32, #tpu.memory_space<hbm>>
      %dma_start3A_187 = arith.constant 0 : i32
      %dma_start3A_188 = tpu.memref_slice %arg7[%mul3A_171, %dma_start3A_187] : memref<320000x128xf32, #tpu.memory_space<hbm>> -> memref<80x128xf32, #tpu.memory_space<hbm>>
      %dma_start3A_189 = arith.constant 0 : i32
      %dma_start3A_190 = arith.constant 128 : i32
      %dma_start3A_191 = tpu.memref_slice %arg13[%dma_start3A_189, %dma_start3A_190] : memref<80x256xf32, #tpu.memory_space<vmem>> -> memref<80x128xf32, #tpu.memory_space<vmem>>
      tpu.enqueue_dma source(%dma_start3A_191 : memref<80x128xf32, #tpu.memory_space<vmem>>) target(%dma_start3A_188 : memref<80x128xf32, #tpu.memory_space<hbm>>) target_semaphore(%arg21 : memref<!tpu.dma_semaphore, #tpu.memory_space<semaphore_mem>>)
      %mul3A_192 = arith.constant 2 : i32
      %mul3A_193 = arith.muli %mul3A_192, %scan3A_124 : i32
      %add3A_194 = arith.constant 2 : i32
      %add3A_195 = arith.addi %mul3A_193, %add3A_194 : i32
      %add3A_196 = arith.constant 1 : i32
      %add3A_197 = arith.addi %add3A_195, %add3A_196 : i32
      %lt3A_198 = arith.constant 125 : i32
      %lt3A_199 = arith.cmpi slt, %add3A_197, %lt3A_198 : i32
      %convert_element_type3A_200 = arith.extui %lt3A_199 : i1 to i32
      %cond3A_201 = arith.constant 0 : i32
      %cond3A_202 = arith.cmpi ne, %convert_element_type3A_200, %cond3A_201 : i32
      scf.if %cond3A_202 {
        %add3A_259 = arith.constant 1 : i32
        %add3A_260 = arith.addi %add3A_195, %add3A_259 : i32
        %mul3A_261 = arith.constant 2 : i32
        %mul3A_262 = arith.muli %add3A_260, %mul3A_261 : i32
        %mul3A_263 = arith.constant 16 : i32
        %mul3A_264 = arith.muli %mul3A_262, %mul3A_263 : i32
        %add3A_265 = arith.addi %add3A, %mul3A_264 : i32
        %mul3A_266 = arith.constant 80 : i32
        %mul3A_267 = arith.muli %add3A_265, %mul3A_266 : i32
        %dma_wait3A_268 = tpu.memref_slice %arg4[%mul3A_267] : memref<320000xi32, #tpu.memory_space<hbm>> -> memref<80xi32, #tpu.memory_space<hbm>>
        %dma_wait3A_269 = tpu.memref_slice %arg4[%mul3A_267] : memref<320000xi32, #tpu.memory_space<hbm>> -> memref<80xi32, #tpu.memory_space<hbm>>
        tpu.wait_dma2 semaphore(%arg17 : memref<!tpu.dma_semaphore, #tpu.memory_space<semaphore_mem>>) src(%dma_wait3A_269 : memref<80xi32, #tpu.memory_space<hbm>>) dst(%arg9 : memref<80xi32, #tpu.memory_space<vmem>>)
        %dma_wait3A_270 = tpu.memref_slice %arg5[%mul3A_267] : memref<320000xi32, #tpu.memory_space<hbm>> -> memref<80xi32, #tpu.memory_space<hbm>>
        %dma_wait3A_271 = tpu.memref_slice %arg5[%mul3A_267] : memref<320000xi32, #tpu.memory_space<hbm>> -> memref<80xi32, #tpu.memory_space<hbm>>
        tpu.wait_dma2 semaphore(%arg17 : memref<!tpu.dma_semaphore, #tpu.memory_space<semaphore_mem>>) src(%dma_wait3A_271 : memref<80xi32, #tpu.memory_space<hbm>>) dst(%arg11 : memref<80xi32, #tpu.memory_space<vmem>>)
        %sub3A = arith.constant 1 : i32
        %sub3A_272 = arith.subi %add3A_195, %sub3A : i32
        %mul3A_273 = arith.constant 2 : i32
        %mul3A_274 = arith.muli %sub3A_272, %mul3A_273 : i32
        %mul3A_275 = arith.constant 16 : i32
        %mul3A_276 = arith.muli %mul3A_274, %mul3A_275 : i32
        %add3A_277 = arith.addi %add3A, %mul3A_276 : i32
        %mul3A_278 = arith.constant 80 : i32
        %mul3A_279 = arith.muli %add3A_277, %mul3A_278 : i32
        %dma_wait3A_280 = arith.constant 0 : i32
        %dma_wait3A_281 = arith.constant 0 : i32
        %dma_wait3A_282 = tpu.memref_slice %arg13[%dma_wait3A_280, %dma_wait3A_281] : memref<80x256xf32, #tpu.memory_space<vmem>> -> memref<80x128xf32, #tpu.memory_space<vmem>>
        %dma_wait3A_283 = arith.constant 0 : i32
        %dma_wait3A_284 = tpu.memref_slice %arg6[%mul3A_279, %dma_wait3A_283] : memref<320000x128xf32, #tpu.memory_space<hbm>> -> memref<80x128xf32, #tpu.memory_space<hbm>>
        %dma_wait3A_285 = arith.constant 0 : i32
        %dma_wait3A_286 = tpu.memref_slice %arg6[%mul3A_279, %dma_wait3A_285] : memref<320000x128xf32, #tpu.memory_space<hbm>> -> memref<80x128xf32, #tpu.memory_space<hbm>>
        %dma_wait3A_287 = arith.constant 0 : i32
        %dma_wait3A_288 = arith.constant 0 : i32
        %dma_wait3A_289 = tpu.memref_slice %arg13[%dma_wait3A_287, %dma_wait3A_288] : memref<80x256xf32, #tpu.memory_space<vmem>> -> memref<80x128xf32, #tpu.memory_space<vmem>>
        tpu.wait_dma2 semaphore(%arg21 : memref<!tpu.dma_semaphore, #tpu.memory_space<semaphore_mem>>) src(%dma_wait3A_289 : memref<80x128xf32, #tpu.memory_space<vmem>>) dst(%dma_wait3A_286 : memref<80x128xf32, #tpu.memory_space<hbm>>)
        %dma_wait3A_290 = arith.constant 0 : i32
        %dma_wait3A_291 = arith.constant 128 : i32
        %dma_wait3A_292 = tpu.memref_slice %arg13[%dma_wait3A_290, %dma_wait3A_291] : memref<80x256xf32, #tpu.memory_space<vmem>> -> memref<80x128xf32, #tpu.memory_space<vmem>>
        %dma_wait3A_293 = arith.constant 0 : i32
        %dma_wait3A_294 = tpu.memref_slice %arg7[%mul3A_279, %dma_wait3A_293] : memref<320000x128xf32, #tpu.memory_space<hbm>> -> memref<80x128xf32, #tpu.memory_space<hbm>>
        %dma_wait3A_295 = arith.constant 0 : i32
        %dma_wait3A_296 = tpu.memref_slice %arg7[%mul3A_279, %dma_wait3A_295] : memref<320000x128xf32, #tpu.memory_space<hbm>> -> memref<80x128xf32, #tpu.memory_space<hbm>>
        %dma_wait3A_297 = arith.constant 0 : i32
        %dma_wait3A_298 = arith.constant 128 : i32
        %dma_wait3A_299 = tpu.memref_slice %arg13[%dma_wait3A_297, %dma_wait3A_298] : memref<80x256xf32, #tpu.memory_space<vmem>> -> memref<80x128xf32, #tpu.memory_space<vmem>>
        tpu.wait_dma2 semaphore(%arg21 : memref<!tpu.dma_semaphore, #tpu.memory_space<semaphore_mem>>) src(%dma_wait3A_299 : memref<80x128xf32, #tpu.memory_space<vmem>>) dst(%dma_wait3A_296 : memref<80x128xf32, #tpu.memory_space<hbm>>)
        %dma_start3A_300 = arith.constant 0 : i32
        %dma_start3A_301 = arith.constant 0 : i32
        %dma_start3A_302 = tpu.memref_slice %arg2[%dma_start3A_300, %dma_start3A_301] : memref<10000x256xf32, #tpu.memory_space<hbm>> -> memref<10000x256xf32, #tpu.memory_space<hbm>>
        tpu.enqueue_indirect_dma source(%dma_start3A_302 : memref<10000x256xf32, #tpu.memory_space<hbm>>) target(%arg13 : memref<80x256xf32, #tpu.memory_space<vmem>>) offsets(%arg9 : memref<80xi32, #tpu.memory_space<vmem>>) semaphore(%arg19 : memref<!tpu.dma_semaphore, #tpu.memory_space<semaphore_mem>>)
        %dma_start3A_303 = arith.constant 0 : i32
        %dma_start3A_304 = arith.constant 0 : i32
        %dma_start3A_305 = tpu.memref_slice %arg3[%dma_start3A_303, %dma_start3A_304] : memref<10000x256xf32, #tpu.memory_space<hbm>> -> memref<10000x256xf32, #tpu.memory_space<hbm>>
        tpu.enqueue_indirect_dma source(%dma_start3A_305 : memref<10000x256xf32, #tpu.memory_space<hbm>>) target(%arg15 : memref<80x256xf32, #tpu.memory_space<vmem>>) offsets(%arg11 : memref<80xi32, #tpu.memory_space<vmem>>) semaphore(%arg19 : memref<!tpu.dma_semaphore, #tpu.memory_space<semaphore_mem>>)
      } else {
      }
      %add3A_203 = arith.constant 1 : i32
      %add3A_204 = arith.addi %add3A_195, %add3A_203 : i32
      %ge3A_205 = arith.constant 125 : i32
      %ge3A_206 = arith.cmpi sge, %add3A_204, %ge3A_205 : i32
      %ge3A_207 = arith.constant 1 : i32
      %ge3A_208 = arith.cmpi sge, %add3A_195, %ge3A_207 : i32
      %and3A_209 = arith.andi %ge3A_206, %ge3A_208 : i1
      %convert_element_type3A_210 = arith.extui %and3A_209 : i1 to i32
      %cond3A_211 = arith.constant 0 : i32
      %cond3A_212 = arith.cmpi ne, %convert_element_type3A_210, %cond3A_211 : i32
      scf.if %cond3A_212 {
        %sub3A = arith.constant 1 : i32
        %sub3A_259 = arith.subi %add3A_195, %sub3A : i32
        %mul3A_260 = arith.constant 2 : i32
        %mul3A_261 = arith.muli %sub3A_259, %mul3A_260 : i32
        %mul3A_262 = arith.constant 16 : i32
        %mul3A_263 = arith.muli %mul3A_261, %mul3A_262 : i32
        %add3A_264 = arith.addi %add3A, %mul3A_263 : i32
        %mul3A_265 = arith.constant 80 : i32
        %mul3A_266 = arith.muli %add3A_264, %mul3A_265 : i32
        %dma_wait3A_267 = arith.constant 0 : i32
        %dma_wait3A_268 = arith.constant 0 : i32
        %dma_wait3A_269 = tpu.memref_slice %arg13[%dma_wait3A_267, %dma_wait3A_268] : memref<80x256xf32, #tpu.memory_space<vmem>> -> memref<80x128xf32, #tpu.memory_space<vmem>>
        %dma_wait3A_270 = arith.constant 0 : i32
        %dma_wait3A_271 = tpu.memref_slice %arg6[%mul3A_266, %dma_wait3A_270] : memref<320000x128xf32, #tpu.memory_space<hbm>> -> memref<80x128xf32, #tpu.memory_space<hbm>>
        %dma_wait3A_272 = arith.constant 0 : i32
        %dma_wait3A_273 = tpu.memref_slice %arg6[%mul3A_266, %dma_wait3A_272] : memref<320000x128xf32, #tpu.memory_space<hbm>> -> memref<80x128xf32, #tpu.memory_space<hbm>>
        %dma_wait3A_274 = arith.constant 0 : i32
        %dma_wait3A_275 = arith.constant 0 : i32
        %dma_wait3A_276 = tpu.memref_slice %arg13[%dma_wait3A_274, %dma_wait3A_275] : memref<80x256xf32, #tpu.memory_space<vmem>> -> memref<80x128xf32, #tpu.memory_space<vmem>>
        tpu.wait_dma2 semaphore(%arg21 : memref<!tpu.dma_semaphore, #tpu.memory_space<semaphore_mem>>) src(%dma_wait3A_276 : memref<80x128xf32, #tpu.memory_space<vmem>>) dst(%dma_wait3A_273 : memref<80x128xf32, #tpu.memory_space<hbm>>)
        %dma_wait3A_277 = arith.constant 0 : i32
        %dma_wait3A_278 = arith.constant 128 : i32
        %dma_wait3A_279 = tpu.memref_slice %arg13[%dma_wait3A_277, %dma_wait3A_278] : memref<80x256xf32, #tpu.memory_space<vmem>> -> memref<80x128xf32, #tpu.memory_space<vmem>>
        %dma_wait3A_280 = arith.constant 0 : i32
        %dma_wait3A_281 = tpu.memref_slice %arg7[%mul3A_266, %dma_wait3A_280] : memref<320000x128xf32, #tpu.memory_space<hbm>> -> memref<80x128xf32, #tpu.memory_space<hbm>>
        %dma_wait3A_282 = arith.constant 0 : i32
        %dma_wait3A_283 = tpu.memref_slice %arg7[%mul3A_266, %dma_wait3A_282] : memref<320000x128xf32, #tpu.memory_space<hbm>> -> memref<80x128xf32, #tpu.memory_space<hbm>>
        %dma_wait3A_284 = arith.constant 0 : i32
        %dma_wait3A_285 = arith.constant 128 : i32
        %dma_wait3A_286 = tpu.memref_slice %arg13[%dma_wait3A_284, %dma_wait3A_285] : memref<80x256xf32, #tpu.memory_space<vmem>> -> memref<80x128xf32, #tpu.memory_space<vmem>>
        tpu.wait_dma2 semaphore(%arg21 : memref<!tpu.dma_semaphore, #tpu.memory_space<semaphore_mem>>) src(%dma_wait3A_286 : memref<80x128xf32, #tpu.memory_space<vmem>>) dst(%dma_wait3A_283 : memref<80x128xf32, #tpu.memory_space<hbm>>)
      } else {
      }
      %dma_wait3A_213 = arith.constant 0 : i32
      %dma_wait3A_214 = arith.constant 0 : i32
      %dma_wait3A_215 = tpu.memref_slice %arg2[%dma_wait3A_213, %dma_wait3A_214] : memref<10000x256xf32, #tpu.memory_space<hbm>> -> memref<10000x256xf32, #tpu.memory_space<hbm>>
      tpu.wait_indirect_dma semaphore(%arg18 : memref<!tpu.dma_semaphore, #tpu.memory_space<semaphore_mem>>) src(%dma_wait3A_215 : memref<10000x256xf32, #tpu.memory_space<hbm>>) dst(%arg12 : memref<80x256xf32, #tpu.memory_space<vmem>>)
      %dma_wait3A_216 = arith.constant 0 : i32
      %dma_wait3A_217 = arith.constant 0 : i32
      %dma_wait3A_218 = tpu.memref_slice %arg3[%dma_wait3A_216, %dma_wait3A_217] : memref<10000x256xf32, #tpu.memory_space<hbm>> -> memref<10000x256xf32, #tpu.memory_space<hbm>>
      tpu.wait_indirect_dma semaphore(%arg18 : memref<!tpu.dma_semaphore, #tpu.memory_space<semaphore_mem>>) src(%dma_wait3A_218 : memref<10000x256xf32, #tpu.memory_space<hbm>>) dst(%arg14 : memref<80x256xf32, #tpu.memory_space<vmem>>)
      %add3A_219 = arith.constant 2 : i32
      %add3A_220 = arith.addi %add3A_195, %add3A_219 : i32
      %lt3A_221 = arith.constant 125 : i32
      %lt3A_222 = arith.cmpi slt, %add3A_220, %lt3A_221 : i32
      %convert_element_type3A_223 = arith.extui %lt3A_222 : i1 to i32
      %cond3A_224 = arith.constant 0 : i32
      %cond3A_225 = arith.cmpi ne, %convert_element_type3A_223, %cond3A_224 : i32
      scf.if %cond3A_225 {
        %add3A_259 = arith.constant 2 : i32
        %add3A_260 = arith.addi %add3A_195, %add3A_259 : i32
        %mul3A_261 = arith.constant 2 : i32
        %mul3A_262 = arith.muli %add3A_260, %mul3A_261 : i32
        %mul3A_263 = arith.constant 16 : i32
        %mul3A_264 = arith.muli %mul3A_262, %mul3A_263 : i32
        %add3A_265 = arith.addi %add3A, %mul3A_264 : i32
        %mul3A_266 = arith.constant 80 : i32
        %mul3A_267 = arith.muli %add3A_265, %mul3A_266 : i32
        %dma_start3A_268 = tpu.memref_slice %arg4[%mul3A_267] : memref<320000xi32, #tpu.memory_space<hbm>> -> memref<80xi32, #tpu.memory_space<hbm>>
        %dma_start3A_269 = tpu.memref_slice %arg4[%mul3A_267] : memref<320000xi32, #tpu.memory_space<hbm>> -> memref<80xi32, #tpu.memory_space<hbm>>
        tpu.enqueue_dma source(%dma_start3A_269 : memref<80xi32, #tpu.memory_space<hbm>>) target(%arg8 : memref<80xi32, #tpu.memory_space<vmem>>) target_semaphore(%arg16 : memref<!tpu.dma_semaphore, #tpu.memory_space<semaphore_mem>>)
        %dma_start3A_270 = tpu.memref_slice %arg5[%mul3A_267] : memref<320000xi32, #tpu.memory_space<hbm>> -> memref<80xi32, #tpu.memory_space<hbm>>
        %dma_start3A_271 = tpu.memref_slice %arg5[%mul3A_267] : memref<320000xi32, #tpu.memory_space<hbm>> -> memref<80xi32, #tpu.memory_space<hbm>>
        tpu.enqueue_dma source(%dma_start3A_271 : memref<80xi32, #tpu.memory_space<hbm>>) target(%arg10 : memref<80xi32, #tpu.memory_space<vmem>>) target_semaphore(%arg16 : memref<!tpu.dma_semaphore, #tpu.memory_space<semaphore_mem>>)
      } else {
      }
      %scan3A_226 = arith.constant 0 : i32
      %scan3A_227 = arith.constant 0 : i32
      %scan3A_228 = arith.constant 80 : i32
      %scan3A_229 = arith.addi %scan3A_227, %scan3A_228 : i32
      %scan3A_230 = arith.constant 1 : i32
      scf.for %scan3A_259 = %scan3A_227 to %scan3A_229 step %scan3A_230  : i32 {
        %get3A = arith.index_cast %scan3A_259 : i32 to index
        %get3A_260 = arith.constant 0 : index
        %get3A_261 = tpu.vector_load %arg12[%get3A, %get3A_260] {strides = array<i32>} : memref<80x256xf32, #tpu.memory_space<vmem>>, vector<1x16xf32>,
        %get3A_262 = vector.shape_cast %get3A_261 : vector<1x16xf32> to vector<16xf32>
        %get3A_263 = arith.index_cast %scan3A_259 : i32 to index
        %get3A_264 = arith.constant 0 : index
        %get3A_265 = tpu.vector_load %arg14[%get3A_263, %get3A_264] {strides = array<i32>} : memref<80x256xf32, #tpu.memory_space<vmem>>, vector<1x16xf32>,
        %get3A_266 = vector.shape_cast %get3A_265 : vector<1x16xf32> to vector<16xf32>
        %sub3A = arith.subf %get3A_262, %get3A_266 : vector<16xf32>
        %swap3A = arith.index_cast %scan3A_259 : i32 to index
        %swap3A_267 = arith.constant 0 : index
        %swap3A_268 = tpu.vector_load %arg12[%swap3A, %swap3A_267] {strides = array<i32>} : memref<80x256xf32, #tpu.memory_space<vmem>>, vector<1x16xf32>,
        %swap3A_269 = vector.shape_cast %swap3A_268 : vector<1x16xf32> to vector<16xf32>
        %swap3A_270 = vector.shape_cast %sub3A : vector<16xf32> to vector<1x16xf32>
        tpu.vector_store %arg12[%swap3A, %swap3A_267], %swap3A_270 {strides = array<i32>} : memref<80x256xf32, #tpu.memory_space<vmem>>, vector<1x16xf32>,
        %get3A_271 = arith.index_cast %scan3A_259 : i32 to index
        %get3A_272 = arith.constant 16 : index
        %get3A_273 = tpu.vector_load %arg12[%get3A_271, %get3A_272] {strides = array<i32>} : memref<80x256xf32, #tpu.memory_space<vmem>>, vector<1x16xf32>,
        %get3A_274 = vector.shape_cast %get3A_273 : vector<1x16xf32> to vector<16xf32>
        %get3A_275 = arith.index_cast %scan3A_259 : i32 to index
        %get3A_276 = arith.constant 16 : index
        %get3A_277 = tpu.vector_load %arg14[%get3A_275, %get3A_276] {strides = array<i32>} : memref<80x256xf32, #tpu.memory_space<vmem>>, vector<1x16xf32>,
        %get3A_278 = vector.shape_cast %get3A_277 : vector<1x16xf32> to vector<16xf32>
        %sub3A_279 = arith.subf %get3A_274, %get3A_278 : vector<16xf32>
        %swap3A_280 = arith.index_cast %scan3A_259 : i32 to index
        %swap3A_281 = arith.constant 16 : index
        %swap3A_282 = tpu.vector_load %arg12[%swap3A_280, %swap3A_281] {strides = array<i32>} : memref<80x256xf32, #tpu.memory_space<vmem>>, vector<1x16xf32>,
        %swap3A_283 = vector.shape_cast %swap3A_282 : vector<1x16xf32> to vector<16xf32>
        %swap3A_284 = vector.shape_cast %sub3A_279 : vector<16xf32> to vector<1x16xf32>
        tpu.vector_store %arg12[%swap3A_280, %swap3A_281], %swap3A_284 {strides = array<i32>} : memref<80x256xf32, #tpu.memory_space<vmem>>, vector<1x16xf32>,
        %get3A_285 = arith.index_cast %scan3A_259 : i32 to index
        %get3A_286 = arith.constant 32 : index
        %get3A_287 = tpu.vector_load %arg12[%get3A_285, %get3A_286] {strides = array<i32>} : memref<80x256xf32, #tpu.memory_space<vmem>>, vector<1x16xf32>,
        %get3A_288 = vector.shape_cast %get3A_287 : vector<1x16xf32> to vector<16xf32>
        %get3A_289 = arith.index_cast %scan3A_259 : i32 to index
        %get3A_290 = arith.constant 32 : index
        %get3A_291 = tpu.vector_load %arg14[%get3A_289, %get3A_290] {strides = array<i32>} : memref<80x256xf32, #tpu.memory_space<vmem>>, vector<1x16xf32>,
        %get3A_292 = vector.shape_cast %get3A_291 : vector<1x16xf32> to vector<16xf32>
        %sub3A_293 = arith.subf %get3A_288, %get3A_292 : vector<16xf32>
        %swap3A_294 = arith.index_cast %scan3A_259 : i32 to index
        %swap3A_295 = arith.constant 32 : index
        %swap3A_296 = tpu.vector_load %arg12[%swap3A_294, %swap3A_295] {strides = array<i32>} : memref<80x256xf32, #tpu.memory_space<vmem>>, vector<1x16xf32>,
        %swap3A_297 = vector.shape_cast %swap3A_296 : vector<1x16xf32> to vector<16xf32>
        %swap3A_298 = vector.shape_cast %sub3A_293 : vector<16xf32> to vector<1x16xf32>
        tpu.vector_store %arg12[%swap3A_294, %swap3A_295], %swap3A_298 {strides = array<i32>} : memref<80x256xf32, #tpu.memory_space<vmem>>, vector<1x16xf32>,
        %get3A_299 = arith.index_cast %scan3A_259 : i32 to index
        %get3A_300 = arith.constant 48 : index
        %get3A_301 = tpu.vector_load %arg12[%get3A_299, %get3A_300] {strides = array<i32>} : memref<80x256xf32, #tpu.memory_space<vmem>>, vector<1x16xf32>,
        %get3A_302 = vector.shape_cast %get3A_301 : vector<1x16xf32> to vector<16xf32>
        %get3A_303 = arith.index_cast %scan3A_259 : i32 to index
        %get3A_304 = arith.constant 48 : index
        %get3A_305 = tpu.vector_load %arg14[%get3A_303, %get3A_304] {strides = array<i32>} : memref<80x256xf32, #tpu.memory_space<vmem>>, vector<1x16xf32>,
        %get3A_306 = vector.shape_cast %get3A_305 : vector<1x16xf32> to vector<16xf32>
        %sub3A_307 = arith.subf %get3A_302, %get3A_306 : vector<16xf32>
        %swap3A_308 = arith.index_cast %scan3A_259 : i32 to index
        %swap3A_309 = arith.constant 48 : index
        %swap3A_310 = tpu.vector_load %arg12[%swap3A_308, %swap3A_309] {strides = array<i32>} : memref<80x256xf32, #tpu.memory_space<vmem>>, vector<1x16xf32>,
        %swap3A_311 = vector.shape_cast %swap3A_310 : vector<1x16xf32> to vector<16xf32>
        %swap3A_312 = vector.shape_cast %sub3A_307 : vector<16xf32> to vector<1x16xf32>
        tpu.vector_store %arg12[%swap3A_308, %swap3A_309], %swap3A_312 {strides = array<i32>} : memref<80x256xf32, #tpu.memory_space<vmem>>, vector<1x16xf32>,
        %get3A_313 = arith.index_cast %scan3A_259 : i32 to index
        %get3A_314 = arith.constant 64 : index
        %get3A_315 = tpu.vector_load %arg12[%get3A_313, %get3A_314] {strides = array<i32>} : memref<80x256xf32, #tpu.memory_space<vmem>>, vector<1x16xf32>,
        %get3A_316 = vector.shape_cast %get3A_315 : vector<1x16xf32> to vector<16xf32>
        %get3A_317 = arith.index_cast %scan3A_259 : i32 to index
        %get3A_318 = arith.constant 64 : index
        %get3A_319 = tpu.vector_load %arg14[%get3A_317, %get3A_318] {strides = array<i32>} : memref<80x256xf32, #tpu.memory_space<vmem>>, vector<1x16xf32>,
        %get3A_320 = vector.shape_cast %get3A_319 : vector<1x16xf32> to vector<16xf32>
        %sub3A_321 = arith.subf %get3A_316, %get3A_320 : vector<16xf32>
        %swap3A_322 = arith.index_cast %scan3A_259 : i32 to index
        %swap3A_323 = arith.constant 64 : index
        %swap3A_324 = tpu.vector_load %arg12[%swap3A_322, %swap3A_323] {strides = array<i32>} : memref<80x256xf32, #tpu.memory_space<vmem>>, vector<1x16xf32>,
        %swap3A_325 = vector.shape_cast %swap3A_324 : vector<1x16xf32> to vector<16xf32>
        %swap3A_326 = vector.shape_cast %sub3A_321 : vector<16xf32> to vector<1x16xf32>
        tpu.vector_store %arg12[%swap3A_322, %swap3A_323], %swap3A_326 {strides = array<i32>} : memref<80x256xf32, #tpu.memory_space<vmem>>, vector<1x16xf32>,
        %get3A_327 = arith.index_cast %scan3A_259 : i32 to index
        %get3A_328 = arith.constant 80 : index
        %get3A_329 = tpu.vector_load %arg12[%get3A_327, %get3A_328] {strides = array<i32>} : memref<80x256xf32, #tpu.memory_space<vmem>>, vector<1x16xf32>,
        %get3A_330 = vector.shape_cast %get3A_329 : vector<1x16xf32> to vector<16xf32>
        %get3A_331 = arith.index_cast %scan3A_259 : i32 to index
        %get3A_332 = arith.constant 80 : index
        %get3A_333 = tpu.vector_load %arg14[%get3A_331, %get3A_332] {strides = array<i32>} : memref<80x256xf32, #tpu.memory_space<vmem>>, vector<1x16xf32>,
        %get3A_334 = vector.shape_cast %get3A_333 : vector<1x16xf32> to vector<16xf32>
        %sub3A_335 = arith.subf %get3A_330, %get3A_334 : vector<16xf32>
        %swap3A_336 = arith.index_cast %scan3A_259 : i32 to index
        %swap3A_337 = arith.constant 80 : index
        %swap3A_338 = tpu.vector_load %arg12[%swap3A_336, %swap3A_337] {strides = array<i32>} : memref<80x256xf32, #tpu.memory_space<vmem>>, vector<1x16xf32>,
        %swap3A_339 = vector.shape_cast %swap3A_338 : vector<1x16xf32> to vector<16xf32>
        %swap3A_340 = vector.shape_cast %sub3A_335 : vector<16xf32> to vector<1x16xf32>
        tpu.vector_store %arg12[%swap3A_336, %swap3A_337], %swap3A_340 {strides = array<i32>} : memref<80x256xf32, #tpu.memory_space<vmem>>, vector<1x16xf32>,
        %get3A_341 = arith.index_cast %scan3A_259 : i32 to index
        %get3A_342 = arith.constant 96 : index
        %get3A_343 = tpu.vector_load %arg12[%get3A_341, %get3A_342] {strides = array<i32>} : memref<80x256xf32, #tpu.memory_space<vmem>>, vector<1x16xf32>,
        %get3A_344 = vector.shape_cast %get3A_343 : vector<1x16xf32> to vector<16xf32>
        %get3A_345 = arith.index_cast %scan3A_259 : i32 to index
        %get3A_346 = arith.constant 96 : index
        %get3A_347 = tpu.vector_load %arg14[%get3A_345, %get3A_346] {strides = array<i32>} : memref<80x256xf32, #tpu.memory_space<vmem>>, vector<1x16xf32>,
        %get3A_348 = vector.shape_cast %get3A_347 : vector<1x16xf32> to vector<16xf32>
        %sub3A_349 = arith.subf %get3A_344, %get3A_348 : vector<16xf32>
        %swap3A_350 = arith.index_cast %scan3A_259 : i32 to index
        %swap3A_351 = arith.constant 96 : index
        %swap3A_352 = tpu.vector_load %arg12[%swap3A_350, %swap3A_351] {strides = array<i32>} : memref<80x256xf32, #tpu.memory_space<vmem>>, vector<1x16xf32>,
        %swap3A_353 = vector.shape_cast %swap3A_352 : vector<1x16xf32> to vector<16xf32>
        %swap3A_354 = vector.shape_cast %sub3A_349 : vector<16xf32> to vector<1x16xf32>
        tpu.vector_store %arg12[%swap3A_350, %swap3A_351], %swap3A_354 {strides = array<i32>} : memref<80x256xf32, #tpu.memory_space<vmem>>, vector<1x16xf32>,
        %get3A_355 = arith.index_cast %scan3A_259 : i32 to index
        %get3A_356 = arith.constant 112 : index
        %get3A_357 = tpu.vector_load %arg12[%get3A_355, %get3A_356] {strides = array<i32>} : memref<80x256xf32, #tpu.memory_space<vmem>>, vector<1x16xf32>,
        %get3A_358 = vector.shape_cast %get3A_357 : vector<1x16xf32> to vector<16xf32>
        %get3A_359 = arith.index_cast %scan3A_259 : i32 to index
        %get3A_360 = arith.constant 112 : index
        %get3A_361 = tpu.vector_load %arg14[%get3A_359, %get3A_360] {strides = array<i32>} : memref<80x256xf32, #tpu.memory_space<vmem>>, vector<1x16xf32>,
        %get3A_362 = vector.shape_cast %get3A_361 : vector<1x16xf32> to vector<16xf32>
        %sub3A_363 = arith.subf %get3A_358, %get3A_362 : vector<16xf32>
        %swap3A_364 = arith.index_cast %scan3A_259 : i32 to index
        %swap3A_365 = arith.constant 112 : index
        %swap3A_366 = tpu.vector_load %arg12[%swap3A_364, %swap3A_365] {strides = array<i32>} : memref<80x256xf32, #tpu.memory_space<vmem>>, vector<1x16xf32>,
        %swap3A_367 = vector.shape_cast %swap3A_366 : vector<1x16xf32> to vector<16xf32>
        %swap3A_368 = vector.shape_cast %sub3A_363 : vector<16xf32> to vector<1x16xf32>
        tpu.vector_store %arg12[%swap3A_364, %swap3A_365], %swap3A_368 {strides = array<i32>} : memref<80x256xf32, #tpu.memory_space<vmem>>, vector<1x16xf32>,
        %get3A_369 = arith.index_cast %scan3A_259 : i32 to index
        %get3A_370 = arith.constant 128 : index
        %get3A_371 = tpu.vector_load %arg12[%get3A_369, %get3A_370] {strides = array<i32>} : memref<80x256xf32, #tpu.memory_space<vmem>>, vector<1x16xf32>,
        %get3A_372 = vector.shape_cast %get3A_371 : vector<1x16xf32> to vector<16xf32>
        %get3A_373 = arith.index_cast %scan3A_259 : i32 to index
        %get3A_374 = arith.constant 128 : index
        %get3A_375 = tpu.vector_load %arg14[%get3A_373, %get3A_374] {strides = array<i32>} : memref<80x256xf32, #tpu.memory_space<vmem>>, vector<1x16xf32>,
        %get3A_376 = vector.shape_cast %get3A_375 : vector<1x16xf32> to vector<16xf32>
        %add3A_377 = arith.addf %get3A_372, %get3A_376 : vector<16xf32>
        %swap3A_378 = arith.index_cast %scan3A_259 : i32 to index
        %swap3A_379 = arith.constant 128 : index
        %swap3A_380 = tpu.vector_load %arg12[%swap3A_378, %swap3A_379] {strides = array<i32>} : memref<80x256xf32, #tpu.memory_space<vmem>>, vector<1x16xf32>,
        %swap3A_381 = vector.shape_cast %swap3A_380 : vector<1x16xf32> to vector<16xf32>
        %swap3A_382 = vector.shape_cast %add3A_377 : vector<16xf32> to vector<1x16xf32>
        tpu.vector_store %arg12[%swap3A_378, %swap3A_379], %swap3A_382 {strides = array<i32>} : memref<80x256xf32, #tpu.memory_space<vmem>>, vector<1x16xf32>,
        %get3A_383 = arith.index_cast %scan3A_259 : i32 to index
        %get3A_384 = arith.constant 144 : index
        %get3A_385 = tpu.vector_load %arg12[%get3A_383, %get3A_384] {strides = array<i32>} : memref<80x256xf32, #tpu.memory_space<vmem>>, vector<1x16xf32>,
        %get3A_386 = vector.shape_cast %get3A_385 : vector<1x16xf32> to vector<16xf32>
        %get3A_387 = arith.index_cast %scan3A_259 : i32 to index
        %get3A_388 = arith.constant 144 : index
        %get3A_389 = tpu.vector_load %arg14[%get3A_387, %get3A_388] {strides = array<i32>} : memref<80x256xf32, #tpu.memory_space<vmem>>, vector<1x16xf32>,
        %get3A_390 = vector.shape_cast %get3A_389 : vector<1x16xf32> to vector<16xf32>
        %add3A_391 = arith.addf %get3A_386, %get3A_390 : vector<16xf32>
        %swap3A_392 = arith.index_cast %scan3A_259 : i32 to index
        %swap3A_393 = arith.constant 144 : index
        %swap3A_394 = tpu.vector_load %arg12[%swap3A_392, %swap3A_393] {strides = array<i32>} : memref<80x256xf32, #tpu.memory_space<vmem>>, vector<1x16xf32>,
        %swap3A_395 = vector.shape_cast %swap3A_394 : vector<1x16xf32> to vector<16xf32>
        %swap3A_396 = vector.shape_cast %add3A_391 : vector<16xf32> to vector<1x16xf32>
        tpu.vector_store %arg12[%swap3A_392, %swap3A_393], %swap3A_396 {strides = array<i32>} : memref<80x256xf32, #tpu.memory_space<vmem>>, vector<1x16xf32>,
        %get3A_397 = arith.index_cast %scan3A_259 : i32 to index
        %get3A_398 = arith.constant 160 : index
        %get3A_399 = tpu.vector_load %arg12[%get3A_397, %get3A_398] {strides = array<i32>} : memref<80x256xf32, #tpu.memory_space<vmem>>, vector<1x16xf32>,
        %get3A_400 = vector.shape_cast %get3A_399 : vector<1x16xf32> to vector<16xf32>
        %get3A_401 = arith.index_cast %scan3A_259 : i32 to index
        %get3A_402 = arith.constant 160 : index
        %get3A_403 = tpu.vector_load %arg14[%get3A_401, %get3A_402] {strides = array<i32>} : memref<80x256xf32, #tpu.memory_space<vmem>>, vector<1x16xf32>,
        %get3A_404 = vector.shape_cast %get3A_403 : vector<1x16xf32> to vector<16xf32>
        %add3A_405 = arith.addf %get3A_400, %get3A_404 : vector<16xf32>
        %swap3A_406 = arith.index_cast %scan3A_259 : i32 to index
        %swap3A_407 = arith.constant 160 : index
        %swap3A_408 = tpu.vector_load %arg12[%swap3A_406, %swap3A_407] {strides = array<i32>} : memref<80x256xf32, #tpu.memory_space<vmem>>, vector<1x16xf32>,
        %swap3A_409 = vector.shape_cast %swap3A_408 : vector<1x16xf32> to vector<16xf32>
        %swap3A_410 = vector.shape_cast %add3A_405 : vector<16xf32> to vector<1x16xf32>
        tpu.vector_store %arg12[%swap3A_406, %swap3A_407], %swap3A_410 {strides = array<i32>} : memref<80x256xf32, #tpu.memory_space<vmem>>, vector<1x16xf32>,
        %get3A_411 = arith.index_cast %scan3A_259 : i32 to index
        %get3A_412 = arith.constant 176 : index
        %get3A_413 = tpu.vector_load %arg12[%get3A_411, %get3A_412] {strides = array<i32>} : memref<80x256xf32, #tpu.memory_space<vmem>>, vector<1x16xf32>,
        %get3A_414 = vector.shape_cast %get3A_413 : vector<1x16xf32> to vector<16xf32>
        %get3A_415 = arith.index_cast %scan3A_259 : i32 to index
        %get3A_416 = arith.constant 176 : index
        %get3A_417 = tpu.vector_load %arg14[%get3A_415, %get3A_416] {strides = array<i32>} : memref<80x256xf32, #tpu.memory_space<vmem>>, vector<1x16xf32>,
        %get3A_418 = vector.shape_cast %get3A_417 : vector<1x16xf32> to vector<16xf32>
        %add3A_419 = arith.addf %get3A_414, %get3A_418 : vector<16xf32>
        %swap3A_420 = arith.index_cast %scan3A_259 : i32 to index
        %swap3A_421 = arith.constant 176 : index
        %swap3A_422 = tpu.vector_load %arg12[%swap3A_420, %swap3A_421] {strides = array<i32>} : memref<80x256xf32, #tpu.memory_space<vmem>>, vector<1x16xf32>,
        %swap3A_423 = vector.shape_cast %swap3A_422 : vector<1x16xf32> to vector<16xf32>
        %swap3A_424 = vector.shape_cast %add3A_419 : vector<16xf32> to vector<1x16xf32>
        tpu.vector_store %arg12[%swap3A_420, %swap3A_421], %swap3A_424 {strides = array<i32>} : memref<80x256xf32, #tpu.memory_space<vmem>>, vector<1x16xf32>,
        %get3A_425 = arith.index_cast %scan3A_259 : i32 to index
        %get3A_426 = arith.constant 192 : index
        %get3A_427 = tpu.vector_load %arg12[%get3A_425, %get3A_426] {strides = array<i32>} : memref<80x256xf32, #tpu.memory_space<vmem>>, vector<1x16xf32>,
        %get3A_428 = vector.shape_cast %get3A_427 : vector<1x16xf32> to vector<16xf32>
        %get3A_429 = arith.index_cast %scan3A_259 : i32 to index
        %get3A_430 = arith.constant 192 : index
        %get3A_431 = tpu.vector_load %arg14[%get3A_429, %get3A_430] {strides = array<i32>} : memref<80x256xf32, #tpu.memory_space<vmem>>, vector<1x16xf32>,
        %get3A_432 = vector.shape_cast %get3A_431 : vector<1x16xf32> to vector<16xf32>
        %add3A_433 = arith.addf %get3A_428, %get3A_432 : vector<16xf32>
        %swap3A_434 = arith.index_cast %scan3A_259 : i32 to index
        %swap3A_435 = arith.constant 192 : index
        %swap3A_436 = tpu.vector_load %arg12[%swap3A_434, %swap3A_435] {strides = array<i32>} : memref<80x256xf32, #tpu.memory_space<vmem>>, vector<1x16xf32>,
        %swap3A_437 = vector.shape_cast %swap3A_436 : vector<1x16xf32> to vector<16xf32>
        %swap3A_438 = vector.shape_cast %add3A_433 : vector<16xf32> to vector<1x16xf32>
        tpu.vector_store %arg12[%swap3A_434, %swap3A_435], %swap3A_438 {strides = array<i32>} : memref<80x256xf32, #tpu.memory_space<vmem>>, vector<1x16xf32>,
        %get3A_439 = arith.index_cast %scan3A_259 : i32 to index
        %get3A_440 = arith.constant 208 : index
        %get3A_441 = tpu.vector_load %arg12[%get3A_439, %get3A_440] {strides = array<i32>} : memref<80x256xf32, #tpu.memory_space<vmem>>, vector<1x16xf32>,
        %get3A_442 = vector.shape_cast %get3A_441 : vector<1x16xf32> to vector<16xf32>
        %get3A_443 = arith.index_cast %scan3A_259 : i32 to index
        %get3A_444 = arith.constant 208 : index
        %get3A_445 = tpu.vector_load %arg14[%get3A_443, %get3A_444] {strides = array<i32>} : memref<80x256xf32, #tpu.memory_space<vmem>>, vector<1x16xf32>,
        %get3A_446 = vector.shape_cast %get3A_445 : vector<1x16xf32> to vector<16xf32>
        %add3A_447 = arith.addf %get3A_442, %get3A_446 : vector<16xf32>
        %swap3A_448 = arith.index_cast %scan3A_259 : i32 to index
        %swap3A_449 = arith.constant 208 : index
        %swap3A_450 = tpu.vector_load %arg12[%swap3A_448, %swap3A_449] {strides = array<i32>} : memref<80x256xf32, #tpu.memory_space<vmem>>, vector<1x16xf32>,
        %swap3A_451 = vector.shape_cast %swap3A_450 : vector<1x16xf32> to vector<16xf32>
        %swap3A_452 = vector.shape_cast %add3A_447 : vector<16xf32> to vector<1x16xf32>
        tpu.vector_store %arg12[%swap3A_448, %swap3A_449], %swap3A_452 {strides = array<i32>} : memref<80x256xf32, #tpu.memory_space<vmem>>, vector<1x16xf32>,
        %get3A_453 = arith.index_cast %scan3A_259 : i32 to index
        %get3A_454 = arith.constant 224 : index
        %get3A_455 = tpu.vector_load %arg12[%get3A_453, %get3A_454] {strides = array<i32>} : memref<80x256xf32, #tpu.memory_space<vmem>>, vector<1x16xf32>,
        %get3A_456 = vector.shape_cast %get3A_455 : vector<1x16xf32> to vector<16xf32>
        %get3A_457 = arith.index_cast %scan3A_259 : i32 to index
        %get3A_458 = arith.constant 224 : index
        %get3A_459 = tpu.vector_load %arg14[%get3A_457, %get3A_458] {strides = array<i32>} : memref<80x256xf32, #tpu.memory_space<vmem>>, vector<1x16xf32>,
        %get3A_460 = vector.shape_cast %get3A_459 : vector<1x16xf32> to vector<16xf32>
        %add3A_461 = arith.addf %get3A_456, %get3A_460 : vector<16xf32>
        %swap3A_462 = arith.index_cast %scan3A_259 : i32 to index
        %swap3A_463 = arith.constant 224 : index
        %swap3A_464 = tpu.vector_load %arg12[%swap3A_462, %swap3A_463] {strides = array<i32>} : memref<80x256xf32, #tpu.memory_space<vmem>>, vector<1x16xf32>,
        %swap3A_465 = vector.shape_cast %swap3A_464 : vector<1x16xf32> to vector<16xf32>
        %swap3A_466 = vector.shape_cast %add3A_461 : vector<16xf32> to vector<1x16xf32>
        tpu.vector_store %arg12[%swap3A_462, %swap3A_463], %swap3A_466 {strides = array<i32>} : memref<80x256xf32, #tpu.memory_space<vmem>>, vector<1x16xf32>,
        %get3A_467 = arith.index_cast %scan3A_259 : i32 to index
        %get3A_468 = arith.constant 240 : index
        %get3A_469 = tpu.vector_load %arg12[%get3A_467, %get3A_468] {strides = array<i32>} : memref<80x256xf32, #tpu.memory_space<vmem>>, vector<1x16xf32>,
        %get3A_470 = vector.shape_cast %get3A_469 : vector<1x16xf32> to vector<16xf32>
        %get3A_471 = arith.index_cast %scan3A_259 : i32 to index
        %get3A_472 = arith.constant 240 : index
        %get3A_473 = tpu.vector_load %arg14[%get3A_471, %get3A_472] {strides = array<i32>} : memref<80x256xf32, #tpu.memory_space<vmem>>, vector<1x16xf32>,
        %get3A_474 = vector.shape_cast %get3A_473 : vector<1x16xf32> to vector<16xf32>
        %add3A_475 = arith.addf %get3A_470, %get3A_474 : vector<16xf32>
        %swap3A_476 = arith.index_cast %scan3A_259 : i32 to index
        %swap3A_477 = arith.constant 240 : index
        %swap3A_478 = tpu.vector_load %arg12[%swap3A_476, %swap3A_477] {strides = array<i32>} : memref<80x256xf32, #tpu.memory_space<vmem>>, vector<1x16xf32>,
        %swap3A_479 = vector.shape_cast %swap3A_478 : vector<1x16xf32> to vector<16xf32>
        %swap3A_480 = vector.shape_cast %add3A_475 : vector<16xf32> to vector<1x16xf32>
        tpu.vector_store %arg12[%swap3A_476, %swap3A_477], %swap3A_480 {strides = array<i32>} : memref<80x256xf32, #tpu.memory_space<vmem>>, vector<1x16xf32>,
      }
      %scan3A_231 = arith.constant 80 : i32
      %mul3A_232 = arith.constant 2 : i32
      %mul3A_233 = arith.muli %add3A_195, %mul3A_232 : i32
      %mul3A_234 = arith.constant 16 : i32
      %mul3A_235 = arith.muli %mul3A_233, %mul3A_234 : i32
      %add3A_236 = arith.addi %add3A, %mul3A_235 : i32
      %mul3A_237 = arith.constant 80 : i32
      %mul3A_238 = arith.muli %add3A_236, %mul3A_237 : i32
      %dma_start3A_239 = arith.constant 0 : i32
      %dma_start3A_240 = arith.constant 0 : i32
      %dma_start3A_241 = tpu.memref_slice %arg12[%dma_start3A_239, %dma_start3A_240] : memref<80x256xf32, #tpu.memory_space<vmem>> -> memref<80x128xf32, #tpu.memory_space<vmem>>
      %dma_start3A_242 = arith.constant 0 : i32
      %dma_start3A_243 = tpu.memref_slice %arg6[%mul3A_238, %dma_start3A_242] : memref<320000x128xf32, #tpu.memory_space<hbm>> -> memref<80x128xf32, #tpu.memory_space<hbm>>
      %dma_start3A_244 = arith.constant 0 : i32
      %dma_start3A_245 = tpu.memref_slice %arg6[%mul3A_238, %dma_start3A_244] : memref<320000x128xf32, #tpu.memory_space<hbm>> -> memref<80x128xf32, #tpu.memory_space<hbm>>
      %dma_start3A_246 = arith.constant 0 : i32
      %dma_start3A_247 = arith.constant 0 : i32
      %dma_start3A_248 = tpu.memref_slice %arg12[%dma_start3A_246, %dma_start3A_247] : memref<80x256xf32, #tpu.memory_space<vmem>> -> memref<80x128xf32, #tpu.memory_space<vmem>>
      tpu.enqueue_dma source(%dma_start3A_248 : memref<80x128xf32, #tpu.memory_space<vmem>>) target(%dma_start3A_245 : memref<80x128xf32, #tpu.memory_space<hbm>>) target_semaphore(%arg20 : memref<!tpu.dma_semaphore, #tpu.memory_space<semaphore_mem>>)
      %dma_start3A_249 = arith.constant 0 : i32
      %dma_start3A_250 = arith.constant 128 : i32
      %dma_start3A_251 = tpu.memref_slice %arg12[%dma_start3A_249, %dma_start3A_250] : memref<80x256xf32, #tpu.memory_space<vmem>> -> memref<80x128xf32, #tpu.memory_space<vmem>>
      %dma_start3A_252 = arith.constant 0 : i32
      %dma_start3A_253 = tpu.memref_slice %arg7[%mul3A_238, %dma_start3A_252] : memref<320000x128xf32, #tpu.memory_space<hbm>> -> memref<80x128xf32, #tpu.memory_space<hbm>>
      %dma_start3A_254 = arith.constant 0 : i32
      %dma_start3A_255 = tpu.memref_slice %arg7[%mul3A_238, %dma_start3A_254] : memref<320000x128xf32, #tpu.memory_space<hbm>> -> memref<80x128xf32, #tpu.memory_space<hbm>>
      %dma_start3A_256 = arith.constant 0 : i32
      %dma_start3A_257 = arith.constant 128 : i32
      %dma_start3A_258 = tpu.memref_slice %arg12[%dma_start3A_256, %dma_start3A_257] : memref<80x256xf32, #tpu.memory_space<vmem>> -> memref<80x128xf32, #tpu.memory_space<vmem>>
      tpu.enqueue_dma source(%dma_start3A_258 : memref<80x128xf32, #tpu.memory_space<vmem>>) target(%dma_start3A_255 : memref<80x128xf32, #tpu.memory_space<hbm>>) target_semaphore(%arg20 : memref<!tpu.dma_semaphore, #tpu.memory_space<semaphore_mem>>)
    }
    %scan3A_99 = arith.constant 62 : i32
    %add3A_100 = arith.constant 3968 : i32
    %add3A_101 = arith.addi %add3A, %add3A_100 : i32
    %mul3A_102 = arith.constant 80 : i32
    %mul3A_103 = arith.muli %add3A_101, %mul3A_102 : i32
    %dma_wait3A_104 = arith.constant 0 : i32
    %dma_wait3A_105 = arith.constant 0 : i32
    %dma_wait3A_106 = tpu.memref_slice %arg12[%dma_wait3A_104, %dma_wait3A_105] : memref<80x256xf32, #tpu.memory_space<vmem>> -> memref<80x128xf32, #tpu.memory_space<vmem>>
    %dma_wait3A_107 = arith.constant 0 : i32
    %dma_wait3A_108 = tpu.memref_slice %arg6[%mul3A_103, %dma_wait3A_107] : memref<320000x128xf32, #tpu.memory_space<hbm>> -> memref<80x128xf32, #tpu.memory_space<hbm>>
    %dma_wait3A_109 = arith.constant 0 : i32
    %dma_wait3A_110 = tpu.memref_slice %arg6[%mul3A_103, %dma_wait3A_109] : memref<320000x128xf32, #tpu.memory_space<hbm>> -> memref<80x128xf32, #tpu.memory_space<hbm>>
    %dma_wait3A_111 = arith.constant 0 : i32
    %dma_wait3A_112 = arith.constant 0 : i32
    %dma_wait3A_113 = tpu.memref_slice %arg12[%dma_wait3A_111, %dma_wait3A_112] : memref<80x256xf32, #tpu.memory_space<vmem>> -> memref<80x128xf32, #tpu.memory_space<vmem>>
    tpu.wait_dma2 semaphore(%arg20 : memref<!tpu.dma_semaphore, #tpu.memory_space<semaphore_mem>>) src(%dma_wait3A_113 : memref<80x128xf32, #tpu.memory_space<vmem>>) dst(%dma_wait3A_110 : memref<80x128xf32, #tpu.memory_space<hbm>>)
    %dma_wait3A_114 = arith.constant 0 : i32
    %dma_wait3A_115 = arith.constant 128 : i32
    %dma_wait3A_116 = tpu.memref_slice %arg12[%dma_wait3A_114, %dma_wait3A_115] : memref<80x256xf32, #tpu.memory_space<vmem>> -> memref<80x128xf32, #tpu.memory_space<vmem>>
    %dma_wait3A_117 = arith.constant 0 : i32
    %dma_wait3A_118 = tpu.memref_slice %arg7[%mul3A_103, %dma_wait3A_117] : memref<320000x128xf32, #tpu.memory_space<hbm>> -> memref<80x128xf32, #tpu.memory_space<hbm>>
    %dma_wait3A_119 = arith.constant 0 : i32
    %dma_wait3A_120 = tpu.memref_slice %arg7[%mul3A_103, %dma_wait3A_119] : memref<320000x128xf32, #tpu.memory_space<hbm>> -> memref<80x128xf32, #tpu.memory_space<hbm>>
    %dma_wait3A_121 = arith.constant 0 : i32
    %dma_wait3A_122 = arith.constant 128 : i32
    %dma_wait3A_123 = tpu.memref_slice %arg12[%dma_wait3A_121, %dma_wait3A_122] : memref<80x256xf32, #tpu.memory_space<vmem>> -> memref<80x128xf32, #tpu.memory_space<vmem>>
    tpu.wait_dma2 semaphore(%arg20 : memref<!tpu.dma_semaphore, #tpu.memory_space<semaphore_mem>>) src(%dma_wait3A_123 : memref<80x128xf32, #tpu.memory_space<vmem>>) dst(%dma_wait3A_120 : memref<80x128xf32, #tpu.memory_space<hbm>>)
    return
  }
}

#map = affine_map<(d0, d1) -> (0, 0)>
#map1 = affine_map<(d0, d1) -> (0)>
module attributes {stable_mosaic.version = 14 : i64} {
  func.func @_agg_sc_body(%arg0: i32, %arg1: i32, %arg2: memref<320000x128xf32, #tpu.memory_space<hbm>>, %arg3: memref<320000x128xf32, #tpu.memory_space<hbm>>, %arg4: memref<320000xi32, #tpu.memory_space<hbm>>, %arg5: memref<16xf32, #tpu.memory_space<hbm>>, %arg6: memref<632x128xf32, #tpu.memory_space<hbm>>, %arg7: memref<10000x128xf32, #tpu.memory_space<hbm>>, %arg8: memref<10000x128xf32, #tpu.memory_space<hbm>>, %arg9: memref<80xi32, #tpu.memory_space<vmem>>, %arg10: memref<80xi32, #tpu.memory_space<vmem>>, %arg11: memref<80x128xf32, #tpu.memory_space<vmem>>, %arg12: memref<80x128xf32, #tpu.memory_space<vmem>>, %arg13: memref<80x128xf32, #tpu.memory_space<vmem>>, %arg14: memref<80x128xf32, #tpu.memory_space<vmem>>, %arg15: memref<16xf32, #tpu.memory_space<vmem>>, %arg16: memref<10000x128xf32, #tpu.memory_space<vmem_shared>>, %arg17: memref<!tpu.dma_semaphore, #tpu.memory_space<semaphore_mem>>, %arg18: memref<!tpu.dma_semaphore, #tpu.memory_space<semaphore_mem>>, %arg19: memref<!tpu.dma_semaphore, #tpu.memory_space<semaphore_mem>>, %arg20: memref<!tpu.dma_semaphore, #tpu.memory_space<semaphore_mem>>) attributes {dimension_semantics = [#tpu.dimension_semantics<core_parallel>, #tpu.dimension_semantics<subcore_parallel>], iteration_bounds = array<i64: 2, 16>, scalar_prefetch = 0 : i64, scratch_operands = 12 : i64, tpu.core_type = #tpu.core_type<sc_vector_subcore>, window_params = [{transform_indices = #map}, {transform_indices = #map}, {transform_indices = #map1}, {transform_indices = #map1}, {transform_indices = #map}, {transform_indices = #map}, {transform_indices = #map}]} {
    %mul3A = arith.constant 625 : i32
    %mul3A_0 = arith.muli %arg1, %mul3A : i32
    %jit3A = arith.constant 8 : i32
    %div3A = arith.divsi %mul3A_0, %jit3A : i32
    %sign3A = arith.constant 0 : i32
    %sign3A_1 = arith.cmpi sgt, %mul3A_0, %sign3A : i32
    %sign3A_2 = arith.extui %sign3A_1 : i1 to i32
    %sign3A_3 = arith.constant 0 : i32
    %sign3A_4 = arith.cmpi slt, %mul3A_0, %sign3A_3 : i32
    %sign3A_5 = arith.extui %sign3A_4 : i1 to i32
    %sign3A_6 = arith.subi %sign3A_2, %sign3A_5 : i32
    %sign3A_7 = arith.constant 0 : i32
    %sign3A_8 = arith.cmpi sgt, %jit3A, %sign3A_7 : i32
    %sign3A_9 = arith.extui %sign3A_8 : i1 to i32
    %sign3A_10 = arith.constant 0 : i32
    %sign3A_11 = arith.cmpi slt, %jit3A, %sign3A_10 : i32
    %sign3A_12 = arith.extui %sign3A_11 : i1 to i32
    %sign3A_13 = arith.subi %sign3A_9, %sign3A_12 : i32
    %ne3A = arith.cmpi ne, %sign3A_6, %sign3A_13 : i32
    %rem3A = arith.remsi %mul3A_0, %jit3A : i32
    %ne3A_14 = arith.constant 0 : i32
    %ne3A_15 = arith.cmpi ne, %rem3A, %ne3A_14 : i32
    %and3A = arith.andi %ne3A, %ne3A_15 : i1
    %sub3A = arith.constant 1 : i32
    %sub3A_16 = arith.subi %div3A, %sub3A : i32
    %select_n3A = arith.select %and3A, %sub3A_16, %div3A : i32
    %mul3A_17 = arith.constant 8 : i32
    %mul3A_18 = arith.muli %select_n3A, %mul3A_17 : i32
    "tpu.region"() ({
      %run_scoped3A = tpu.sem_alloc : memref<!tpu.dma_semaphore, #tpu.memory_space<semaphore_mem>>
      %dma_start3A_142 = arith.constant 0 : i32
      %dma_start3A_143 = tpu.memref_slice %arg16[%mul3A_18, %dma_start3A_142] : memref<10000x128xf32, #tpu.memory_space<vmem_shared>> -> memref<632x128xf32, #tpu.memory_space<vmem_shared>>
      tpu.enqueue_dma source(%arg6 : memref<632x128xf32, #tpu.memory_space<hbm>>) target(%dma_start3A_143 : memref<632x128xf32, #tpu.memory_space<vmem_shared>>) target_semaphore(%run_scoped3A : memref<!tpu.dma_semaphore, #tpu.memory_space<semaphore_mem>>)
      %dma_wait3A_144 = arith.constant 0 : i32
      %dma_wait3A_145 = tpu.memref_slice %arg16[%mul3A_18, %dma_wait3A_144] : memref<10000x128xf32, #tpu.memory_space<vmem_shared>> -> memref<632x128xf32, #tpu.memory_space<vmem_shared>>
      tpu.wait_dma2 semaphore(%run_scoped3A : memref<!tpu.dma_semaphore, #tpu.memory_space<semaphore_mem>>) src(%arg6 : memref<632x128xf32, #tpu.memory_space<hbm>>) dst(%dma_wait3A_145 : memref<632x128xf32, #tpu.memory_space<vmem_shared>>)
      tpu.yield
    }) : () -> ()
    "tpu.region"() ({
      %run_scoped3A = tpu.sem_alloc : memref<!tpu.dma_semaphore, #tpu.memory_space<semaphore_mem>>
      tpu.enqueue_dma source(%arg5 : memref<16xf32, #tpu.memory_space<hbm>>) target(%arg15 : memref<16xf32, #tpu.memory_space<vmem>>) target_semaphore(%run_scoped3A : memref<!tpu.dma_semaphore, #tpu.memory_space<semaphore_mem>>)
      tpu.wait_dma2 semaphore(%run_scoped3A : memref<!tpu.dma_semaphore, #tpu.memory_space<semaphore_mem>>) src(%arg5 : memref<16xf32, #tpu.memory_space<hbm>>) dst(%arg15 : memref<16xf32, #tpu.memory_space<vmem>>)
      tpu.yield
    }) : () -> ()
    %barrier3A = arith.constant 0 : index
    tpu.barrier barrier_id(%barrier3A)
    %get3A = arith.constant 0 : index
    %get3A_19 = tpu.vector_load %arg15[%get3A] {strides = array<i32>} : memref<16xf32, #tpu.memory_space<vmem>>, vector<16xf32>,
    %get3A_20 = vector.shape_cast %get3A_19 : vector<16xf32> to vector<16xf32>
    %mul3A_21 = arith.constant 20000 : i32
    %mul3A_22 = arith.muli %arg1, %mul3A_21 : i32
    %mul3A_23 = arith.constant 0 : i32
    %mul3A_24 = arith.constant 80 : i32
    %mul3A_25 = arith.muli %mul3A_23, %mul3A_24 : i32
    %add3A = arith.addi %mul3A_22, %mul3A_25 : i32
    %dma_start3A = tpu.memref_slice %arg4[%add3A] : memref<320000xi32, #tpu.memory_space<hbm>> -> memref<80xi32, #tpu.memory_space<hbm>>
    %dma_start3A_26 = tpu.memref_slice %arg4[%add3A] : memref<320000xi32, #tpu.memory_space<hbm>> -> memref<80xi32, #tpu.memory_space<hbm>>
    tpu.enqueue_dma source(%dma_start3A_26 : memref<80xi32, #tpu.memory_space<hbm>>) target(%arg9 : memref<80xi32, #tpu.memory_space<vmem>>) target_semaphore(%arg17 : memref<!tpu.dma_semaphore, #tpu.memory_space<semaphore_mem>>)
    %dma_start3A_27 = arith.constant 0 : i32
    %dma_start3A_28 = tpu.memref_slice %arg2[%add3A, %dma_start3A_27] : memref<320000x128xf32, #tpu.memory_space<hbm>> -> memref<80x128xf32, #tpu.memory_space<hbm>>
    %dma_start3A_29 = arith.constant 0 : i32
    %dma_start3A_30 = tpu.memref_slice %arg2[%add3A, %dma_start3A_29] : memref<320000x128xf32, #tpu.memory_space<hbm>> -> memref<80x128xf32, #tpu.memory_space<hbm>>
    tpu.enqueue_dma source(%dma_start3A_30 : memref<80x128xf32, #tpu.memory_space<hbm>>) target(%arg11 : memref<80x128xf32, #tpu.memory_space<vmem>>) target_semaphore(%arg17 : memref<!tpu.dma_semaphore, #tpu.memory_space<semaphore_mem>>)
    %eq3A = arith.constant 1 : i32
    %eq3A_31 = arith.cmpi eq, %arg0, %eq3A : i32
    %convert_element_type3A = arith.extui %eq3A_31 : i1 to i32
    %cond3A = arith.constant 0 : i32
    %cond3A_32 = arith.constant 0 : i32
    %cond3A_33 = arith.cmpi ne, %convert_element_type3A, %cond3A_32 : i32
    scf.if %cond3A_33 {
      %mul3A_142 = arith.constant 20000 : i32
      %mul3A_143 = arith.muli %arg1, %mul3A_142 : i32
      %mul3A_144 = arith.constant 80 : i32
      %mul3A_145 = arith.muli %cond3A, %mul3A_144 : i32
      %add3A_146 = arith.addi %mul3A_143, %mul3A_145 : i32
      %dma_start3A_147 = arith.constant 0 : i32
      %dma_start3A_148 = tpu.memref_slice %arg3[%add3A_146, %dma_start3A_147] : memref<320000x128xf32, #tpu.memory_space<hbm>> -> memref<80x128xf32, #tpu.memory_space<hbm>>
      %dma_start3A_149 = arith.constant 0 : i32
      %dma_start3A_150 = tpu.memref_slice %arg3[%add3A_146, %dma_start3A_149] : memref<320000x128xf32, #tpu.memory_space<hbm>> -> memref<80x128xf32, #tpu.memory_space<hbm>>
      tpu.enqueue_dma source(%dma_start3A_150 : memref<80x128xf32, #tpu.memory_space<hbm>>) target(%arg13 : memref<80x128xf32, #tpu.memory_space<vmem>>) target_semaphore(%arg17 : memref<!tpu.dma_semaphore, #tpu.memory_space<semaphore_mem>>)
    } else {
    }
    %add3A_34 = arith.constant 0 : i32
    %add3A_35 = arith.constant 1 : i32
    %add3A_36 = arith.addi %add3A_34, %add3A_35 : i32
    %lt3A = arith.constant 250 : i32
    %lt3A_37 = arith.cmpi slt, %add3A_36, %lt3A : i32
    %convert_element_type3A_38 = arith.extui %lt3A_37 : i1 to i32
    %cond3A_39 = arith.constant 0 : i32
    %cond3A_40 = arith.constant 0 : i32
    %cond3A_41 = arith.cmpi ne, %convert_element_type3A_38, %cond3A_40 : i32
    scf.if %cond3A_41 {
      %add3A_142 = arith.constant 1 : i32
      %add3A_143 = arith.addi %cond3A_39, %add3A_142 : i32
      %mul3A_144 = arith.constant 20000 : i32
      %mul3A_145 = arith.muli %arg1, %mul3A_144 : i32
      %mul3A_146 = arith.constant 80 : i32
      %mul3A_147 = arith.muli %add3A_143, %mul3A_146 : i32
      %add3A_148 = arith.addi %mul3A_145, %mul3A_147 : i32
      %dma_start3A_149 = tpu.memref_slice %arg4[%add3A_148] : memref<320000xi32, #tpu.memory_space<hbm>> -> memref<80xi32, #tpu.memory_space<hbm>>
      %dma_start3A_150 = tpu.memref_slice %arg4[%add3A_148] : memref<320000xi32, #tpu.memory_space<hbm>> -> memref<80xi32, #tpu.memory_space<hbm>>
      tpu.enqueue_dma source(%dma_start3A_150 : memref<80xi32, #tpu.memory_space<hbm>>) target(%arg10 : memref<80xi32, #tpu.memory_space<vmem>>) target_semaphore(%arg18 : memref<!tpu.dma_semaphore, #tpu.memory_space<semaphore_mem>>)
      %dma_start3A_151 = arith.constant 0 : i32
      %dma_start3A_152 = tpu.memref_slice %arg2[%add3A_148, %dma_start3A_151] : memref<320000x128xf32, #tpu.memory_space<hbm>> -> memref<80x128xf32, #tpu.memory_space<hbm>>
      %dma_start3A_153 = arith.constant 0 : i32
      %dma_start3A_154 = tpu.memref_slice %arg2[%add3A_148, %dma_start3A_153] : memref<320000x128xf32, #tpu.memory_space<hbm>> -> memref<80x128xf32, #tpu.memory_space<hbm>>
      tpu.enqueue_dma source(%dma_start3A_154 : memref<80x128xf32, #tpu.memory_space<hbm>>) target(%arg12 : memref<80x128xf32, #tpu.memory_space<vmem>>) target_semaphore(%arg18 : memref<!tpu.dma_semaphore, #tpu.memory_space<semaphore_mem>>)
      %eq3A_155 = arith.constant 1 : i32
      %eq3A_156 = arith.cmpi eq, %arg0, %eq3A_155 : i32
      %convert_element_type3A_157 = arith.extui %eq3A_156 : i1 to i32
      %cond3A_158 = arith.constant 0 : i32
      %cond3A_159 = arith.cmpi ne, %convert_element_type3A_157, %cond3A_158 : i32
      scf.if %cond3A_159 {
        %mul3A_160 = arith.constant 20000 : i32
        %mul3A_161 = arith.muli %arg1, %mul3A_160 : i32
        %mul3A_162 = arith.constant 80 : i32
        %mul3A_163 = arith.muli %add3A_143, %mul3A_162 : i32
        %add3A_164 = arith.addi %mul3A_161, %mul3A_163 : i32
        %dma_start3A_165 = arith.constant 0 : i32
        %dma_start3A_166 = tpu.memref_slice %arg3[%add3A_164, %dma_start3A_165] : memref<320000x128xf32, #tpu.memory_space<hbm>> -> memref<80x128xf32, #tpu.memory_space<hbm>>
        %dma_start3A_167 = arith.constant 0 : i32
        %dma_start3A_168 = tpu.memref_slice %arg3[%add3A_164, %dma_start3A_167] : memref<320000x128xf32, #tpu.memory_space<hbm>> -> memref<80x128xf32, #tpu.memory_space<hbm>>
        tpu.enqueue_dma source(%dma_start3A_168 : memref<80x128xf32, #tpu.memory_space<hbm>>) target(%arg14 : memref<80x128xf32, #tpu.memory_space<vmem>>) target_semaphore(%arg18 : memref<!tpu.dma_semaphore, #tpu.memory_space<semaphore_mem>>)
      } else {
      }
    } else {
    }
    %mul3A_42 = arith.constant 20000 : i32
    %mul3A_43 = arith.muli %arg1, %mul3A_42 : i32
    %mul3A_44 = arith.constant 0 : i32
    %mul3A_45 = arith.constant 80 : i32
    %mul3A_46 = arith.muli %mul3A_44, %mul3A_45 : i32
    %add3A_47 = arith.addi %mul3A_43, %mul3A_46 : i32
    %dma_wait3A = tpu.memref_slice %arg4[%add3A_47] : memref<320000xi32, #tpu.memory_space<hbm>> -> memref<80xi32, #tpu.memory_space<hbm>>
    %dma_wait3A_48 = tpu.memref_slice %arg4[%add3A_47] : memref<320000xi32, #tpu.memory_space<hbm>> -> memref<80xi32, #tpu.memory_space<hbm>>
    tpu.wait_dma2 semaphore(%arg17 : memref<!tpu.dma_semaphore, #tpu.memory_space<semaphore_mem>>) src(%dma_wait3A_48 : memref<80xi32, #tpu.memory_space<hbm>>) dst(%arg9 : memref<80xi32, #tpu.memory_space<vmem>>)
    %dma_wait3A_49 = arith.constant 0 : i32
    %dma_wait3A_50 = tpu.memref_slice %arg2[%add3A_47, %dma_wait3A_49] : memref<320000x128xf32, #tpu.memory_space<hbm>> -> memref<80x128xf32, #tpu.memory_space<hbm>>
    %dma_wait3A_51 = arith.constant 0 : i32
    %dma_wait3A_52 = tpu.memref_slice %arg2[%add3A_47, %dma_wait3A_51] : memref<320000x128xf32, #tpu.memory_space<hbm>> -> memref<80x128xf32, #tpu.memory_space<hbm>>
    tpu.wait_dma2 semaphore(%arg17 : memref<!tpu.dma_semaphore, #tpu.memory_space<semaphore_mem>>) src(%dma_wait3A_52 : memref<80x128xf32, #tpu.memory_space<hbm>>) dst(%arg11 : memref<80x128xf32, #tpu.memory_space<vmem>>)
    %eq3A_53 = arith.constant 1 : i32
    %eq3A_54 = arith.cmpi eq, %arg0, %eq3A_53 : i32
    %convert_element_type3A_55 = arith.extui %eq3A_54 : i1 to i32
    %cond3A_56 = arith.constant 0 : i32
    %cond3A_57 = arith.constant 0 : i32
    %cond3A_58 = arith.cmpi ne, %convert_element_type3A_55, %cond3A_57 : i32
    scf.if %cond3A_58 {
      %mul3A_142 = arith.constant 20000 : i32
      %mul3A_143 = arith.muli %arg1, %mul3A_142 : i32
      %mul3A_144 = arith.constant 80 : i32
      %mul3A_145 = arith.muli %cond3A_56, %mul3A_144 : i32
      %add3A_146 = arith.addi %mul3A_143, %mul3A_145 : i32
      %dma_wait3A_147 = arith.constant 0 : i32
      %dma_wait3A_148 = tpu.memref_slice %arg3[%add3A_146, %dma_wait3A_147] : memref<320000x128xf32, #tpu.memory_space<hbm>> -> memref<80x128xf32, #tpu.memory_space<hbm>>
      %dma_wait3A_149 = arith.constant 0 : i32
      %dma_wait3A_150 = tpu.memref_slice %arg3[%add3A_146, %dma_wait3A_149] : memref<320000x128xf32, #tpu.memory_space<hbm>> -> memref<80x128xf32, #tpu.memory_space<hbm>>
      tpu.wait_dma2 semaphore(%arg17 : memref<!tpu.dma_semaphore, #tpu.memory_space<semaphore_mem>>) src(%dma_wait3A_150 : memref<80x128xf32, #tpu.memory_space<hbm>>) dst(%arg13 : memref<80x128xf32, #tpu.memory_space<vmem>>)
    } else {
    }
    %eq3A_59 = arith.constant 1 : i32
    %eq3A_60 = arith.cmpi eq, %arg0, %eq3A_59 : i32
    %convert_element_type3A_61 = arith.extui %eq3A_60 : i1 to i32
    %cond3A_62 = arith.constant 0 : i32
    %cond3A_63 = arith.cmpi ne, %convert_element_type3A_61, %cond3A_62 : i32
    scf.if %cond3A_63 {
      %scan3A_142 = arith.constant 0 : i32
      %scan3A_143 = arith.constant 0 : i32
      %scan3A_144 = arith.constant 80 : i32
      %scan3A_145 = arith.addi %scan3A_143, %scan3A_144 : i32
      %scan3A_146 = arith.constant 1 : i32
      scf.for %scan3A_151 = %scan3A_143 to %scan3A_145 step %scan3A_146  : i32 {
        %get3A_152 = arith.index_cast %scan3A_151 : i32 to index
        %get3A_153 = arith.constant 0 : index
        %get3A_154 = tpu.vector_load %arg11[%get3A_152, %get3A_153] {strides = array<i32>} : memref<80x128xf32, #tpu.memory_space<vmem>>, vector<1x16xf32>,
        %get3A_155 = vector.shape_cast %get3A_154 : vector<1x16xf32> to vector<16xf32>
        %sub3A_156 = arith.subf %get3A_155, %get3A_20 : vector<16xf32>
        %exp3A = math.exp %sub3A_156 : vector<16xf32>
        %get3A_157 = arith.index_cast %scan3A_151 : i32 to index
        %get3A_158 = arith.constant 0 : index
        %get3A_159 = tpu.vector_load %arg13[%get3A_157, %get3A_158] {strides = array<i32>} : memref<80x128xf32, #tpu.memory_space<vmem>>, vector<1x16xf32>,
        %get3A_160 = vector.shape_cast %get3A_159 : vector<1x16xf32> to vector<16xf32>
        %mul3A_161 = arith.mulf %exp3A, %get3A_160 : vector<16xf32>
        %swap3A = arith.index_cast %scan3A_151 : i32 to index
        %swap3A_162 = arith.constant 0 : index
        %swap3A_163 = tpu.vector_load %arg13[%swap3A, %swap3A_162] {strides = array<i32>} : memref<80x128xf32, #tpu.memory_space<vmem>>, vector<1x16xf32>,
        %swap3A_164 = vector.shape_cast %swap3A_163 : vector<1x16xf32> to vector<16xf32>
        %swap3A_165 = vector.shape_cast %mul3A_161 : vector<16xf32> to vector<1x16xf32>
        tpu.vector_store %arg13[%swap3A, %swap3A_162], %swap3A_165 {strides = array<i32>} : memref<80x128xf32, #tpu.memory_space<vmem>>, vector<1x16xf32>,
        %get3A_166 = arith.index_cast %scan3A_151 : i32 to index
        %get3A_167 = arith.constant 16 : index
        %get3A_168 = tpu.vector_load %arg11[%get3A_166, %get3A_167] {strides = array<i32>} : memref<80x128xf32, #tpu.memory_space<vmem>>, vector<1x16xf32>,
        %get3A_169 = vector.shape_cast %get3A_168 : vector<1x16xf32> to vector<16xf32>
        %sub3A_170 = arith.subf %get3A_169, %get3A_20 : vector<16xf32>
        %exp3A_171 = math.exp %sub3A_170 : vector<16xf32>
        %get3A_172 = arith.index_cast %scan3A_151 : i32 to index
        %get3A_173 = arith.constant 16 : index
        %get3A_174 = tpu.vector_load %arg13[%get3A_172, %get3A_173] {strides = array<i32>} : memref<80x128xf32, #tpu.memory_space<vmem>>, vector<1x16xf32>,
        %get3A_175 = vector.shape_cast %get3A_174 : vector<1x16xf32> to vector<16xf32>
        %mul3A_176 = arith.mulf %exp3A_171, %get3A_175 : vector<16xf32>
        %swap3A_177 = arith.index_cast %scan3A_151 : i32 to index
        %swap3A_178 = arith.constant 16 : index
        %swap3A_179 = tpu.vector_load %arg13[%swap3A_177, %swap3A_178] {strides = array<i32>} : memref<80x128xf32, #tpu.memory_space<vmem>>, vector<1x16xf32>,
        %swap3A_180 = vector.shape_cast %swap3A_179 : vector<1x16xf32> to vector<16xf32>
        %swap3A_181 = vector.shape_cast %mul3A_176 : vector<16xf32> to vector<1x16xf32>
        tpu.vector_store %arg13[%swap3A_177, %swap3A_178], %swap3A_181 {strides = array<i32>} : memref<80x128xf32, #tpu.memory_space<vmem>>, vector<1x16xf32>,
        %get3A_182 = arith.index_cast %scan3A_151 : i32 to index
        %get3A_183 = arith.constant 32 : index
        %get3A_184 = tpu.vector_load %arg11[%get3A_182, %get3A_183] {strides = array<i32>} : memref<80x128xf32, #tpu.memory_space<vmem>>, vector<1x16xf32>,
        %get3A_185 = vector.shape_cast %get3A_184 : vector<1x16xf32> to vector<16xf32>
        %sub3A_186 = arith.subf %get3A_185, %get3A_20 : vector<16xf32>
        %exp3A_187 = math.exp %sub3A_186 : vector<16xf32>
        %get3A_188 = arith.index_cast %scan3A_151 : i32 to index
        %get3A_189 = arith.constant 32 : index
        %get3A_190 = tpu.vector_load %arg13[%get3A_188, %get3A_189] {strides = array<i32>} : memref<80x128xf32, #tpu.memory_space<vmem>>, vector<1x16xf32>,
        %get3A_191 = vector.shape_cast %get3A_190 : vector<1x16xf32> to vector<16xf32>
        %mul3A_192 = arith.mulf %exp3A_187, %get3A_191 : vector<16xf32>
        %swap3A_193 = arith.index_cast %scan3A_151 : i32 to index
        %swap3A_194 = arith.constant 32 : index
        %swap3A_195 = tpu.vector_load %arg13[%swap3A_193, %swap3A_194] {strides = array<i32>} : memref<80x128xf32, #tpu.memory_space<vmem>>, vector<1x16xf32>,
        %swap3A_196 = vector.shape_cast %swap3A_195 : vector<1x16xf32> to vector<16xf32>
        %swap3A_197 = vector.shape_cast %mul3A_192 : vector<16xf32> to vector<1x16xf32>
        tpu.vector_store %arg13[%swap3A_193, %swap3A_194], %swap3A_197 {strides = array<i32>} : memref<80x128xf32, #tpu.memory_space<vmem>>, vector<1x16xf32>,
        %get3A_198 = arith.index_cast %scan3A_151 : i32 to index
        %get3A_199 = arith.constant 48 : index
        %get3A_200 = tpu.vector_load %arg11[%get3A_198, %get3A_199] {strides = array<i32>} : memref<80x128xf32, #tpu.memory_space<vmem>>, vector<1x16xf32>,
        %get3A_201 = vector.shape_cast %get3A_200 : vector<1x16xf32> to vector<16xf32>
        %sub3A_202 = arith.subf %get3A_201, %get3A_20 : vector<16xf32>
        %exp3A_203 = math.exp %sub3A_202 : vector<16xf32>
        %get3A_204 = arith.index_cast %scan3A_151 : i32 to index
        %get3A_205 = arith.constant 48 : index
        %get3A_206 = tpu.vector_load %arg13[%get3A_204, %get3A_205] {strides = array<i32>} : memref<80x128xf32, #tpu.memory_space<vmem>>, vector<1x16xf32>,
        %get3A_207 = vector.shape_cast %get3A_206 : vector<1x16xf32> to vector<16xf32>
        %mul3A_208 = arith.mulf %exp3A_203, %get3A_207 : vector<16xf32>
        %swap3A_209 = arith.index_cast %scan3A_151 : i32 to index
        %swap3A_210 = arith.constant 48 : index
        %swap3A_211 = tpu.vector_load %arg13[%swap3A_209, %swap3A_210] {strides = array<i32>} : memref<80x128xf32, #tpu.memory_space<vmem>>, vector<1x16xf32>,
        %swap3A_212 = vector.shape_cast %swap3A_211 : vector<1x16xf32> to vector<16xf32>
        %swap3A_213 = vector.shape_cast %mul3A_208 : vector<16xf32> to vector<1x16xf32>
        tpu.vector_store %arg13[%swap3A_209, %swap3A_210], %swap3A_213 {strides = array<i32>} : memref<80x128xf32, #tpu.memory_space<vmem>>, vector<1x16xf32>,
        %get3A_214 = arith.index_cast %scan3A_151 : i32 to index
        %get3A_215 = arith.constant 64 : index
        %get3A_216 = tpu.vector_load %arg11[%get3A_214, %get3A_215] {strides = array<i32>} : memref<80x128xf32, #tpu.memory_space<vmem>>, vector<1x16xf32>,
        %get3A_217 = vector.shape_cast %get3A_216 : vector<1x16xf32> to vector<16xf32>
        %sub3A_218 = arith.subf %get3A_217, %get3A_20 : vector<16xf32>
        %exp3A_219 = math.exp %sub3A_218 : vector<16xf32>
        %get3A_220 = arith.index_cast %scan3A_151 : i32 to index
        %get3A_221 = arith.constant 64 : index
        %get3A_222 = tpu.vector_load %arg13[%get3A_220, %get3A_221] {strides = array<i32>} : memref<80x128xf32, #tpu.memory_space<vmem>>, vector<1x16xf32>,
        %get3A_223 = vector.shape_cast %get3A_222 : vector<1x16xf32> to vector<16xf32>
        %mul3A_224 = arith.mulf %exp3A_219, %get3A_223 : vector<16xf32>
        %swap3A_225 = arith.index_cast %scan3A_151 : i32 to index
        %swap3A_226 = arith.constant 64 : index
        %swap3A_227 = tpu.vector_load %arg13[%swap3A_225, %swap3A_226] {strides = array<i32>} : memref<80x128xf32, #tpu.memory_space<vmem>>, vector<1x16xf32>,
        %swap3A_228 = vector.shape_cast %swap3A_227 : vector<1x16xf32> to vector<16xf32>
        %swap3A_229 = vector.shape_cast %mul3A_224 : vector<16xf32> to vector<1x16xf32>
        tpu.vector_store %arg13[%swap3A_225, %swap3A_226], %swap3A_229 {strides = array<i32>} : memref<80x128xf32, #tpu.memory_space<vmem>>, vector<1x16xf32>,
        %get3A_230 = arith.index_cast %scan3A_151 : i32 to index
        %get3A_231 = arith.constant 80 : index
        %get3A_232 = tpu.vector_load %arg11[%get3A_230, %get3A_231] {strides = array<i32>} : memref<80x128xf32, #tpu.memory_space<vmem>>, vector<1x16xf32>,
        %get3A_233 = vector.shape_cast %get3A_232 : vector<1x16xf32> to vector<16xf32>
        %sub3A_234 = arith.subf %get3A_233, %get3A_20 : vector<16xf32>
        %exp3A_235 = math.exp %sub3A_234 : vector<16xf32>
        %get3A_236 = arith.index_cast %scan3A_151 : i32 to index
        %get3A_237 = arith.constant 80 : index
        %get3A_238 = tpu.vector_load %arg13[%get3A_236, %get3A_237] {strides = array<i32>} : memref<80x128xf32, #tpu.memory_space<vmem>>, vector<1x16xf32>,
        %get3A_239 = vector.shape_cast %get3A_238 : vector<1x16xf32> to vector<16xf32>
        %mul3A_240 = arith.mulf %exp3A_235, %get3A_239 : vector<16xf32>
        %swap3A_241 = arith.index_cast %scan3A_151 : i32 to index
        %swap3A_242 = arith.constant 80 : index
        %swap3A_243 = tpu.vector_load %arg13[%swap3A_241, %swap3A_242] {strides = array<i32>} : memref<80x128xf32, #tpu.memory_space<vmem>>, vector<1x16xf32>,
        %swap3A_244 = vector.shape_cast %swap3A_243 : vector<1x16xf32> to vector<16xf32>
        %swap3A_245 = vector.shape_cast %mul3A_240 : vector<16xf32> to vector<1x16xf32>
        tpu.vector_store %arg13[%swap3A_241, %swap3A_242], %swap3A_245 {strides = array<i32>} : memref<80x128xf32, #tpu.memory_space<vmem>>, vector<1x16xf32>,
        %get3A_246 = arith.index_cast %scan3A_151 : i32 to index
        %get3A_247 = arith.constant 96 : index
        %get3A_248 = tpu.vector_load %arg11[%get3A_246, %get3A_247] {strides = array<i32>} : memref<80x128xf32, #tpu.memory_space<vmem>>, vector<1x16xf32>,
        %get3A_249 = vector.shape_cast %get3A_248 : vector<1x16xf32> to vector<16xf32>
        %sub3A_250 = arith.subf %get3A_249, %get3A_20 : vector<16xf32>
        %exp3A_251 = math.exp %sub3A_250 : vector<16xf32>
        %get3A_252 = arith.index_cast %scan3A_151 : i32 to index
        %get3A_253 = arith.constant 96 : index
        %get3A_254 = tpu.vector_load %arg13[%get3A_252, %get3A_253] {strides = array<i32>} : memref<80x128xf32, #tpu.memory_space<vmem>>, vector<1x16xf32>,
        %get3A_255 = vector.shape_cast %get3A_254 : vector<1x16xf32> to vector<16xf32>
        %mul3A_256 = arith.mulf %exp3A_251, %get3A_255 : vector<16xf32>
        %swap3A_257 = arith.index_cast %scan3A_151 : i32 to index
        %swap3A_258 = arith.constant 96 : index
        %swap3A_259 = tpu.vector_load %arg13[%swap3A_257, %swap3A_258] {strides = array<i32>} : memref<80x128xf32, #tpu.memory_space<vmem>>, vector<1x16xf32>,
        %swap3A_260 = vector.shape_cast %swap3A_259 : vector<1x16xf32> to vector<16xf32>
        %swap3A_261 = vector.shape_cast %mul3A_256 : vector<16xf32> to vector<1x16xf32>
        tpu.vector_store %arg13[%swap3A_257, %swap3A_258], %swap3A_261 {strides = array<i32>} : memref<80x128xf32, #tpu.memory_space<vmem>>, vector<1x16xf32>,
        %get3A_262 = arith.index_cast %scan3A_151 : i32 to index
        %get3A_263 = arith.constant 112 : index
        %get3A_264 = tpu.vector_load %arg11[%get3A_262, %get3A_263] {strides = array<i32>} : memref<80x128xf32, #tpu.memory_space<vmem>>, vector<1x16xf32>,
        %get3A_265 = vector.shape_cast %get3A_264 : vector<1x16xf32> to vector<16xf32>
        %sub3A_266 = arith.subf %get3A_265, %get3A_20 : vector<16xf32>
        %exp3A_267 = math.exp %sub3A_266 : vector<16xf32>
        %get3A_268 = arith.index_cast %scan3A_151 : i32 to index
        %get3A_269 = arith.constant 112 : index
        %get3A_270 = tpu.vector_load %arg13[%get3A_268, %get3A_269] {strides = array<i32>} : memref<80x128xf32, #tpu.memory_space<vmem>>, vector<1x16xf32>,
        %get3A_271 = vector.shape_cast %get3A_270 : vector<1x16xf32> to vector<16xf32>
        %mul3A_272 = arith.mulf %exp3A_267, %get3A_271 : vector<16xf32>
        %swap3A_273 = arith.index_cast %scan3A_151 : i32 to index
        %swap3A_274 = arith.constant 112 : index
        %swap3A_275 = tpu.vector_load %arg13[%swap3A_273, %swap3A_274] {strides = array<i32>} : memref<80x128xf32, #tpu.memory_space<vmem>>, vector<1x16xf32>,
        %swap3A_276 = vector.shape_cast %swap3A_275 : vector<1x16xf32> to vector<16xf32>
        %swap3A_277 = vector.shape_cast %mul3A_272 : vector<16xf32> to vector<1x16xf32>
        tpu.vector_store %arg13[%swap3A_273, %swap3A_274], %swap3A_277 {strides = array<i32>} : memref<80x128xf32, #tpu.memory_space<vmem>>, vector<1x16xf32>,
      }
      %scan3A_147 = arith.constant 80 : i32
      %dma_start3A_148 = arith.constant 0 : i32
      %dma_start3A_149 = arith.constant 0 : i32
      %dma_start3A_150 = tpu.memref_slice %arg16[%dma_start3A_148, %dma_start3A_149] : memref<10000x128xf32, #tpu.memory_space<vmem_shared>> -> memref<10000x128xf32, #tpu.memory_space<vmem_shared>>
      tpu.enqueue_indirect_dma source(%arg13 : memref<80x128xf32, #tpu.memory_space<vmem>>) target(%dma_start3A_150 : memref<10000x128xf32, #tpu.memory_space<vmem_shared>>) offsets(%arg9 : memref<80xi32, #tpu.memory_space<vmem>>) semaphore(%arg19 : memref<!tpu.dma_semaphore, #tpu.memory_space<semaphore_mem>>) {add = true}
    } else {
    }
    %eq3A_64 = arith.constant 0 : i32
    %eq3A_65 = arith.cmpi eq, %arg0, %eq3A_64 : i32
    %convert_element_type3A_66 = arith.extui %eq3A_65 : i1 to i32
    %cond3A_67 = arith.constant 0 : i32
    %cond3A_68 = arith.cmpi ne, %convert_element_type3A_66, %cond3A_67 : i32
    scf.if %cond3A_68 {
      %scan3A_142 = arith.constant 0 : i32
      %scan3A_143 = arith.constant 0 : i32
      %scan3A_144 = arith.constant 80 : i32
      %scan3A_145 = arith.addi %scan3A_143, %scan3A_144 : i32
      %scan3A_146 = arith.constant 1 : i32
      scf.for %scan3A_151 = %scan3A_143 to %scan3A_145 step %scan3A_146  : i32 {
        %get3A_152 = arith.index_cast %scan3A_151 : i32 to index
        %get3A_153 = arith.constant 0 : index
        %get3A_154 = tpu.vector_load %arg11[%get3A_152, %get3A_153] {strides = array<i32>} : memref<80x128xf32, #tpu.memory_space<vmem>>, vector<1x16xf32>,
        %get3A_155 = vector.shape_cast %get3A_154 : vector<1x16xf32> to vector<16xf32>
        %sub3A_156 = arith.subf %get3A_155, %get3A_20 : vector<16xf32>
        %exp3A = math.exp %sub3A_156 : vector<16xf32>
        %swap3A = arith.index_cast %scan3A_151 : i32 to index
        %swap3A_157 = arith.constant 0 : index
        %swap3A_158 = tpu.vector_load %arg11[%swap3A, %swap3A_157] {strides = array<i32>} : memref<80x128xf32, #tpu.memory_space<vmem>>, vector<1x16xf32>,
        %swap3A_159 = vector.shape_cast %swap3A_158 : vector<1x16xf32> to vector<16xf32>
        %swap3A_160 = vector.shape_cast %exp3A : vector<16xf32> to vector<1x16xf32>
        tpu.vector_store %arg11[%swap3A, %swap3A_157], %swap3A_160 {strides = array<i32>} : memref<80x128xf32, #tpu.memory_space<vmem>>, vector<1x16xf32>,
        %get3A_161 = arith.index_cast %scan3A_151 : i32 to index
        %get3A_162 = arith.constant 16 : index
        %get3A_163 = tpu.vector_load %arg11[%get3A_161, %get3A_162] {strides = array<i32>} : memref<80x128xf32, #tpu.memory_space<vmem>>, vector<1x16xf32>,
        %get3A_164 = vector.shape_cast %get3A_163 : vector<1x16xf32> to vector<16xf32>
        %sub3A_165 = arith.subf %get3A_164, %get3A_20 : vector<16xf32>
        %exp3A_166 = math.exp %sub3A_165 : vector<16xf32>
        %swap3A_167 = arith.index_cast %scan3A_151 : i32 to index
        %swap3A_168 = arith.constant 16 : index
        %swap3A_169 = tpu.vector_load %arg11[%swap3A_167, %swap3A_168] {strides = array<i32>} : memref<80x128xf32, #tpu.memory_space<vmem>>, vector<1x16xf32>,
        %swap3A_170 = vector.shape_cast %swap3A_169 : vector<1x16xf32> to vector<16xf32>
        %swap3A_171 = vector.shape_cast %exp3A_166 : vector<16xf32> to vector<1x16xf32>
        tpu.vector_store %arg11[%swap3A_167, %swap3A_168], %swap3A_171 {strides = array<i32>} : memref<80x128xf32, #tpu.memory_space<vmem>>, vector<1x16xf32>,
        %get3A_172 = arith.index_cast %scan3A_151 : i32 to index
        %get3A_173 = arith.constant 32 : index
        %get3A_174 = tpu.vector_load %arg11[%get3A_172, %get3A_173] {strides = array<i32>} : memref<80x128xf32, #tpu.memory_space<vmem>>, vector<1x16xf32>,
        %get3A_175 = vector.shape_cast %get3A_174 : vector<1x16xf32> to vector<16xf32>
        %sub3A_176 = arith.subf %get3A_175, %get3A_20 : vector<16xf32>
        %exp3A_177 = math.exp %sub3A_176 : vector<16xf32>
        %swap3A_178 = arith.index_cast %scan3A_151 : i32 to index
        %swap3A_179 = arith.constant 32 : index
        %swap3A_180 = tpu.vector_load %arg11[%swap3A_178, %swap3A_179] {strides = array<i32>} : memref<80x128xf32, #tpu.memory_space<vmem>>, vector<1x16xf32>,
        %swap3A_181 = vector.shape_cast %swap3A_180 : vector<1x16xf32> to vector<16xf32>
        %swap3A_182 = vector.shape_cast %exp3A_177 : vector<16xf32> to vector<1x16xf32>
        tpu.vector_store %arg11[%swap3A_178, %swap3A_179], %swap3A_182 {strides = array<i32>} : memref<80x128xf32, #tpu.memory_space<vmem>>, vector<1x16xf32>,
        %get3A_183 = arith.index_cast %scan3A_151 : i32 to index
        %get3A_184 = arith.constant 48 : index
        %get3A_185 = tpu.vector_load %arg11[%get3A_183, %get3A_184] {strides = array<i32>} : memref<80x128xf32, #tpu.memory_space<vmem>>, vector<1x16xf32>,
        %get3A_186 = vector.shape_cast %get3A_185 : vector<1x16xf32> to vector<16xf32>
        %sub3A_187 = arith.subf %get3A_186, %get3A_20 : vector<16xf32>
        %exp3A_188 = math.exp %sub3A_187 : vector<16xf32>
        %swap3A_189 = arith.index_cast %scan3A_151 : i32 to index
        %swap3A_190 = arith.constant 48 : index
        %swap3A_191 = tpu.vector_load %arg11[%swap3A_189, %swap3A_190] {strides = array<i32>} : memref<80x128xf32, #tpu.memory_space<vmem>>, vector<1x16xf32>,
        %swap3A_192 = vector.shape_cast %swap3A_191 : vector<1x16xf32> to vector<16xf32>
        %swap3A_193 = vector.shape_cast %exp3A_188 : vector<16xf32> to vector<1x16xf32>
        tpu.vector_store %arg11[%swap3A_189, %swap3A_190], %swap3A_193 {strides = array<i32>} : memref<80x128xf32, #tpu.memory_space<vmem>>, vector<1x16xf32>,
        %get3A_194 = arith.index_cast %scan3A_151 : i32 to index
        %get3A_195 = arith.constant 64 : index
        %get3A_196 = tpu.vector_load %arg11[%get3A_194, %get3A_195] {strides = array<i32>} : memref<80x128xf32, #tpu.memory_space<vmem>>, vector<1x16xf32>,
        %get3A_197 = vector.shape_cast %get3A_196 : vector<1x16xf32> to vector<16xf32>
        %sub3A_198 = arith.subf %get3A_197, %get3A_20 : vector<16xf32>
        %exp3A_199 = math.exp %sub3A_198 : vector<16xf32>
        %swap3A_200 = arith.index_cast %scan3A_151 : i32 to index
        %swap3A_201 = arith.constant 64 : index
        %swap3A_202 = tpu.vector_load %arg11[%swap3A_200, %swap3A_201] {strides = array<i32>} : memref<80x128xf32, #tpu.memory_space<vmem>>, vector<1x16xf32>,
        %swap3A_203 = vector.shape_cast %swap3A_202 : vector<1x16xf32> to vector<16xf32>
        %swap3A_204 = vector.shape_cast %exp3A_199 : vector<16xf32> to vector<1x16xf32>
        tpu.vector_store %arg11[%swap3A_200, %swap3A_201], %swap3A_204 {strides = array<i32>} : memref<80x128xf32, #tpu.memory_space<vmem>>, vector<1x16xf32>,
        %get3A_205 = arith.index_cast %scan3A_151 : i32 to index
        %get3A_206 = arith.constant 80 : index
        %get3A_207 = tpu.vector_load %arg11[%get3A_205, %get3A_206] {strides = array<i32>} : memref<80x128xf32, #tpu.memory_space<vmem>>, vector<1x16xf32>,
        %get3A_208 = vector.shape_cast %get3A_207 : vector<1x16xf32> to vector<16xf32>
        %sub3A_209 = arith.subf %get3A_208, %get3A_20 : vector<16xf32>
        %exp3A_210 = math.exp %sub3A_209 : vector<16xf32>
        %swap3A_211 = arith.index_cast %scan3A_151 : i32 to index
        %swap3A_212 = arith.constant 80 : index
        %swap3A_213 = tpu.vector_load %arg11[%swap3A_211, %swap3A_212] {strides = array<i32>} : memref<80x128xf32, #tpu.memory_space<vmem>>, vector<1x16xf32>,
        %swap3A_214 = vector.shape_cast %swap3A_213 : vector<1x16xf32> to vector<16xf32>
        %swap3A_215 = vector.shape_cast %exp3A_210 : vector<16xf32> to vector<1x16xf32>
        tpu.vector_store %arg11[%swap3A_211, %swap3A_212], %swap3A_215 {strides = array<i32>} : memref<80x128xf32, #tpu.memory_space<vmem>>, vector<1x16xf32>,
        %get3A_216 = arith.index_cast %scan3A_151 : i32 to index
        %get3A_217 = arith.constant 96 : index
        %get3A_218 = tpu.vector_load %arg11[%get3A_216, %get3A_217] {strides = array<i32>} : memref<80x128xf32, #tpu.memory_space<vmem>>, vector<1x16xf32>,
        %get3A_219 = vector.shape_cast %get3A_218 : vector<1x16xf32> to vector<16xf32>
        %sub3A_220 = arith.subf %get3A_219, %get3A_20 : vector<16xf32>
        %exp3A_221 = math.exp %sub3A_220 : vector<16xf32>
        %swap3A_222 = arith.index_cast %scan3A_151 : i32 to index
        %swap3A_223 = arith.constant 96 : index
        %swap3A_224 = tpu.vector_load %arg11[%swap3A_222, %swap3A_223] {strides = array<i32>} : memref<80x128xf32, #tpu.memory_space<vmem>>, vector<1x16xf32>,
        %swap3A_225 = vector.shape_cast %swap3A_224 : vector<1x16xf32> to vector<16xf32>
        %swap3A_226 = vector.shape_cast %exp3A_221 : vector<16xf32> to vector<1x16xf32>
        tpu.vector_store %arg11[%swap3A_222, %swap3A_223], %swap3A_226 {strides = array<i32>} : memref<80x128xf32, #tpu.memory_space<vmem>>, vector<1x16xf32>,
        %get3A_227 = arith.index_cast %scan3A_151 : i32 to index
        %get3A_228 = arith.constant 112 : index
        %get3A_229 = tpu.vector_load %arg11[%get3A_227, %get3A_228] {strides = array<i32>} : memref<80x128xf32, #tpu.memory_space<vmem>>, vector<1x16xf32>,
        %get3A_230 = vector.shape_cast %get3A_229 : vector<1x16xf32> to vector<16xf32>
        %sub3A_231 = arith.subf %get3A_230, %get3A_20 : vector<16xf32>
        %exp3A_232 = math.exp %sub3A_231 : vector<16xf32>
        %swap3A_233 = arith.index_cast %scan3A_151 : i32 to index
        %swap3A_234 = arith.constant 112 : index
        %swap3A_235 = tpu.vector_load %arg11[%swap3A_233, %swap3A_234] {strides = array<i32>} : memref<80x128xf32, #tpu.memory_space<vmem>>, vector<1x16xf32>,
        %swap3A_236 = vector.shape_cast %swap3A_235 : vector<1x16xf32> to vector<16xf32>
        %swap3A_237 = vector.shape_cast %exp3A_232 : vector<16xf32> to vector<1x16xf32>
        tpu.vector_store %arg11[%swap3A_233, %swap3A_234], %swap3A_237 {strides = array<i32>} : memref<80x128xf32, #tpu.memory_space<vmem>>, vector<1x16xf32>,
      }
      %scan3A_147 = arith.constant 80 : i32
      %dma_start3A_148 = arith.constant 0 : i32
      %dma_start3A_149 = arith.constant 0 : i32
      %dma_start3A_150 = tpu.memref_slice %arg16[%dma_start3A_148, %dma_start3A_149] : memref<10000x128xf32, #tpu.memory_space<vmem_shared>> -> memref<10000x128xf32, #tpu.memory_space<vmem_shared>>
      tpu.enqueue_indirect_dma source(%arg11 : memref<80x128xf32, #tpu.memory_space<vmem>>) target(%dma_start3A_150 : memref<10000x128xf32, #tpu.memory_space<vmem_shared>>) offsets(%arg9 : memref<80xi32, #tpu.memory_space<vmem>>) semaphore(%arg19 : memref<!tpu.dma_semaphore, #tpu.memory_space<semaphore_mem>>) {add = true}
    } else {
    }
    %scan3A = arith.constant 0 : i32
    %scan3A_69 = arith.constant 0 : i32
    %scan3A_70 = arith.constant 124 : i32
    %scan3A_71 = arith.addi %scan3A_69, %scan3A_70 : i32
    %scan3A_72 = arith.constant 1 : i32
    scf.for %scan3A_142 = %scan3A_69 to %scan3A_71 step %scan3A_72  : i32 {
      %mul3A_143 = arith.constant 2 : i32
      %mul3A_144 = arith.muli %mul3A_143, %scan3A_142 : i32
      %add3A_145 = arith.constant 1 : i32
      %add3A_146 = arith.addi %mul3A_144, %add3A_145 : i32
      %eq3A_147 = arith.constant 0 : i32
      %eq3A_148 = arith.cmpi eq, %arg0, %eq3A_147 : i32
      %convert_element_type3A_149 = arith.extui %eq3A_148 : i1 to i32
      %cond3A_150 = arith.constant 0 : i32
      %cond3A_151 = arith.cmpi ne, %convert_element_type3A_149, %cond3A_150 : i32
      scf.if %cond3A_151 {
        %dma_wait3A_237 = arith.constant 0 : i32
        %dma_wait3A_238 = arith.constant 0 : i32
        %dma_wait3A_239 = tpu.memref_slice %arg16[%dma_wait3A_237, %dma_wait3A_238] : memref<10000x128xf32, #tpu.memory_space<vmem_shared>> -> memref<10000x128xf32, #tpu.memory_space<vmem_shared>>
        tpu.wait_indirect_dma semaphore(%arg19 : memref<!tpu.dma_semaphore, #tpu.memory_space<semaphore_mem>>) src(%arg11 : memref<80x128xf32, #tpu.memory_space<vmem>>) dst(%dma_wait3A_239 : memref<10000x128xf32, #tpu.memory_space<vmem_shared>>)
      } else {
      }
      %eq3A_152 = arith.constant 1 : i32
      %eq3A_153 = arith.cmpi eq, %arg0, %eq3A_152 : i32
      %convert_element_type3A_154 = arith.extui %eq3A_153 : i1 to i32
      %cond3A_155 = arith.constant 0 : i32
      %cond3A_156 = arith.cmpi ne, %convert_element_type3A_154, %cond3A_155 : i32
      scf.if %cond3A_156 {
        %dma_wait3A_237 = arith.constant 0 : i32
        %dma_wait3A_238 = arith.constant 0 : i32
        %dma_wait3A_239 = tpu.memref_slice %arg16[%dma_wait3A_237, %dma_wait3A_238] : memref<10000x128xf32, #tpu.memory_space<vmem_shared>> -> memref<10000x128xf32, #tpu.memory_space<vmem_shared>>
        tpu.wait_indirect_dma semaphore(%arg19 : memref<!tpu.dma_semaphore, #tpu.memory_space<semaphore_mem>>) src(%arg13 : memref<80x128xf32, #tpu.memory_space<vmem>>) dst(%dma_wait3A_239 : memref<10000x128xf32, #tpu.memory_space<vmem_shared>>)
      } else {
      }
      %add3A_157 = arith.constant 1 : i32
      %add3A_158 = arith.addi %add3A_146, %add3A_157 : i32
      %lt3A_159 = arith.constant 250 : i32
      %lt3A_160 = arith.cmpi slt, %add3A_158, %lt3A_159 : i32
      %convert_element_type3A_161 = arith.extui %lt3A_160 : i1 to i32
      %cond3A_162 = arith.constant 0 : i32
      %cond3A_163 = arith.cmpi ne, %convert_element_type3A_161, %cond3A_162 : i32
      scf.if %cond3A_163 {
        %add3A_237 = arith.constant 1 : i32
        %add3A_238 = arith.addi %add3A_146, %add3A_237 : i32
        %mul3A_239 = arith.constant 20000 : i32
        %mul3A_240 = arith.muli %arg1, %mul3A_239 : i32
        %mul3A_241 = arith.constant 80 : i32
        %mul3A_242 = arith.muli %add3A_238, %mul3A_241 : i32
        %add3A_243 = arith.addi %mul3A_240, %mul3A_242 : i32
        %dma_start3A_244 = tpu.memref_slice %arg4[%add3A_243] : memref<320000xi32, #tpu.memory_space<hbm>> -> memref<80xi32, #tpu.memory_space<hbm>>
        %dma_start3A_245 = tpu.memref_slice %arg4[%add3A_243] : memref<320000xi32, #tpu.memory_space<hbm>> -> memref<80xi32, #tpu.memory_space<hbm>>
        tpu.enqueue_dma source(%dma_start3A_245 : memref<80xi32, #tpu.memory_space<hbm>>) target(%arg9 : memref<80xi32, #tpu.memory_space<vmem>>) target_semaphore(%arg17 : memref<!tpu.dma_semaphore, #tpu.memory_space<semaphore_mem>>)
        %dma_start3A_246 = arith.constant 0 : i32
        %dma_start3A_247 = tpu.memref_slice %arg2[%add3A_243, %dma_start3A_246] : memref<320000x128xf32, #tpu.memory_space<hbm>> -> memref<80x128xf32, #tpu.memory_space<hbm>>
        %dma_start3A_248 = arith.constant 0 : i32
        %dma_start3A_249 = tpu.memref_slice %arg2[%add3A_243, %dma_start3A_248] : memref<320000x128xf32, #tpu.memory_space<hbm>> -> memref<80x128xf32, #tpu.memory_space<hbm>>
        tpu.enqueue_dma source(%dma_start3A_249 : memref<80x128xf32, #tpu.memory_space<hbm>>) target(%arg11 : memref<80x128xf32, #tpu.memory_space<vmem>>) target_semaphore(%arg17 : memref<!tpu.dma_semaphore, #tpu.memory_space<semaphore_mem>>)
        %eq3A_250 = arith.constant 1 : i32
        %eq3A_251 = arith.cmpi eq, %arg0, %eq3A_250 : i32
        %convert_element_type3A_252 = arith.extui %eq3A_251 : i1 to i32
        %cond3A_253 = arith.constant 0 : i32
        %cond3A_254 = arith.cmpi ne, %convert_element_type3A_252, %cond3A_253 : i32
        scf.if %cond3A_254 {
          %mul3A_255 = arith.constant 20000 : i32
          %mul3A_256 = arith.muli %arg1, %mul3A_255 : i32
          %mul3A_257 = arith.constant 80 : i32
          %mul3A_258 = arith.muli %add3A_238, %mul3A_257 : i32
          %add3A_259 = arith.addi %mul3A_256, %mul3A_258 : i32
          %dma_start3A_260 = arith.constant 0 : i32
          %dma_start3A_261 = tpu.memref_slice %arg3[%add3A_259, %dma_start3A_260] : memref<320000x128xf32, #tpu.memory_space<hbm>> -> memref<80x128xf32, #tpu.memory_space<hbm>>
          %dma_start3A_262 = arith.constant 0 : i32
          %dma_start3A_263 = tpu.memref_slice %arg3[%add3A_259, %dma_start3A_262] : memref<320000x128xf32, #tpu.memory_space<hbm>> -> memref<80x128xf32, #tpu.memory_space<hbm>>
          tpu.enqueue_dma source(%dma_start3A_263 : memref<80x128xf32, #tpu.memory_space<hbm>>) target(%arg13 : memref<80x128xf32, #tpu.memory_space<vmem>>) target_semaphore(%arg17 : memref<!tpu.dma_semaphore, #tpu.memory_space<semaphore_mem>>)
        } else {
        }
      } else {
      }
      %mul3A_164 = arith.constant 20000 : i32
      %mul3A_165 = arith.muli %arg1, %mul3A_164 : i32
      %mul3A_166 = arith.constant 80 : i32
      %mul3A_167 = arith.muli %add3A_146, %mul3A_166 : i32
      %add3A_168 = arith.addi %mul3A_165, %mul3A_167 : i32
      %dma_wait3A_169 = tpu.memref_slice %arg4[%add3A_168] : memref<320000xi32, #tpu.memory_space<hbm>> -> memref<80xi32, #tpu.memory_space<hbm>>
      %dma_wait3A_170 = tpu.memref_slice %arg4[%add3A_168] : memref<320000xi32, #tpu.memory_space<hbm>> -> memref<80xi32, #tpu.memory_space<hbm>>
      tpu.wait_dma2 semaphore(%arg18 : memref<!tpu.dma_semaphore, #tpu.memory_space<semaphore_mem>>) src(%dma_wait3A_170 : memref<80xi32, #tpu.memory_space<hbm>>) dst(%arg10 : memref<80xi32, #tpu.memory_space<vmem>>)
      %dma_wait3A_171 = arith.constant 0 : i32
      %dma_wait3A_172 = tpu.memref_slice %arg2[%add3A_168, %dma_wait3A_171] : memref<320000x128xf32, #tpu.memory_space<hbm>> -> memref<80x128xf32, #tpu.memory_space<hbm>>
      %dma_wait3A_173 = arith.constant 0 : i32
      %dma_wait3A_174 = tpu.memref_slice %arg2[%add3A_168, %dma_wait3A_173] : memref<320000x128xf32, #tpu.memory_space<hbm>> -> memref<80x128xf32, #tpu.memory_space<hbm>>
      tpu.wait_dma2 semaphore(%arg18 : memref<!tpu.dma_semaphore, #tpu.memory_space<semaphore_mem>>) src(%dma_wait3A_174 : memref<80x128xf32, #tpu.memory_space<hbm>>) dst(%arg12 : memref<80x128xf32, #tpu.memory_space<vmem>>)
      %eq3A_175 = arith.constant 1 : i32
      %eq3A_176 = arith.cmpi eq, %arg0, %eq3A_175 : i32
      %convert_element_type3A_177 = arith.extui %eq3A_176 : i1 to i32
      %cond3A_178 = arith.constant 0 : i32
      %cond3A_179 = arith.cmpi ne, %convert_element_type3A_177, %cond3A_178 : i32
      scf.if %cond3A_179 {
        %mul3A_237 = arith.constant 20000 : i32
        %mul3A_238 = arith.muli %arg1, %mul3A_237 : i32
        %mul3A_239 = arith.constant 80 : i32
        %mul3A_240 = arith.muli %add3A_146, %mul3A_239 : i32
        %add3A_241 = arith.addi %mul3A_238, %mul3A_240 : i32
        %dma_wait3A_242 = arith.constant 0 : i32
        %dma_wait3A_243 = tpu.memref_slice %arg3[%add3A_241, %dma_wait3A_242] : memref<320000x128xf32, #tpu.memory_space<hbm>> -> memref<80x128xf32, #tpu.memory_space<hbm>>
        %dma_wait3A_244 = arith.constant 0 : i32
        %dma_wait3A_245 = tpu.memref_slice %arg3[%add3A_241, %dma_wait3A_244] : memref<320000x128xf32, #tpu.memory_space<hbm>> -> memref<80x128xf32, #tpu.memory_space<hbm>>
        tpu.wait_dma2 semaphore(%arg18 : memref<!tpu.dma_semaphore, #tpu.memory_space<semaphore_mem>>) src(%dma_wait3A_245 : memref<80x128xf32, #tpu.memory_space<hbm>>) dst(%arg14 : memref<80x128xf32, #tpu.memory_space<vmem>>)
      } else {
      }
      %eq3A_180 = arith.constant 1 : i32
      %eq3A_181 = arith.cmpi eq, %arg0, %eq3A_180 : i32
      %convert_element_type3A_182 = arith.extui %eq3A_181 : i1 to i32
      %cond3A_183 = arith.constant 0 : i32
      %cond3A_184 = arith.cmpi ne, %convert_element_type3A_182, %cond3A_183 : i32
      scf.if %cond3A_184 {
        %scan3A_237 = arith.constant 0 : i32
        %scan3A_238 = arith.constant 0 : i32
        %scan3A_239 = arith.constant 80 : i32
        %scan3A_240 = arith.addi %scan3A_238, %scan3A_239 : i32
        %scan3A_241 = arith.constant 1 : i32
        scf.for %scan3A_246 = %scan3A_238 to %scan3A_240 step %scan3A_241  : i32 {
          %get3A_247 = arith.index_cast %scan3A_246 : i32 to index
          %get3A_248 = arith.constant 0 : index
          %get3A_249 = tpu.vector_load %arg12[%get3A_247, %get3A_248] {strides = array<i32>} : memref<80x128xf32, #tpu.memory_space<vmem>>, vector<1x16xf32>,
          %get3A_250 = vector.shape_cast %get3A_249 : vector<1x16xf32> to vector<16xf32>
          %sub3A_251 = arith.subf %get3A_250, %get3A_20 : vector<16xf32>
          %exp3A = math.exp %sub3A_251 : vector<16xf32>
          %get3A_252 = arith.index_cast %scan3A_246 : i32 to index
          %get3A_253 = arith.constant 0 : index
          %get3A_254 = tpu.vector_load %arg14[%get3A_252, %get3A_253] {strides = array<i32>} : memref<80x128xf32, #tpu.memory_space<vmem>>, vector<1x16xf32>,
          %get3A_255 = vector.shape_cast %get3A_254 : vector<1x16xf32> to vector<16xf32>
          %mul3A_256 = arith.mulf %exp3A, %get3A_255 : vector<16xf32>
          %swap3A = arith.index_cast %scan3A_246 : i32 to index
          %swap3A_257 = arith.constant 0 : index
          %swap3A_258 = tpu.vector_load %arg14[%swap3A, %swap3A_257] {strides = array<i32>} : memref<80x128xf32, #tpu.memory_space<vmem>>, vector<1x16xf32>,
          %swap3A_259 = vector.shape_cast %swap3A_258 : vector<1x16xf32> to vector<16xf32>
          %swap3A_260 = vector.shape_cast %mul3A_256 : vector<16xf32> to vector<1x16xf32>
          tpu.vector_store %arg14[%swap3A, %swap3A_257], %swap3A_260 {strides = array<i32>} : memref<80x128xf32, #tpu.memory_space<vmem>>, vector<1x16xf32>,
          %get3A_261 = arith.index_cast %scan3A_246 : i32 to index
          %get3A_262 = arith.constant 16 : index
          %get3A_263 = tpu.vector_load %arg12[%get3A_261, %get3A_262] {strides = array<i32>} : memref<80x128xf32, #tpu.memory_space<vmem>>, vector<1x16xf32>,
          %get3A_264 = vector.shape_cast %get3A_263 : vector<1x16xf32> to vector<16xf32>
          %sub3A_265 = arith.subf %get3A_264, %get3A_20 : vector<16xf32>
          %exp3A_266 = math.exp %sub3A_265 : vector<16xf32>
          %get3A_267 = arith.index_cast %scan3A_246 : i32 to index
          %get3A_268 = arith.constant 16 : index
          %get3A_269 = tpu.vector_load %arg14[%get3A_267, %get3A_268] {strides = array<i32>} : memref<80x128xf32, #tpu.memory_space<vmem>>, vector<1x16xf32>,
          %get3A_270 = vector.shape_cast %get3A_269 : vector<1x16xf32> to vector<16xf32>
          %mul3A_271 = arith.mulf %exp3A_266, %get3A_270 : vector<16xf32>
          %swap3A_272 = arith.index_cast %scan3A_246 : i32 to index
          %swap3A_273 = arith.constant 16 : index
          %swap3A_274 = tpu.vector_load %arg14[%swap3A_272, %swap3A_273] {strides = array<i32>} : memref<80x128xf32, #tpu.memory_space<vmem>>, vector<1x16xf32>,
          %swap3A_275 = vector.shape_cast %swap3A_274 : vector<1x16xf32> to vector<16xf32>
          %swap3A_276 = vector.shape_cast %mul3A_271 : vector<16xf32> to vector<1x16xf32>
          tpu.vector_store %arg14[%swap3A_272, %swap3A_273], %swap3A_276 {strides = array<i32>} : memref<80x128xf32, #tpu.memory_space<vmem>>, vector<1x16xf32>,
          %get3A_277 = arith.index_cast %scan3A_246 : i32 to index
          %get3A_278 = arith.constant 32 : index
          %get3A_279 = tpu.vector_load %arg12[%get3A_277, %get3A_278] {strides = array<i32>} : memref<80x128xf32, #tpu.memory_space<vmem>>, vector<1x16xf32>,
          %get3A_280 = vector.shape_cast %get3A_279 : vector<1x16xf32> to vector<16xf32>
          %sub3A_281 = arith.subf %get3A_280, %get3A_20 : vector<16xf32>
          %exp3A_282 = math.exp %sub3A_281 : vector<16xf32>
          %get3A_283 = arith.index_cast %scan3A_246 : i32 to index
          %get3A_284 = arith.constant 32 : index
          %get3A_285 = tpu.vector_load %arg14[%get3A_283, %get3A_284] {strides = array<i32>} : memref<80x128xf32, #tpu.memory_space<vmem>>, vector<1x16xf32>,
          %get3A_286 = vector.shape_cast %get3A_285 : vector<1x16xf32> to vector<16xf32>
          %mul3A_287 = arith.mulf %exp3A_282, %get3A_286 : vector<16xf32>
          %swap3A_288 = arith.index_cast %scan3A_246 : i32 to index
          %swap3A_289 = arith.constant 32 : index
          %swap3A_290 = tpu.vector_load %arg14[%swap3A_288, %swap3A_289] {strides = array<i32>} : memref<80x128xf32, #tpu.memory_space<vmem>>, vector<1x16xf32>,
          %swap3A_291 = vector.shape_cast %swap3A_290 : vector<1x16xf32> to vector<16xf32>
          %swap3A_292 = vector.shape_cast %mul3A_287 : vector<16xf32> to vector<1x16xf32>
          tpu.vector_store %arg14[%swap3A_288, %swap3A_289], %swap3A_292 {strides = array<i32>} : memref<80x128xf32, #tpu.memory_space<vmem>>, vector<1x16xf32>,
          %get3A_293 = arith.index_cast %scan3A_246 : i32 to index
          %get3A_294 = arith.constant 48 : index
          %get3A_295 = tpu.vector_load %arg12[%get3A_293, %get3A_294] {strides = array<i32>} : memref<80x128xf32, #tpu.memory_space<vmem>>, vector<1x16xf32>,
          %get3A_296 = vector.shape_cast %get3A_295 : vector<1x16xf32> to vector<16xf32>
          %sub3A_297 = arith.subf %get3A_296, %get3A_20 : vector<16xf32>
          %exp3A_298 = math.exp %sub3A_297 : vector<16xf32>
          %get3A_299 = arith.index_cast %scan3A_246 : i32 to index
          %get3A_300 = arith.constant 48 : index
          %get3A_301 = tpu.vector_load %arg14[%get3A_299, %get3A_300] {strides = array<i32>} : memref<80x128xf32, #tpu.memory_space<vmem>>, vector<1x16xf32>,
          %get3A_302 = vector.shape_cast %get3A_301 : vector<1x16xf32> to vector<16xf32>
          %mul3A_303 = arith.mulf %exp3A_298, %get3A_302 : vector<16xf32>
          %swap3A_304 = arith.index_cast %scan3A_246 : i32 to index
          %swap3A_305 = arith.constant 48 : index
          %swap3A_306 = tpu.vector_load %arg14[%swap3A_304, %swap3A_305] {strides = array<i32>} : memref<80x128xf32, #tpu.memory_space<vmem>>, vector<1x16xf32>,
          %swap3A_307 = vector.shape_cast %swap3A_306 : vector<1x16xf32> to vector<16xf32>
          %swap3A_308 = vector.shape_cast %mul3A_303 : vector<16xf32> to vector<1x16xf32>
          tpu.vector_store %arg14[%swap3A_304, %swap3A_305], %swap3A_308 {strides = array<i32>} : memref<80x128xf32, #tpu.memory_space<vmem>>, vector<1x16xf32>,
          %get3A_309 = arith.index_cast %scan3A_246 : i32 to index
          %get3A_310 = arith.constant 64 : index
          %get3A_311 = tpu.vector_load %arg12[%get3A_309, %get3A_310] {strides = array<i32>} : memref<80x128xf32, #tpu.memory_space<vmem>>, vector<1x16xf32>,
          %get3A_312 = vector.shape_cast %get3A_311 : vector<1x16xf32> to vector<16xf32>
          %sub3A_313 = arith.subf %get3A_312, %get3A_20 : vector<16xf32>
          %exp3A_314 = math.exp %sub3A_313 : vector<16xf32>
          %get3A_315 = arith.index_cast %scan3A_246 : i32 to index
          %get3A_316 = arith.constant 64 : index
          %get3A_317 = tpu.vector_load %arg14[%get3A_315, %get3A_316] {strides = array<i32>} : memref<80x128xf32, #tpu.memory_space<vmem>>, vector<1x16xf32>,
          %get3A_318 = vector.shape_cast %get3A_317 : vector<1x16xf32> to vector<16xf32>
          %mul3A_319 = arith.mulf %exp3A_314, %get3A_318 : vector<16xf32>
          %swap3A_320 = arith.index_cast %scan3A_246 : i32 to index
          %swap3A_321 = arith.constant 64 : index
          %swap3A_322 = tpu.vector_load %arg14[%swap3A_320, %swap3A_321] {strides = array<i32>} : memref<80x128xf32, #tpu.memory_space<vmem>>, vector<1x16xf32>,
          %swap3A_323 = vector.shape_cast %swap3A_322 : vector<1x16xf32> to vector<16xf32>
          %swap3A_324 = vector.shape_cast %mul3A_319 : vector<16xf32> to vector<1x16xf32>
          tpu.vector_store %arg14[%swap3A_320, %swap3A_321], %swap3A_324 {strides = array<i32>} : memref<80x128xf32, #tpu.memory_space<vmem>>, vector<1x16xf32>,
          %get3A_325 = arith.index_cast %scan3A_246 : i32 to index
          %get3A_326 = arith.constant 80 : index
          %get3A_327 = tpu.vector_load %arg12[%get3A_325, %get3A_326] {strides = array<i32>} : memref<80x128xf32, #tpu.memory_space<vmem>>, vector<1x16xf32>,
          %get3A_328 = vector.shape_cast %get3A_327 : vector<1x16xf32> to vector<16xf32>
          %sub3A_329 = arith.subf %get3A_328, %get3A_20 : vector<16xf32>
          %exp3A_330 = math.exp %sub3A_329 : vector<16xf32>
          %get3A_331 = arith.index_cast %scan3A_246 : i32 to index
          %get3A_332 = arith.constant 80 : index
          %get3A_333 = tpu.vector_load %arg14[%get3A_331, %get3A_332] {strides = array<i32>} : memref<80x128xf32, #tpu.memory_space<vmem>>, vector<1x16xf32>,
          %get3A_334 = vector.shape_cast %get3A_333 : vector<1x16xf32> to vector<16xf32>
          %mul3A_335 = arith.mulf %exp3A_330, %get3A_334 : vector<16xf32>
          %swap3A_336 = arith.index_cast %scan3A_246 : i32 to index
          %swap3A_337 = arith.constant 80 : index
          %swap3A_338 = tpu.vector_load %arg14[%swap3A_336, %swap3A_337] {strides = array<i32>} : memref<80x128xf32, #tpu.memory_space<vmem>>, vector<1x16xf32>,
          %swap3A_339 = vector.shape_cast %swap3A_338 : vector<1x16xf32> to vector<16xf32>
          %swap3A_340 = vector.shape_cast %mul3A_335 : vector<16xf32> to vector<1x16xf32>
          tpu.vector_store %arg14[%swap3A_336, %swap3A_337], %swap3A_340 {strides = array<i32>} : memref<80x128xf32, #tpu.memory_space<vmem>>, vector<1x16xf32>,
          %get3A_341 = arith.index_cast %scan3A_246 : i32 to index
          %get3A_342 = arith.constant 96 : index
          %get3A_343 = tpu.vector_load %arg12[%get3A_341, %get3A_342] {strides = array<i32>} : memref<80x128xf32, #tpu.memory_space<vmem>>, vector<1x16xf32>,
          %get3A_344 = vector.shape_cast %get3A_343 : vector<1x16xf32> to vector<16xf32>
          %sub3A_345 = arith.subf %get3A_344, %get3A_20 : vector<16xf32>
          %exp3A_346 = math.exp %sub3A_345 : vector<16xf32>
          %get3A_347 = arith.index_cast %scan3A_246 : i32 to index
          %get3A_348 = arith.constant 96 : index
          %get3A_349 = tpu.vector_load %arg14[%get3A_347, %get3A_348] {strides = array<i32>} : memref<80x128xf32, #tpu.memory_space<vmem>>, vector<1x16xf32>,
          %get3A_350 = vector.shape_cast %get3A_349 : vector<1x16xf32> to vector<16xf32>
          %mul3A_351 = arith.mulf %exp3A_346, %get3A_350 : vector<16xf32>
          %swap3A_352 = arith.index_cast %scan3A_246 : i32 to index
          %swap3A_353 = arith.constant 96 : index
          %swap3A_354 = tpu.vector_load %arg14[%swap3A_352, %swap3A_353] {strides = array<i32>} : memref<80x128xf32, #tpu.memory_space<vmem>>, vector<1x16xf32>,
          %swap3A_355 = vector.shape_cast %swap3A_354 : vector<1x16xf32> to vector<16xf32>
          %swap3A_356 = vector.shape_cast %mul3A_351 : vector<16xf32> to vector<1x16xf32>
          tpu.vector_store %arg14[%swap3A_352, %swap3A_353], %swap3A_356 {strides = array<i32>} : memref<80x128xf32, #tpu.memory_space<vmem>>, vector<1x16xf32>,
          %get3A_357 = arith.index_cast %scan3A_246 : i32 to index
          %get3A_358 = arith.constant 112 : index
          %get3A_359 = tpu.vector_load %arg12[%get3A_357, %get3A_358] {strides = array<i32>} : memref<80x128xf32, #tpu.memory_space<vmem>>, vector<1x16xf32>,
          %get3A_360 = vector.shape_cast %get3A_359 : vector<1x16xf32> to vector<16xf32>
          %sub3A_361 = arith.subf %get3A_360, %get3A_20 : vector<16xf32>
          %exp3A_362 = math.exp %sub3A_361 : vector<16xf32>
          %get3A_363 = arith.index_cast %scan3A_246 : i32 to index
          %get3A_364 = arith.constant 112 : index
          %get3A_365 = tpu.vector_load %arg14[%get3A_363, %get3A_364] {strides = array<i32>} : memref<80x128xf32, #tpu.memory_space<vmem>>, vector<1x16xf32>,
          %get3A_366 = vector.shape_cast %get3A_365 : vector<1x16xf32> to vector<16xf32>
          %mul3A_367 = arith.mulf %exp3A_362, %get3A_366 : vector<16xf32>
          %swap3A_368 = arith.index_cast %scan3A_246 : i32 to index
          %swap3A_369 = arith.constant 112 : index
          %swap3A_370 = tpu.vector_load %arg14[%swap3A_368, %swap3A_369] {strides = array<i32>} : memref<80x128xf32, #tpu.memory_space<vmem>>, vector<1x16xf32>,
          %swap3A_371 = vector.shape_cast %swap3A_370 : vector<1x16xf32> to vector<16xf32>
          %swap3A_372 = vector.shape_cast %mul3A_367 : vector<16xf32> to vector<1x16xf32>
          tpu.vector_store %arg14[%swap3A_368, %swap3A_369], %swap3A_372 {strides = array<i32>} : memref<80x128xf32, #tpu.memory_space<vmem>>, vector<1x16xf32>,
        }
        %scan3A_242 = arith.constant 80 : i32
        %dma_start3A_243 = arith.constant 0 : i32
        %dma_start3A_244 = arith.constant 0 : i32
        %dma_start3A_245 = tpu.memref_slice %arg16[%dma_start3A_243, %dma_start3A_244] : memref<10000x128xf32, #tpu.memory_space<vmem_shared>> -> memref<10000x128xf32, #tpu.memory_space<vmem_shared>>
        tpu.enqueue_indirect_dma source(%arg14 : memref<80x128xf32, #tpu.memory_space<vmem>>) target(%dma_start3A_245 : memref<10000x128xf32, #tpu.memory_space<vmem_shared>>) offsets(%arg10 : memref<80xi32, #tpu.memory_space<vmem>>) semaphore(%arg20 : memref<!tpu.dma_semaphore, #tpu.memory_space<semaphore_mem>>) {add = true}
      } else {
      }
      %eq3A_185 = arith.constant 0 : i32
      %eq3A_186 = arith.cmpi eq, %arg0, %eq3A_185 : i32
      %convert_element_type3A_187 = arith.extui %eq3A_186 : i1 to i32
      %cond3A_188 = arith.constant 0 : i32
      %cond3A_189 = arith.cmpi ne, %convert_element_type3A_187, %cond3A_188 : i32
      scf.if %cond3A_189 {
        %scan3A_237 = arith.constant 0 : i32
        %scan3A_238 = arith.constant 0 : i32
        %scan3A_239 = arith.constant 80 : i32
        %scan3A_240 = arith.addi %scan3A_238, %scan3A_239 : i32
        %scan3A_241 = arith.constant 1 : i32
        scf.for %scan3A_246 = %scan3A_238 to %scan3A_240 step %scan3A_241  : i32 {
          %get3A_247 = arith.index_cast %scan3A_246 : i32 to index
          %get3A_248 = arith.constant 0 : index
          %get3A_249 = tpu.vector_load %arg12[%get3A_247, %get3A_248] {strides = array<i32>} : memref<80x128xf32, #tpu.memory_space<vmem>>, vector<1x16xf32>,
          %get3A_250 = vector.shape_cast %get3A_249 : vector<1x16xf32> to vector<16xf32>
          %sub3A_251 = arith.subf %get3A_250, %get3A_20 : vector<16xf32>
          %exp3A = math.exp %sub3A_251 : vector<16xf32>
          %swap3A = arith.index_cast %scan3A_246 : i32 to index
          %swap3A_252 = arith.constant 0 : index
          %swap3A_253 = tpu.vector_load %arg12[%swap3A, %swap3A_252] {strides = array<i32>} : memref<80x128xf32, #tpu.memory_space<vmem>>, vector<1x16xf32>,
          %swap3A_254 = vector.shape_cast %swap3A_253 : vector<1x16xf32> to vector<16xf32>
          %swap3A_255 = vector.shape_cast %exp3A : vector<16xf32> to vector<1x16xf32>
          tpu.vector_store %arg12[%swap3A, %swap3A_252], %swap3A_255 {strides = array<i32>} : memref<80x128xf32, #tpu.memory_space<vmem>>, vector<1x16xf32>,
          %get3A_256 = arith.index_cast %scan3A_246 : i32 to index
          %get3A_257 = arith.constant 16 : index
          %get3A_258 = tpu.vector_load %arg12[%get3A_256, %get3A_257] {strides = array<i32>} : memref<80x128xf32, #tpu.memory_space<vmem>>, vector<1x16xf32>,
          %get3A_259 = vector.shape_cast %get3A_258 : vector<1x16xf32> to vector<16xf32>
          %sub3A_260 = arith.subf %get3A_259, %get3A_20 : vector<16xf32>
          %exp3A_261 = math.exp %sub3A_260 : vector<16xf32>
          %swap3A_262 = arith.index_cast %scan3A_246 : i32 to index
          %swap3A_263 = arith.constant 16 : index
          %swap3A_264 = tpu.vector_load %arg12[%swap3A_262, %swap3A_263] {strides = array<i32>} : memref<80x128xf32, #tpu.memory_space<vmem>>, vector<1x16xf32>,
          %swap3A_265 = vector.shape_cast %swap3A_264 : vector<1x16xf32> to vector<16xf32>
          %swap3A_266 = vector.shape_cast %exp3A_261 : vector<16xf32> to vector<1x16xf32>
          tpu.vector_store %arg12[%swap3A_262, %swap3A_263], %swap3A_266 {strides = array<i32>} : memref<80x128xf32, #tpu.memory_space<vmem>>, vector<1x16xf32>,
          %get3A_267 = arith.index_cast %scan3A_246 : i32 to index
          %get3A_268 = arith.constant 32 : index
          %get3A_269 = tpu.vector_load %arg12[%get3A_267, %get3A_268] {strides = array<i32>} : memref<80x128xf32, #tpu.memory_space<vmem>>, vector<1x16xf32>,
          %get3A_270 = vector.shape_cast %get3A_269 : vector<1x16xf32> to vector<16xf32>
          %sub3A_271 = arith.subf %get3A_270, %get3A_20 : vector<16xf32>
          %exp3A_272 = math.exp %sub3A_271 : vector<16xf32>
          %swap3A_273 = arith.index_cast %scan3A_246 : i32 to index
          %swap3A_274 = arith.constant 32 : index
          %swap3A_275 = tpu.vector_load %arg12[%swap3A_273, %swap3A_274] {strides = array<i32>} : memref<80x128xf32, #tpu.memory_space<vmem>>, vector<1x16xf32>,
          %swap3A_276 = vector.shape_cast %swap3A_275 : vector<1x16xf32> to vector<16xf32>
          %swap3A_277 = vector.shape_cast %exp3A_272 : vector<16xf32> to vector<1x16xf32>
          tpu.vector_store %arg12[%swap3A_273, %swap3A_274], %swap3A_277 {strides = array<i32>} : memref<80x128xf32, #tpu.memory_space<vmem>>, vector<1x16xf32>,
          %get3A_278 = arith.index_cast %scan3A_246 : i32 to index
          %get3A_279 = arith.constant 48 : index
          %get3A_280 = tpu.vector_load %arg12[%get3A_278, %get3A_279] {strides = array<i32>} : memref<80x128xf32, #tpu.memory_space<vmem>>, vector<1x16xf32>,
          %get3A_281 = vector.shape_cast %get3A_280 : vector<1x16xf32> to vector<16xf32>
          %sub3A_282 = arith.subf %get3A_281, %get3A_20 : vector<16xf32>
          %exp3A_283 = math.exp %sub3A_282 : vector<16xf32>
          %swap3A_284 = arith.index_cast %scan3A_246 : i32 to index
          %swap3A_285 = arith.constant 48 : index
          %swap3A_286 = tpu.vector_load %arg12[%swap3A_284, %swap3A_285] {strides = array<i32>} : memref<80x128xf32, #tpu.memory_space<vmem>>, vector<1x16xf32>,
          %swap3A_287 = vector.shape_cast %swap3A_286 : vector<1x16xf32> to vector<16xf32>
          %swap3A_288 = vector.shape_cast %exp3A_283 : vector<16xf32> to vector<1x16xf32>
          tpu.vector_store %arg12[%swap3A_284, %swap3A_285], %swap3A_288 {strides = array<i32>} : memref<80x128xf32, #tpu.memory_space<vmem>>, vector<1x16xf32>,
          %get3A_289 = arith.index_cast %scan3A_246 : i32 to index
          %get3A_290 = arith.constant 64 : index
          %get3A_291 = tpu.vector_load %arg12[%get3A_289, %get3A_290] {strides = array<i32>} : memref<80x128xf32, #tpu.memory_space<vmem>>, vector<1x16xf32>,
          %get3A_292 = vector.shape_cast %get3A_291 : vector<1x16xf32> to vector<16xf32>
          %sub3A_293 = arith.subf %get3A_292, %get3A_20 : vector<16xf32>
          %exp3A_294 = math.exp %sub3A_293 : vector<16xf32>
          %swap3A_295 = arith.index_cast %scan3A_246 : i32 to index
          %swap3A_296 = arith.constant 64 : index
          %swap3A_297 = tpu.vector_load %arg12[%swap3A_295, %swap3A_296] {strides = array<i32>} : memref<80x128xf32, #tpu.memory_space<vmem>>, vector<1x16xf32>,
          %swap3A_298 = vector.shape_cast %swap3A_297 : vector<1x16xf32> to vector<16xf32>
          %swap3A_299 = vector.shape_cast %exp3A_294 : vector<16xf32> to vector<1x16xf32>
          tpu.vector_store %arg12[%swap3A_295, %swap3A_296], %swap3A_299 {strides = array<i32>} : memref<80x128xf32, #tpu.memory_space<vmem>>, vector<1x16xf32>,
          %get3A_300 = arith.index_cast %scan3A_246 : i32 to index
          %get3A_301 = arith.constant 80 : index
          %get3A_302 = tpu.vector_load %arg12[%get3A_300, %get3A_301] {strides = array<i32>} : memref<80x128xf32, #tpu.memory_space<vmem>>, vector<1x16xf32>,
          %get3A_303 = vector.shape_cast %get3A_302 : vector<1x16xf32> to vector<16xf32>
          %sub3A_304 = arith.subf %get3A_303, %get3A_20 : vector<16xf32>
          %exp3A_305 = math.exp %sub3A_304 : vector<16xf32>
          %swap3A_306 = arith.index_cast %scan3A_246 : i32 to index
          %swap3A_307 = arith.constant 80 : index
          %swap3A_308 = tpu.vector_load %arg12[%swap3A_306, %swap3A_307] {strides = array<i32>} : memref<80x128xf32, #tpu.memory_space<vmem>>, vector<1x16xf32>,
          %swap3A_309 = vector.shape_cast %swap3A_308 : vector<1x16xf32> to vector<16xf32>
          %swap3A_310 = vector.shape_cast %exp3A_305 : vector<16xf32> to vector<1x16xf32>
          tpu.vector_store %arg12[%swap3A_306, %swap3A_307], %swap3A_310 {strides = array<i32>} : memref<80x128xf32, #tpu.memory_space<vmem>>, vector<1x16xf32>,
          %get3A_311 = arith.index_cast %scan3A_246 : i32 to index
          %get3A_312 = arith.constant 96 : index
          %get3A_313 = tpu.vector_load %arg12[%get3A_311, %get3A_312] {strides = array<i32>} : memref<80x128xf32, #tpu.memory_space<vmem>>, vector<1x16xf32>,
          %get3A_314 = vector.shape_cast %get3A_313 : vector<1x16xf32> to vector<16xf32>
          %sub3A_315 = arith.subf %get3A_314, %get3A_20 : vector<16xf32>
          %exp3A_316 = math.exp %sub3A_315 : vector<16xf32>
          %swap3A_317 = arith.index_cast %scan3A_246 : i32 to index
          %swap3A_318 = arith.constant 96 : index
          %swap3A_319 = tpu.vector_load %arg12[%swap3A_317, %swap3A_318] {strides = array<i32>} : memref<80x128xf32, #tpu.memory_space<vmem>>, vector<1x16xf32>,
          %swap3A_320 = vector.shape_cast %swap3A_319 : vector<1x16xf32> to vector<16xf32>
          %swap3A_321 = vector.shape_cast %exp3A_316 : vector<16xf32> to vector<1x16xf32>
          tpu.vector_store %arg12[%swap3A_317, %swap3A_318], %swap3A_321 {strides = array<i32>} : memref<80x128xf32, #tpu.memory_space<vmem>>, vector<1x16xf32>,
          %get3A_322 = arith.index_cast %scan3A_246 : i32 to index
          %get3A_323 = arith.constant 112 : index
          %get3A_324 = tpu.vector_load %arg12[%get3A_322, %get3A_323] {strides = array<i32>} : memref<80x128xf32, #tpu.memory_space<vmem>>, vector<1x16xf32>,
          %get3A_325 = vector.shape_cast %get3A_324 : vector<1x16xf32> to vector<16xf32>
          %sub3A_326 = arith.subf %get3A_325, %get3A_20 : vector<16xf32>
          %exp3A_327 = math.exp %sub3A_326 : vector<16xf32>
          %swap3A_328 = arith.index_cast %scan3A_246 : i32 to index
          %swap3A_329 = arith.constant 112 : index
          %swap3A_330 = tpu.vector_load %arg12[%swap3A_328, %swap3A_329] {strides = array<i32>} : memref<80x128xf32, #tpu.memory_space<vmem>>, vector<1x16xf32>,
          %swap3A_331 = vector.shape_cast %swap3A_330 : vector<1x16xf32> to vector<16xf32>
          %swap3A_332 = vector.shape_cast %exp3A_327 : vector<16xf32> to vector<1x16xf32>
          tpu.vector_store %arg12[%swap3A_328, %swap3A_329], %swap3A_332 {strides = array<i32>} : memref<80x128xf32, #tpu.memory_space<vmem>>, vector<1x16xf32>,
        }
        %scan3A_242 = arith.constant 80 : i32
        %dma_start3A_243 = arith.constant 0 : i32
        %dma_start3A_244 = arith.constant 0 : i32
        %dma_start3A_245 = tpu.memref_slice %arg16[%dma_start3A_243, %dma_start3A_244] : memref<10000x128xf32, #tpu.memory_space<vmem_shared>> -> memref<10000x128xf32, #tpu.memory_space<vmem_shared>>
        tpu.enqueue_indirect_dma source(%arg12 : memref<80x128xf32, #tpu.memory_space<vmem>>) target(%dma_start3A_245 : memref<10000x128xf32, #tpu.memory_space<vmem_shared>>) offsets(%arg10 : memref<80xi32, #tpu.memory_space<vmem>>) semaphore(%arg20 : memref<!tpu.dma_semaphore, #tpu.memory_space<semaphore_mem>>) {add = true}
      } else {
      }
      %mul3A_190 = arith.constant 2 : i32
      %mul3A_191 = arith.muli %mul3A_190, %scan3A_142 : i32
      %add3A_192 = arith.constant 2 : i32
      %add3A_193 = arith.addi %mul3A_191, %add3A_192 : i32
      %eq3A_194 = arith.constant 0 : i32
      %eq3A_195 = arith.cmpi eq, %arg0, %eq3A_194 : i32
      %convert_element_type3A_196 = arith.extui %eq3A_195 : i1 to i32
      %cond3A_197 = arith.constant 0 : i32
      %cond3A_198 = arith.cmpi ne, %convert_element_type3A_196, %cond3A_197 : i32
      scf.if %cond3A_198 {
        %dma_wait3A_237 = arith.constant 0 : i32
        %dma_wait3A_238 = arith.constant 0 : i32
        %dma_wait3A_239 = tpu.memref_slice %arg16[%dma_wait3A_237, %dma_wait3A_238] : memref<10000x128xf32, #tpu.memory_space<vmem_shared>> -> memref<10000x128xf32, #tpu.memory_space<vmem_shared>>
        tpu.wait_indirect_dma semaphore(%arg20 : memref<!tpu.dma_semaphore, #tpu.memory_space<semaphore_mem>>) src(%arg12 : memref<80x128xf32, #tpu.memory_space<vmem>>) dst(%dma_wait3A_239 : memref<10000x128xf32, #tpu.memory_space<vmem_shared>>)
      } else {
      }
      %eq3A_199 = arith.constant 1 : i32
      %eq3A_200 = arith.cmpi eq, %arg0, %eq3A_199 : i32
      %convert_element_type3A_201 = arith.extui %eq3A_200 : i1 to i32
      %cond3A_202 = arith.constant 0 : i32
      %cond3A_203 = arith.cmpi ne, %convert_element_type3A_201, %cond3A_202 : i32
      scf.if %cond3A_203 {
        %dma_wait3A_237 = arith.constant 0 : i32
        %dma_wait3A_238 = arith.constant 0 : i32
        %dma_wait3A_239 = tpu.memref_slice %arg16[%dma_wait3A_237, %dma_wait3A_238] : memref<10000x128xf32, #tpu.memory_space<vmem_shared>> -> memref<10000x128xf32, #tpu.memory_space<vmem_shared>>
        tpu.wait_indirect_dma semaphore(%arg20 : memref<!tpu.dma_semaphore, #tpu.memory_space<semaphore_mem>>) src(%arg14 : memref<80x128xf32, #tpu.memory_space<vmem>>) dst(%dma_wait3A_239 : memref<10000x128xf32, #tpu.memory_space<vmem_shared>>)
      } else {
      }
      %add3A_204 = arith.constant 1 : i32
      %add3A_205 = arith.addi %add3A_193, %add3A_204 : i32
      %lt3A_206 = arith.constant 250 : i32
      %lt3A_207 = arith.cmpi slt, %add3A_205, %lt3A_206 : i32
      %convert_element_type3A_208 = arith.extui %lt3A_207 : i1 to i32
      %cond3A_209 = arith.constant 0 : i32
      %cond3A_210 = arith.cmpi ne, %convert_element_type3A_208, %cond3A_209 : i32
      scf.if %cond3A_210 {
        %add3A_237 = arith.constant 1 : i32
        %add3A_238 = arith.addi %add3A_193, %add3A_237 : i32
        %mul3A_239 = arith.constant 20000 : i32
        %mul3A_240 = arith.muli %arg1, %mul3A_239 : i32
        %mul3A_241 = arith.constant 80 : i32
        %mul3A_242 = arith.muli %add3A_238, %mul3A_241 : i32
        %add3A_243 = arith.addi %mul3A_240, %mul3A_242 : i32
        %dma_start3A_244 = tpu.memref_slice %arg4[%add3A_243] : memref<320000xi32, #tpu.memory_space<hbm>> -> memref<80xi32, #tpu.memory_space<hbm>>
        %dma_start3A_245 = tpu.memref_slice %arg4[%add3A_243] : memref<320000xi32, #tpu.memory_space<hbm>> -> memref<80xi32, #tpu.memory_space<hbm>>
        tpu.enqueue_dma source(%dma_start3A_245 : memref<80xi32, #tpu.memory_space<hbm>>) target(%arg10 : memref<80xi32, #tpu.memory_space<vmem>>) target_semaphore(%arg18 : memref<!tpu.dma_semaphore, #tpu.memory_space<semaphore_mem>>)
        %dma_start3A_246 = arith.constant 0 : i32
        %dma_start3A_247 = tpu.memref_slice %arg2[%add3A_243, %dma_start3A_246] : memref<320000x128xf32, #tpu.memory_space<hbm>> -> memref<80x128xf32, #tpu.memory_space<hbm>>
        %dma_start3A_248 = arith.constant 0 : i32
        %dma_start3A_249 = tpu.memref_slice %arg2[%add3A_243, %dma_start3A_248] : memref<320000x128xf32, #tpu.memory_space<hbm>> -> memref<80x128xf32, #tpu.memory_space<hbm>>
        tpu.enqueue_dma source(%dma_start3A_249 : memref<80x128xf32, #tpu.memory_space<hbm>>) target(%arg12 : memref<80x128xf32, #tpu.memory_space<vmem>>) target_semaphore(%arg18 : memref<!tpu.dma_semaphore, #tpu.memory_space<semaphore_mem>>)
        %eq3A_250 = arith.constant 1 : i32
        %eq3A_251 = arith.cmpi eq, %arg0, %eq3A_250 : i32
        %convert_element_type3A_252 = arith.extui %eq3A_251 : i1 to i32
        %cond3A_253 = arith.constant 0 : i32
        %cond3A_254 = arith.cmpi ne, %convert_element_type3A_252, %cond3A_253 : i32
        scf.if %cond3A_254 {
          %mul3A_255 = arith.constant 20000 : i32
          %mul3A_256 = arith.muli %arg1, %mul3A_255 : i32
          %mul3A_257 = arith.constant 80 : i32
          %mul3A_258 = arith.muli %add3A_238, %mul3A_257 : i32
          %add3A_259 = arith.addi %mul3A_256, %mul3A_258 : i32
          %dma_start3A_260 = arith.constant 0 : i32
          %dma_start3A_261 = tpu.memref_slice %arg3[%add3A_259, %dma_start3A_260] : memref<320000x128xf32, #tpu.memory_space<hbm>> -> memref<80x128xf32, #tpu.memory_space<hbm>>
          %dma_start3A_262 = arith.constant 0 : i32
          %dma_start3A_263 = tpu.memref_slice %arg3[%add3A_259, %dma_start3A_262] : memref<320000x128xf32, #tpu.memory_space<hbm>> -> memref<80x128xf32, #tpu.memory_space<hbm>>
          tpu.enqueue_dma source(%dma_start3A_263 : memref<80x128xf32, #tpu.memory_space<hbm>>) target(%arg14 : memref<80x128xf32, #tpu.memory_space<vmem>>) target_semaphore(%arg18 : memref<!tpu.dma_semaphore, #tpu.memory_space<semaphore_mem>>)
        } else {
        }
      } else {
      }
      %mul3A_211 = arith.constant 20000 : i32
      %mul3A_212 = arith.muli %arg1, %mul3A_211 : i32
      %mul3A_213 = arith.constant 80 : i32
      %mul3A_214 = arith.muli %add3A_193, %mul3A_213 : i32
      %add3A_215 = arith.addi %mul3A_212, %mul3A_214 : i32
      %dma_wait3A_216 = tpu.memref_slice %arg4[%add3A_215] : memref<320000xi32, #tpu.memory_space<hbm>> -> memref<80xi32, #tpu.memory_space<hbm>>
      %dma_wait3A_217 = tpu.memref_slice %arg4[%add3A_215] : memref<320000xi32, #tpu.memory_space<hbm>> -> memref<80xi32, #tpu.memory_space<hbm>>
      tpu.wait_dma2 semaphore(%arg17 : memref<!tpu.dma_semaphore, #tpu.memory_space<semaphore_mem>>) src(%dma_wait3A_217 : memref<80xi32, #tpu.memory_space<hbm>>) dst(%arg9 : memref<80xi32, #tpu.memory_space<vmem>>)
      %dma_wait3A_218 = arith.constant 0 : i32
      %dma_wait3A_219 = tpu.memref_slice %arg2[%add3A_215, %dma_wait3A_218] : memref<320000x128xf32, #tpu.memory_space<hbm>> -> memref<80x128xf32, #tpu.memory_space<hbm>>
      %dma_wait3A_220 = arith.constant 0 : i32
      %dma_wait3A_221 = tpu.memref_slice %arg2[%add3A_215, %dma_wait3A_220] : memref<320000x128xf32, #tpu.memory_space<hbm>> -> memref<80x128xf32, #tpu.memory_space<hbm>>
      tpu.wait_dma2 semaphore(%arg17 : memref<!tpu.dma_semaphore, #tpu.memory_space<semaphore_mem>>) src(%dma_wait3A_221 : memref<80x128xf32, #tpu.memory_space<hbm>>) dst(%arg11 : memref<80x128xf32, #tpu.memory_space<vmem>>)
      %eq3A_222 = arith.constant 1 : i32
      %eq3A_223 = arith.cmpi eq, %arg0, %eq3A_222 : i32
      %convert_element_type3A_224 = arith.extui %eq3A_223 : i1 to i32
      %cond3A_225 = arith.constant 0 : i32
      %cond3A_226 = arith.cmpi ne, %convert_element_type3A_224, %cond3A_225 : i32
      scf.if %cond3A_226 {
        %mul3A_237 = arith.constant 20000 : i32
        %mul3A_238 = arith.muli %arg1, %mul3A_237 : i32
        %mul3A_239 = arith.constant 80 : i32
        %mul3A_240 = arith.muli %add3A_193, %mul3A_239 : i32
        %add3A_241 = arith.addi %mul3A_238, %mul3A_240 : i32
        %dma_wait3A_242 = arith.constant 0 : i32
        %dma_wait3A_243 = tpu.memref_slice %arg3[%add3A_241, %dma_wait3A_242] : memref<320000x128xf32, #tpu.memory_space<hbm>> -> memref<80x128xf32, #tpu.memory_space<hbm>>
        %dma_wait3A_244 = arith.constant 0 : i32
        %dma_wait3A_245 = tpu.memref_slice %arg3[%add3A_241, %dma_wait3A_244] : memref<320000x128xf32, #tpu.memory_space<hbm>> -> memref<80x128xf32, #tpu.memory_space<hbm>>
        tpu.wait_dma2 semaphore(%arg17 : memref<!tpu.dma_semaphore, #tpu.memory_space<semaphore_mem>>) src(%dma_wait3A_245 : memref<80x128xf32, #tpu.memory_space<hbm>>) dst(%arg13 : memref<80x128xf32, #tpu.memory_space<vmem>>)
      } else {
      }
      %eq3A_227 = arith.constant 1 : i32
      %eq3A_228 = arith.cmpi eq, %arg0, %eq3A_227 : i32
      %convert_element_type3A_229 = arith.extui %eq3A_228 : i1 to i32
      %cond3A_230 = arith.constant 0 : i32
      %cond3A_231 = arith.cmpi ne, %convert_element_type3A_229, %cond3A_230 : i32
      scf.if %cond3A_231 {
        %scan3A_237 = arith.constant 0 : i32
        %scan3A_238 = arith.constant 0 : i32
        %scan3A_239 = arith.constant 80 : i32
        %scan3A_240 = arith.addi %scan3A_238, %scan3A_239 : i32
        %scan3A_241 = arith.constant 1 : i32
        scf.for %scan3A_246 = %scan3A_238 to %scan3A_240 step %scan3A_241  : i32 {
          %get3A_247 = arith.index_cast %scan3A_246 : i32 to index
          %get3A_248 = arith.constant 0 : index
          %get3A_249 = tpu.vector_load %arg11[%get3A_247, %get3A_248] {strides = array<i32>} : memref<80x128xf32, #tpu.memory_space<vmem>>, vector<1x16xf32>,
          %get3A_250 = vector.shape_cast %get3A_249 : vector<1x16xf32> to vector<16xf32>
          %sub3A_251 = arith.subf %get3A_250, %get3A_20 : vector<16xf32>
          %exp3A = math.exp %sub3A_251 : vector<16xf32>
          %get3A_252 = arith.index_cast %scan3A_246 : i32 to index
          %get3A_253 = arith.constant 0 : index
          %get3A_254 = tpu.vector_load %arg13[%get3A_252, %get3A_253] {strides = array<i32>} : memref<80x128xf32, #tpu.memory_space<vmem>>, vector<1x16xf32>,
          %get3A_255 = vector.shape_cast %get3A_254 : vector<1x16xf32> to vector<16xf32>
          %mul3A_256 = arith.mulf %exp3A, %get3A_255 : vector<16xf32>
          %swap3A = arith.index_cast %scan3A_246 : i32 to index
          %swap3A_257 = arith.constant 0 : index
          %swap3A_258 = tpu.vector_load %arg13[%swap3A, %swap3A_257] {strides = array<i32>} : memref<80x128xf32, #tpu.memory_space<vmem>>, vector<1x16xf32>,
          %swap3A_259 = vector.shape_cast %swap3A_258 : vector<1x16xf32> to vector<16xf32>
          %swap3A_260 = vector.shape_cast %mul3A_256 : vector<16xf32> to vector<1x16xf32>
          tpu.vector_store %arg13[%swap3A, %swap3A_257], %swap3A_260 {strides = array<i32>} : memref<80x128xf32, #tpu.memory_space<vmem>>, vector<1x16xf32>,
          %get3A_261 = arith.index_cast %scan3A_246 : i32 to index
          %get3A_262 = arith.constant 16 : index
          %get3A_263 = tpu.vector_load %arg11[%get3A_261, %get3A_262] {strides = array<i32>} : memref<80x128xf32, #tpu.memory_space<vmem>>, vector<1x16xf32>,
          %get3A_264 = vector.shape_cast %get3A_263 : vector<1x16xf32> to vector<16xf32>
          %sub3A_265 = arith.subf %get3A_264, %get3A_20 : vector<16xf32>
          %exp3A_266 = math.exp %sub3A_265 : vector<16xf32>
          %get3A_267 = arith.index_cast %scan3A_246 : i32 to index
          %get3A_268 = arith.constant 16 : index
          %get3A_269 = tpu.vector_load %arg13[%get3A_267, %get3A_268] {strides = array<i32>} : memref<80x128xf32, #tpu.memory_space<vmem>>, vector<1x16xf32>,
          %get3A_270 = vector.shape_cast %get3A_269 : vector<1x16xf32> to vector<16xf32>
          %mul3A_271 = arith.mulf %exp3A_266, %get3A_270 : vector<16xf32>
          %swap3A_272 = arith.index_cast %scan3A_246 : i32 to index
          %swap3A_273 = arith.constant 16 : index
          %swap3A_274 = tpu.vector_load %arg13[%swap3A_272, %swap3A_273] {strides = array<i32>} : memref<80x128xf32, #tpu.memory_space<vmem>>, vector<1x16xf32>,
          %swap3A_275 = vector.shape_cast %swap3A_274 : vector<1x16xf32> to vector<16xf32>
          %swap3A_276 = vector.shape_cast %mul3A_271 : vector<16xf32> to vector<1x16xf32>
          tpu.vector_store %arg13[%swap3A_272, %swap3A_273], %swap3A_276 {strides = array<i32>} : memref<80x128xf32, #tpu.memory_space<vmem>>, vector<1x16xf32>,
          %get3A_277 = arith.index_cast %scan3A_246 : i32 to index
          %get3A_278 = arith.constant 32 : index
          %get3A_279 = tpu.vector_load %arg11[%get3A_277, %get3A_278] {strides = array<i32>} : memref<80x128xf32, #tpu.memory_space<vmem>>, vector<1x16xf32>,
          %get3A_280 = vector.shape_cast %get3A_279 : vector<1x16xf32> to vector<16xf32>
          %sub3A_281 = arith.subf %get3A_280, %get3A_20 : vector<16xf32>
          %exp3A_282 = math.exp %sub3A_281 : vector<16xf32>
          %get3A_283 = arith.index_cast %scan3A_246 : i32 to index
          %get3A_284 = arith.constant 32 : index
          %get3A_285 = tpu.vector_load %arg13[%get3A_283, %get3A_284] {strides = array<i32>} : memref<80x128xf32, #tpu.memory_space<vmem>>, vector<1x16xf32>,
          %get3A_286 = vector.shape_cast %get3A_285 : vector<1x16xf32> to vector<16xf32>
          %mul3A_287 = arith.mulf %exp3A_282, %get3A_286 : vector<16xf32>
          %swap3A_288 = arith.index_cast %scan3A_246 : i32 to index
          %swap3A_289 = arith.constant 32 : index
          %swap3A_290 = tpu.vector_load %arg13[%swap3A_288, %swap3A_289] {strides = array<i32>} : memref<80x128xf32, #tpu.memory_space<vmem>>, vector<1x16xf32>,
          %swap3A_291 = vector.shape_cast %swap3A_290 : vector<1x16xf32> to vector<16xf32>
          %swap3A_292 = vector.shape_cast %mul3A_287 : vector<16xf32> to vector<1x16xf32>
          tpu.vector_store %arg13[%swap3A_288, %swap3A_289], %swap3A_292 {strides = array<i32>} : memref<80x128xf32, #tpu.memory_space<vmem>>, vector<1x16xf32>,
          %get3A_293 = arith.index_cast %scan3A_246 : i32 to index
          %get3A_294 = arith.constant 48 : index
          %get3A_295 = tpu.vector_load %arg11[%get3A_293, %get3A_294] {strides = array<i32>} : memref<80x128xf32, #tpu.memory_space<vmem>>, vector<1x16xf32>,
          %get3A_296 = vector.shape_cast %get3A_295 : vector<1x16xf32> to vector<16xf32>
          %sub3A_297 = arith.subf %get3A_296, %get3A_20 : vector<16xf32>
          %exp3A_298 = math.exp %sub3A_297 : vector<16xf32>
          %get3A_299 = arith.index_cast %scan3A_246 : i32 to index
          %get3A_300 = arith.constant 48 : index
          %get3A_301 = tpu.vector_load %arg13[%get3A_299, %get3A_300] {strides = array<i32>} : memref<80x128xf32, #tpu.memory_space<vmem>>, vector<1x16xf32>,
          %get3A_302 = vector.shape_cast %get3A_301 : vector<1x16xf32> to vector<16xf32>
          %mul3A_303 = arith.mulf %exp3A_298, %get3A_302 : vector<16xf32>
          %swap3A_304 = arith.index_cast %scan3A_246 : i32 to index
          %swap3A_305 = arith.constant 48 : index
          %swap3A_306 = tpu.vector_load %arg13[%swap3A_304, %swap3A_305] {strides = array<i32>} : memref<80x128xf32, #tpu.memory_space<vmem>>, vector<1x16xf32>,
          %swap3A_307 = vector.shape_cast %swap3A_306 : vector<1x16xf32> to vector<16xf32>
          %swap3A_308 = vector.shape_cast %mul3A_303 : vector<16xf32> to vector<1x16xf32>
          tpu.vector_store %arg13[%swap3A_304, %swap3A_305], %swap3A_308 {strides = array<i32>} : memref<80x128xf32, #tpu.memory_space<vmem>>, vector<1x16xf32>,
          %get3A_309 = arith.index_cast %scan3A_246 : i32 to index
          %get3A_310 = arith.constant 64 : index
          %get3A_311 = tpu.vector_load %arg11[%get3A_309, %get3A_310] {strides = array<i32>} : memref<80x128xf32, #tpu.memory_space<vmem>>, vector<1x16xf32>,
          %get3A_312 = vector.shape_cast %get3A_311 : vector<1x16xf32> to vector<16xf32>
          %sub3A_313 = arith.subf %get3A_312, %get3A_20 : vector<16xf32>
          %exp3A_314 = math.exp %sub3A_313 : vector<16xf32>
          %get3A_315 = arith.index_cast %scan3A_246 : i32 to index
          %get3A_316 = arith.constant 64 : index
          %get3A_317 = tpu.vector_load %arg13[%get3A_315, %get3A_316] {strides = array<i32>} : memref<80x128xf32, #tpu.memory_space<vmem>>, vector<1x16xf32>,
          %get3A_318 = vector.shape_cast %get3A_317 : vector<1x16xf32> to vector<16xf32>
          %mul3A_319 = arith.mulf %exp3A_314, %get3A_318 : vector<16xf32>
          %swap3A_320 = arith.index_cast %scan3A_246 : i32 to index
          %swap3A_321 = arith.constant 64 : index
          %swap3A_322 = tpu.vector_load %arg13[%swap3A_320, %swap3A_321] {strides = array<i32>} : memref<80x128xf32, #tpu.memory_space<vmem>>, vector<1x16xf32>,
          %swap3A_323 = vector.shape_cast %swap3A_322 : vector<1x16xf32> to vector<16xf32>
          %swap3A_324 = vector.shape_cast %mul3A_319 : vector<16xf32> to vector<1x16xf32>
          tpu.vector_store %arg13[%swap3A_320, %swap3A_321], %swap3A_324 {strides = array<i32>} : memref<80x128xf32, #tpu.memory_space<vmem>>, vector<1x16xf32>,
          %get3A_325 = arith.index_cast %scan3A_246 : i32 to index
          %get3A_326 = arith.constant 80 : index
          %get3A_327 = tpu.vector_load %arg11[%get3A_325, %get3A_326] {strides = array<i32>} : memref<80x128xf32, #tpu.memory_space<vmem>>, vector<1x16xf32>,
          %get3A_328 = vector.shape_cast %get3A_327 : vector<1x16xf32> to vector<16xf32>
          %sub3A_329 = arith.subf %get3A_328, %get3A_20 : vector<16xf32>
          %exp3A_330 = math.exp %sub3A_329 : vector<16xf32>
          %get3A_331 = arith.index_cast %scan3A_246 : i32 to index
          %get3A_332 = arith.constant 80 : index
          %get3A_333 = tpu.vector_load %arg13[%get3A_331, %get3A_332] {strides = array<i32>} : memref<80x128xf32, #tpu.memory_space<vmem>>, vector<1x16xf32>,
          %get3A_334 = vector.shape_cast %get3A_333 : vector<1x16xf32> to vector<16xf32>
          %mul3A_335 = arith.mulf %exp3A_330, %get3A_334 : vector<16xf32>
          %swap3A_336 = arith.index_cast %scan3A_246 : i32 to index
          %swap3A_337 = arith.constant 80 : index
          %swap3A_338 = tpu.vector_load %arg13[%swap3A_336, %swap3A_337] {strides = array<i32>} : memref<80x128xf32, #tpu.memory_space<vmem>>, vector<1x16xf32>,
          %swap3A_339 = vector.shape_cast %swap3A_338 : vector<1x16xf32> to vector<16xf32>
          %swap3A_340 = vector.shape_cast %mul3A_335 : vector<16xf32> to vector<1x16xf32>
          tpu.vector_store %arg13[%swap3A_336, %swap3A_337], %swap3A_340 {strides = array<i32>} : memref<80x128xf32, #tpu.memory_space<vmem>>, vector<1x16xf32>,
          %get3A_341 = arith.index_cast %scan3A_246 : i32 to index
          %get3A_342 = arith.constant 96 : index
          %get3A_343 = tpu.vector_load %arg11[%get3A_341, %get3A_342] {strides = array<i32>} : memref<80x128xf32, #tpu.memory_space<vmem>>, vector<1x16xf32>,
          %get3A_344 = vector.shape_cast %get3A_343 : vector<1x16xf32> to vector<16xf32>
          %sub3A_345 = arith.subf %get3A_344, %get3A_20 : vector<16xf32>
          %exp3A_346 = math.exp %sub3A_345 : vector<16xf32>
          %get3A_347 = arith.index_cast %scan3A_246 : i32 to index
          %get3A_348 = arith.constant 96 : index
          %get3A_349 = tpu.vector_load %arg13[%get3A_347, %get3A_348] {strides = array<i32>} : memref<80x128xf32, #tpu.memory_space<vmem>>, vector<1x16xf32>,
          %get3A_350 = vector.shape_cast %get3A_349 : vector<1x16xf32> to vector<16xf32>
          %mul3A_351 = arith.mulf %exp3A_346, %get3A_350 : vector<16xf32>
          %swap3A_352 = arith.index_cast %scan3A_246 : i32 to index
          %swap3A_353 = arith.constant 96 : index
          %swap3A_354 = tpu.vector_load %arg13[%swap3A_352, %swap3A_353] {strides = array<i32>} : memref<80x128xf32, #tpu.memory_space<vmem>>, vector<1x16xf32>,
          %swap3A_355 = vector.shape_cast %swap3A_354 : vector<1x16xf32> to vector<16xf32>
          %swap3A_356 = vector.shape_cast %mul3A_351 : vector<16xf32> to vector<1x16xf32>
          tpu.vector_store %arg13[%swap3A_352, %swap3A_353], %swap3A_356 {strides = array<i32>} : memref<80x128xf32, #tpu.memory_space<vmem>>, vector<1x16xf32>,
          %get3A_357 = arith.index_cast %scan3A_246 : i32 to index
          %get3A_358 = arith.constant 112 : index
          %get3A_359 = tpu.vector_load %arg11[%get3A_357, %get3A_358] {strides = array<i32>} : memref<80x128xf32, #tpu.memory_space<vmem>>, vector<1x16xf32>,
          %get3A_360 = vector.shape_cast %get3A_359 : vector<1x16xf32> to vector<16xf32>
          %sub3A_361 = arith.subf %get3A_360, %get3A_20 : vector<16xf32>
          %exp3A_362 = math.exp %sub3A_361 : vector<16xf32>
          %get3A_363 = arith.index_cast %scan3A_246 : i32 to index
          %get3A_364 = arith.constant 112 : index
          %get3A_365 = tpu.vector_load %arg13[%get3A_363, %get3A_364] {strides = array<i32>} : memref<80x128xf32, #tpu.memory_space<vmem>>, vector<1x16xf32>,
          %get3A_366 = vector.shape_cast %get3A_365 : vector<1x16xf32> to vector<16xf32>
          %mul3A_367 = arith.mulf %exp3A_362, %get3A_366 : vector<16xf32>
          %swap3A_368 = arith.index_cast %scan3A_246 : i32 to index
          %swap3A_369 = arith.constant 112 : index
          %swap3A_370 = tpu.vector_load %arg13[%swap3A_368, %swap3A_369] {strides = array<i32>} : memref<80x128xf32, #tpu.memory_space<vmem>>, vector<1x16xf32>,
          %swap3A_371 = vector.shape_cast %swap3A_370 : vector<1x16xf32> to vector<16xf32>
          %swap3A_372 = vector.shape_cast %mul3A_367 : vector<16xf32> to vector<1x16xf32>
          tpu.vector_store %arg13[%swap3A_368, %swap3A_369], %swap3A_372 {strides = array<i32>} : memref<80x128xf32, #tpu.memory_space<vmem>>, vector<1x16xf32>,
        }
        %scan3A_242 = arith.constant 80 : i32
        %dma_start3A_243 = arith.constant 0 : i32
        %dma_start3A_244 = arith.constant 0 : i32
        %dma_start3A_245 = tpu.memref_slice %arg16[%dma_start3A_243, %dma_start3A_244] : memref<10000x128xf32, #tpu.memory_space<vmem_shared>> -> memref<10000x128xf32, #tpu.memory_space<vmem_shared>>
        tpu.enqueue_indirect_dma source(%arg13 : memref<80x128xf32, #tpu.memory_space<vmem>>) target(%dma_start3A_245 : memref<10000x128xf32, #tpu.memory_space<vmem_shared>>) offsets(%arg9 : memref<80xi32, #tpu.memory_space<vmem>>) semaphore(%arg19 : memref<!tpu.dma_semaphore, #tpu.memory_space<semaphore_mem>>) {add = true}
      } else {
      }
      %eq3A_232 = arith.constant 0 : i32
      %eq3A_233 = arith.cmpi eq, %arg0, %eq3A_232 : i32
      %convert_element_type3A_234 = arith.extui %eq3A_233 : i1 to i32
      %cond3A_235 = arith.constant 0 : i32
      %cond3A_236 = arith.cmpi ne, %convert_element_type3A_234, %cond3A_235 : i32
      scf.if %cond3A_236 {
        %scan3A_237 = arith.constant 0 : i32
        %scan3A_238 = arith.constant 0 : i32
        %scan3A_239 = arith.constant 80 : i32
        %scan3A_240 = arith.addi %scan3A_238, %scan3A_239 : i32
        %scan3A_241 = arith.constant 1 : i32
        scf.for %scan3A_246 = %scan3A_238 to %scan3A_240 step %scan3A_241  : i32 {
          %get3A_247 = arith.index_cast %scan3A_246 : i32 to index
          %get3A_248 = arith.constant 0 : index
          %get3A_249 = tpu.vector_load %arg11[%get3A_247, %get3A_248] {strides = array<i32>} : memref<80x128xf32, #tpu.memory_space<vmem>>, vector<1x16xf32>,
          %get3A_250 = vector.shape_cast %get3A_249 : vector<1x16xf32> to vector<16xf32>
          %sub3A_251 = arith.subf %get3A_250, %get3A_20 : vector<16xf32>
          %exp3A = math.exp %sub3A_251 : vector<16xf32>
          %swap3A = arith.index_cast %scan3A_246 : i32 to index
          %swap3A_252 = arith.constant 0 : index
          %swap3A_253 = tpu.vector_load %arg11[%swap3A, %swap3A_252] {strides = array<i32>} : memref<80x128xf32, #tpu.memory_space<vmem>>, vector<1x16xf32>,
          %swap3A_254 = vector.shape_cast %swap3A_253 : vector<1x16xf32> to vector<16xf32>
          %swap3A_255 = vector.shape_cast %exp3A : vector<16xf32> to vector<1x16xf32>
          tpu.vector_store %arg11[%swap3A, %swap3A_252], %swap3A_255 {strides = array<i32>} : memref<80x128xf32, #tpu.memory_space<vmem>>, vector<1x16xf32>,
          %get3A_256 = arith.index_cast %scan3A_246 : i32 to index
          %get3A_257 = arith.constant 16 : index
          %get3A_258 = tpu.vector_load %arg11[%get3A_256, %get3A_257] {strides = array<i32>} : memref<80x128xf32, #tpu.memory_space<vmem>>, vector<1x16xf32>,
          %get3A_259 = vector.shape_cast %get3A_258 : vector<1x16xf32> to vector<16xf32>
          %sub3A_260 = arith.subf %get3A_259, %get3A_20 : vector<16xf32>
          %exp3A_261 = math.exp %sub3A_260 : vector<16xf32>
          %swap3A_262 = arith.index_cast %scan3A_246 : i32 to index
          %swap3A_263 = arith.constant 16 : index
          %swap3A_264 = tpu.vector_load %arg11[%swap3A_262, %swap3A_263] {strides = array<i32>} : memref<80x128xf32, #tpu.memory_space<vmem>>, vector<1x16xf32>,
          %swap3A_265 = vector.shape_cast %swap3A_264 : vector<1x16xf32> to vector<16xf32>
          %swap3A_266 = vector.shape_cast %exp3A_261 : vector<16xf32> to vector<1x16xf32>
          tpu.vector_store %arg11[%swap3A_262, %swap3A_263], %swap3A_266 {strides = array<i32>} : memref<80x128xf32, #tpu.memory_space<vmem>>, vector<1x16xf32>,
          %get3A_267 = arith.index_cast %scan3A_246 : i32 to index
          %get3A_268 = arith.constant 32 : index
          %get3A_269 = tpu.vector_load %arg11[%get3A_267, %get3A_268] {strides = array<i32>} : memref<80x128xf32, #tpu.memory_space<vmem>>, vector<1x16xf32>,
          %get3A_270 = vector.shape_cast %get3A_269 : vector<1x16xf32> to vector<16xf32>
          %sub3A_271 = arith.subf %get3A_270, %get3A_20 : vector<16xf32>
          %exp3A_272 = math.exp %sub3A_271 : vector<16xf32>
          %swap3A_273 = arith.index_cast %scan3A_246 : i32 to index
          %swap3A_274 = arith.constant 32 : index
          %swap3A_275 = tpu.vector_load %arg11[%swap3A_273, %swap3A_274] {strides = array<i32>} : memref<80x128xf32, #tpu.memory_space<vmem>>, vector<1x16xf32>,
          %swap3A_276 = vector.shape_cast %swap3A_275 : vector<1x16xf32> to vector<16xf32>
          %swap3A_277 = vector.shape_cast %exp3A_272 : vector<16xf32> to vector<1x16xf32>
          tpu.vector_store %arg11[%swap3A_273, %swap3A_274], %swap3A_277 {strides = array<i32>} : memref<80x128xf32, #tpu.memory_space<vmem>>, vector<1x16xf32>,
          %get3A_278 = arith.index_cast %scan3A_246 : i32 to index
          %get3A_279 = arith.constant 48 : index
          %get3A_280 = tpu.vector_load %arg11[%get3A_278, %get3A_279] {strides = array<i32>} : memref<80x128xf32, #tpu.memory_space<vmem>>, vector<1x16xf32>,
          %get3A_281 = vector.shape_cast %get3A_280 : vector<1x16xf32> to vector<16xf32>
          %sub3A_282 = arith.subf %get3A_281, %get3A_20 : vector<16xf32>
          %exp3A_283 = math.exp %sub3A_282 : vector<16xf32>
          %swap3A_284 = arith.index_cast %scan3A_246 : i32 to index
          %swap3A_285 = arith.constant 48 : index
          %swap3A_286 = tpu.vector_load %arg11[%swap3A_284, %swap3A_285] {strides = array<i32>} : memref<80x128xf32, #tpu.memory_space<vmem>>, vector<1x16xf32>,
          %swap3A_287 = vector.shape_cast %swap3A_286 : vector<1x16xf32> to vector<16xf32>
          %swap3A_288 = vector.shape_cast %exp3A_283 : vector<16xf32> to vector<1x16xf32>
          tpu.vector_store %arg11[%swap3A_284, %swap3A_285], %swap3A_288 {strides = array<i32>} : memref<80x128xf32, #tpu.memory_space<vmem>>, vector<1x16xf32>,
          %get3A_289 = arith.index_cast %scan3A_246 : i32 to index
          %get3A_290 = arith.constant 64 : index
          %get3A_291 = tpu.vector_load %arg11[%get3A_289, %get3A_290] {strides = array<i32>} : memref<80x128xf32, #tpu.memory_space<vmem>>, vector<1x16xf32>,
          %get3A_292 = vector.shape_cast %get3A_291 : vector<1x16xf32> to vector<16xf32>
          %sub3A_293 = arith.subf %get3A_292, %get3A_20 : vector<16xf32>
          %exp3A_294 = math.exp %sub3A_293 : vector<16xf32>
          %swap3A_295 = arith.index_cast %scan3A_246 : i32 to index
          %swap3A_296 = arith.constant 64 : index
          %swap3A_297 = tpu.vector_load %arg11[%swap3A_295, %swap3A_296] {strides = array<i32>} : memref<80x128xf32, #tpu.memory_space<vmem>>, vector<1x16xf32>,
          %swap3A_298 = vector.shape_cast %swap3A_297 : vector<1x16xf32> to vector<16xf32>
          %swap3A_299 = vector.shape_cast %exp3A_294 : vector<16xf32> to vector<1x16xf32>
          tpu.vector_store %arg11[%swap3A_295, %swap3A_296], %swap3A_299 {strides = array<i32>} : memref<80x128xf32, #tpu.memory_space<vmem>>, vector<1x16xf32>,
          %get3A_300 = arith.index_cast %scan3A_246 : i32 to index
          %get3A_301 = arith.constant 80 : index
          %get3A_302 = tpu.vector_load %arg11[%get3A_300, %get3A_301] {strides = array<i32>} : memref<80x128xf32, #tpu.memory_space<vmem>>, vector<1x16xf32>,
          %get3A_303 = vector.shape_cast %get3A_302 : vector<1x16xf32> to vector<16xf32>
          %sub3A_304 = arith.subf %get3A_303, %get3A_20 : vector<16xf32>
          %exp3A_305 = math.exp %sub3A_304 : vector<16xf32>
          %swap3A_306 = arith.index_cast %scan3A_246 : i32 to index
          %swap3A_307 = arith.constant 80 : index
          %swap3A_308 = tpu.vector_load %arg11[%swap3A_306, %swap3A_307] {strides = array<i32>} : memref<80x128xf32, #tpu.memory_space<vmem>>, vector<1x16xf32>,
          %swap3A_309 = vector.shape_cast %swap3A_308 : vector<1x16xf32> to vector<16xf32>
          %swap3A_310 = vector.shape_cast %exp3A_305 : vector<16xf32> to vector<1x16xf32>
          tpu.vector_store %arg11[%swap3A_306, %swap3A_307], %swap3A_310 {strides = array<i32>} : memref<80x128xf32, #tpu.memory_space<vmem>>, vector<1x16xf32>,
          %get3A_311 = arith.index_cast %scan3A_246 : i32 to index
          %get3A_312 = arith.constant 96 : index
          %get3A_313 = tpu.vector_load %arg11[%get3A_311, %get3A_312] {strides = array<i32>} : memref<80x128xf32, #tpu.memory_space<vmem>>, vector<1x16xf32>,
          %get3A_314 = vector.shape_cast %get3A_313 : vector<1x16xf32> to vector<16xf32>
          %sub3A_315 = arith.subf %get3A_314, %get3A_20 : vector<16xf32>
          %exp3A_316 = math.exp %sub3A_315 : vector<16xf32>
          %swap3A_317 = arith.index_cast %scan3A_246 : i32 to index
          %swap3A_318 = arith.constant 96 : index
          %swap3A_319 = tpu.vector_load %arg11[%swap3A_317, %swap3A_318] {strides = array<i32>} : memref<80x128xf32, #tpu.memory_space<vmem>>, vector<1x16xf32>,
          %swap3A_320 = vector.shape_cast %swap3A_319 : vector<1x16xf32> to vector<16xf32>
          %swap3A_321 = vector.shape_cast %exp3A_316 : vector<16xf32> to vector<1x16xf32>
          tpu.vector_store %arg11[%swap3A_317, %swap3A_318], %swap3A_321 {strides = array<i32>} : memref<80x128xf32, #tpu.memory_space<vmem>>, vector<1x16xf32>,
          %get3A_322 = arith.index_cast %scan3A_246 : i32 to index
          %get3A_323 = arith.constant 112 : index
          %get3A_324 = tpu.vector_load %arg11[%get3A_322, %get3A_323] {strides = array<i32>} : memref<80x128xf32, #tpu.memory_space<vmem>>, vector<1x16xf32>,
          %get3A_325 = vector.shape_cast %get3A_324 : vector<1x16xf32> to vector<16xf32>
          %sub3A_326 = arith.subf %get3A_325, %get3A_20 : vector<16xf32>
          %exp3A_327 = math.exp %sub3A_326 : vector<16xf32>
          %swap3A_328 = arith.index_cast %scan3A_246 : i32 to index
          %swap3A_329 = arith.constant 112 : index
          %swap3A_330 = tpu.vector_load %arg11[%swap3A_328, %swap3A_329] {strides = array<i32>} : memref<80x128xf32, #tpu.memory_space<vmem>>, vector<1x16xf32>,
          %swap3A_331 = vector.shape_cast %swap3A_330 : vector<1x16xf32> to vector<16xf32>
          %swap3A_332 = vector.shape_cast %exp3A_327 : vector<16xf32> to vector<1x16xf32>
          tpu.vector_store %arg11[%swap3A_328, %swap3A_329], %swap3A_332 {strides = array<i32>} : memref<80x128xf32, #tpu.memory_space<vmem>>, vector<1x16xf32>,
        }
        %scan3A_242 = arith.constant 80 : i32
        %dma_start3A_243 = arith.constant 0 : i32
        %dma_start3A_244 = arith.constant 0 : i32
        %dma_start3A_245 = tpu.memref_slice %arg16[%dma_start3A_243, %dma_start3A_244] : memref<10000x128xf32, #tpu.memory_space<vmem_shared>> -> memref<10000x128xf32, #tpu.memory_space<vmem_shared>>
        tpu.enqueue_indirect_dma source(%arg11 : memref<80x128xf32, #tpu.memory_space<vmem>>) target(%dma_start3A_245 : memref<10000x128xf32, #tpu.memory_space<vmem_shared>>) offsets(%arg9 : memref<80xi32, #tpu.memory_space<vmem>>) semaphore(%arg19 : memref<!tpu.dma_semaphore, #tpu.memory_space<semaphore_mem>>) {add = true}
      } else {
      }
    }
    %scan3A_73 = arith.constant 124 : i32
    %eq3A_74 = arith.constant 0 : i32
    %eq3A_75 = arith.cmpi eq, %arg0, %eq3A_74 : i32
    %convert_element_type3A_76 = arith.extui %eq3A_75 : i1 to i32
    %cond3A_77 = arith.constant 0 : i32
    %cond3A_78 = arith.cmpi ne, %convert_element_type3A_76, %cond3A_77 : i32
    scf.if %cond3A_78 {
      %dma_wait3A_142 = arith.constant 0 : i32
      %dma_wait3A_143 = arith.constant 0 : i32
      %dma_wait3A_144 = tpu.memref_slice %arg16[%dma_wait3A_142, %dma_wait3A_143] : memref<10000x128xf32, #tpu.memory_space<vmem_shared>> -> memref<10000x128xf32, #tpu.memory_space<vmem_shared>>
      tpu.wait_indirect_dma semaphore(%arg19 : memref<!tpu.dma_semaphore, #tpu.memory_space<semaphore_mem>>) src(%arg11 : memref<80x128xf32, #tpu.memory_space<vmem>>) dst(%dma_wait3A_144 : memref<10000x128xf32, #tpu.memory_space<vmem_shared>>)
    } else {
    }
    %eq3A_79 = arith.constant 1 : i32
    %eq3A_80 = arith.cmpi eq, %arg0, %eq3A_79 : i32
    %convert_element_type3A_81 = arith.extui %eq3A_80 : i1 to i32
    %cond3A_82 = arith.constant 0 : i32
    %cond3A_83 = arith.cmpi ne, %convert_element_type3A_81, %cond3A_82 : i32
    scf.if %cond3A_83 {
      %dma_wait3A_142 = arith.constant 0 : i32
      %dma_wait3A_143 = arith.constant 0 : i32
      %dma_wait3A_144 = tpu.memref_slice %arg16[%dma_wait3A_142, %dma_wait3A_143] : memref<10000x128xf32, #tpu.memory_space<vmem_shared>> -> memref<10000x128xf32, #tpu.memory_space<vmem_shared>>
      tpu.wait_indirect_dma semaphore(%arg19 : memref<!tpu.dma_semaphore, #tpu.memory_space<semaphore_mem>>) src(%arg13 : memref<80x128xf32, #tpu.memory_space<vmem>>) dst(%dma_wait3A_144 : memref<10000x128xf32, #tpu.memory_space<vmem_shared>>)
    } else {
    }
    %add3A_84 = arith.constant 249 : i32
    %add3A_85 = arith.constant 1 : i32
    %add3A_86 = arith.addi %add3A_84, %add3A_85 : i32
    %lt3A_87 = arith.constant 250 : i32
    %lt3A_88 = arith.cmpi slt, %add3A_86, %lt3A_87 : i32
    %convert_element_type3A_89 = arith.extui %lt3A_88 : i1 to i32
    %cond3A_90 = arith.constant 249 : i32
    %cond3A_91 = arith.constant 0 : i32
    %cond3A_92 = arith.cmpi ne, %convert_element_type3A_89, %cond3A_91 : i32
    scf.if %cond3A_92 {
      %add3A_142 = arith.constant 1 : i32
      %add3A_143 = arith.addi %cond3A_90, %add3A_142 : i32
      %mul3A_144 = arith.constant 20000 : i32
      %mul3A_145 = arith.muli %arg1, %mul3A_144 : i32
      %mul3A_146 = arith.constant 80 : i32
      %mul3A_147 = arith.muli %add3A_143, %mul3A_146 : i32
      %add3A_148 = arith.addi %mul3A_145, %mul3A_147 : i32
      %dma_start3A_149 = tpu.memref_slice %arg4[%add3A_148] : memref<320000xi32, #tpu.memory_space<hbm>> -> memref<80xi32, #tpu.memory_space<hbm>>
      %dma_start3A_150 = tpu.memref_slice %arg4[%add3A_148] : memref<320000xi32, #tpu.memory_space<hbm>> -> memref<80xi32, #tpu.memory_space<hbm>>
      tpu.enqueue_dma source(%dma_start3A_150 : memref<80xi32, #tpu.memory_space<hbm>>) target(%arg9 : memref<80xi32, #tpu.memory_space<vmem>>) target_semaphore(%arg17 : memref<!tpu.dma_semaphore, #tpu.memory_space<semaphore_mem>>)
      %dma_start3A_151 = arith.constant 0 : i32
      %dma_start3A_152 = tpu.memref_slice %arg2[%add3A_148, %dma_start3A_151] : memref<320000x128xf32, #tpu.memory_space<hbm>> -> memref<80x128xf32, #tpu.memory_space<hbm>>
      %dma_start3A_153 = arith.constant 0 : i32
      %dma_start3A_154 = tpu.memref_slice %arg2[%add3A_148, %dma_start3A_153] : memref<320000x128xf32, #tpu.memory_space<hbm>> -> memref<80x128xf32, #tpu.memory_space<hbm>>
      tpu.enqueue_dma source(%dma_start3A_154 : memref<80x128xf32, #tpu.memory_space<hbm>>) target(%arg11 : memref<80x128xf32, #tpu.memory_space<vmem>>) target_semaphore(%arg17 : memref<!tpu.dma_semaphore, #tpu.memory_space<semaphore_mem>>)
      %eq3A_155 = arith.constant 1 : i32
      %eq3A_156 = arith.cmpi eq, %arg0, %eq3A_155 : i32
      %convert_element_type3A_157 = arith.extui %eq3A_156 : i1 to i32
      %cond3A_158 = arith.constant 0 : i32
      %cond3A_159 = arith.cmpi ne, %convert_element_type3A_157, %cond3A_158 : i32
      scf.if %cond3A_159 {
        %mul3A_160 = arith.constant 20000 : i32
        %mul3A_161 = arith.muli %arg1, %mul3A_160 : i32
        %mul3A_162 = arith.constant 80 : i32
        %mul3A_163 = arith.muli %add3A_143, %mul3A_162 : i32
        %add3A_164 = arith.addi %mul3A_161, %mul3A_163 : i32
        %dma_start3A_165 = arith.constant 0 : i32
        %dma_start3A_166 = tpu.memref_slice %arg3[%add3A_164, %dma_start3A_165] : memref<320000x128xf32, #tpu.memory_space<hbm>> -> memref<80x128xf32, #tpu.memory_space<hbm>>
        %dma_start3A_167 = arith.constant 0 : i32
        %dma_start3A_168 = tpu.memref_slice %arg3[%add3A_164, %dma_start3A_167] : memref<320000x128xf32, #tpu.memory_space<hbm>> -> memref<80x128xf32, #tpu.memory_space<hbm>>
        tpu.enqueue_dma source(%dma_start3A_168 : memref<80x128xf32, #tpu.memory_space<hbm>>) target(%arg13 : memref<80x128xf32, #tpu.memory_space<vmem>>) target_semaphore(%arg17 : memref<!tpu.dma_semaphore, #tpu.memory_space<semaphore_mem>>)
      } else {
      }
    } else {
    }
    %mul3A_93 = arith.constant 20000 : i32
    %mul3A_94 = arith.muli %arg1, %mul3A_93 : i32
    %mul3A_95 = arith.constant 249 : i32
    %mul3A_96 = arith.constant 80 : i32
    %mul3A_97 = arith.muli %mul3A_95, %mul3A_96 : i32
    %add3A_98 = arith.addi %mul3A_94, %mul3A_97 : i32
    %dma_wait3A_99 = tpu.memref_slice %arg4[%add3A_98] : memref<320000xi32, #tpu.memory_space<hbm>> -> memref<80xi32, #tpu.memory_space<hbm>>
    %dma_wait3A_100 = tpu.memref_slice %arg4[%add3A_98] : memref<320000xi32, #tpu.memory_space<hbm>> -> memref<80xi32, #tpu.memory_space<hbm>>
    tpu.wait_dma2 semaphore(%arg18 : memref<!tpu.dma_semaphore, #tpu.memory_space<semaphore_mem>>) src(%dma_wait3A_100 : memref<80xi32, #tpu.memory_space<hbm>>) dst(%arg10 : memref<80xi32, #tpu.memory_space<vmem>>)
    %dma_wait3A_101 = arith.constant 0 : i32
    %dma_wait3A_102 = tpu.memref_slice %arg2[%add3A_98, %dma_wait3A_101] : memref<320000x128xf32, #tpu.memory_space<hbm>> -> memref<80x128xf32, #tpu.memory_space<hbm>>
    %dma_wait3A_103 = arith.constant 0 : i32
    %dma_wait3A_104 = tpu.memref_slice %arg2[%add3A_98, %dma_wait3A_103] : memref<320000x128xf32, #tpu.memory_space<hbm>> -> memref<80x128xf32, #tpu.memory_space<hbm>>
    tpu.wait_dma2 semaphore(%arg18 : memref<!tpu.dma_semaphore, #tpu.memory_space<semaphore_mem>>) src(%dma_wait3A_104 : memref<80x128xf32, #tpu.memory_space<hbm>>) dst(%arg12 : memref<80x128xf32, #tpu.memory_space<vmem>>)
    %eq3A_105 = arith.constant 1 : i32
    %eq3A_106 = arith.cmpi eq, %arg0, %eq3A_105 : i32
    %convert_element_type3A_107 = arith.extui %eq3A_106 : i1 to i32
    %cond3A_108 = arith.constant 249 : i32
    %cond3A_109 = arith.constant 0 : i32
    %cond3A_110 = arith.cmpi ne, %convert_element_type3A_107, %cond3A_109 : i32
    scf.if %cond3A_110 {
      %mul3A_142 = arith.constant 20000 : i32
      %mul3A_143 = arith.muli %arg1, %mul3A_142 : i32
      %mul3A_144 = arith.constant 80 : i32
      %mul3A_145 = arith.muli %cond3A_108, %mul3A_144 : i32
      %add3A_146 = arith.addi %mul3A_143, %mul3A_145 : i32
      %dma_wait3A_147 = arith.constant 0 : i32
      %dma_wait3A_148 = tpu.memref_slice %arg3[%add3A_146, %dma_wait3A_147] : memref<320000x128xf32, #tpu.memory_space<hbm>> -> memref<80x128xf32, #tpu.memory_space<hbm>>
      %dma_wait3A_149 = arith.constant 0 : i32
      %dma_wait3A_150 = tpu.memref_slice %arg3[%add3A_146, %dma_wait3A_149] : memref<320000x128xf32, #tpu.memory_space<hbm>> -> memref<80x128xf32, #tpu.memory_space<hbm>>
      tpu.wait_dma2 semaphore(%arg18 : memref<!tpu.dma_semaphore, #tpu.memory_space<semaphore_mem>>) src(%dma_wait3A_150 : memref<80x128xf32, #tpu.memory_space<hbm>>) dst(%arg14 : memref<80x128xf32, #tpu.memory_space<vmem>>)
    } else {
    }
    %eq3A_111 = arith.constant 1 : i32
    %eq3A_112 = arith.cmpi eq, %arg0, %eq3A_111 : i32
    %convert_element_type3A_113 = arith.extui %eq3A_112 : i1 to i32
    %cond3A_114 = arith.constant 0 : i32
    %cond3A_115 = arith.cmpi ne, %convert_element_type3A_113, %cond3A_114 : i32
    scf.if %cond3A_115 {
      %scan3A_142 = arith.constant 0 : i32
      %scan3A_143 = arith.constant 0 : i32
      %scan3A_144 = arith.constant 80 : i32
      %scan3A_145 = arith.addi %scan3A_143, %scan3A_144 : i32
      %scan3A_146 = arith.constant 1 : i32
      scf.for %scan3A_151 = %scan3A_143 to %scan3A_145 step %scan3A_146  : i32 {
        %get3A_152 = arith.index_cast %scan3A_151 : i32 to index
        %get3A_153 = arith.constant 0 : index
        %get3A_154 = tpu.vector_load %arg12[%get3A_152, %get3A_153] {strides = array<i32>} : memref<80x128xf32, #tpu.memory_space<vmem>>, vector<1x16xf32>,
        %get3A_155 = vector.shape_cast %get3A_154 : vector<1x16xf32> to vector<16xf32>
        %sub3A_156 = arith.subf %get3A_155, %get3A_20 : vector<16xf32>
        %exp3A = math.exp %sub3A_156 : vector<16xf32>
        %get3A_157 = arith.index_cast %scan3A_151 : i32 to index
        %get3A_158 = arith.constant 0 : index
        %get3A_159 = tpu.vector_load %arg14[%get3A_157, %get3A_158] {strides = array<i32>} : memref<80x128xf32, #tpu.memory_space<vmem>>, vector<1x16xf32>,
        %get3A_160 = vector.shape_cast %get3A_159 : vector<1x16xf32> to vector<16xf32>
        %mul3A_161 = arith.mulf %exp3A, %get3A_160 : vector<16xf32>
        %swap3A = arith.index_cast %scan3A_151 : i32 to index
        %swap3A_162 = arith.constant 0 : index
        %swap3A_163 = tpu.vector_load %arg14[%swap3A, %swap3A_162] {strides = array<i32>} : memref<80x128xf32, #tpu.memory_space<vmem>>, vector<1x16xf32>,
        %swap3A_164 = vector.shape_cast %swap3A_163 : vector<1x16xf32> to vector<16xf32>
        %swap3A_165 = vector.shape_cast %mul3A_161 : vector<16xf32> to vector<1x16xf32>
        tpu.vector_store %arg14[%swap3A, %swap3A_162], %swap3A_165 {strides = array<i32>} : memref<80x128xf32, #tpu.memory_space<vmem>>, vector<1x16xf32>,
        %get3A_166 = arith.index_cast %scan3A_151 : i32 to index
        %get3A_167 = arith.constant 16 : index
        %get3A_168 = tpu.vector_load %arg12[%get3A_166, %get3A_167] {strides = array<i32>} : memref<80x128xf32, #tpu.memory_space<vmem>>, vector<1x16xf32>,
        %get3A_169 = vector.shape_cast %get3A_168 : vector<1x16xf32> to vector<16xf32>
        %sub3A_170 = arith.subf %get3A_169, %get3A_20 : vector<16xf32>
        %exp3A_171 = math.exp %sub3A_170 : vector<16xf32>
        %get3A_172 = arith.index_cast %scan3A_151 : i32 to index
        %get3A_173 = arith.constant 16 : index
        %get3A_174 = tpu.vector_load %arg14[%get3A_172, %get3A_173] {strides = array<i32>} : memref<80x128xf32, #tpu.memory_space<vmem>>, vector<1x16xf32>,
        %get3A_175 = vector.shape_cast %get3A_174 : vector<1x16xf32> to vector<16xf32>
        %mul3A_176 = arith.mulf %exp3A_171, %get3A_175 : vector<16xf32>
        %swap3A_177 = arith.index_cast %scan3A_151 : i32 to index
        %swap3A_178 = arith.constant 16 : index
        %swap3A_179 = tpu.vector_load %arg14[%swap3A_177, %swap3A_178] {strides = array<i32>} : memref<80x128xf32, #tpu.memory_space<vmem>>, vector<1x16xf32>,
        %swap3A_180 = vector.shape_cast %swap3A_179 : vector<1x16xf32> to vector<16xf32>
        %swap3A_181 = vector.shape_cast %mul3A_176 : vector<16xf32> to vector<1x16xf32>
        tpu.vector_store %arg14[%swap3A_177, %swap3A_178], %swap3A_181 {strides = array<i32>} : memref<80x128xf32, #tpu.memory_space<vmem>>, vector<1x16xf32>,
        %get3A_182 = arith.index_cast %scan3A_151 : i32 to index
        %get3A_183 = arith.constant 32 : index
        %get3A_184 = tpu.vector_load %arg12[%get3A_182, %get3A_183] {strides = array<i32>} : memref<80x128xf32, #tpu.memory_space<vmem>>, vector<1x16xf32>,
        %get3A_185 = vector.shape_cast %get3A_184 : vector<1x16xf32> to vector<16xf32>
        %sub3A_186 = arith.subf %get3A_185, %get3A_20 : vector<16xf32>
        %exp3A_187 = math.exp %sub3A_186 : vector<16xf32>
        %get3A_188 = arith.index_cast %scan3A_151 : i32 to index
        %get3A_189 = arith.constant 32 : index
        %get3A_190 = tpu.vector_load %arg14[%get3A_188, %get3A_189] {strides = array<i32>} : memref<80x128xf32, #tpu.memory_space<vmem>>, vector<1x16xf32>,
        %get3A_191 = vector.shape_cast %get3A_190 : vector<1x16xf32> to vector<16xf32>
        %mul3A_192 = arith.mulf %exp3A_187, %get3A_191 : vector<16xf32>
        %swap3A_193 = arith.index_cast %scan3A_151 : i32 to index
        %swap3A_194 = arith.constant 32 : index
        %swap3A_195 = tpu.vector_load %arg14[%swap3A_193, %swap3A_194] {strides = array<i32>} : memref<80x128xf32, #tpu.memory_space<vmem>>, vector<1x16xf32>,
        %swap3A_196 = vector.shape_cast %swap3A_195 : vector<1x16xf32> to vector<16xf32>
        %swap3A_197 = vector.shape_cast %mul3A_192 : vector<16xf32> to vector<1x16xf32>
        tpu.vector_store %arg14[%swap3A_193, %swap3A_194], %swap3A_197 {strides = array<i32>} : memref<80x128xf32, #tpu.memory_space<vmem>>, vector<1x16xf32>,
        %get3A_198 = arith.index_cast %scan3A_151 : i32 to index
        %get3A_199 = arith.constant 48 : index
        %get3A_200 = tpu.vector_load %arg12[%get3A_198, %get3A_199] {strides = array<i32>} : memref<80x128xf32, #tpu.memory_space<vmem>>, vector<1x16xf32>,
        %get3A_201 = vector.shape_cast %get3A_200 : vector<1x16xf32> to vector<16xf32>
        %sub3A_202 = arith.subf %get3A_201, %get3A_20 : vector<16xf32>
        %exp3A_203 = math.exp %sub3A_202 : vector<16xf32>
        %get3A_204 = arith.index_cast %scan3A_151 : i32 to index
        %get3A_205 = arith.constant 48 : index
        %get3A_206 = tpu.vector_load %arg14[%get3A_204, %get3A_205] {strides = array<i32>} : memref<80x128xf32, #tpu.memory_space<vmem>>, vector<1x16xf32>,
        %get3A_207 = vector.shape_cast %get3A_206 : vector<1x16xf32> to vector<16xf32>
        %mul3A_208 = arith.mulf %exp3A_203, %get3A_207 : vector<16xf32>
        %swap3A_209 = arith.index_cast %scan3A_151 : i32 to index
        %swap3A_210 = arith.constant 48 : index
        %swap3A_211 = tpu.vector_load %arg14[%swap3A_209, %swap3A_210] {strides = array<i32>} : memref<80x128xf32, #tpu.memory_space<vmem>>, vector<1x16xf32>,
        %swap3A_212 = vector.shape_cast %swap3A_211 : vector<1x16xf32> to vector<16xf32>
        %swap3A_213 = vector.shape_cast %mul3A_208 : vector<16xf32> to vector<1x16xf32>
        tpu.vector_store %arg14[%swap3A_209, %swap3A_210], %swap3A_213 {strides = array<i32>} : memref<80x128xf32, #tpu.memory_space<vmem>>, vector<1x16xf32>,
        %get3A_214 = arith.index_cast %scan3A_151 : i32 to index
        %get3A_215 = arith.constant 64 : index
        %get3A_216 = tpu.vector_load %arg12[%get3A_214, %get3A_215] {strides = array<i32>} : memref<80x128xf32, #tpu.memory_space<vmem>>, vector<1x16xf32>,
        %get3A_217 = vector.shape_cast %get3A_216 : vector<1x16xf32> to vector<16xf32>
        %sub3A_218 = arith.subf %get3A_217, %get3A_20 : vector<16xf32>
        %exp3A_219 = math.exp %sub3A_218 : vector<16xf32>
        %get3A_220 = arith.index_cast %scan3A_151 : i32 to index
        %get3A_221 = arith.constant 64 : index
        %get3A_222 = tpu.vector_load %arg14[%get3A_220, %get3A_221] {strides = array<i32>} : memref<80x128xf32, #tpu.memory_space<vmem>>, vector<1x16xf32>,
        %get3A_223 = vector.shape_cast %get3A_222 : vector<1x16xf32> to vector<16xf32>
        %mul3A_224 = arith.mulf %exp3A_219, %get3A_223 : vector<16xf32>
        %swap3A_225 = arith.index_cast %scan3A_151 : i32 to index
        %swap3A_226 = arith.constant 64 : index
        %swap3A_227 = tpu.vector_load %arg14[%swap3A_225, %swap3A_226] {strides = array<i32>} : memref<80x128xf32, #tpu.memory_space<vmem>>, vector<1x16xf32>,
        %swap3A_228 = vector.shape_cast %swap3A_227 : vector<1x16xf32> to vector<16xf32>
        %swap3A_229 = vector.shape_cast %mul3A_224 : vector<16xf32> to vector<1x16xf32>
        tpu.vector_store %arg14[%swap3A_225, %swap3A_226], %swap3A_229 {strides = array<i32>} : memref<80x128xf32, #tpu.memory_space<vmem>>, vector<1x16xf32>,
        %get3A_230 = arith.index_cast %scan3A_151 : i32 to index
        %get3A_231 = arith.constant 80 : index
        %get3A_232 = tpu.vector_load %arg12[%get3A_230, %get3A_231] {strides = array<i32>} : memref<80x128xf32, #tpu.memory_space<vmem>>, vector<1x16xf32>,
        %get3A_233 = vector.shape_cast %get3A_232 : vector<1x16xf32> to vector<16xf32>
        %sub3A_234 = arith.subf %get3A_233, %get3A_20 : vector<16xf32>
        %exp3A_235 = math.exp %sub3A_234 : vector<16xf32>
        %get3A_236 = arith.index_cast %scan3A_151 : i32 to index
        %get3A_237 = arith.constant 80 : index
        %get3A_238 = tpu.vector_load %arg14[%get3A_236, %get3A_237] {strides = array<i32>} : memref<80x128xf32, #tpu.memory_space<vmem>>, vector<1x16xf32>,
        %get3A_239 = vector.shape_cast %get3A_238 : vector<1x16xf32> to vector<16xf32>
        %mul3A_240 = arith.mulf %exp3A_235, %get3A_239 : vector<16xf32>
        %swap3A_241 = arith.index_cast %scan3A_151 : i32 to index
        %swap3A_242 = arith.constant 80 : index
        %swap3A_243 = tpu.vector_load %arg14[%swap3A_241, %swap3A_242] {strides = array<i32>} : memref<80x128xf32, #tpu.memory_space<vmem>>, vector<1x16xf32>,
        %swap3A_244 = vector.shape_cast %swap3A_243 : vector<1x16xf32> to vector<16xf32>
        %swap3A_245 = vector.shape_cast %mul3A_240 : vector<16xf32> to vector<1x16xf32>
        tpu.vector_store %arg14[%swap3A_241, %swap3A_242], %swap3A_245 {strides = array<i32>} : memref<80x128xf32, #tpu.memory_space<vmem>>, vector<1x16xf32>,
        %get3A_246 = arith.index_cast %scan3A_151 : i32 to index
        %get3A_247 = arith.constant 96 : index
        %get3A_248 = tpu.vector_load %arg12[%get3A_246, %get3A_247] {strides = array<i32>} : memref<80x128xf32, #tpu.memory_space<vmem>>, vector<1x16xf32>,
        %get3A_249 = vector.shape_cast %get3A_248 : vector<1x16xf32> to vector<16xf32>
        %sub3A_250 = arith.subf %get3A_249, %get3A_20 : vector<16xf32>
        %exp3A_251 = math.exp %sub3A_250 : vector<16xf32>
        %get3A_252 = arith.index_cast %scan3A_151 : i32 to index
        %get3A_253 = arith.constant 96 : index
        %get3A_254 = tpu.vector_load %arg14[%get3A_252, %get3A_253] {strides = array<i32>} : memref<80x128xf32, #tpu.memory_space<vmem>>, vector<1x16xf32>,
        %get3A_255 = vector.shape_cast %get3A_254 : vector<1x16xf32> to vector<16xf32>
        %mul3A_256 = arith.mulf %exp3A_251, %get3A_255 : vector<16xf32>
        %swap3A_257 = arith.index_cast %scan3A_151 : i32 to index
        %swap3A_258 = arith.constant 96 : index
        %swap3A_259 = tpu.vector_load %arg14[%swap3A_257, %swap3A_258] {strides = array<i32>} : memref<80x128xf32, #tpu.memory_space<vmem>>, vector<1x16xf32>,
        %swap3A_260 = vector.shape_cast %swap3A_259 : vector<1x16xf32> to vector<16xf32>
        %swap3A_261 = vector.shape_cast %mul3A_256 : vector<16xf32> to vector<1x16xf32>
        tpu.vector_store %arg14[%swap3A_257, %swap3A_258], %swap3A_261 {strides = array<i32>} : memref<80x128xf32, #tpu.memory_space<vmem>>, vector<1x16xf32>,
        %get3A_262 = arith.index_cast %scan3A_151 : i32 to index
        %get3A_263 = arith.constant 112 : index
        %get3A_264 = tpu.vector_load %arg12[%get3A_262, %get3A_263] {strides = array<i32>} : memref<80x128xf32, #tpu.memory_space<vmem>>, vector<1x16xf32>,
        %get3A_265 = vector.shape_cast %get3A_264 : vector<1x16xf32> to vector<16xf32>
        %sub3A_266 = arith.subf %get3A_265, %get3A_20 : vector<16xf32>
        %exp3A_267 = math.exp %sub3A_266 : vector<16xf32>
        %get3A_268 = arith.index_cast %scan3A_151 : i32 to index
        %get3A_269 = arith.constant 112 : index
        %get3A_270 = tpu.vector_load %arg14[%get3A_268, %get3A_269] {strides = array<i32>} : memref<80x128xf32, #tpu.memory_space<vmem>>, vector<1x16xf32>,
        %get3A_271 = vector.shape_cast %get3A_270 : vector<1x16xf32> to vector<16xf32>
        %mul3A_272 = arith.mulf %exp3A_267, %get3A_271 : vector<16xf32>
        %swap3A_273 = arith.index_cast %scan3A_151 : i32 to index
        %swap3A_274 = arith.constant 112 : index
        %swap3A_275 = tpu.vector_load %arg14[%swap3A_273, %swap3A_274] {strides = array<i32>} : memref<80x128xf32, #tpu.memory_space<vmem>>, vector<1x16xf32>,
        %swap3A_276 = vector.shape_cast %swap3A_275 : vector<1x16xf32> to vector<16xf32>
        %swap3A_277 = vector.shape_cast %mul3A_272 : vector<16xf32> to vector<1x16xf32>
        tpu.vector_store %arg14[%swap3A_273, %swap3A_274], %swap3A_277 {strides = array<i32>} : memref<80x128xf32, #tpu.memory_space<vmem>>, vector<1x16xf32>,
      }
      %scan3A_147 = arith.constant 80 : i32
      %dma_start3A_148 = arith.constant 0 : i32
      %dma_start3A_149 = arith.constant 0 : i32
      %dma_start3A_150 = tpu.memref_slice %arg16[%dma_start3A_148, %dma_start3A_149] : memref<10000x128xf32, #tpu.memory_space<vmem_shared>> -> memref<10000x128xf32, #tpu.memory_space<vmem_shared>>
      tpu.enqueue_indirect_dma source(%arg14 : memref<80x128xf32, #tpu.memory_space<vmem>>) target(%dma_start3A_150 : memref<10000x128xf32, #tpu.memory_space<vmem_shared>>) offsets(%arg10 : memref<80xi32, #tpu.memory_space<vmem>>) semaphore(%arg20 : memref<!tpu.dma_semaphore, #tpu.memory_space<semaphore_mem>>) {add = true}
    } else {
    }
    %eq3A_116 = arith.constant 0 : i32
    %eq3A_117 = arith.cmpi eq, %arg0, %eq3A_116 : i32
    %convert_element_type3A_118 = arith.extui %eq3A_117 : i1 to i32
    %cond3A_119 = arith.constant 0 : i32
    %cond3A_120 = arith.cmpi ne, %convert_element_type3A_118, %cond3A_119 : i32
    scf.if %cond3A_120 {
      %scan3A_142 = arith.constant 0 : i32
      %scan3A_143 = arith.constant 0 : i32
      %scan3A_144 = arith.constant 80 : i32
      %scan3A_145 = arith.addi %scan3A_143, %scan3A_144 : i32
      %scan3A_146 = arith.constant 1 : i32
      scf.for %scan3A_151 = %scan3A_143 to %scan3A_145 step %scan3A_146  : i32 {
        %get3A_152 = arith.index_cast %scan3A_151 : i32 to index
        %get3A_153 = arith.constant 0 : index
        %get3A_154 = tpu.vector_load %arg12[%get3A_152, %get3A_153] {strides = array<i32>} : memref<80x128xf32, #tpu.memory_space<vmem>>, vector<1x16xf32>,
        %get3A_155 = vector.shape_cast %get3A_154 : vector<1x16xf32> to vector<16xf32>
        %sub3A_156 = arith.subf %get3A_155, %get3A_20 : vector<16xf32>
        %exp3A = math.exp %sub3A_156 : vector<16xf32>
        %swap3A = arith.index_cast %scan3A_151 : i32 to index
        %swap3A_157 = arith.constant 0 : index
        %swap3A_158 = tpu.vector_load %arg12[%swap3A, %swap3A_157] {strides = array<i32>} : memref<80x128xf32, #tpu.memory_space<vmem>>, vector<1x16xf32>,
        %swap3A_159 = vector.shape_cast %swap3A_158 : vector<1x16xf32> to vector<16xf32>
        %swap3A_160 = vector.shape_cast %exp3A : vector<16xf32> to vector<1x16xf32>
        tpu.vector_store %arg12[%swap3A, %swap3A_157], %swap3A_160 {strides = array<i32>} : memref<80x128xf32, #tpu.memory_space<vmem>>, vector<1x16xf32>,
        %get3A_161 = arith.index_cast %scan3A_151 : i32 to index
        %get3A_162 = arith.constant 16 : index
        %get3A_163 = tpu.vector_load %arg12[%get3A_161, %get3A_162] {strides = array<i32>} : memref<80x128xf32, #tpu.memory_space<vmem>>, vector<1x16xf32>,
        %get3A_164 = vector.shape_cast %get3A_163 : vector<1x16xf32> to vector<16xf32>
        %sub3A_165 = arith.subf %get3A_164, %get3A_20 : vector<16xf32>
        %exp3A_166 = math.exp %sub3A_165 : vector<16xf32>
        %swap3A_167 = arith.index_cast %scan3A_151 : i32 to index
        %swap3A_168 = arith.constant 16 : index
        %swap3A_169 = tpu.vector_load %arg12[%swap3A_167, %swap3A_168] {strides = array<i32>} : memref<80x128xf32, #tpu.memory_space<vmem>>, vector<1x16xf32>,
        %swap3A_170 = vector.shape_cast %swap3A_169 : vector<1x16xf32> to vector<16xf32>
        %swap3A_171 = vector.shape_cast %exp3A_166 : vector<16xf32> to vector<1x16xf32>
        tpu.vector_store %arg12[%swap3A_167, %swap3A_168], %swap3A_171 {strides = array<i32>} : memref<80x128xf32, #tpu.memory_space<vmem>>, vector<1x16xf32>,
        %get3A_172 = arith.index_cast %scan3A_151 : i32 to index
        %get3A_173 = arith.constant 32 : index
        %get3A_174 = tpu.vector_load %arg12[%get3A_172, %get3A_173] {strides = array<i32>} : memref<80x128xf32, #tpu.memory_space<vmem>>, vector<1x16xf32>,
        %get3A_175 = vector.shape_cast %get3A_174 : vector<1x16xf32> to vector<16xf32>
        %sub3A_176 = arith.subf %get3A_175, %get3A_20 : vector<16xf32>
        %exp3A_177 = math.exp %sub3A_176 : vector<16xf32>
        %swap3A_178 = arith.index_cast %scan3A_151 : i32 to index
        %swap3A_179 = arith.constant 32 : index
        %swap3A_180 = tpu.vector_load %arg12[%swap3A_178, %swap3A_179] {strides = array<i32>} : memref<80x128xf32, #tpu.memory_space<vmem>>, vector<1x16xf32>,
        %swap3A_181 = vector.shape_cast %swap3A_180 : vector<1x16xf32> to vector<16xf32>
        %swap3A_182 = vector.shape_cast %exp3A_177 : vector<16xf32> to vector<1x16xf32>
        tpu.vector_store %arg12[%swap3A_178, %swap3A_179], %swap3A_182 {strides = array<i32>} : memref<80x128xf32, #tpu.memory_space<vmem>>, vector<1x16xf32>,
        %get3A_183 = arith.index_cast %scan3A_151 : i32 to index
        %get3A_184 = arith.constant 48 : index
        %get3A_185 = tpu.vector_load %arg12[%get3A_183, %get3A_184] {strides = array<i32>} : memref<80x128xf32, #tpu.memory_space<vmem>>, vector<1x16xf32>,
        %get3A_186 = vector.shape_cast %get3A_185 : vector<1x16xf32> to vector<16xf32>
        %sub3A_187 = arith.subf %get3A_186, %get3A_20 : vector<16xf32>
        %exp3A_188 = math.exp %sub3A_187 : vector<16xf32>
        %swap3A_189 = arith.index_cast %scan3A_151 : i32 to index
        %swap3A_190 = arith.constant 48 : index
        %swap3A_191 = tpu.vector_load %arg12[%swap3A_189, %swap3A_190] {strides = array<i32>} : memref<80x128xf32, #tpu.memory_space<vmem>>, vector<1x16xf32>,
        %swap3A_192 = vector.shape_cast %swap3A_191 : vector<1x16xf32> to vector<16xf32>
        %swap3A_193 = vector.shape_cast %exp3A_188 : vector<16xf32> to vector<1x16xf32>
        tpu.vector_store %arg12[%swap3A_189, %swap3A_190], %swap3A_193 {strides = array<i32>} : memref<80x128xf32, #tpu.memory_space<vmem>>, vector<1x16xf32>,
        %get3A_194 = arith.index_cast %scan3A_151 : i32 to index
        %get3A_195 = arith.constant 64 : index
        %get3A_196 = tpu.vector_load %arg12[%get3A_194, %get3A_195] {strides = array<i32>} : memref<80x128xf32, #tpu.memory_space<vmem>>, vector<1x16xf32>,
        %get3A_197 = vector.shape_cast %get3A_196 : vector<1x16xf32> to vector<16xf32>
        %sub3A_198 = arith.subf %get3A_197, %get3A_20 : vector<16xf32>
        %exp3A_199 = math.exp %sub3A_198 : vector<16xf32>
        %swap3A_200 = arith.index_cast %scan3A_151 : i32 to index
        %swap3A_201 = arith.constant 64 : index
        %swap3A_202 = tpu.vector_load %arg12[%swap3A_200, %swap3A_201] {strides = array<i32>} : memref<80x128xf32, #tpu.memory_space<vmem>>, vector<1x16xf32>,
        %swap3A_203 = vector.shape_cast %swap3A_202 : vector<1x16xf32> to vector<16xf32>
        %swap3A_204 = vector.shape_cast %exp3A_199 : vector<16xf32> to vector<1x16xf32>
        tpu.vector_store %arg12[%swap3A_200, %swap3A_201], %swap3A_204 {strides = array<i32>} : memref<80x128xf32, #tpu.memory_space<vmem>>, vector<1x16xf32>,
        %get3A_205 = arith.index_cast %scan3A_151 : i32 to index
        %get3A_206 = arith.constant 80 : index
        %get3A_207 = tpu.vector_load %arg12[%get3A_205, %get3A_206] {strides = array<i32>} : memref<80x128xf32, #tpu.memory_space<vmem>>, vector<1x16xf32>,
        %get3A_208 = vector.shape_cast %get3A_207 : vector<1x16xf32> to vector<16xf32>
        %sub3A_209 = arith.subf %get3A_208, %get3A_20 : vector<16xf32>
        %exp3A_210 = math.exp %sub3A_209 : vector<16xf32>
        %swap3A_211 = arith.index_cast %scan3A_151 : i32 to index
        %swap3A_212 = arith.constant 80 : index
        %swap3A_213 = tpu.vector_load %arg12[%swap3A_211, %swap3A_212] {strides = array<i32>} : memref<80x128xf32, #tpu.memory_space<vmem>>, vector<1x16xf32>,
        %swap3A_214 = vector.shape_cast %swap3A_213 : vector<1x16xf32> to vector<16xf32>
        %swap3A_215 = vector.shape_cast %exp3A_210 : vector<16xf32> to vector<1x16xf32>
        tpu.vector_store %arg12[%swap3A_211, %swap3A_212], %swap3A_215 {strides = array<i32>} : memref<80x128xf32, #tpu.memory_space<vmem>>, vector<1x16xf32>,
        %get3A_216 = arith.index_cast %scan3A_151 : i32 to index
        %get3A_217 = arith.constant 96 : index
        %get3A_218 = tpu.vector_load %arg12[%get3A_216, %get3A_217] {strides = array<i32>} : memref<80x128xf32, #tpu.memory_space<vmem>>, vector<1x16xf32>,
        %get3A_219 = vector.shape_cast %get3A_218 : vector<1x16xf32> to vector<16xf32>
        %sub3A_220 = arith.subf %get3A_219, %get3A_20 : vector<16xf32>
        %exp3A_221 = math.exp %sub3A_220 : vector<16xf32>
        %swap3A_222 = arith.index_cast %scan3A_151 : i32 to index
        %swap3A_223 = arith.constant 96 : index
        %swap3A_224 = tpu.vector_load %arg12[%swap3A_222, %swap3A_223] {strides = array<i32>} : memref<80x128xf32, #tpu.memory_space<vmem>>, vector<1x16xf32>,
        %swap3A_225 = vector.shape_cast %swap3A_224 : vector<1x16xf32> to vector<16xf32>
        %swap3A_226 = vector.shape_cast %exp3A_221 : vector<16xf32> to vector<1x16xf32>
        tpu.vector_store %arg12[%swap3A_222, %swap3A_223], %swap3A_226 {strides = array<i32>} : memref<80x128xf32, #tpu.memory_space<vmem>>, vector<1x16xf32>,
        %get3A_227 = arith.index_cast %scan3A_151 : i32 to index
        %get3A_228 = arith.constant 112 : index
        %get3A_229 = tpu.vector_load %arg12[%get3A_227, %get3A_228] {strides = array<i32>} : memref<80x128xf32, #tpu.memory_space<vmem>>, vector<1x16xf32>,
        %get3A_230 = vector.shape_cast %get3A_229 : vector<1x16xf32> to vector<16xf32>
        %sub3A_231 = arith.subf %get3A_230, %get3A_20 : vector<16xf32>
        %exp3A_232 = math.exp %sub3A_231 : vector<16xf32>
        %swap3A_233 = arith.index_cast %scan3A_151 : i32 to index
        %swap3A_234 = arith.constant 112 : index
        %swap3A_235 = tpu.vector_load %arg12[%swap3A_233, %swap3A_234] {strides = array<i32>} : memref<80x128xf32, #tpu.memory_space<vmem>>, vector<1x16xf32>,
        %swap3A_236 = vector.shape_cast %swap3A_235 : vector<1x16xf32> to vector<16xf32>
        %swap3A_237 = vector.shape_cast %exp3A_232 : vector<16xf32> to vector<1x16xf32>
        tpu.vector_store %arg12[%swap3A_233, %swap3A_234], %swap3A_237 {strides = array<i32>} : memref<80x128xf32, #tpu.memory_space<vmem>>, vector<1x16xf32>,
      }
      %scan3A_147 = arith.constant 80 : i32
      %dma_start3A_148 = arith.constant 0 : i32
      %dma_start3A_149 = arith.constant 0 : i32
      %dma_start3A_150 = tpu.memref_slice %arg16[%dma_start3A_148, %dma_start3A_149] : memref<10000x128xf32, #tpu.memory_space<vmem_shared>> -> memref<10000x128xf32, #tpu.memory_space<vmem_shared>>
      tpu.enqueue_indirect_dma source(%arg12 : memref<80x128xf32, #tpu.memory_space<vmem>>) target(%dma_start3A_150 : memref<10000x128xf32, #tpu.memory_space<vmem_shared>>) offsets(%arg10 : memref<80xi32, #tpu.memory_space<vmem>>) semaphore(%arg20 : memref<!tpu.dma_semaphore, #tpu.memory_space<semaphore_mem>>) {add = true}
    } else {
    }
    %eq3A_121 = arith.constant 0 : i32
    %eq3A_122 = arith.cmpi eq, %arg0, %eq3A_121 : i32
    %convert_element_type3A_123 = arith.extui %eq3A_122 : i1 to i32
    %cond3A_124 = arith.constant 0 : i32
    %cond3A_125 = arith.cmpi ne, %convert_element_type3A_123, %cond3A_124 : i32
    scf.if %cond3A_125 {
      %dma_wait3A_142 = arith.constant 0 : i32
      %dma_wait3A_143 = arith.constant 0 : i32
      %dma_wait3A_144 = tpu.memref_slice %arg16[%dma_wait3A_142, %dma_wait3A_143] : memref<10000x128xf32, #tpu.memory_space<vmem_shared>> -> memref<10000x128xf32, #tpu.memory_space<vmem_shared>>
      tpu.wait_indirect_dma semaphore(%arg20 : memref<!tpu.dma_semaphore, #tpu.memory_space<semaphore_mem>>) src(%arg12 : memref<80x128xf32, #tpu.memory_space<vmem>>) dst(%dma_wait3A_144 : memref<10000x128xf32, #tpu.memory_space<vmem_shared>>)
    } else {
    }
    %eq3A_126 = arith.constant 1 : i32
    %eq3A_127 = arith.cmpi eq, %arg0, %eq3A_126 : i32
    %convert_element_type3A_128 = arith.extui %eq3A_127 : i1 to i32
    %cond3A_129 = arith.constant 0 : i32
    %cond3A_130 = arith.cmpi ne, %convert_element_type3A_128, %cond3A_129 : i32
    scf.if %cond3A_130 {
      %dma_wait3A_142 = arith.constant 0 : i32
      %dma_wait3A_143 = arith.constant 0 : i32
      %dma_wait3A_144 = tpu.memref_slice %arg16[%dma_wait3A_142, %dma_wait3A_143] : memref<10000x128xf32, #tpu.memory_space<vmem_shared>> -> memref<10000x128xf32, #tpu.memory_space<vmem_shared>>
      tpu.wait_indirect_dma semaphore(%arg20 : memref<!tpu.dma_semaphore, #tpu.memory_space<semaphore_mem>>) src(%arg14 : memref<80x128xf32, #tpu.memory_space<vmem>>) dst(%dma_wait3A_144 : memref<10000x128xf32, #tpu.memory_space<vmem_shared>>)
    } else {
    }
    %barrier3A_131 = arith.constant 0 : index
    tpu.barrier barrier_id(%barrier3A_131)
    %eq3A_132 = arith.constant 0 : i32
    %eq3A_133 = arith.cmpi eq, %arg0, %eq3A_132 : i32
    %convert_element_type3A_134 = arith.extui %eq3A_133 : i1 to i32
    %cond3A_135 = arith.constant 0 : i32
    %cond3A_136 = arith.cmpi ne, %convert_element_type3A_134, %cond3A_135 : i32
    scf.if %cond3A_136 {
      "tpu.region"() ({
        %run_scoped3A = tpu.sem_alloc : memref<!tpu.dma_semaphore, #tpu.memory_space<semaphore_mem>>
        %dma_start3A_142 = arith.constant 0 : i32
        %dma_start3A_143 = tpu.memref_slice %arg7[%mul3A_18, %dma_start3A_142] : memref<10000x128xf32, #tpu.memory_space<hbm>> -> memref<632x128xf32, #tpu.memory_space<hbm>>
        %dma_start3A_144 = arith.constant 0 : i32
        %dma_start3A_145 = tpu.memref_slice %arg16[%mul3A_18, %dma_start3A_144] : memref<10000x128xf32, #tpu.memory_space<vmem_shared>> -> memref<632x128xf32, #tpu.memory_space<vmem_shared>>
        tpu.enqueue_dma source(%dma_start3A_145 : memref<632x128xf32, #tpu.memory_space<vmem_shared>>) target(%dma_start3A_143 : memref<632x128xf32, #tpu.memory_space<hbm>>) target_semaphore(%run_scoped3A : memref<!tpu.dma_semaphore, #tpu.memory_space<semaphore_mem>>)
        %dma_wait3A_146 = arith.constant 0 : i32
        %dma_wait3A_147 = tpu.memref_slice %arg7[%mul3A_18, %dma_wait3A_146] : memref<10000x128xf32, #tpu.memory_space<hbm>> -> memref<632x128xf32, #tpu.memory_space<hbm>>
        %dma_wait3A_148 = arith.constant 0 : i32
        %dma_wait3A_149 = tpu.memref_slice %arg16[%mul3A_18, %dma_wait3A_148] : memref<10000x128xf32, #tpu.memory_space<vmem_shared>> -> memref<632x128xf32, #tpu.memory_space<vmem_shared>>
        tpu.wait_dma2 semaphore(%run_scoped3A : memref<!tpu.dma_semaphore, #tpu.memory_space<semaphore_mem>>) src(%dma_wait3A_149 : memref<632x128xf32, #tpu.memory_space<vmem_shared>>) dst(%dma_wait3A_147 : memref<632x128xf32, #tpu.memory_space<hbm>>)
        tpu.yield
      }) : () -> ()
    } else {
    }
    %eq3A_137 = arith.constant 1 : i32
    %eq3A_138 = arith.cmpi eq, %arg0, %eq3A_137 : i32
    %convert_element_type3A_139 = arith.extui %eq3A_138 : i1 to i32
    %cond3A_140 = arith.constant 0 : i32
    %cond3A_141 = arith.cmpi ne, %convert_element_type3A_139, %cond3A_140 : i32
    scf.if %cond3A_141 {
      "tpu.region"() ({
        %run_scoped3A = tpu.sem_alloc : memref<!tpu.dma_semaphore, #tpu.memory_space<semaphore_mem>>
        %dma_start3A_142 = arith.constant 0 : i32
        %dma_start3A_143 = tpu.memref_slice %arg8[%mul3A_18, %dma_start3A_142] : memref<10000x128xf32, #tpu.memory_space<hbm>> -> memref<632x128xf32, #tpu.memory_space<hbm>>
        %dma_start3A_144 = arith.constant 0 : i32
        %dma_start3A_145 = tpu.memref_slice %arg16[%mul3A_18, %dma_start3A_144] : memref<10000x128xf32, #tpu.memory_space<vmem_shared>> -> memref<632x128xf32, #tpu.memory_space<vmem_shared>>
        tpu.enqueue_dma source(%dma_start3A_145 : memref<632x128xf32, #tpu.memory_space<vmem_shared>>) target(%dma_start3A_143 : memref<632x128xf32, #tpu.memory_space<hbm>>) target_semaphore(%run_scoped3A : memref<!tpu.dma_semaphore, #tpu.memory_space<semaphore_mem>>)
        %dma_wait3A_146 = arith.constant 0 : i32
        %dma_wait3A_147 = tpu.memref_slice %arg8[%mul3A_18, %dma_wait3A_146] : memref<10000x128xf32, #tpu.memory_space<hbm>> -> memref<632x128xf32, #tpu.memory_space<hbm>>
        %dma_wait3A_148 = arith.constant 0 : i32
        %dma_wait3A_149 = tpu.memref_slice %arg16[%mul3A_18, %dma_wait3A_148] : memref<10000x128xf32, #tpu.memory_space<vmem_shared>> -> memref<632x128xf32, #tpu.memory_space<vmem_shared>>
        tpu.wait_dma2 semaphore(%run_scoped3A : memref<!tpu.dma_semaphore, #tpu.memory_space<semaphore_mem>>) src(%dma_wait3A_149 : memref<632x128xf32, #tpu.memory_space<vmem_shared>>) dst(%dma_wait3A_147 : memref<632x128xf32, #tpu.memory_space<hbm>>)
        tpu.yield
      }) : () -> ()
    } else {
    }
    return
  }
}

module attributes {stable_mosaic.version = 14 : i64} {
  func.func @_tables_body(%arg0: i32, %arg1: memref<1000x128xf32, #tpu.memory_space<vmem>>, %arg2: memref<1000x3xf32, #tpu.memory_space<vmem>>, %arg3: memref<128x128xf32, #tpu.memory_space<vmem>>, %arg4: memref<128x128xf32, #tpu.memory_space<vmem>>, %arg5: memref<128x128xf32, #tpu.memory_space<vmem>>, %arg6: memref<3x128xf32, #tpu.memory_space<vmem>>, %arg7: memref<1x128xf32, #tpu.memory_space<vmem>>, %arg8: memref<1000x256xf32, #tpu.memory_space<vmem>>, %arg9: memref<1000x256xf32, #tpu.memory_space<vmem>>) attributes {dimension_semantics = [#tpu.dimension_semantics<arbitrary>], iteration_bounds = array<i64: 10>, scalar_prefetch = 0 : i64, scratch_operands = 0 : i64, tpu.core_type = #tpu.core_type<tc>, window_params = [{transform_indices = @transform_0, window_bounds = array<i64: 1000, 128>}, {transform_indices = @transform_1, window_bounds = array<i64: 1000, 3>}, {pipeline_mode = #tpu.pipeline_mode<synchronous>, transform_indices = @transform_2, window_bounds = array<i64: 128, 128>}, {pipeline_mode = #tpu.pipeline_mode<synchronous>, transform_indices = @transform_3, window_bounds = array<i64: 128, 128>}, {pipeline_mode = #tpu.pipeline_mode<synchronous>, transform_indices = @transform_4, window_bounds = array<i64: 128, 128>}, {pipeline_mode = #tpu.pipeline_mode<synchronous>, transform_indices = @transform_5, window_bounds = array<i64: 3, 128>}, {pipeline_mode = #tpu.pipeline_mode<synchronous>, transform_indices = @transform_6, window_bounds = array<i64: 1, 128>}, {transform_indices = @transform_7, window_bounds = array<i64: 1000, 256>}, {transform_indices = @transform_8, window_bounds = array<i64: 1000, 256>}]} {
    %get3A = arith.constant 0 : index
    %get3A_0 = arith.constant 0 : index
    %get3A_1 = vector.load %arg1[%get3A, %get3A_0] : memref<1000x128xf32, #tpu.memory_space<vmem>>, vector<1000x128xf32>
    %get3A_2 = arith.constant 0 : index
    %get3A_3 = arith.constant 0 : index
    %get3A_4 = vector.load %arg2[%get3A_2, %get3A_3] : memref<1000x3xf32, #tpu.memory_space<vmem>>, vector<1000x3xf32>
    %get3A_5 = arith.constant 0 : index
    %get3A_6 = arith.constant 0 : index
    %get3A_7 = vector.load %arg6[%get3A_5, %get3A_6] : memref<3x128xf32, #tpu.memory_space<vmem>>, vector<3x128xf32>
    %dot_general3A = arith.constant dense<0.000000e+00> : vector<1000x128xf32>
    %dot_general3A_8 = tpu.matmul %get3A_4, %get3A_7, %dot_general3A {dimension_numbers = #tpu.dot_dimension_numbers<[1], [0], [0], [1], [0, 0, 1, 1], [], []>, transpose_lhs_hint = false} : vector<1000x3xf32>, vector<3x128xf32>, vector<1000x128xf32> -> vector<1000x128xf32>
    %get3A_9 = arith.constant 0 : index
    %get3A_10 = arith.constant 0 : index
    %get3A_11 = vector.load %arg7[%get3A_9, %get3A_10] : memref<1x128xf32, #tpu.memory_space<vmem>>, vector<1x128xf32>
    %get3A_12 = arith.constant 0 : index
    %get3A_13 = arith.constant 0 : index
    %get3A_14 = vector.load %arg3[%get3A_12, %get3A_13] : memref<128x128xf32, #tpu.memory_space<vmem>>, vector<128x128xf32>
    %dot_general3A_15 = arith.constant dense<0.000000e+00> : vector<1000x128xf32>
    %dot_general3A_16 = tpu.matmul %get3A_1, %get3A_14, %dot_general3A_15 {dimension_numbers = #tpu.dot_dimension_numbers<[1], [0], [0], [1], [0, 0, 1, 1], [], []>, transpose_lhs_hint = false} : vector<1000x128xf32>, vector<128x128xf32>, vector<1000x128xf32> -> vector<1000x128xf32>
    %add3A = arith.addf %dot_general3A_16, %dot_general3A_8 : vector<1000x128xf32>
    %add3A_17 = vector.broadcast %get3A_11 : vector<1x128xf32> to vector<1000x128xf32>
    %add3A_18 = arith.addf %add3A, %add3A_17 : vector<1000x128xf32>
    %get3A_19 = arith.constant 0 : index
    %get3A_20 = arith.constant 0 : index
    %get3A_21 = vector.load %arg4[%get3A_19, %get3A_20] : memref<128x128xf32, #tpu.memory_space<vmem>>, vector<128x128xf32>
    %dot_general3A_22 = arith.constant dense<0.000000e+00> : vector<1000x128xf32>
    %dot_general3A_23 = tpu.matmul %get3A_1, %get3A_21, %dot_general3A_22 {dimension_numbers = #tpu.dot_dimension_numbers<[1], [0], [0], [1], [0, 0, 1, 1], [], []>, transpose_lhs_hint = false} : vector<1000x128xf32>, vector<128x128xf32>, vector<1000x128xf32> -> vector<1000x128xf32>
    %add3A_24 = arith.addf %dot_general3A_23, %dot_general3A_8 : vector<1000x128xf32>
    %get3A_25 = arith.constant 0 : index
    %get3A_26 = arith.constant 0 : index
    %get3A_27 = vector.load %arg5[%get3A_25, %get3A_26] : memref<128x128xf32, #tpu.memory_space<vmem>>, vector<128x128xf32>
    %dot_general3A_28 = arith.constant dense<0.000000e+00> : vector<1000x128xf32>
    %dot_general3A_29 = tpu.matmul %get3A_1, %get3A_27, %dot_general3A_28 {dimension_numbers = #tpu.dot_dimension_numbers<[1], [0], [0], [1], [0, 0, 1, 1], [], []>, transpose_lhs_hint = false} : vector<1000x128xf32>, vector<128x128xf32>, vector<1000x128xf32> -> vector<1000x128xf32>
    %sub3A = arith.subf %dot_general3A_29, %dot_general3A_8 : vector<1000x128xf32>
    %add3A_30 = vector.broadcast %get3A_11 : vector<1x128xf32> to vector<1000x128xf32>
    %add3A_31 = arith.addf %dot_general3A_8, %add3A_30 : vector<1000x128xf32>
    %concatenate3A = tpu.concatenate %add3A_18, %add3A_31 in 1 : vector<1000x128xf32>, vector<1000x128xf32> -> vector<1000x256xf32>
    %swap3A = arith.constant 0 : index
    %swap3A_32 = arith.constant 0 : index
    %swap3A_33 = vector.load %arg8[%swap3A, %swap3A_32] : memref<1000x256xf32, #tpu.memory_space<vmem>>, vector<1000x256xf32>
    tpu.vector_store %arg8[%swap3A, %swap3A_32], %concatenate3A {strides = array<i32>} : memref<1000x256xf32, #tpu.memory_space<vmem>>, vector<1000x256xf32>,
    %concatenate3A_34 = tpu.concatenate %add3A_24, %sub3A in 1 : vector<1000x128xf32>, vector<1000x128xf32> -> vector<1000x256xf32>
    %swap3A_35 = arith.constant 0 : index
    %swap3A_36 = arith.constant 0 : index
    %swap3A_37 = vector.load %arg9[%swap3A_35, %swap3A_36] : memref<1000x256xf32, #tpu.memory_space<vmem>>, vector<1000x256xf32>
    tpu.vector_store %arg9[%swap3A_35, %swap3A_36], %concatenate3A_34 {strides = array<i32>} : memref<1000x256xf32, #tpu.memory_space<vmem>>, vector<1000x256xf32>,
    return
  }
  func.func @transform_0(%arg0: i32) -> (i32, i32) {
    %c0_i32 = arith.constant 0 : i32
    %c0_i32_0 = arith.constant 0 : i32
    return %arg0, %c0_i32 : i32, i32
  }
  func.func @transform_1(%arg0: i32) -> (i32, i32) {
    %c0_i32 = arith.constant 0 : i32
    %c0_i32_0 = arith.constant 0 : i32
    return %arg0, %c0_i32 : i32, i32
  }
  func.func @transform_2(%arg0: i32) -> (i32, i32) {
    %c0_i32 = arith.constant 0 : i32
    %c0_i32_0 = arith.constant 0 : i32
    %c0_i32_1 = arith.constant 0 : i32
    return %c0_i32, %c0_i32_0 : i32, i32
  }
  func.func @transform_3(%arg0: i32) -> (i32, i32) {
    %c0_i32 = arith.constant 0 : i32
    %c0_i32_0 = arith.constant 0 : i32
    %c0_i32_1 = arith.constant 0 : i32
    return %c0_i32, %c0_i32_0 : i32, i32
  }
  func.func @transform_4(%arg0: i32) -> (i32, i32) {
    %c0_i32 = arith.constant 0 : i32
    %c0_i32_0 = arith.constant 0 : i32
    %c0_i32_1 = arith.constant 0 : i32
    return %c0_i32, %c0_i32_0 : i32, i32
  }
  func.func @transform_5(%arg0: i32) -> (i32, i32) {
    %c0_i32 = arith.constant 0 : i32
    %c0_i32_0 = arith.constant 0 : i32
    %c0_i32_1 = arith.constant 0 : i32
    return %c0_i32, %c0_i32_0 : i32, i32
  }
  func.func @transform_6(%arg0: i32) -> (i32, i32) {
    %c0_i32 = arith.constant 0 : i32
    %c0_i32_0 = arith.constant 0 : i32
    %c0_i32_1 = arith.constant 0 : i32
    return %c0_i32, %c0_i32_0 : i32, i32
  }
  func.func @transform_7(%arg0: i32) -> (i32, i32) {
    %c0_i32 = arith.constant 0 : i32
    %c0_i32_0 = arith.constant 0 : i32
    return %arg0, %c0_i32 : i32, i32
  }
  func.func @transform_8(%arg0: i32) -> (i32, i32) {
    %c0_i32 = arith.constant 0 : i32
    %c0_i32_0 = arith.constant 0 : i32
    return %arg0, %c0_i32 : i32, i32
  }
}

module attributes {stable_mosaic.version = 14 : i64} {
  func.func @_mlp_body(%arg0: i32, %arg1: memref<2000x128xf32, #tpu.memory_space<vmem>>, %arg2: memref<128x128xf32, #tpu.memory_space<vmem>>, %arg3: memref<1x128xf32, #tpu.memory_space<vmem>>, %arg4: memref<128x128xf32, #tpu.memory_space<vmem>>, %arg5: memref<1x128xf32, #tpu.memory_space<vmem>>, %arg6: memref<2000x128xf32, #tpu.memory_space<vmem>>, %arg7: memref<1x1x128xf32, #tpu.memory_space<vmem>>) attributes {dimension_semantics = [#tpu.dimension_semantics<arbitrary>], iteration_bounds = array<i64: 160>, scalar_prefetch = 0 : i64, scratch_operands = 0 : i64, tpu.core_type = #tpu.core_type<tc>, window_params = [{transform_indices = @transform_0, window_bounds = array<i64: 2000, 128>}, {pipeline_mode = #tpu.pipeline_mode<synchronous>, transform_indices = @transform_1, window_bounds = array<i64: 128, 128>}, {pipeline_mode = #tpu.pipeline_mode<synchronous>, transform_indices = @transform_2, window_bounds = array<i64: 1, 128>}, {pipeline_mode = #tpu.pipeline_mode<synchronous>, transform_indices = @transform_3, window_bounds = array<i64: 128, 128>}, {pipeline_mode = #tpu.pipeline_mode<synchronous>, transform_indices = @transform_4, window_bounds = array<i64: 1, 128>}, {transform_indices = @transform_5, window_bounds = array<i64: 2000, 128>}, {transform_indices = @transform_6, window_bounds = array<i64: 1, 1, 128>}]} {
    %get3A = arith.constant 0 : index
    %get3A_0 = arith.constant 0 : index
    %get3A_1 = vector.load %arg1[%get3A, %get3A_0] : memref<2000x128xf32, #tpu.memory_space<vmem>>, vector<2000x128xf32>
    %get3A_2 = arith.constant 0 : index
    %get3A_3 = arith.constant 0 : index
    %get3A_4 = vector.load %arg2[%get3A_2, %get3A_3] : memref<128x128xf32, #tpu.memory_space<vmem>>, vector<128x128xf32>
    %dot_general3A = arith.constant dense<0.000000e+00> : vector<2000x128xf32>
    %dot_general3A_5 = tpu.matmul %get3A_1, %get3A_4, %dot_general3A {dimension_numbers = #tpu.dot_dimension_numbers<[1], [0], [0], [1], [0, 0, 1, 1], [], []>, transpose_lhs_hint = false} : vector<2000x128xf32>, vector<128x128xf32>, vector<2000x128xf32> -> vector<2000x128xf32>
    %get3A_6 = arith.constant 0 : index
    %get3A_7 = arith.constant 0 : index
    %get3A_8 = vector.load %arg3[%get3A_6, %get3A_7] : memref<1x128xf32, #tpu.memory_space<vmem>>, vector<1x128xf32>
    %add3A = vector.broadcast %get3A_8 : vector<1x128xf32> to vector<2000x128xf32>
    %add3A_9 = arith.addf %dot_general3A_5, %add3A : vector<2000x128xf32>
    %max3A = arith.constant 0.000000e+00 : f32
    %max3A_10 = vector.broadcast %max3A : f32 to vector<2000x128xf32>
    %max3A_11 = arith.maximumf %add3A_9, %max3A_10 : vector<2000x128xf32>
    %get3A_12 = arith.constant 0 : index
    %get3A_13 = arith.constant 0 : index
    %get3A_14 = vector.load %arg4[%get3A_12, %get3A_13] : memref<128x128xf32, #tpu.memory_space<vmem>>, vector<128x128xf32>
    %dot_general3A_15 = arith.constant dense<0.000000e+00> : vector<2000x128xf32>
    %dot_general3A_16 = tpu.matmul %max3A_11, %get3A_14, %dot_general3A_15 {dimension_numbers = #tpu.dot_dimension_numbers<[1], [0], [0], [1], [0, 0, 1, 1], [], []>, transpose_lhs_hint = false} : vector<2000x128xf32>, vector<128x128xf32>, vector<2000x128xf32> -> vector<2000x128xf32>
    %get3A_17 = arith.constant 0 : index
    %get3A_18 = arith.constant 0 : index
    %get3A_19 = vector.load %arg5[%get3A_17, %get3A_18] : memref<1x128xf32, #tpu.memory_space<vmem>>, vector<1x128xf32>
    %add3A_20 = vector.broadcast %get3A_19 : vector<1x128xf32> to vector<2000x128xf32>
    %add3A_21 = arith.addf %dot_general3A_16, %add3A_20 : vector<2000x128xf32>
    %swap3A = arith.constant 0 : index
    %swap3A_22 = arith.constant 0 : index
    %swap3A_23 = vector.load %arg6[%swap3A, %swap3A_22] : memref<2000x128xf32, #tpu.memory_space<vmem>>, vector<2000x128xf32>
    tpu.vector_store %arg6[%swap3A, %swap3A_22], %add3A_21 {strides = array<i32>} : memref<2000x128xf32, #tpu.memory_space<vmem>>, vector<2000x128xf32>,
    %reduce_max3A = arith.constant dense<0xFF800000> : vector<128xf32>
    %reduce_max3A_24 = vector.multi_reduction <maximumf>, %add3A_21, %reduce_max3A [0] : vector<2000x128xf32> to vector<128xf32>
    %broadcast_in_dim3A = vector.shape_cast %reduce_max3A_24 : vector<128xf32> to vector<1x128xf32>
    %broadcast_in_dim3A_25 = vector.shape_cast %broadcast_in_dim3A : vector<1x128xf32> to vector<1x1x128xf32>
    %swap3A_26 = arith.constant 0 : index
    %swap3A_27 = arith.constant 0 : index
    %swap3A_28 = arith.constant 0 : index
    %swap3A_29 = vector.load %arg7[%swap3A_26, %swap3A_27, %swap3A_28] : memref<1x1x128xf32, #tpu.memory_space<vmem>>, vector<1x1x128xf32>
    tpu.vector_store %arg7[%swap3A_26, %swap3A_27, %swap3A_28], %broadcast_in_dim3A_25 {strides = array<i32>} : memref<1x1x128xf32, #tpu.memory_space<vmem>>, vector<1x1x128xf32>,
    return
  }
  func.func @transform_0(%arg0: i32) -> (i32, i32) {
    %c0_i32 = arith.constant 0 : i32
    %c0_i32_0 = arith.constant 0 : i32
    return %arg0, %c0_i32 : i32, i32
  }
  func.func @transform_1(%arg0: i32) -> (i32, i32) {
    %c0_i32 = arith.constant 0 : i32
    %c0_i32_0 = arith.constant 0 : i32
    %c0_i32_1 = arith.constant 0 : i32
    return %c0_i32, %c0_i32_0 : i32, i32
  }
  func.func @transform_2(%arg0: i32) -> (i32, i32) {
    %c0_i32 = arith.constant 0 : i32
    %c0_i32_0 = arith.constant 0 : i32
    %c0_i32_1 = arith.constant 0 : i32
    return %c0_i32, %c0_i32_0 : i32, i32
  }
  func.func @transform_3(%arg0: i32) -> (i32, i32) {
    %c0_i32 = arith.constant 0 : i32
    %c0_i32_0 = arith.constant 0 : i32
    %c0_i32_1 = arith.constant 0 : i32
    return %c0_i32, %c0_i32_0 : i32, i32
  }
  func.func @transform_4(%arg0: i32) -> (i32, i32) {
    %c0_i32 = arith.constant 0 : i32
    %c0_i32_0 = arith.constant 0 : i32
    %c0_i32_1 = arith.constant 0 : i32
    return %c0_i32, %c0_i32_0 : i32, i32
  }
  func.func @transform_5(%arg0: i32) -> (i32, i32) {
    %c0_i32 = arith.constant 0 : i32
    %c0_i32_0 = arith.constant 0 : i32
    return %arg0, %c0_i32 : i32, i32
  }
  func.func @transform_6(%arg0: i32) -> (i32, i32, i32) {
    %c0_i32 = arith.constant 0 : i32
    %c0_i32_0 = arith.constant 0 : i32
    %c0_i32_1 = arith.constant 0 : i32
    return %arg0, %c0_i32, %c0_i32_0 : i32, i32, i32
  }
}

module attributes {stable_mosaic.version = 14 : i64} {
  func.func @_div_body(%arg0: i32, %arg1: memref<1000x128xf32, #tpu.memory_space<vmem>>, %arg2: memref<1000x128xf32, #tpu.memory_space<vmem>>, %arg3: memref<1000x128xf32, #tpu.memory_space<vmem>>) attributes {dimension_semantics = [#tpu.dimension_semantics<arbitrary>], iteration_bounds = array<i64: 10>, scalar_prefetch = 0 : i64, scratch_operands = 0 : i64, tpu.core_type = #tpu.core_type<tc>, window_params = [{transform_indices = @transform_0, window_bounds = array<i64: 1000, 128>}, {transform_indices = @transform_1, window_bounds = array<i64: 1000, 128>}, {transform_indices = @transform_2, window_bounds = array<i64: 1000, 128>}]} {
    %get3A = arith.constant 0 : index
    %get3A_0 = arith.constant 0 : index
    %get3A_1 = vector.load %arg1[%get3A, %get3A_0] : memref<1000x128xf32, #tpu.memory_space<vmem>>, vector<1000x128xf32>
    %get3A_2 = arith.constant 0 : index
    %get3A_3 = arith.constant 0 : index
    %get3A_4 = vector.load %arg2[%get3A_2, %get3A_3] : memref<1000x128xf32, #tpu.memory_space<vmem>>, vector<1000x128xf32>
    %add3A = arith.constant 9.99999996E-13 : f32
    %add3A_5 = vector.broadcast %add3A : f32 to vector<1000x128xf32>
    %add3A_6 = arith.addf %get3A_4, %add3A_5 : vector<1000x128xf32>
    %div3A = arith.divf %get3A_1, %add3A_6 : vector<1000x128xf32>
    %swap3A = arith.constant 0 : index
    %swap3A_7 = arith.constant 0 : index
    %swap3A_8 = vector.load %arg3[%swap3A, %swap3A_7] : memref<1000x128xf32, #tpu.memory_space<vmem>>, vector<1000x128xf32>
    tpu.vector_store %arg3[%swap3A, %swap3A_7], %div3A {strides = array<i32>} : memref<1000x128xf32, #tpu.memory_space<vmem>>, vector<1000x128xf32>,
    return
  }
  func.func @transform_0(%arg0: i32) -> (i32, i32) {
    %c0_i32 = arith.constant 0 : i32
    %c0_i32_0 = arith.constant 0 : i32
    return %arg0, %c0_i32 : i32, i32
  }
  func.func @transform_1(%arg0: i32) -> (i32, i32) {
    %c0_i32 = arith.constant 0 : i32
    %c0_i32_0 = arith.constant 0 : i32
    return %arg0, %c0_i32 : i32, i32
  }
  func.func @transform_2(%arg0: i32) -> (i32, i32) {
    %c0_i32 = arith.constant 0 : i32
    %c0_i32_0 = arith.constant 0 : i32
    return %arg0, %c0_i32 : i32, i32
  }
}

</mosaic_0001>

<sc_bundles>
// kernel: kernel.10.cloned.1.call-start
scs
__scs_entry_jumppad:
0x0: {  	(pc) =	sbr.rel $0x88, $3  }
0x1: {  	(tag) =	ssettag $0x0;
	lr =	simm.s32 $0x1  }
0x2: {  	[smem:$0x3F95] =	sst lr;
	_ =	strace $0xD0000000  }
0x3: {  	_ = 	snop  }
0x4: {  	_ = 	snop  }
0x5: {  	_ = 	snop  }
0x6: {  	_ = 	snop  }
0x7: {  	_ = 	snop  }
__scs_overlays_trampoline_lowered:
0x8: {  	[smem:$0x3FA4] =	sst s0  }
0x9: {  	[smem:$0x3FA5] =	sst s1  }
0xa: {  	[smem:$0x3FA6] =	sst s2  }
0xb: {  	[smem:$0x3FA7] =	sst s3  }
0xc: {  	[smem:$0x3FA8] =	sst s4  }
0xd: {  	[smem:$0x3FA9] =	sst s5  }
0xe: {  	[smem:$0x3FAA] =	sst s6  }
0xf: {  	[smem:$0x3FAB] =	sst s7  }
0x10: {  	[smem:$0x3FAC] =	sst s8  }
0x11: {  	[smem:$0x3FAD] =	sst s9;
	s0 =	simm.s32 @!p0 $0x0  }
0x12: {  	s1 =	sld [smem:$0x3F93];
	s0 =	simm.s32 @p0 $0x1  }
0x13: {  	[smem:$0x3FAE] =	sst s0;
	s0 =	simm.s32 @!p1 $0x0  }
0x14: {  	s2 =	sld [smem:$0x3F92];
	s0 =	simm.s32 @p1 $0x1  }
0x15: {  	[smem:$0x3FAF] =	sst s0;
	s0 =	simm.s32 @!p2 $0x0  }
0x16: {  	s3 =	sld [smem:$0x3FDB];
	s0 =	simm.s32 @p2 $0x1  }
0x17: {  	s4 =	simm.s32 $0x1BF5;
	[smem:$0x3FB1] =	sst s0  }
0x18: {  	s0 =	sld [smem:$0x3F94];
	_ =	swait.ge [sflag:s4], $0x0  }
0x19: {  	s7 =	sld [smem:$0x3F95]  }
0x1a: {  	s8 =	sadd.s32 $0xFFFFE003, lr  }
0x1b: {  	s9 =	sadd.s32 $0xFFFFFEF7, lr;
	s5 =	simm.s32 $0xFFFFFFFF;
	p2 =	slt.u32 s8, $0xFFFFF086  }
0x1c: {  	p1 =	slt.u32 s9, $0xF7A;
	s5 =	simm.s32 @!p2 $0x0  }
0x1d: {  	s5 =	simm.s32 @p1 $0x1;
	p0 =	seq.s32 s7, s2  }
0x1e: {  	s7 =	smul.u32 @!p0 $0xF7A, s2;
	p2 =	seq.s32 @!p0 s5, $0x0  }
0x1f: {  	s9 =	smul.u32 $0xF7A, s1;
	s8 =	simm.s32 @!p0 $0x1BF5;
	p2 =	por !p2, p0  }
0x20: {  	[sflag:s8] =	ssyncset.s32 @!p0 $0xFFFFF086;
	s6 =	sadd.s32 @!p0 s3, s7;
	s7 =	simm.s32 @!p0 $0x108  }
0x21: {  	s3 =	sadd.s32 s3, s9;
	s6 =	sadd.s32 @!p0 $0x88, s6;
	s7 =	simm.s32 @p2 $0x1082  }
0x22: {  	[simem:s7], [sflag:s8] =	dma.local @!p0 [hbm:s6], $0xF7A  }
0x23: {  	s9 =	sor.u32 $0xD0000000, s2;
	s6 =	simm.s32 $0x108;
	_ =	swait.ge @!p0 [sflag:s8], $0x0  }
0x24: {  	s3 =	sadd.s32 $0x88, s3;
	s6 =	simm.s32 @!p1 $0x1082;
	[sflag:s4] =	ssyncset.s32 $0xFFFFF086  }
0x25: {  	[simem:s6], [sflag:s4] =	dma.local [hbm:s3], $0xF7A  }
0x26: {  	[smem:$0x3F95] =	sst s1;
	(tag) =	ssettag s2;
	_ =	strace s9  }
0x27: {  	s1 =	sld [smem:$0x3FA5]  }
0x28: {  	s2 =	sld [smem:$0x3FA6]  }
0x29: {  	s4 =	sld [smem:$0x3FA8]  }
0x2a: {  	p0 =	seq.s32 s5, $0x0;
	s5 =	sld [smem:$0x3FA9]  }
0x2b: {  	s6 =	sld [smem:$0x3FAA]  }
0x2c: {  	s7 =	sld [smem:$0x3FAB]  }
0x2d: {  	s3 =	simm.s32 $0x108;
	s8 =	sld [smem:$0x3FAC]  }
0x2e: {  	s3 =	simm.s32 @!p0 $0x1082;
	s9 =	sld [smem:$0x3FAD]  }
0x2f: {  	lr =	sadd.s32 s0, s3;
	s0 =	sld [smem:$0x3FA4]  }
0x30: {  	s3 =	sld [smem:$0x3FA7]  }
0x31: {  	[smem:$0x3FB0] =	sst s10  }
0x32: {  	s10 =	sld [smem:$0x3FAE];
	_ =	sdelay $0x3  }
0x33: {  	p0 =	seq.s32 s10, $0x1;
	s10 =	sld [smem:$0x3FB0];
	_ =	sdelay $0x3  }
0x34: {  	[smem:$0x3FB0] =	sst s10  }
0x35: {  	s10 =	sld [smem:$0x3FAF];
	_ =	sdelay $0x3  }
0x36: {  	p1 =	seq.s32 s10, $0x1;
	s10 =	sld [smem:$0x3FB0];
	_ =	sdelay $0x3  }
0x37: {  	[smem:$0x3FB0] =	sst s10  }
0x38: {  	s10 =	sld [smem:$0x3FB1]  }
0x39: {  	_ = 	snop;
	(pc) =	sbr.ind lr, $3  }
0x3a: {  	_ = 	snop  }
0x3b: {  	_ = 	snop  }
0x3c: {  	p2 =	seq.s32 s10, $0x1;
	s10 =	sld [smem:$0x3FB0]  }
0x3d: {  	_ =	shalt  }
0x3e: {  	_ =	shalt  }
0x3f: {  	_ =	shalt  }
0x40: {  	_ =	shalt  }
0x41: {  	_ =	shalt  }
0x42: {  	_ =	shalt  }
0x43: {  	_ =	shalt  }
0x44: {  	_ =	shalt  }
0x45: {  	_ =	shalt  }
0x46: {  	_ =	shalt  }
0x47: {  	_ =	shalt  }
0x48: {  	_ =	shalt  }
0x49: {  	_ =	shalt  }
0x4a: {  	_ =	shalt  }
0x4b: {  	_ =	shalt  }
0x4c: {  	_ =	shalt  }
0x4d: {  	_ =	shalt  }
0x4e: {  	_ =	shalt  }
0x4f: {  	_ =	shalt  }
0x50: {  	_ =	shalt  }
0x51: {  	_ =	shalt  }
0x52: {  	_ =	shalt  }
0x53: {  	_ =	shalt  }
0x54: {  	_ =	shalt  }
0x55: {  	_ =	shalt  }
0x56: {  	_ =	shalt  }
0x57: {  	_ =	shalt  }
0x58: {  	_ =	shalt  }
0x59: {  	_ =	shalt  }
0x5a: {  	_ =	shalt  }
0x5b: {  	_ =	shalt  }
0x5c: {  	_ =	shalt  }
0x5d: {  	_ =	shalt  }
0x5e: {  	_ =	shalt  }
0x5f: {  	_ =	shalt  }
0x60: {  	_ =	shalt  }
0x61: {  	_ =	shalt  }
0x62: {  	_ =	shalt  }
0x63: {  	_ =	shalt  }
0x64: {  	_ =	shalt  }
0x65: {  	_ =	shalt  }
0x66: {  	_ =	shalt  }
0x67: {  	_ =	shalt  }
0x68: {  	_ =	shalt  }
0x69: {  	_ =	shalt  }
0x6a: {  	_ =	shalt  }
0x6b: {  	_ =	shalt  }
0x6c: {  	_ =	shalt  }
0x6d: {  	_ =	shalt  }
0x6e: {  	_ =	shalt  }
0x6f: {  	_ =	shalt  }
0x70: {  	_ =	shalt  }
0x71: {  	_ =	shalt  }
0x72: {  	_ =	shalt  }
0x73: {  	_ =	shalt  }
0x74: {  	_ =	shalt  }
0x75: {  	_ =	shalt  }
0x76: {  	_ =	shalt  }
0x77: {  	_ =	shalt  }
0x78: {  	_ =	shalt  }
0x79: {  	_ =	shalt  }
0x7a: {  	_ =	shalt  }
0x7b: {  	_ =	shalt  }
0x7c: {  	_ =	shalt  }
0x7d: {  	_ =	shalt  }
0x7e: {  	_ =	shalt  }
0x7f: {  	_ =	shalt  }
0x80: {  	_ =	shalt  }
0x81: {  	_ =	shalt  }
0x82: {  	_ =	shalt  }
0x83: {  	_ =	shalt  }
0x84: {  	_ =	shalt  }
0x85: {  	_ =	shalt  }
0x86: {  	_ =	shalt  }
0x87: {  	_ =	shalt  }
.Lfunc_end0:
.L_simem_size_0:
called_computation.1_lowered:
.L_overlay_start_0:
0x88: {  	s2 =	sld [smem:$0x3FD9]  }
0x89: {  	s3 =	sld [smem:$0x3FFE];
	_ =	sdelay $0x1  }
0x8a: {  	s1 =	srdreg.scid  }
0x8b: {  	s0 =	sand.u32 $0x1, s1  }
0x8c: {  	s17 =	sshll.u32 s0, $0xA;
	s2 =	sadd.s32 s3, s2  }
0x8d: {  	s2 =	sadd.s32 s2, s17  }
0x8e: {  	[smem:$0x3FBC] =	sst s2  }
0x8f: {  	_ = 	snop  }
0x90: {  	s2 =	sld [smem:$0x3FD0];
	(tm) =	ssettm $0x1  }
0x91: {  	s18 =	sld [smem:$0x3FFB];
	_ =	sdelay $0x3  }
0x92: {  	_ =	strace s18  }
0x93: {  	s3 =	sld [smem:$0x3FFC];
	_ =	sdelay $0x3  }
0x94: {  	_ =	strace s3  }
0x95: {  	s3 =	sld [smem:$0x3FFD];
	_ =	sdelay $0x3  }
0x96: {  	_ =	strace s3  }
0x97: {  	_ =	strace $0x8FFFFFFF  }
0x98: {  	s19 =	sld [smem:$0x3FDB];
	_ =	sdelay $0x1  }
0x99: {  	s4 =	simm.s32 $_scs_section_size  }
0x9a: {  	s5 =	simm.s32 $_size__tile_overlayer_lowered;
	s6 =	simm.s32 $_tile_overlayer_lowered  }
0x9b: {  	s22 =	simm.s32 $0x1BFF;
	s21 =	sshll.u32 s6, $0x1;
	s3 =	sadd.s32 s4, s19  }
0x9c: {  	s7 =	simm.s32 $0x0;
	s20 =	sshll.u32 s5, $0x1;
	s5 =	sadd.s32 s21, s3  }
0x9d: {  	[timem:s7], [sflag:s22] =	dma.local [hbm:s5], s20  }
0x9e: {  	_ =	swait.ge [sflag:s22], s20  }
0x9f: {  	s4 =	ssub.s32 $0x0, s20;
	[sflag:s22] =	ssyncset.done $0x0  }
0xa0: {  	[sflag:s22] =	ssyncadd.s32 s4;
	_ =	sdelay $0x1  }
0xa1: {  	s23 =	simm.s32 $0x1B8B  }
0xa2: {  	_ =	swait.ge [sflag:s23], $0x1  }
0xa3: {  	[sflag:s23] =	ssyncset.done $0x0  }
0xa4: {  	s25 =	simm.s32 $0x1B8E;
	s24 =	sld [smem:$0x3FFE];
	[sflag:s23] =	ssyncadd.s32 $0xFFFFFFFF  }
0xa5: {  	s26 =	simm.s32 $execute0_lowered;
	[smem:$0x3FD2] =	sst s25  }
0xa6: {  	s5 =	sshll.u32 s26, $0x1;
	_ =	strace $0x80000049;
	[dreg:$0x1] =	wrdreg $0xFFFFFFFF  }
0xa7: {  	s28 =	simm.s32 $_size_execute0_lowered;
	s3 =	sadd.s32 s3, s5;
	[dreg:$0x0] =	wrdreg $0x0  }
0xa8: {  	s5 =	sshll.u32 s28, $0x1;
	[dreg:$0x2] =	wrdreg s3  }
0xa9: {  	[dreg:$0x3] =	wrdreg s5  }
0xaa: {  	[dreg:$0x4] =	wrdreg $0xC0  }
0xab: {  	_ =	task [dreg:s7], $0x5FFFF  }
0xac: {  	[dreg:$0x1] =	wrdreg $0xFFFFFFFF  }
0xad: {  	[dreg:$0x0] =	wrdreg $0x60  }
0xae: {  	[dreg:$0x2] =	wrdreg s24  }
0xaf: {  	[dreg:$0x3] =	wrdreg s2  }
0xb0: {  	[dreg:$0x4] =	wrdreg $0xA1800  }
0xb1: {  	[dreg:$0x5] =	wrdreg $0x9  }
0xb2: {  	_ =	task.clear_ibuf [dreg:s7], $0x6FFFF;
	_ =	strace $0x90000049  }
0xb3: {  	s29 =	simm.s32 $0x9;
	_ =	strace $0x8000004B  }
0xb4: {  	_ =	swait.ge [sflag:s29], $0x1  }
0xb5: {  	[sflag:s29] =	ssyncadd.s32 $0xFFFFFFFF  }
0xb6: {  	_ =	strace $0x9000004B  }
0xb7: {  	_ =	sfence  }
0xb8: {  	s30 =	sld [smem:$0x0];
	_ =	sdelay $0x2  }
0xb9: {  	s31 =	sshll.u32 s1, $0xD;
	s1 =	sshrl.u32 s1, $0x2  }
0xba: {  	s3 =	sand.u32 $0x4000, s31;
	s1 =	sadd.s32 s1, s30  }
0xbb: {  	s0 =	sor.u32 s3, s0;
	s1 =	sshll.u32 s1, $0x11  }
0xbc: {  	s0 =	sor.u32 s1, s0  }
0xbd: {  	s0 =	sadd.s32 $0x8F2B, s0  }
0xbe: {  	[sflag:s0] =	ssyncadd.remote.s32 $0x1  }
0xbf: {  	_ =	sfence.sel $0xFFFF  }
0xc0: {  	[dreg:$0x0] =	wrdreg $0xFFFFFFFF;
	(pc) =	sbr.abs _section_cstart, $3  }
0xc1: {  	[dreg:$0x1] =	wrdreg $0xFFFFFFFF  }
0xc2: {  	_ =	task.clear_ibuf [dreg:s7], $0x2FFFF;
	_ =	strace $0x9FFFFFFF  }
0xc3: {  	(tm) =	ssettm $0x7FFFFFFF  }
tec
execute0_lowered:
.L_overlay_start_1:
0x0: {  	(tag) =	ssettag $0x1  }
0x1: {  	s0 =	rddreg [dreg:$0x0]  }
0x2: {  	s2 =	rddreg [dreg:$0x2];
	s3 =	simm.s32 $0x0;
	s1 =	srdreg.scid  }
0x3: {  	s11 =	stileid.u32;
	s28 =	simm.s32 $0x2900;
	s29 =	simm.s32 $0x1  }
0x4: {  	s30 =	simm.s32 $0x50;
	s31 =	simm.s32 $0x3;
	[smem:$0x7FF] =	sst s3  }
0x5: {  	s15 =	simm.s32 $0x0;
	s5 =	sadd.s32 $0xA6C400, s0;
	s6 =	sadd.s32 $0x58A400, s0  }
0x6: {  	s7 =	sadd.s32 $0x2200, s0;
	s1 =	sand.u32 $0x1, s1;
	s4 =	sadd.s32 $0xC000, s0  }
0x7: {  	s8 =	smul.u32 $0x271, s11;
	s9 =	sadd.s32 $0xC200, s0;
	s0 =	sadd.s32 $0xEA00, s0  }
0x8: {  	s20 =	smul.u32 $0x4E20, s11;
	_ =	strace $0x8000004A;
	[dreg:$0x4] =	wrdreg s4  }
0x9: {  	s10 =	sshll.u32 s11, $0x6;
	s11 =	smul.u32 $0x4E200, s11;
	[dreg:$0x5] =	wrdreg s9  }
0xa: {  	s16 =	ssub.s32 $0x2, s1;
	[dreg:$0x6] =	wrdreg s0;
	s12 =	sor.u32 $0x1C05, s10  }
0xb: {  	p0 =	seq.s32 s1, $0x0;
	s4 =	simm.s32 $0x4;
	s1 =	simm.s32 $0x7900  }
0xc: {  	s17 =	sshrl.u32 s16, $0x1;
	s18 =	sshrl.u32 s8, $0x3;
	s22 =	sshrl.u32 s20, $0x3  }
0xd: {  	s23 =	sadd.s32 s5, s11;
	s24 =	sadd.s32 $0x50, s20;
	s25 =	sadd.s32 s6, s11  }
0xe: {  	s19 =	sadd.s32 $0xA0, s20;
	s20 =	sadd.s32 $0xF0, s20;
	[dreg:$0x9] =	wrdreg s23  }
0xf: {  	s0 =	ssub.s32 s16, s17;
	s21 =	sshll.u32 s18, $0xA;
	[dreg:$0xa] =	wrdreg s25  }
0x10: {  	s26 =	sshrl.u32 s24, $0x3;
	s23 =	simm.s32 $0x5;
	s25 =	simm.s32 $0x100  }
.Ltmp0:
0x11: {  	s9 =	sadd.s32 s21, s2;
	s16 =	sadd.s32 s7, s26;
	(pc) =	sbr.rel .LBB2_1-.Ltmp0, $4  }
0x12: {  	s21 =	sshll.u32 s18, $0x7;
	[dreg:$0x7] =	wrdreg s9;
	s9 =	sadd.s32 s7, s22  }
0x13: {  	s26 =	simm.s32 $0x80;
	[dreg:$0x8] =	wrdreg s9;
	s9 =	sshll.u32 s24, $0x4  }
0x14: {  	s22 =	smax.u32 s0, $0x1;
	s17 =	sadd.s32 s5, s9;
	s9 =	sadd.s32 s6, s9  }
0x15: {  	s0 =	simm.s32 $0x2;
	s24 =	simm.s32 $0x5100;
	[dreg:$0xb] =	wrdreg s9  }
.LBB2_25:
0x16: {  	s8 =	simm.s32 $0x0  }
.LBB2_34:
0x17: {  	v15 =	vld [tilespmem:s8+$0x2970];
	v11 =	vmul.f32 $1.442695020e+00, v11;
	[tilespmem:s9+$0x7920] =	vst @p1 v12;
	v6 =	vmul.f32 @p1 v14, v6;
	v12 =	vpop @p1 (erf)  }
0x18: {  	v42 =	vmul.f32 $1.442695020e+00, v10;
	v1 =	vsub.f32 v1, v0;
	v8 =	vmul.f32 @p1 v12, v8;
	v12 =	vpop @p1 (erf)  }
0x19: {  	(erf) = vpow2.f32 v5;
	[tilespmem:s9+$0x7940] =	vst @p1 v6;
	v6 =	vmul.f32 @p1 v12, v7  }
0x1a: {  	[tilespmem:s9+$0x7930] =	vst @p1 v13;
	v2 =	vsub.f32 v2, v0;
	v7 =	vpop @p1 (erf);
	(erf) = vpow2.f32 v4;
	v1 =	vmul.f32 $1.442695020e+00, v1  }
0x1b: {  	v3 =	vsub.f32 v3, v0;
	[tilespmem:s9+$0x7950] =	vst @p1 v8;
	v4 =	vmul.f32 @p1 v7, v9;
	(erf) = vpow2.f32 v11  }
0x1c: {  	v2 =	vmul.f32 $1.442695020e+00, v2;
	[tilespmem:s9+$0x7960] =	vst @p1 v6;
	(erf) = vpow2.f32 v42;
	v43 =	vsub.f32 v15, v0  }
0x1d: {  	v3 =	vmul.f32 $1.442695020e+00, v3;
	[tilespmem:s9+$0x7970] =	vst @p1 v4;
	(erf) = vpow2.f32 v1  }
0x1e: {  	v44 =	vld [tilespmem:s8+$0x7900];
	(erf) = vpow2.f32 v2;
	v0 =	vmul.f32 $1.442695020e+00, v43  }
0x1f: {  	v45 =	vld [tilespmem:s8+$0x7910];
	(erf) = vpow2.f32 v3  }
0x20: {  	v46 =	vld [tilespmem:s8+$0x7920];
	(erf) = vpow2.f32 v0  }
0x21: {  	v47 =	vld [tilespmem:s8+$0x7930]  }
0x22: {  	v4 =	vld [tilespmem:s8+$0x7940];
	v48 =	vpop (erf)  }
0x23: {  	v49 =	vld [tilespmem:s8+$0x7950];
	v1 =	vmul.f32 v48, v44;
	v50 =	vpop (erf)  }
0x24: {  	v51 =	vld [tilespmem:s8+$0x7960];
	v2 =	vmul.f32 v50, v45;
	v52 =	vpop (erf)  }
0x25: {  	v54 =	vld [tilespmem:s8+$0x7970];
	[tilespmem:s8+$0x7900] =	vst v1;
	v53 =	vmul.f32 v52, v46;
	v55 =	vpop (erf)  }
0x26: {  	[tilespmem:s8+$0x7910] =	vst v2;
	v0 =	vmul.f32 v55, v47;
	v56 =	vpop (erf)  }
0x27: {  	[tilespmem:s8+$0x7920] =	vst v53;
	v57 =	vmul.f32 v56, v4;
	v58 =	vpop (erf)  }
0x28: {  	[tilespmem:s8+$0x7930] =	vst v0;
	v59 =	vmul.f32 v58, v49;
	v60 =	vpop (erf)  }
0x29: {  	[tilespmem:s8+$0x7940] =	vst v57;
	v61 =	vmul.f32 v60, v51;
	v62 =	vpop (erf)  }
0x2a: {  	[tilespmem:s8+$0x7950] =	vst v59;
	v63 =	vmul.f32 v62, v54  }
0x2b: {  	[tilespmem:s8+$0x7960] =	vst v61  }
0x2c: {  	s9 =	simm.s32 $0x7900;
	[tilespmem:s8+$0x7970] =	vst v63;
	s8 =	rddreg [dreg:$0x6]  }
.LBB2_35:
0x2d: {  	[spmem:s2] =	stream.indirect.scatter.add.f32 [tilespmem:s9], [sflag:$0x4], $0x80, s26, s30, $0xb8;
	[tilespmem:$0x1DA00] =	vst v63  }
0x2e: {  	_ =	swait.ge [sflag:s4], $0x2800  }
0x2f: {  	s15 =	sadd.s32 $0x1, s15;
	[sflag:s4] =	ssyncset.done $0x0  }
0x30: {  	p1 =	sne.s32 s15, s22;
	[sflag:s4] =	ssyncadd.s32 $0xFFFFD800  }
.Ltmp1:
0x31: {  	s8 =	sadd.s32 s8, s21;
	[bflag:$0x0] =	sbarrier.arrive $0xFFFF;
	(pc) =	sbr.rel @!p1 .LBB2_36-.Ltmp1, $4  }
0x32: {  	[hbm:s8], [sflag:s12] =	dma.local [spmem:s10], $0x2780  }
0x33: {  	_ =	swait.ge [sflag:s23], $0x2780  }
0x34: {  	[sflag:s23] =	ssyncset.done $0x0  }
0x35: {  	[sflag:s23] =	ssyncadd.s32 $0xFFFFD880  }
.LBB2_1:
0x36: {  	s8 =	rddreg [dreg:$0x7]  }
0x37: {  	s11 =	rddreg [dreg:$0x5];
	s10 =	sshrl.u32 s8, $0x3  }
0x38: {  	[spmem:s10], [sflag:s12] =	dma.local [hbm:s11], $0x2780  }
0x39: {  	_ =	swait.ge [sflag:s23], $0x2780  }
0x3a: {  	[sflag:s23] =	ssyncset.done $0x0  }
0x3b: {  	s9 =	simm.s32 $0xA100;
	s13 =	rddreg [dreg:$0x4];
	[sflag:s23] =	ssyncadd.s32 $0xFFFFD880  }
0x3c: {  	[tilespmem:s9], [sflag:$0x5] =	stream.linear.gather [hbm4b:s13+s3], $0x80, $0x38;
	[tilespmem:$0x1DA00] =	vst v63  }
0x3d: {  	_ =	swait.ge [sflag:s23], $0x80  }
0x3e: {  	[sflag:s23] =	ssyncset.done $0x0  }
0x3f: {  	[sflag:s23] =	ssyncadd.s32 $0xFFFFFF80  }
0x40: {  	[bflag:$0x0] =	sbarrier.arrive $0xFFFF  }
.Ltmp2:
0x41: {  	v0 =	vld [tilespmem:$0xA100];
	(pc) =	sbr.rel @!p0 .LBB2_2-.Ltmp2, $4  }
0x42: {  	s14 =	rddreg [dreg:$0x8]  }
0x43: {  	[tilespmem:s3], [sflag:$0x1] =	stream.linear.gather [hbm4b:s14+s3], $0x50, $0x38;
	[tilespmem:$0x1DA00] =	vst v63  }
0x44: {  	s8 =	simm.s32 $0x0;
	s18 =	rddreg [dreg:$0x9]  }
0x45: {  	[tilespmem:s25], [sflag:$0x1] =	stream.linear.gather [hbm4b:s18+s3], $0x2800, $0x38;
	[tilespmem:$0x1DA00] =	vst v63  }
0x46: {  	[tilespmem:s26], [sflag:$0x2] =	stream.linear.gather [hbm4b:s16+s8], $0x50, $0x38;
	[tilespmem:$0x1DA00] =	vst v63  }
0x47: {  	_ = 	snop  }
0x48: {  	[tilespmem:s28], [sflag:$0x2] =	stream.linear.gather [hbm4b:s17+s8], $0x2800, $0x38;
	[tilespmem:$0x1DA00] =	vst v63  }
0x49: {  	_ =	swait.ge [sflag:s29], $0x50  }
0x4a: {  	[sflag:s29] =	ssyncset.done $0x0  }
0x4b: {  	[sflag:s29] =	ssyncadd.s32 $0xFFFFFFB0  }
0x4c: {  	_ =	swait.ge [sflag:s29], $0x2800  }
0x4d: {  	[sflag:s29] =	ssyncset.done $0x0  }
0x4e: {  	s8 =	simm.s32 $0x0;
	[sflag:s29] =	ssyncadd.s32 $0xFFFFD800  }
0x4f: {  	v4 =	vld [tilespmem:s8+$0x100]  }
0x50: {  	v6 =	vld [tilespmem:s8+$0x110]  }
0x51: {  	v5 =	vld [tilespmem:s8+$0x120]  }
0x52: {  	v2 =	vld [tilespmem:s8+$0x130]  }
0x53: {  	v3 =	vld [tilespmem:s8+$0x140]  }
0x54: {  	v1 =	vld [tilespmem:s8+$0x150];
	v7 =	vsub.f32 v4, v0  }
0x55: {  	s9 =	simm.s32 $0x200;
	v6 =	vsub.f32 v6, v0;
	v4 =	vld [tilespmem:s8+$0x160]  }
.LBB2_8:
0x56: {  	p1 =	sne.s32 s9, $0x9E00;
	v7 =	vmul.f32 $1.442695020e+00, v7;
	v5 =	vsub.f32 v5, v0;
	v8 =	vld [tilespmem:s8+$0x170]  }
0x57: {  	v6 =	vmul.f32 $1.442695020e+00, v6;
	v2 =	vsub.f32 v2, v0  }
0x58: {  	v5 =	vmul.f32 $1.442695020e+00, v5;
	v3 =	vsub.f32 v3, v0;
	(erf) = vpow2.f32 v7  }
0x59: {  	v2 =	vmul.f32 $1.442695020e+00, v2;
	v1 =	vsub.f32 v1, v0;
	(erf) = vpow2.f32 v6  }
0x5a: {  	v3 =	vmul.f32 $1.442695020e+00, v3;
	v4 =	vsub.f32 v4, v0;
	(erf) = vpow2.f32 v5  }
0x5b: {  	v1 =	vmul.f32 $1.442695020e+00, v1;
	v5 =	vsub.f32 v8, v0;
	(erf) = vpow2.f32 v2  }
0x5c: {  	v2 =	vmul.f32 $1.442695020e+00, v4;
	(erf) = vpow2.f32 v3  }
0x5d: {  	v3 =	vmul.f32 $1.442695020e+00, v5;
	(erf) = vpow2.f32 v1  }
0x5e: {  	(erf) = vpow2.f32 v2  }
0x5f: {  	(erf) = vpow2.f32 v3;
	_ =	sdelay $0x1  }
0x60: {  	v1 =	vpop (erf)  }
0x61: {  	s11 =	sshra.s32 s9, $0x2;
	[tilespmem:s8+$0x100] =	vst v1;
	v1 =	vpop (erf)  }
0x62: {  	v4 =	vld [tilespmem:s11+$0x100];
	[tilespmem:s8+$0x110] =	vst v1;
	v1 =	vpop (erf)  }
0x63: {  	v6 =	vld [tilespmem:s11+$0x110];
	[tilespmem:s8+$0x120] =	vst v1;
	v1 =	vpop (erf)  }
.Ltmp3:
0x64: {  	v5 =	vld [tilespmem:s11+$0x120];
	[tilespmem:s8+$0x130] =	vst v1;
	v1 =	vpop (erf);
	(pc) =	sbr.rel @p1 .LBB2_8-.Ltmp3, $4  }
0x65: {  	v2 =	vld [tilespmem:s11+$0x130];
	[tilespmem:s8+$0x140] =	vst v1;
	v1 =	vpop (erf)  }
0x66: {  	v3 =	vld [tilespmem:s11+$0x140];
	[tilespmem:s8+$0x150] =	vst v1;
	v8 =	vpop (erf)  }
0x67: {  	v7 =	vsub.f32 v4, v0;
	v1 =	vld [tilespmem:s11+$0x150];
	[tilespmem:s8+$0x160] =	vst v8;
	v8 =	vpop (erf)  }
0x68: {  	s9 =	sadd.s32 $0x200, s9;
	v6 =	vsub.f32 v6, v0;
	v4 =	vld [tilespmem:s11+$0x160];
	[tilespmem:s8+$0x170] =	vst v8;
	s8 =	smov.u32 s11  }
0x69: {  	v7 =	vmul.f32 $1.442695020e+00, v7;
	v5 =	vsub.f32 v5, v0;
	v8 =	vld [tilespmem:s8+$0x170]  }
0x6a: {  	v6 =	vmul.f32 $1.442695020e+00, v6;
	v2 =	vsub.f32 v2, v0  }
0x6b: {  	v5 =	vmul.f32 $1.442695020e+00, v5;
	v3 =	vsub.f32 v3, v0;
	(erf) = vpow2.f32 v7  }
0x6c: {  	v2 =	vmul.f32 $1.442695020e+00, v2;
	v1 =	vsub.f32 v1, v0;
	(erf) = vpow2.f32 v6  }
0x6d: {  	v3 =	vmul.f32 $1.442695020e+00, v3;
	v4 =	vsub.f32 v4, v0;
	(erf) = vpow2.f32 v5  }
0x6e: {  	v1 =	vmul.f32 $1.442695020e+00, v1;
	v63 =	vsub.f32 v8, v0;
	(erf) = vpow2.f32 v2  }
0x6f: {  	v2 =	vmul.f32 $1.442695020e+00, v4;
	(erf) = vpow2.f32 v3  }
0x70: {  	v3 =	vmul.f32 $1.442695020e+00, v63;
	(erf) = vpow2.f32 v1  }
0x71: {  	(erf) = vpow2.f32 v2  }
0x72: {  	(erf) = vpow2.f32 v3;
	_ =	sdelay $0x1  }
0x73: {  	v1 =	vpop (erf)  }
0x74: {  	[tilespmem:s8+$0x100] =	vst v1;
	v1 =	vpop (erf)  }
0x75: {  	[tilespmem:s8+$0x110] =	vst v1;
	v1 =	vpop (erf)  }
0x76: {  	[tilespmem:s8+$0x120] =	vst v1;
	v1 =	vpop (erf)  }
.Ltmp4:
0x77: {  	[tilespmem:s8+$0x130] =	vst v1;
	v1 =	vpop (erf);
	(pc) =	sbr.rel .LBB2_10-.Ltmp4, $4  }
0x78: {  	[tilespmem:s8+$0x140] =	vst v1;
	v1 =	vpop (erf)  }
0x79: {  	[tilespmem:s8+$0x150] =	vst v1;
	v1 =	vpop (erf)  }
0x7a: {  	[tilespmem:s8+$0x160] =	vst v1;
	v1 =	vpop (erf)  }
0x7b: {  	[tilespmem:s8+$0x170] =	vst v1;
	s8 =	simm.s32 $0x100  }
.LBB2_2:
0x7c: {  	s9 =	rddreg [dreg:$0xa]  }
0x7d: {  	[tilespmem:s24], [sflag:$0x1] =	stream.linear.gather [hbm4b:s9+s8], $0x2800, $0x38;
	[tilespmem:$0x1DA00] =	vst v63  }
0x7e: {  	_ = 	snop  }
0x7f: {  	[tilespmem:s26], [sflag:$0x2] =	stream.linear.gather [hbm4b:s16+s8], $0x50, $0x38;
	[tilespmem:$0x1DA00] =	vst v63  }
0x80: {  	_ = 	snop  }
0x81: {  	[tilespmem:s28], [sflag:$0x2] =	stream.linear.gather [hbm4b:s17+s8], $0x2800, $0x38;
	[tilespmem:$0x1DA00] =	vst v63  }
0x82: {  	s18 =	rddreg [dreg:$0xb]  }
0x83: {  	[tilespmem:s1], [sflag:$0x2] =	stream.linear.gather [hbm4b:s18+s8], $0x2800, $0x38;
	[tilespmem:$0x1DA00] =	vst v63  }
0x84: {  	_ =	swait.ge [sflag:s29], $0x50  }
0x85: {  	[sflag:s29] =	ssyncset.done $0x0  }
0x86: {  	[sflag:s29] =	ssyncadd.s32 $0xFFFFFFB0  }
0x87: {  	_ =	swait.ge [sflag:s29], $0x2800  }
0x88: {  	[sflag:s29] =	ssyncset.done $0x0  }
0x89: {  	[sflag:s29] =	ssyncadd.s32 $0xFFFFD800  }
0x8a: {  	_ =	swait.ge [sflag:s29], $0x2800  }
0x8b: {  	[sflag:s29] =	ssyncset.done $0x0  }
0x8c: {  	s9 =	simm.s32 $0x0;
	[sflag:s29] =	ssyncadd.s32 $0xFFFFD800  }
0x8d: {  	v1 =	vld [tilespmem:s9+$0x100]  }
0x8e: {  	v2 =	vld [tilespmem:s9+$0x110]  }
0x8f: {  	v3 =	vld [tilespmem:s9+$0x120]  }
0x90: {  	p2 =	por $0x0, $0x0;
	v6 =	vld [tilespmem:s9+$0x130]  }
.Ltmp5:
0x91: {  	_ = 	snop;
	(pc) =	sbr.rel @p2 .LBB2_3-.Ltmp5, $4  }
0x92: {  	_ = 	snop  }
0x93: {  	v4 =	vsub.f32 v1, v0;
	v1 =	vld [tilespmem:s9+$0x140];
	v7 =	vsub.f32 v2, v0  }
0x94: {  	v2 =	vld [tilespmem:s9+$0x150];
	v11 =	vsub.f32 v3, v0  }
0x95: {  	p1 =	por $0x0, $0x0;
	v10 =	vsub.f32 v6, v0;
	v3 =	vld [tilespmem:s9+$0x160];
	v5 =	vmul.f32 $1.442695020e+00, v4;
	v4 =	vmul.f32 $1.442695020e+00, v7  }
0x96: {  	_ = 	snop  }
0x97: {  	v6 =	vld [tilespmem:s9+$0x170];
	(erf) = vpow2.f32 v5  }
0x98: {  	v15 =	vld [tilespmem:s9+$0x5120]  }
0x99: {  	s8 =	simm.s32 $0x80;
	v16 =	vld [tilespmem:s9+$0x5130];
	v5 =	vmul.f32 $1.442695020e+00, v11;
	v7 =	vsub.f32 v1, v0  }
0x9a: {  	v9 =	vld [tilespmem:s8+$0x100];
	v8 =	vmul.f32 $1.442695020e+00, v10;
	(erf) = vpow2.f32 v4;
	v10 =	vsub.f32 v2, v0  }
0x9b: {  	v12 =	vld [tilespmem:s8+$0x110];
	(erf) = vpow2.f32 v5;
	v4 =	vmul.f32 $1.442695020e+00, v7;
	v3 =	vsub.f32 v3, v0  }
0x9c: {  	v13 =	vld [tilespmem:s8+$0x120];
	(erf) = vpow2.f32 v8;
	v7 =	vmul.f32 $1.442695020e+00, v10;
	v10 =	vsub.f32 v6, v0  }
0x9d: {  	v14 =	vld [tilespmem:s8+$0x130];
	(erf) = vpow2.f32 v4;
	v3 =	vmul.f32 $1.442695020e+00, v3  }
0x9e: {  	v5 =	vld [tilespmem:s9+$0x5100];
	v10 =	vmul.f32 $1.442695020e+00, v10;
	(erf) = vpow2.f32 v7  }
0x9f: {  	v4 =	vld [tilespmem:s9+$0x5110];
	(erf) = vpow2.f32 v3  }
0xa0: {  	v1 =	vld [tilespmem:s8+$0x140];
	v8 =	vpop (erf);
	(erf) = vpow2.f32 v10  }
0xa1: {  	p2 =	por $0x0, $0x0;
	v2 =	vld [tilespmem:s8+$0x150]  }
.Ltmp6:
0xa2: {  	v6 =	vld [tilespmem:s9+$0x5140];
	(pc) =	sbr.rel @p2 .LBB2_6-.Ltmp6, $4  }
0xa3: {  	v3 =	vsub.f32 v9, v0;
	v5 =	vmul.f32 v8, v5;
	v8 =	vld [tilespmem:s9+$0x5150];
	v9 =	vpop (erf)  }
0xa4: {  	v7 =	vld [tilespmem:s9+$0x5160];
	v10 =	vsub.f32 v12, v0;
	v17 =	vmul.f32 v9, v4;
	v4 =	vpop (erf)  }
0xa5: {  	v11 =	vsub.f32 v13, v0;
	v9 =	vld [tilespmem:s9+$0x5170];
	[tilespmem:s9+$0x5100] =	vst v5;
	v5 =	vmul.f32 $1.442695020e+00, v3;
	v12 =	vmul.f32 v4, v15;
	v13 =	vpop (erf)  }
0xa6: {  	s11 =	simm.s32 $0x400;
	p1 =	por $0x1, $0x1;
	v4 =	vmul.f32 $1.442695020e+00, v10;
	v10 =	vsub.f32 v14, v0;
	v3 =	vld [tilespmem:s8+$0x160];
	[tilespmem:s9+$0x5110] =	vst v17;
	v13 =	vmul.f32 v13, v16;
	v14 =	vpop (erf)  }
.LBB2_5:
0xa7: {  	s13 =	sshra.s32 s11, $0x2;
	p2 =	seq.s32 s11, $0x9E00;
	v11 =	vmul.f32 $1.442695020e+00, v11;
	v15 =	vld [tilespmem:s8+$0x170];
	[tilespmem:s9+$0x5120] =	vst v12;
	v16 =	vmul.f32 v14, v6;
	v12 =	vpop (erf)  }
0xa8: {  	v14 =	vld [tilespmem:s13+$0x100];
	v10 =	vmul.f32 $1.442695020e+00, v10;
	[tilespmem:s9+$0x5130] =	vst v13;
	v8 =	vmul.f32 v12, v8;
	v12 =	vpop (erf)  }
0xa9: {  	v1 =	vsub.f32 v1, v0;
	v13 =	vld [tilespmem:s13+$0x110];
	(erf) = vpow2.f32 v5;
	[tilespmem:s9+$0x5140] =	vst v16;
	v5 =	vmul.f32 v12, v7;
	v6 =	vpop (erf)  }
0xaa: {  	v2 =	vsub.f32 v2, v0;
	v12 =	vld [tilespmem:s13+$0x120];
	(erf) = vpow2.f32 v4;
	[tilespmem:s9+$0x5150] =	vst v8;
	v4 =	vmul.f32 v6, v9  }
0xab: {  	v6 =	vmul.f32 $1.442695020e+00, v1;
	v16 =	vld [tilespmem:s13+$0x130];
	v3 =	vsub.f32 v3, v0;
	(erf) = vpow2.f32 v11;
	[tilespmem:s9+$0x5160] =	vst v5  }
0xac: {  	v5 =	vmul.f32 $1.442695020e+00, v2;
	v1 =	vld [tilespmem:s13+$0x140];
	v7 =	vsub.f32 v15, v0;
	(erf) = vpow2.f32 v10;
	[tilespmem:s9+$0x5170] =	vst v4;
	s9 =	smov.u32 s8;
	s8 =	smov.u32 s13  }
0xad: {  	v2 =	vld [tilespmem:s8+$0x150];
	v3 =	vmul.f32 $1.442695020e+00, v3;
	(erf) = vpow2.f32 v6  }
0xae: {  	v4 =	vld [tilespmem:s9+$0x5100];
	v6 =	vmul.f32 $1.442695020e+00, v7;
	(erf) = vpow2.f32 v5  }
0xaf: {  	v5 =	vld [tilespmem:s9+$0x5110];
	(erf) = vpow2.f32 v3  }
0xb0: {  	v3 =	vld [tilespmem:s9+$0x5120];
	(erf) = vpow2.f32 v6  }
0xb1: {  	v15 =	vld [tilespmem:s9+$0x5130]  }
.Ltmp7:
0xb2: {  	v6 =	vld [tilespmem:s9+$0x5140];
	v7 =	vpop (erf);
	(pc) =	sbr.rel @!p2 .LBB2_5-.Ltmp7, $4  }
0xb3: {  	v9 =	vsub.f32 v14, v0;
	v4 =	vmul.f32 v7, v4;
	v8 =	vld [tilespmem:s9+$0x5150];
	v7 =	vpop (erf)  }
0xb4: {  	v10 =	vsub.f32 v13, v0;
	v13 =	vmul.f32 v7, v5;
	v7 =	vld [tilespmem:s9+$0x5160];
	v14 =	vpop (erf)  }
0xb5: {  	v11 =	vsub.f32 v12, v0;
	v5 =	vmul.f32 $1.442695020e+00, v9;
	[tilespmem:s9+$0x5100] =	vst v4;
	v12 =	vmul.f32 v14, v3;
	v9 =	vld [tilespmem:s9+$0x5170];
	v14 =	vpop (erf)  }
0xb6: {  	s11 =	sadd.s32 $0x200, s11;
	v4 =	vmul.f32 $1.442695020e+00, v10;
	v10 =	vsub.f32 v16, v0;
	v3 =	vld [tilespmem:s8+$0x160];
	[tilespmem:s9+$0x5110] =	vst v13;
	v13 =	vmul.f32 v14, v15;
	v14 =	vpop (erf)  }
.LBB2_6:
0xb7: {  	v15 =	vld [tilespmem:s8+$0x170];
	v11 =	vmul.f32 $1.442695020e+00, v11;
	[tilespmem:s9+$0x5120] =	vst @p1 v12;
	v6 =	vmul.f32 @p1 v14, v6;
	v12 =	vpop @p1 (erf)  }
0xb8: {  	v1 =	vsub.f32 v1, v0;
	v8 =	vmul.f32 @p1 v12, v8;
	v12 =	vpop @p1 (erf);
	(erf) = vpow2.f32 v5  }
0xb9: {  	v50 =	vmul.f32 $1.442695020e+00, v10;
	[tilespmem:s9+$0x5140] =	vst @p1 v6;
	v6 =	vmul.f32 @p1 v12, v7  }
0xba: {  	v2 =	vsub.f32 v2, v0;
	[tilespmem:s9+$0x5130] =	vst @p1 v13;
	v7 =	vpop @p1 (erf);
	(erf) = vpow2.f32 v4;
	v1 =	vmul.f32 $1.442695020e+00, v1  }
0xbb: {  	[tilespmem:s9+$0x5150] =	vst @p1 v8;
	v4 =	vmul.f32 @p1 v7, v9;
	(erf) = vpow2.f32 v11;
	v3 =	vsub.f32 v3, v0  }
0xbc: {  	v2 =	vmul.f32 $1.442695020e+00, v2;
	[tilespmem:s9+$0x5160] =	vst @p1 v6;
	(erf) = vpow2.f32 v50;
	v51 =	vsub.f32 v15, v0  }
0xbd: {  	[tilespmem:s9+$0x5170] =	vst @p1 v4;
	(erf) = vpow2.f32 v1;
	v3 =	vmul.f32 $1.442695020e+00, v3  }
0xbe: {  	v1 =	vld [tilespmem:s8+$0x5100];
	(erf) = vpow2.f32 v2;
	v52 =	vmul.f32 $1.442695020e+00, v51  }
0xbf: {  	v2 =	vld [tilespmem:s8+$0x5110];
	(erf) = vpow2.f32 v3  }
0xc0: {  	v3 =	vld [tilespmem:s8+$0x5120];
	(erf) = vpow2.f32 v52  }
0xc1: {  	v53 =	vld [tilespmem:s8+$0x5130]  }
0xc2: {  	v54 =	vld [tilespmem:s8+$0x5140];
	v55 =	vpop (erf)  }
0xc3: {  	v56 =	vld [tilespmem:s8+$0x5150];
	v1 =	vmul.f32 v55, v1;
	v57 =	vpop (erf)  }
0xc4: {  	v8 =	vld [tilespmem:s8+$0x5160];
	v2 =	vmul.f32 v57, v2;
	v58 =	vpop (erf)  }
0xc5: {  	[tilespmem:s8+$0x5100] =	vst v1;
	v1 =	vmul.f32 v58, v3;
	v3 =	vld [tilespmem:s8+$0x5170];
	v59 =	vpop (erf)  }
0xc6: {  	[tilespmem:s8+$0x5110] =	vst v2;
	v2 =	vmul.f32 v59, v53;
	v60 =	vpop (erf)  }
0xc7: {  	[tilespmem:s8+$0x5120] =	vst v1;
	v1 =	vmul.f32 v60, v54;
	v61 =	vpop (erf)  }
0xc8: {  	[tilespmem:s8+$0x5130] =	vst v2;
	v2 =	vmul.f32 v61, v56;
	v62 =	vpop (erf)  }
0xc9: {  	[tilespmem:s8+$0x5140] =	vst v1;
	v1 =	vmul.f32 v62, v8;
	v63 =	vpop (erf)  }
0xca: {  	[tilespmem:s8+$0x5150] =	vst v2;
	v2 =	vmul.f32 v63, v3  }
0xcb: {  	[tilespmem:s8+$0x5160] =	vst v1  }
0xcc: {  	[tilespmem:s8+$0x5170] =	vst v2;
	s8 =	simm.s32 $0x5100  }
.LBB2_10:
0xcd: {  	s18 =	simm.s32 $0x0  }
0xce: {  	[spmem:s2] =	stream.indirect.scatter.add.f32 [tilespmem:s8], [sflag:$0x3], $0x80, s18, s30, $0xb8;
	[tilespmem:$0x1DA00] =	vst v63  }
.LBB2_11:
0xcf: {  	s8 =	smul.u32 $0xA0, s18;
	_ =	sdelay $0x1  }
0xd0: {  	_ =	swait.ge [sflag:s31], $0x2800;
	s9 =	sadd.s32 s8, s19  }
.Ltmp8:
0xd1: {  	[sflag:s31] =	ssyncset.done $0x0;
	s11 =	sshrl.u32 s9, $0x3;
	(pc) =	sbr.rel @!p0 .LBB2_12-.Ltmp8, $4  }
0xd2: {  	[sflag:s31] =	ssyncadd.s32 $0xFFFFD800;
	s9 =	sshll.u32 s9, $0x4;
	s11 =	sadd.s32 s7, s11  }
0xd3: {  	[tilespmem:s3], [sflag:$0x1] =	stream.linear.gather [hbm4b:s11+s3], $0x50, $0x38;
	[tilespmem:$0x1DA00] =	vst v63  }
0xd4: {  	s14 =	sadd.s32 s5, s9  }
0xd5: {  	[tilespmem:s25], [sflag:$0x1] =	stream.linear.gather [hbm4b:s14+s3], $0x2800, $0x38;
	[tilespmem:$0x1DA00] =	vst v63  }
0xd6: {  	_ =	swait.ge [sflag:s0], $0x50  }
0xd7: {  	[sflag:s0] =	ssyncset.done $0x0  }
0xd8: {  	[sflag:s0] =	ssyncadd.s32 $0xFFFFFFB0  }
0xd9: {  	_ =	swait.ge [sflag:s0], $0x2800  }
0xda: {  	[sflag:s0] =	ssyncset.done $0x0  }
0xdb: {  	s9 =	simm.s32 $0x0;
	[sflag:s0] =	ssyncadd.s32 $0xFFFFD800  }
0xdc: {  	v4 =	vld [tilespmem:s9+$0x2900]  }
0xdd: {  	v6 =	vld [tilespmem:s9+$0x2910]  }
0xde: {  	v5 =	vld [tilespmem:s9+$0x2920]  }
0xdf: {  	v2 =	vld [tilespmem:s9+$0x2930]  }
0xe0: {  	v3 =	vld [tilespmem:s9+$0x2940]  }
0xe1: {  	v1 =	vld [tilespmem:s9+$0x2950];
	v7 =	vsub.f32 v4, v0  }
0xe2: {  	s11 =	simm.s32 $0x200;
	v6 =	vsub.f32 v6, v0;
	v4 =	vld [tilespmem:s9+$0x2960]  }
.LBB2_18:
0xe3: {  	p1 =	sne.s32 s11, $0x9E00;
	v7 =	vmul.f32 $1.442695020e+00, v7;
	v5 =	vsub.f32 v5, v0;
	v8 =	vld [tilespmem:s9+$0x2970]  }
0xe4: {  	v6 =	vmul.f32 $1.442695020e+00, v6;
	v2 =	vsub.f32 v2, v0  }
0xe5: {  	v5 =	vmul.f32 $1.442695020e+00, v5;
	v3 =	vsub.f32 v3, v0;
	(erf) = vpow2.f32 v7  }
0xe6: {  	v2 =	vmul.f32 $1.442695020e+00, v2;
	v1 =	vsub.f32 v1, v0;
	(erf) = vpow2.f32 v6  }
0xe7: {  	v3 =	vmul.f32 $1.442695020e+00, v3;
	v4 =	vsub.f32 v4, v0;
	(erf) = vpow2.f32 v5  }
0xe8: {  	v1 =	vmul.f32 $1.442695020e+00, v1;
	v5 =	vsub.f32 v8, v0;
	(erf) = vpow2.f32 v2  }
0xe9: {  	v2 =	vmul.f32 $1.442695020e+00, v4;
	(erf) = vpow2.f32 v3  }
0xea: {  	v3 =	vmul.f32 $1.442695020e+00, v5;
	(erf) = vpow2.f32 v1  }
0xeb: {  	(erf) = vpow2.f32 v2  }
0xec: {  	(erf) = vpow2.f32 v3;
	_ =	sdelay $0x1  }
0xed: {  	v1 =	vpop (erf)  }
0xee: {  	s13 =	sshra.s32 s11, $0x2;
	[tilespmem:s9+$0x2900] =	vst v1;
	v1 =	vpop (erf)  }
0xef: {  	v4 =	vld [tilespmem:s13+$0x2900];
	[tilespmem:s9+$0x2910] =	vst v1;
	v1 =	vpop (erf)  }
0xf0: {  	v6 =	vld [tilespmem:s13+$0x2910];
	[tilespmem:s9+$0x2920] =	vst v1;
	v1 =	vpop (erf)  }
.Ltmp9:
0xf1: {  	v5 =	vld [tilespmem:s13+$0x2920];
	[tilespmem:s9+$0x2930] =	vst v1;
	v1 =	vpop (erf);
	(pc) =	sbr.rel @p1 .LBB2_18-.Ltmp9, $4  }
0xf2: {  	v2 =	vld [tilespmem:s13+$0x2930];
	[tilespmem:s9+$0x2940] =	vst v1;
	v1 =	vpop (erf)  }
0xf3: {  	v3 =	vld [tilespmem:s13+$0x2940];
	[tilespmem:s9+$0x2950] =	vst v1;
	v8 =	vpop (erf)  }
0xf4: {  	v7 =	vsub.f32 v4, v0;
	v1 =	vld [tilespmem:s13+$0x2950];
	[tilespmem:s9+$0x2960] =	vst v8;
	v8 =	vpop (erf)  }
0xf5: {  	s11 =	sadd.s32 $0x200, s11;
	v6 =	vsub.f32 v6, v0;
	v4 =	vld [tilespmem:s13+$0x2960];
	[tilespmem:s9+$0x2970] =	vst v8;
	s9 =	smov.u32 s13  }
0xf6: {  	v7 =	vmul.f32 $1.442695020e+00, v7;
	v5 =	vsub.f32 v5, v0;
	v8 =	vld [tilespmem:s9+$0x2970]  }
0xf7: {  	v6 =	vmul.f32 $1.442695020e+00, v6;
	v2 =	vsub.f32 v2, v0  }
0xf8: {  	v5 =	vmul.f32 $1.442695020e+00, v5;
	v3 =	vsub.f32 v3, v0;
	(erf) = vpow2.f32 v7  }
0xf9: {  	v2 =	vmul.f32 $1.442695020e+00, v2;
	v1 =	vsub.f32 v1, v0;
	(erf) = vpow2.f32 v6  }
0xfa: {  	v3 =	vmul.f32 $1.442695020e+00, v3;
	v4 =	vsub.f32 v4, v0;
	(erf) = vpow2.f32 v5  }
0xfb: {  	v1 =	vmul.f32 $1.442695020e+00, v1;
	v63 =	vsub.f32 v8, v0;
	(erf) = vpow2.f32 v2  }
0xfc: {  	v2 =	vmul.f32 $1.442695020e+00, v4;
	(erf) = vpow2.f32 v3  }
0xfd: {  	v3 =	vmul.f32 $1.442695020e+00, v63;
	(erf) = vpow2.f32 v1  }
0xfe: {  	(erf) = vpow2.f32 v2  }
0xff: {  	(erf) = vpow2.f32 v3;
	_ =	sdelay $0x1  }
0x100: {  	v1 =	vpop (erf)  }
0x101: {  	[tilespmem:s9+$0x2900] =	vst v1;
	v1 =	vpop (erf)  }
0x102: {  	[tilespmem:s9+$0x2910] =	vst v1;
	v1 =	vpop (erf)  }
0x103: {  	[tilespmem:s9+$0x2920] =	vst v1;
	v1 =	vpop (erf)  }
.Ltmp10:
0x104: {  	[tilespmem:s9+$0x2930] =	vst v1;
	v1 =	vpop (erf);
	(pc) =	sbr.rel .LBB2_20-.Ltmp10, $4  }
0x105: {  	[tilespmem:s9+$0x2940] =	vst v1;
	v1 =	vpop (erf)  }
0x106: {  	[tilespmem:s9+$0x2950] =	vst v1;
	v1 =	vpop (erf)  }
0x107: {  	[tilespmem:s9+$0x2960] =	vst v1;
	v1 =	vpop (erf)  }
0x108: {  	[tilespmem:s9+$0x2970] =	vst v1;
	s9 =	simm.s32 $0x2900  }
.LBB2_12:
0x109: {  	s9 =	sadd.s32 s6, s9;
	s11 =	simm.s32 $0x0  }
0x10a: {  	[tilespmem:s24], [sflag:$0x1] =	stream.linear.gather [hbm4b:s9+s11], $0x2800, $0x38;
	[tilespmem:$0x1DA00] =	vst v63  }
0x10b: {  	_ =	swait.ge [sflag:s0], $0x50  }
0x10c: {  	[sflag:s0] =	ssyncset.done $0x0  }
0x10d: {  	[sflag:s0] =	ssyncadd.s32 $0xFFFFFFB0  }
0x10e: {  	_ =	swait.ge [sflag:s0], $0x2800  }
0x10f: {  	[sflag:s0] =	ssyncset.done $0x0  }
0x110: {  	[sflag:s0] =	ssyncadd.s32 $0xFFFFD800  }
0x111: {  	_ =	swait.ge [sflag:s0], $0x2800  }
0x112: {  	[sflag:s0] =	ssyncset.done $0x0  }
0x113: {  	s11 =	simm.s32 $0x0;
	[sflag:s0] =	ssyncadd.s32 $0xFFFFD800  }
0x114: {  	v1 =	vld [tilespmem:s11+$0x2900]  }
0x115: {  	v2 =	vld [tilespmem:s11+$0x2910]  }
0x116: {  	v3 =	vld [tilespmem:s11+$0x2920]  }
0x117: {  	p2 =	por $0x0, $0x0;
	v6 =	vld [tilespmem:s11+$0x2930]  }
.Ltmp11:
0x118: {  	_ = 	snop;
	(pc) =	sbr.rel @p2 .LBB2_13-.Ltmp11, $4  }
0x119: {  	_ = 	snop  }
0x11a: {  	v4 =	vsub.f32 v1, v0;
	v1 =	vld [tilespmem:s11+$0x2940];
	v7 =	vsub.f32 v2, v0  }
0x11b: {  	v2 =	vld [tilespmem:s11+$0x2950];
	v11 =	vsub.f32 v3, v0  }
0x11c: {  	p1 =	por $0x0, $0x0;
	v10 =	vsub.f32 v6, v0;
	v3 =	vld [tilespmem:s11+$0x2960];
	v5 =	vmul.f32 $1.442695020e+00, v4;
	v4 =	vmul.f32 $1.442695020e+00, v7  }
0x11d: {  	_ = 	snop  }
0x11e: {  	v6 =	vld [tilespmem:s11+$0x2970];
	(erf) = vpow2.f32 v5  }
0x11f: {  	v15 =	vld [tilespmem:s11+$0x7920]  }
0x120: {  	s9 =	simm.s32 $0x80;
	v16 =	vld [tilespmem:s11+$0x7930];
	v5 =	vmul.f32 $1.442695020e+00, v11;
	v7 =	vsub.f32 v1, v0  }
0x121: {  	v9 =	vld [tilespmem:s9+$0x2900];
	v8 =	vmul.f32 $1.442695020e+00, v10;
	(erf) = vpow2.f32 v4;
	v10 =	vsub.f32 v2, v0  }
0x122: {  	v12 =	vld [tilespmem:s9+$0x2910];
	(erf) = vpow2.f32 v5;
	v4 =	vmul.f32 $1.442695020e+00, v7;
	v3 =	vsub.f32 v3, v0  }
0x123: {  	v13 =	vld [tilespmem:s9+$0x2920];
	(erf) = vpow2.f32 v8;
	v7 =	vmul.f32 $1.442695020e+00, v10;
	v10 =	vsub.f32 v6, v0  }
0x124: {  	v14 =	vld [tilespmem:s9+$0x2930];
	(erf) = vpow2.f32 v4;
	v3 =	vmul.f32 $1.442695020e+00, v3  }
0x125: {  	v5 =	vld [tilespmem:s11+$0x7900];
	v10 =	vmul.f32 $1.442695020e+00, v10;
	(erf) = vpow2.f32 v7  }
0x126: {  	v4 =	vld [tilespmem:s11+$0x7910];
	(erf) = vpow2.f32 v3  }
0x127: {  	v1 =	vld [tilespmem:s9+$0x2940];
	v8 =	vpop (erf);
	(erf) = vpow2.f32 v10  }
0x128: {  	p2 =	por $0x0, $0x0;
	v2 =	vld [tilespmem:s9+$0x2950]  }
.Ltmp12:
0x129: {  	v6 =	vld [tilespmem:s11+$0x7940];
	(pc) =	sbr.rel @p2 .LBB2_16-.Ltmp12, $4  }
0x12a: {  	v3 =	vsub.f32 v9, v0;
	v5 =	vmul.f32 v8, v5;
	v8 =	vld [tilespmem:s11+$0x7950];
	v9 =	vpop (erf)  }
0x12b: {  	v7 =	vld [tilespmem:s11+$0x7960];
	v10 =	vsub.f32 v12, v0;
	v17 =	vmul.f32 v9, v4;
	v4 =	vpop (erf)  }
0x12c: {  	v11 =	vsub.f32 v13, v0;
	v9 =	vld [tilespmem:s11+$0x7970];
	[tilespmem:s11+$0x7900] =	vst v5;
	v5 =	vmul.f32 $1.442695020e+00, v3;
	v12 =	vmul.f32 v4, v15;
	v13 =	vpop (erf)  }
0x12d: {  	s13 =	simm.s32 $0x400;
	p1 =	por $0x1, $0x1;
	v4 =	vmul.f32 $1.442695020e+00, v10;
	v10 =	vsub.f32 v14, v0;
	v3 =	vld [tilespmem:s9+$0x2960];
	[tilespmem:s11+$0x7910] =	vst v17;
	v13 =	vmul.f32 v13, v16;
	v14 =	vpop (erf)  }
.LBB2_15:
0x12e: {  	s14 =	sshra.s32 s13, $0x2;
	p2 =	seq.s32 s13, $0x9E00;
	v11 =	vmul.f32 $1.442695020e+00, v11;
	v15 =	vld [tilespmem:s9+$0x2970];
	[tilespmem:s11+$0x7920] =	vst v12;
	v16 =	vmul.f32 v14, v6;
	v12 =	vpop (erf)  }
0x12f: {  	v14 =	vld [tilespmem:s14+$0x2900];
	v10 =	vmul.f32 $1.442695020e+00, v10;
	[tilespmem:s11+$0x7930] =	vst v13;
	v8 =	vmul.f32 v12, v8;
	v12 =	vpop (erf)  }
0x130: {  	v1 =	vsub.f32 v1, v0;
	v13 =	vld [tilespmem:s14+$0x2910];
	(erf) = vpow2.f32 v5;
	[tilespmem:s11+$0x7940] =	vst v16;
	v5 =	vmul.f32 v12, v7;
	v6 =	vpop (erf)  }
0x131: {  	v2 =	vsub.f32 v2, v0;
	v12 =	vld [tilespmem:s14+$0x2920];
	(erf) = vpow2.f32 v4;
	[tilespmem:s11+$0x7950] =	vst v8;
	v4 =	vmul.f32 v6, v9  }
0x132: {  	v6 =	vmul.f32 $1.442695020e+00, v1;
	v16 =	vld [tilespmem:s14+$0x2930];
	v3 =	vsub.f32 v3, v0;
	(erf) = vpow2.f32 v11;
	[tilespmem:s11+$0x7960] =	vst v5  }
0x133: {  	v5 =	vmul.f32 $1.442695020e+00, v2;
	v1 =	vld [tilespmem:s14+$0x2940];
	v7 =	vsub.f32 v15, v0;
	(erf) = vpow2.f32 v10;
	[tilespmem:s11+$0x7970] =	vst v4;
	s11 =	smov.u32 s9;
	s9 =	smov.u32 s14  }
0x134: {  	v2 =	vld [tilespmem:s9+$0x2950];
	v3 =	vmul.f32 $1.442695020e+00, v3;
	(erf) = vpow2.f32 v6  }
0x135: {  	v4 =	vld [tilespmem:s11+$0x7900];
	v6 =	vmul.f32 $1.442695020e+00, v7;
	(erf) = vpow2.f32 v5  }
0x136: {  	v5 =	vld [tilespmem:s11+$0x7910];
	(erf) = vpow2.f32 v3  }
0x137: {  	v3 =	vld [tilespmem:s11+$0x7920];
	(erf) = vpow2.f32 v6  }
0x138: {  	v15 =	vld [tilespmem:s11+$0x7930]  }
.Ltmp13:
0x139: {  	v6 =	vld [tilespmem:s11+$0x7940];
	v7 =	vpop (erf);
	(pc) =	sbr.rel @!p2 .LBB2_15-.Ltmp13, $4  }
0x13a: {  	v9 =	vsub.f32 v14, v0;
	v4 =	vmul.f32 v7, v4;
	v8 =	vld [tilespmem:s11+$0x7950];
	v7 =	vpop (erf)  }
0x13b: {  	v10 =	vsub.f32 v13, v0;
	v13 =	vmul.f32 v7, v5;
	v7 =	vld [tilespmem:s11+$0x7960];
	v14 =	vpop (erf)  }
0x13c: {  	v11 =	vsub.f32 v12, v0;
	v5 =	vmul.f32 $1.442695020e+00, v9;
	[tilespmem:s11+$0x7900] =	vst v4;
	v12 =	vmul.f32 v14, v3;
	v9 =	vld [tilespmem:s11+$0x7970];
	v14 =	vpop (erf)  }
0x13d: {  	s13 =	sadd.s32 $0x200, s13;
	v4 =	vmul.f32 $1.442695020e+00, v10;
	v10 =	vsub.f32 v16, v0;
	v3 =	vld [tilespmem:s9+$0x2960];
	[tilespmem:s11+$0x7910] =	vst v13;
	v13 =	vmul.f32 v14, v15;
	v14 =	vpop (erf)  }
.LBB2_16:
0x13e: {  	v15 =	vld [tilespmem:s9+$0x2970];
	v11 =	vmul.f32 $1.442695020e+00, v11;
	[tilespmem:s11+$0x7920] =	vst @p1 v12;
	v6 =	vmul.f32 @p1 v14, v6;
	v12 =	vpop @p1 (erf)  }
0x13f: {  	v1 =	vsub.f32 v1, v0;
	v8 =	vmul.f32 @p1 v12, v8;
	v12 =	vpop @p1 (erf);
	(erf) = vpow2.f32 v5  }
0x140: {  	v50 =	vmul.f32 $1.442695020e+00, v10;
	[tilespmem:s11+$0x7940] =	vst @p1 v6;
	v6 =	vmul.f32 @p1 v12, v7  }
0x141: {  	v2 =	vsub.f32 v2, v0;
	[tilespmem:s11+$0x7930] =	vst @p1 v13;
	v7 =	vpop @p1 (erf);
	(erf) = vpow2.f32 v4;
	v1 =	vmul.f32 $1.442695020e+00, v1  }
0x142: {  	[tilespmem:s11+$0x7950] =	vst @p1 v8;
	v4 =	vmul.f32 @p1 v7, v9;
	(erf) = vpow2.f32 v11;
	v3 =	vsub.f32 v3, v0  }
0x143: {  	v2 =	vmul.f32 $1.442695020e+00, v2;
	[tilespmem:s11+$0x7960] =	vst @p1 v6;
	(erf) = vpow2.f32 v50;
	v51 =	vsub.f32 v15, v0  }
0x144: {  	[tilespmem:s11+$0x7970] =	vst @p1 v4;
	(erf) = vpow2.f32 v1;
	v3 =	vmul.f32 $1.442695020e+00, v3  }
0x145: {  	v1 =	vld [tilespmem:s9+$0x7900];
	(erf) = vpow2.f32 v2;
	v52 =	vmul.f32 $1.442695020e+00, v51  }
0x146: {  	v2 =	vld [tilespmem:s9+$0x7910];
	(erf) = vpow2.f32 v3  }
0x147: {  	v3 =	vld [tilespmem:s9+$0x7920];
	(erf) = vpow2.f32 v52  }
0x148: {  	v53 =	vld [tilespmem:s9+$0x7930]  }
0x149: {  	v54 =	vld [tilespmem:s9+$0x7940];
	v55 =	vpop (erf)  }
0x14a: {  	v56 =	vld [tilespmem:s9+$0x7950];
	v1 =	vmul.f32 v55, v1;
	v57 =	vpop (erf)  }
0x14b: {  	v8 =	vld [tilespmem:s9+$0x7960];
	v2 =	vmul.f32 v57, v2;
	v58 =	vpop (erf)  }
0x14c: {  	[tilespmem:s9+$0x7900] =	vst v1;
	v1 =	vmul.f32 v58, v3;
	v3 =	vld [tilespmem:s9+$0x7970];
	v59 =	vpop (erf)  }
0x14d: {  	[tilespmem:s9+$0x7910] =	vst v2;
	v2 =	vmul.f32 v59, v53;
	v60 =	vpop (erf)  }
0x14e: {  	[tilespmem:s9+$0x7920] =	vst v1;
	v1 =	vmul.f32 v60, v54;
	v61 =	vpop (erf)  }
0x14f: {  	[tilespmem:s9+$0x7930] =	vst v2;
	v2 =	vmul.f32 v61, v56;
	v62 =	vpop (erf)  }
0x150: {  	[tilespmem:s9+$0x7940] =	vst v1;
	v1 =	vmul.f32 v62, v8;
	v63 =	vpop (erf)  }
0x151: {  	[tilespmem:s9+$0x7950] =	vst v2;
	v2 =	vmul.f32 v63, v3  }
0x152: {  	[tilespmem:s9+$0x7960] =	vst v1  }
0x153: {  	[tilespmem:s9+$0x7970] =	vst v2;
	s9 =	simm.s32 $0x7900  }
.LBB2_20:
0x154: {  	[spmem:s2] =	stream.indirect.scatter.add.f32 [tilespmem:s9], [sflag:$0x4], $0x80, s26, s30, $0xb8;
	[tilespmem:$0x1DA00] =	vst v63  }
0x155: {  	s8 =	sadd.s32 s8, s20;
	_ =	swait.ge [sflag:s4], $0x2800  }
.Ltmp14:
0x156: {  	s13 =	sshrl.u32 s8, $0x3;
	[sflag:s4] =	ssyncset.done $0x0;
	(pc) =	sbr.rel @!p0 .LBB2_21-.Ltmp14, $4  }
0x157: {  	s8 =	sshll.u32 s8, $0x4;
	s9 =	sadd.s32 s7, s13;
	[sflag:s4] =	ssyncadd.s32 $0xFFFFD800  }
0x158: {  	[tilespmem:s26], [sflag:$0x2] =	stream.linear.gather [hbm4b:s9+s3], $0x50, $0x38;
	[tilespmem:$0x1DA00] =	vst v63  }
0x159: {  	s14 =	sadd.s32 s5, s8  }
0x15a: {  	[tilespmem:s28], [sflag:$0x2] =	stream.linear.gather [hbm4b:s14+s3], $0x2800, $0x38;
	[tilespmem:$0x1DA00] =	vst v63  }
0x15b: {  	_ =	swait.ge [sflag:s29], $0x50  }
0x15c: {  	[sflag:s29] =	ssyncset.done $0x0  }
0x15d: {  	[sflag:s29] =	ssyncadd.s32 $0xFFFFFFB0  }
0x15e: {  	_ =	swait.ge [sflag:s29], $0x2800  }
0x15f: {  	[sflag:s29] =	ssyncset.done $0x0  }
0x160: {  	s8 =	simm.s32 $0x0;
	[sflag:s29] =	ssyncadd.s32 $0xFFFFD800  }
0x161: {  	v4 =	vld [tilespmem:s8+$0x100]  }
0x162: {  	v6 =	vld [tilespmem:s8+$0x110]  }
0x163: {  	v5 =	vld [tilespmem:s8+$0x120]  }
0x164: {  	v2 =	vld [tilespmem:s8+$0x130]  }
0x165: {  	v3 =	vld [tilespmem:s8+$0x140]  }
0x166: {  	v1 =	vld [tilespmem:s8+$0x150];
	v7 =	vsub.f32 v4, v0  }
0x167: {  	s9 =	simm.s32 $0x200;
	v6 =	vsub.f32 v6, v0;
	v4 =	vld [tilespmem:s8+$0x160]  }
.LBB2_27:
0x168: {  	p1 =	sne.s32 s9, $0x9E00;
	v7 =	vmul.f32 $1.442695020e+00, v7;
	v5 =	vsub.f32 v5, v0;
	v8 =	vld [tilespmem:s8+$0x170]  }
0x169: {  	v6 =	vmul.f32 $1.442695020e+00, v6;
	v2 =	vsub.f32 v2, v0  }
0x16a: {  	v5 =	vmul.f32 $1.442695020e+00, v5;
	v3 =	vsub.f32 v3, v0;
	(erf) = vpow2.f32 v7  }
0x16b: {  	v2 =	vmul.f32 $1.442695020e+00, v2;
	v1 =	vsub.f32 v1, v0;
	(erf) = vpow2.f32 v6  }
0x16c: {  	v3 =	vmul.f32 $1.442695020e+00, v3;
	v4 =	vsub.f32 v4, v0;
	(erf) = vpow2.f32 v5  }
0x16d: {  	v1 =	vmul.f32 $1.442695020e+00, v1;
	v5 =	vsub.f32 v8, v0;
	(erf) = vpow2.f32 v2  }
0x16e: {  	v2 =	vmul.f32 $1.442695020e+00, v4;
	(erf) = vpow2.f32 v3  }
0x16f: {  	v3 =	vmul.f32 $1.442695020e+00, v5;
	(erf) = vpow2.f32 v1  }
0x170: {  	(erf) = vpow2.f32 v2  }
0x171: {  	(erf) = vpow2.f32 v3;
	_ =	sdelay $0x1  }
0x172: {  	v1 =	vpop (erf)  }
0x173: {  	s11 =	sshra.s32 s9, $0x2;
	[tilespmem:s8+$0x100] =	vst v1;
	v1 =	vpop (erf)  }
0x174: {  	v4 =	vld [tilespmem:s11+$0x100];
	[tilespmem:s8+$0x110] =	vst v1;
	v1 =	vpop (erf)  }
0x175: {  	v6 =	vld [tilespmem:s11+$0x110];
	[tilespmem:s8+$0x120] =	vst v1;
	v1 =	vpop (erf)  }
.Ltmp15:
0x176: {  	v5 =	vld [tilespmem:s11+$0x120];
	[tilespmem:s8+$0x130] =	vst v1;
	v1 =	vpop (erf);
	(pc) =	sbr.rel @p1 .LBB2_27-.Ltmp15, $4  }
0x177: {  	v2 =	vld [tilespmem:s11+$0x130];
	[tilespmem:s8+$0x140] =	vst v1;
	v1 =	vpop (erf)  }
0x178: {  	v3 =	vld [tilespmem:s11+$0x140];
	[tilespmem:s8+$0x150] =	vst v1;
	v8 =	vpop (erf)  }
0x179: {  	v7 =	vsub.f32 v4, v0;
	v1 =	vld [tilespmem:s11+$0x150];
	[tilespmem:s8+$0x160] =	vst v8;
	v8 =	vpop (erf)  }
0x17a: {  	s9 =	sadd.s32 $0x200, s9;
	v6 =	vsub.f32 v6, v0;
	v4 =	vld [tilespmem:s11+$0x160];
	[tilespmem:s8+$0x170] =	vst v8;
	s8 =	smov.u32 s11  }
0x17b: {  	v7 =	vmul.f32 $1.442695020e+00, v7;
	v5 =	vsub.f32 v5, v0;
	v8 =	vld [tilespmem:s8+$0x170]  }
0x17c: {  	v6 =	vmul.f32 $1.442695020e+00, v6;
	v2 =	vsub.f32 v2, v0  }
0x17d: {  	v5 =	vmul.f32 $1.442695020e+00, v5;
	v3 =	vsub.f32 v3, v0;
	(erf) = vpow2.f32 v7  }
0x17e: {  	v2 =	vmul.f32 $1.442695020e+00, v2;
	v1 =	vsub.f32 v1, v0;
	(erf) = vpow2.f32 v6  }
0x17f: {  	v3 =	vmul.f32 $1.442695020e+00, v3;
	v4 =	vsub.f32 v4, v0;
	(erf) = vpow2.f32 v5  }
0x180: {  	v1 =	vmul.f32 $1.442695020e+00, v1;
	v63 =	vsub.f32 v8, v0;
	(erf) = vpow2.f32 v2  }
0x181: {  	v2 =	vmul.f32 $1.442695020e+00, v4;
	(erf) = vpow2.f32 v3  }
0x182: {  	v3 =	vmul.f32 $1.442695020e+00, v63;
	(erf) = vpow2.f32 v1  }
0x183: {  	(erf) = vpow2.f32 v2  }
0x184: {  	(erf) = vpow2.f32 v3;
	_ =	sdelay $0x1  }
0x185: {  	v1 =	vpop (erf)  }
0x186: {  	[tilespmem:s8+$0x100] =	vst v1;
	v1 =	vpop (erf)  }
0x187: {  	[tilespmem:s8+$0x110] =	vst v1;
	v1 =	vpop (erf)  }
0x188: {  	s18 =	sadd.s32 $0x1, s18;
	[tilespmem:s8+$0x120] =	vst v1;
	v1 =	vpop (erf)  }
0x189: {  	p1 =	seq.s32 s18, $0x7C;
	[tilespmem:s8+$0x130] =	vst v1;
	v1 =	vpop (erf)  }
.Ltmp16:
0x18a: {  	[tilespmem:s8+$0x140] =	vst v1;
	v1 =	vpop (erf);
	(pc) =	sbr.rel @!p1 .LBB2_11-.Ltmp16, $4  }
.Ltmp17:
0x18b: {  	[tilespmem:s8+$0x150] =	vst v1;
	v1 =	vpop (erf);
	(pc) =	sbr.rel @p1 .LBB2_29-.Ltmp17, $4  }
0x18c: {  	[tilespmem:s8+$0x160] =	vst v1;
	v1 =	vpop (erf)  }
0x18d: {  	[tilespmem:s8+$0x170] =	vst v1  }
0x18e: {  	[spmem:s2] =	stream.indirect.scatter.add.f32 [tilespmem:s25], [sflag:$0x3], $0x80, s3, s30, $0xb8;
	[tilespmem:$0x1DA00] =	vst v63  }
0x18f: {  	_ = 	snop  }
.LBB2_21:
0x190: {  	s8 =	sadd.s32 s6, s8;
	s9 =	simm.s32 $0x0  }
0x191: {  	[tilespmem:s1], [sflag:$0x2] =	stream.linear.gather [hbm4b:s8+s9], $0x2800, $0x38;
	[tilespmem:$0x1DA00] =	vst v63  }
0x192: {  	_ =	swait.ge [sflag:s29], $0x50  }
0x193: {  	[sflag:s29] =	ssyncset.done $0x0  }
0x194: {  	[sflag:s29] =	ssyncadd.s32 $0xFFFFFFB0  }
0x195: {  	_ =	swait.ge [sflag:s29], $0x2800  }
0x196: {  	[sflag:s29] =	ssyncset.done $0x0  }
0x197: {  	[sflag:s29] =	ssyncadd.s32 $0xFFFFD800  }
0x198: {  	_ =	swait.ge [sflag:s29], $0x2800  }
0x199: {  	[sflag:s29] =	ssyncset.done $0x0  }
0x19a: {  	s9 =	simm.s32 $0x0;
	[sflag:s29] =	ssyncadd.s32 $0xFFFFD800  }
0x19b: {  	v1 =	vld [tilespmem:s9+$0x100];
	_ =	sdelay $0x1  }
0x19c: {  	v2 =	vld [tilespmem:s9+$0x110]  }
0x19d: {  	v3 =	vld [tilespmem:s9+$0x120]  }
0x19e: {  	v4 =	vld [tilespmem:s9+$0x130]  }
0x19f: {  	v1 =	vsub.f32 v1, v0  }
0x1a0: {  	v5 =	vld [tilespmem:s9+$0x140]  }
0x1a1: {  	v2 =	vsub.f32 v2, v0;
	v1 =	vmul.f32 $1.442695020e+00, v1  }
0x1a2: {  	v6 =	vld [tilespmem:s9+$0x150];
	v3 =	vsub.f32 v3, v0  }
0x1a3: {  	v7 =	vld [tilespmem:s9+$0x160];
	(erf) = vpow2.f32 v1;
	v1 =	vmul.f32 $1.442695020e+00, v2;
	v2 =	vsub.f32 v4, v0  }
0x1a4: {  	s8 =	simm.s32 $0x80;
	v8 =	vld [tilespmem:s9+$0x170];
	v3 =	vmul.f32 $1.442695020e+00, v3  }
0x1a5: {  	v9 =	vld [tilespmem:s8+$0x100];
	v4 =	vsub.f32 v5, v0;
	v5 =	vmul.f32 $1.442695020e+00, v2;
	(erf) = vpow2.f32 v1  }
0x1a6: {  	v10 =	vld [tilespmem:s8+$0x110];
	(erf) = vpow2.f32 v3  }
0x1a7: {  	v11 =	vld [tilespmem:s8+$0x120];
	(erf) = vpow2.f32 v5;
	v5 =	vsub.f32 v6, v0  }
0x1a8: {  	v13 =	vld [tilespmem:s8+$0x130];
	v4 =	vmul.f32 $1.442695020e+00, v4;
	v6 =	vsub.f32 v7, v0  }
0x1a9: {  	v12 =	vld [tilespmem:s9+$0x5120];
	v8 =	vsub.f32 v8, v0;
	v7 =	vmul.f32 $1.442695020e+00, v5  }
0x1aa: {  	v3 =	vld [tilespmem:s9+$0x5100];
	(erf) = vpow2.f32 v4;
	v16 =	vmul.f32 $1.442695020e+00, v6  }
0x1ab: {  	v14 =	vld [tilespmem:s9+$0x5130];
	v8 =	vmul.f32 $1.442695020e+00, v8;
	(erf) = vpow2.f32 v7  }
0x1ac: {  	v4 =	vld [tilespmem:s9+$0x5110];
	(erf) = vpow2.f32 v16  }
0x1ad: {  	v1 =	vld [tilespmem:s8+$0x140];
	v15 =	vpop (erf);
	(erf) = vpow2.f32 v8  }
0x1ae: {  	v2 =	vld [tilespmem:s8+$0x150]  }
0x1af: {  	v5 =	vld [tilespmem:s9+$0x5140];
	v15 =	vmul.f32 v15, v3  }
0x1b0: {  	v6 =	vld [tilespmem:s9+$0x5150];
	v7 =	vsub.f32 v9, v0;
	v9 =	vpop (erf)  }
0x1b1: {  	v3 =	vld [tilespmem:s9+$0x5160];
	v8 =	vsub.f32 v10, v0;
	[tilespmem:s9+$0x5100] =	vst v15;
	v15 =	vmul.f32 v9, v4;
	v10 =	vpop (erf)  }
0x1b2: {  	v11 =	vsub.f32 v11, v0;
	v4 =	vld [tilespmem:s9+$0x5170];
	v9 =	vmul.f32 $1.442695020e+00, v7;
	v12 =	vmul.f32 v10, v12;
	v63 =	vpop (erf)  }
0x1b3: {  	s11 =	simm.s32 $0x400;
	v8 =	vmul.f32 $1.442695020e+00, v8;
	v7 =	vld [tilespmem:s8+$0x160];
	v10 =	vsub.f32 v13, v0;
	[tilespmem:s9+$0x5110] =	vst v15;
	v13 =	vmul.f32 v63, v14;
	v14 =	vpop (erf)  }
.LBB2_22:
0x1b4: {  	s13 =	sshra.s32 s11, $0x2;
	p1 =	seq.s32 s11, $0x9E00;
	v11 =	vmul.f32 $1.442695020e+00, v11;
	v15 =	vld [tilespmem:s8+$0x170];
	[tilespmem:s9+$0x5120] =	vst v12;
	v16 =	vmul.f32 v14, v5;
	v12 =	vpop (erf)  }
0x1b5: {  	v14 =	vld [tilespmem:s13+$0x100];
	v10 =	vmul.f32 $1.442695020e+00, v10;
	[tilespmem:s9+$0x5130] =	vst v13;
	v6 =	vmul.f32 v12, v6;
	v12 =	vpop (erf)  }
0x1b6: {  	v1 =	vsub.f32 v1, v0;
	v13 =	vld [tilespmem:s13+$0x110];
	(erf) = vpow2.f32 v9;
	[tilespmem:s9+$0x5140] =	vst v16;
	v3 =	vmul.f32 v12, v3;
	v5 =	vpop (erf)  }
0x1b7: {  	v2 =	vsub.f32 v2, v0;
	v12 =	vld [tilespmem:s13+$0x120];
	(erf) = vpow2.f32 v8;
	[tilespmem:s9+$0x5150] =	vst v6;
	v4 =	vmul.f32 v5, v4  }
0x1b8: {  	v5 =	vmul.f32 $1.442695020e+00, v1;
	v16 =	vld [tilespmem:s13+$0x130];
	v6 =	vsub.f32 v7, v0;
	(erf) = vpow2.f32 v11;
	[tilespmem:s9+$0x5160] =	vst v3  }
0x1b9: {  	v3 =	vmul.f32 $1.442695020e+00, v2;
	v1 =	vld [tilespmem:s13+$0x140];
	v7 =	vsub.f32 v15, v0;
	(erf) = vpow2.f32 v10;
	[tilespmem:s9+$0x5170] =	vst v4;
	s9 =	smov.u32 s8;
	s8 =	smov.u32 s13  }
0x1ba: {  	v2 =	vld [tilespmem:s8+$0x150];
	v4 =	vmul.f32 $1.442695020e+00, v6;
	(erf) = vpow2.f32 v5  }
0x1bb: {  	v6 =	vld [tilespmem:s9+$0x5100];
	v5 =	vmul.f32 $1.442695020e+00, v7;
	(erf) = vpow2.f32 v3  }
0x1bc: {  	v3 =	vld [tilespmem:s9+$0x5110];
	(erf) = vpow2.f32 v4  }
0x1bd: {  	v4 =	vld [tilespmem:s9+$0x5120];
	(erf) = vpow2.f32 v5  }
0x1be: {  	v15 =	vld [tilespmem:s9+$0x5130]  }
.Ltmp18:
0x1bf: {  	v5 =	vld [tilespmem:s9+$0x5140];
	v7 =	vpop (erf);
	(pc) =	sbr.rel @!p1 .LBB2_22-.Ltmp18, $4  }
0x1c0: {  	v8 =	vsub.f32 v14, v0;
	v7 =	vmul.f32 v7, v6;
	v6 =	vld [tilespmem:s9+$0x5150];
	v9 =	vpop (erf)  }
0x1c1: {  	v10 =	vsub.f32 v13, v0;
	v13 =	vmul.f32 v9, v3;
	v3 =	vld [tilespmem:s9+$0x5160];
	v14 =	vpop (erf)  }
0x1c2: {  	v11 =	vsub.f32 v12, v0;
	v9 =	vmul.f32 $1.442695020e+00, v8;
	[tilespmem:s9+$0x5100] =	vst v7;
	v12 =	vmul.f32 v14, v4;
	v4 =	vld [tilespmem:s9+$0x5170];
	v14 =	vpop (erf)  }
0x1c3: {  	s11 =	sadd.s32 $0x200, s11;
	v8 =	vmul.f32 $1.442695020e+00, v10;
	v10 =	vsub.f32 v16, v0;
	v7 =	vld [tilespmem:s8+$0x160];
	[tilespmem:s9+$0x5110] =	vst v13;
	v13 =	vmul.f32 v14, v15;
	v14 =	vpop (erf)  }
0x1c4: {  	v15 =	vld [tilespmem:s8+$0x170];
	v11 =	vmul.f32 $1.442695020e+00, v11;
	v5 =	vmul.f32 v14, v5;
	v49 =	vpop (erf)  }
0x1c5: {  	[tilespmem:s9+$0x5120] =	vst v12;
	v1 =	vsub.f32 v1, v0;
	v6 =	vmul.f32 v49, v6;
	v50 =	vpop (erf);
	(erf) = vpow2.f32 v9  }
0x1c6: {  	[tilespmem:s9+$0x5130] =	vst v13;
	v51 =	vmul.f32 $1.442695020e+00, v10;
	v3 =	vmul.f32 v50, v3  }
0x1c7: {  	v2 =	vsub.f32 v2, v0;
	[tilespmem:s9+$0x5140] =	vst v5;
	v52 =	vpop (erf);
	(erf) = vpow2.f32 v8;
	v1 =	vmul.f32 $1.442695020e+00, v1  }
0x1c8: {  	[tilespmem:s9+$0x5150] =	vst v6;
	v4 =	vmul.f32 v52, v4;
	(erf) = vpow2.f32 v11;
	v53 =	vsub.f32 v7, v0  }
0x1c9: {  	v2 =	vmul.f32 $1.442695020e+00, v2;
	[tilespmem:s9+$0x5160] =	vst v3;
	(erf) = vpow2.f32 v51;
	v3 =	vsub.f32 v15, v0  }
0x1ca: {  	[tilespmem:s9+$0x5170] =	vst v4;
	(erf) = vpow2.f32 v1;
	v54 =	vmul.f32 $1.442695020e+00, v53  }
0x1cb: {  	v1 =	vld [tilespmem:s8+$0x5100];
	(erf) = vpow2.f32 v2;
	v3 =	vmul.f32 $1.442695020e+00, v3  }
0x1cc: {  	v2 =	vld [tilespmem:s8+$0x5110];
	(erf) = vpow2.f32 v54  }
0x1cd: {  	v55 =	vld [tilespmem:s8+$0x5120];
	(erf) = vpow2.f32 v3  }
0x1ce: {  	v3 =	vld [tilespmem:s8+$0x5130]  }
0x1cf: {  	v56 =	vld [tilespmem:s8+$0x5140];
	v57 =	vpop (erf)  }
0x1d0: {  	v58 =	vld [tilespmem:s8+$0x5150];
	v1 =	vmul.f32 v57, v1;
	v59 =	vpop (erf)  }
0x1d1: {  	v60 =	vld [tilespmem:s8+$0x5160];
	v2 =	vmul.f32 v59, v2;
	v61 =	vpop (erf)  }
0x1d2: {  	v62 =	vld [tilespmem:s8+$0x5170];
	[tilespmem:s8+$0x5100] =	vst v1;
	v1 =	vmul.f32 v61, v55;
	v63 =	vpop (erf)  }
0x1d3: {  	[tilespmem:s8+$0x5110] =	vst v2;
	v2 =	vmul.f32 v63, v3;
	v3 =	vpop (erf)  }
0x1d4: {  	s18 =	sadd.s32 $0x1, s18;
	[tilespmem:s8+$0x5120] =	vst v1;
	v1 =	vmul.f32 v3, v56;
	v3 =	vpop (erf)  }
0x1d5: {  	p1 =	sne.s32 s18, $0x7C;
	[tilespmem:s8+$0x5130] =	vst v2;
	v2 =	vmul.f32 v3, v58;
	v3 =	vpop (erf)  }
.Ltmp19:
0x1d6: {  	[tilespmem:s8+$0x5140] =	vst v1;
	v1 =	vmul.f32 v3, v60;
	v3 =	vpop (erf);
	(pc) =	sbr.rel @p1 .LBB2_11-.Ltmp19, $4  }
.Ltmp20:
0x1d7: {  	[tilespmem:s8+$0x5150] =	vst v2;
	v2 =	vmul.f32 v3, v62;
	(pc) =	sbr.rel @!p1 .LBB2_24-.Ltmp20, $4  }
0x1d8: {  	[tilespmem:s8+$0x5160] =	vst v1  }
0x1d9: {  	[tilespmem:s8+$0x5170] =	vst v2  }
0x1da: {  	[spmem:s2] =	stream.indirect.scatter.add.f32 [tilespmem:s24], [sflag:$0x3], $0x80, s3, s30, $0xb8;
	[tilespmem:$0x1DA00] =	vst v63  }
0x1db: {  	_ = 	snop  }
.LBB2_13:
.Ltmp21:
0x1dc: {  	(pc) =	sbr.rel .LBB2_16-.Ltmp21, $2  }
0x1dd: {  	_ =	sdelay $0x2  }
0x1de: {  	s9 =	simm.s32 $0x0  }
.LBB2_29:
0x1df: {  	_ =	swait.ge [sflag:s31], $0x2800  }
0x1e0: {  	[sflag:s31] =	ssyncset.done $0x0  }
0x1e1: {  	[sflag:s31] =	ssyncadd.s32 $0xFFFFD800  }
0x1e2: {  	_ =	swait.ge [sflag:s0], $0x50  }
0x1e3: {  	[sflag:s0] =	ssyncset.done $0x0  }
0x1e4: {  	[sflag:s0] =	ssyncadd.s32 $0xFFFFFFB0  }
0x1e5: {  	_ =	swait.ge [sflag:s0], $0x2800  }
0x1e6: {  	[sflag:s0] =	ssyncset.done $0x0  }
0x1e7: {  	s8 =	simm.s32 $0x0;
	[sflag:s0] =	ssyncadd.s32 $0xFFFFD800  }
0x1e8: {  	v4 =	vld [tilespmem:s8+$0x2900]  }
0x1e9: {  	v6 =	vld [tilespmem:s8+$0x2910]  }
0x1ea: {  	v5 =	vld [tilespmem:s8+$0x2920]  }
0x1eb: {  	v2 =	vld [tilespmem:s8+$0x2930]  }
0x1ec: {  	v3 =	vld [tilespmem:s8+$0x2940]  }
0x1ed: {  	v1 =	vld [tilespmem:s8+$0x2950];
	v7 =	vsub.f32 v4, v0  }
0x1ee: {  	s9 =	simm.s32 $0x200;
	v6 =	vsub.f32 v6, v0;
	v4 =	vld [tilespmem:s8+$0x2960]  }
.LBB2_30:
0x1ef: {  	p1 =	sne.s32 s9, $0x9E00;
	v7 =	vmul.f32 $1.442695020e+00, v7;
	v5 =	vsub.f32 v5, v0;
	v8 =	vld [tilespmem:s8+$0x2970]  }
0x1f0: {  	v6 =	vmul.f32 $1.442695020e+00, v6;
	v2 =	vsub.f32 v2, v0  }
0x1f1: {  	v5 =	vmul.f32 $1.442695020e+00, v5;
	v3 =	vsub.f32 v3, v0;
	(erf) = vpow2.f32 v7  }
0x1f2: {  	v2 =	vmul.f32 $1.442695020e+00, v2;
	v1 =	vsub.f32 v1, v0;
	(erf) = vpow2.f32 v6  }
0x1f3: {  	v3 =	vmul.f32 $1.442695020e+00, v3;
	v4 =	vsub.f32 v4, v0;
	(erf) = vpow2.f32 v5  }
0x1f4: {  	v1 =	vmul.f32 $1.442695020e+00, v1;
	v5 =	vsub.f32 v8, v0;
	(erf) = vpow2.f32 v2  }
0x1f5: {  	v2 =	vmul.f32 $1.442695020e+00, v4;
	(erf) = vpow2.f32 v3  }
0x1f6: {  	v3 =	vmul.f32 $1.442695020e+00, v5;
	(erf) = vpow2.f32 v1  }
0x1f7: {  	(erf) = vpow2.f32 v2  }
0x1f8: {  	(erf) = vpow2.f32 v3;
	_ =	sdelay $0x1  }
0x1f9: {  	v1 =	vpop (erf)  }
0x1fa: {  	s11 =	sshra.s32 s9, $0x2;
	[tilespmem:s8+$0x2900] =	vst v1;
	v1 =	vpop (erf)  }
0x1fb: {  	v4 =	vld [tilespmem:s11+$0x2900];
	[tilespmem:s8+$0x2910] =	vst v1;
	v1 =	vpop (erf)  }
0x1fc: {  	v6 =	vld [tilespmem:s11+$0x2910];
	[tilespmem:s8+$0x2920] =	vst v1;
	v1 =	vpop (erf)  }
.Ltmp22:
0x1fd: {  	v5 =	vld [tilespmem:s11+$0x2920];
	[tilespmem:s8+$0x2930] =	vst v1;
	v1 =	vpop (erf);
	(pc) =	sbr.rel @p1 .LBB2_30-.Ltmp22, $4  }
0x1fe: {  	v2 =	vld [tilespmem:s11+$0x2930];
	[tilespmem:s8+$0x2940] =	vst v1;
	v1 =	vpop (erf)  }
0x1ff: {  	v3 =	vld [tilespmem:s11+$0x2940];
	[tilespmem:s8+$0x2950] =	vst v1;
	v8 =	vpop (erf)  }
0x200: {  	v7 =	vsub.f32 v4, v0;
	v1 =	vld [tilespmem:s11+$0x2950];
	[tilespmem:s8+$0x2960] =	vst v8;
	v8 =	vpop (erf)  }
0x201: {  	s9 =	sadd.s32 $0x200, s9;
	v6 =	vsub.f32 v6, v0;
	v4 =	vld [tilespmem:s11+$0x2960];
	[tilespmem:s8+$0x2970] =	vst v8;
	s8 =	smov.u32 s11  }
0x202: {  	v7 =	vmul.f32 $1.442695020e+00, v7;
	v5 =	vsub.f32 v5, v0;
	v8 =	vld [tilespmem:s8+$0x2970]  }
0x203: {  	v6 =	vmul.f32 $1.442695020e+00, v6;
	v2 =	vsub.f32 v2, v0  }
0x204: {  	v5 =	vmul.f32 $1.442695020e+00, v5;
	v3 =	vsub.f32 v3, v0;
	(erf) = vpow2.f32 v7  }
0x205: {  	v2 =	vmul.f32 $1.442695020e+00, v2;
	v1 =	vsub.f32 v1, v0;
	(erf) = vpow2.f32 v6  }
0x206: {  	v3 =	vmul.f32 $1.442695020e+00, v3;
	v4 =	vsub.f32 v4, v0;
	(erf) = vpow2.f32 v5  }
0x207: {  	v1 =	vmul.f32 $1.442695020e+00, v1;
	v54 =	vsub.f32 v8, v0;
	(erf) = vpow2.f32 v2  }
0x208: {  	v55 =	vmul.f32 $1.442695020e+00, v4;
	(erf) = vpow2.f32 v3  }
0x209: {  	v0 =	vmul.f32 $1.442695020e+00, v54;
	(erf) = vpow2.f32 v1  }
0x20a: {  	(erf) = vpow2.f32 v55  }
0x20b: {  	(erf) = vpow2.f32 v0;
	_ =	sdelay $0x1  }
0x20c: {  	v56 =	vpop (erf)  }
0x20d: {  	[tilespmem:s8+$0x2900] =	vst v56;
	v57 =	vpop (erf)  }
0x20e: {  	[tilespmem:s8+$0x2910] =	vst v57;
	v58 =	vpop (erf)  }
0x20f: {  	[tilespmem:s8+$0x2920] =	vst v58;
	v59 =	vpop (erf)  }
.Ltmp23:
0x210: {  	[tilespmem:s8+$0x2930] =	vst v59;
	v60 =	vpop (erf);
	(pc) =	sbr.rel .LBB2_35-.Ltmp23, $4  }
0x211: {  	[tilespmem:s8+$0x2940] =	vst v60;
	v61 =	vpop (erf)  }
0x212: {  	[tilespmem:s8+$0x2950] =	vst v61;
	v62 =	vpop (erf)  }
0x213: {  	[tilespmem:s8+$0x2960] =	vst v62;
	v63 =	vpop (erf)  }
0x214: {  	s9 =	simm.s32 $0x2900;
	[tilespmem:s8+$0x2970] =	vst v63;
	s8 =	rddreg [dreg:$0x1]  }
.LBB2_24:
0x215: {  	_ =	swait.ge [sflag:s31], $0x2800  }
0x216: {  	[sflag:s31] =	ssyncset.done $0x0  }
0x217: {  	[sflag:s31] =	ssyncadd.s32 $0xFFFFD800  }
0x218: {  	_ =	swait.ge [sflag:s0], $0x50  }
0x219: {  	[sflag:s0] =	ssyncset.done $0x0  }
0x21a: {  	[sflag:s0] =	ssyncadd.s32 $0xFFFFFFB0  }
0x21b: {  	_ =	swait.ge [sflag:s0], $0x2800  }
0x21c: {  	[sflag:s0] =	ssyncset.done $0x0  }
0x21d: {  	[sflag:s0] =	ssyncadd.s32 $0xFFFFD800  }
0x21e: {  	_ =	swait.ge [sflag:s0], $0x2800  }
0x21f: {  	[sflag:s0] =	ssyncset.done $0x0  }
0x220: {  	s9 =	simm.s32 $0x0;
	[sflag:s0] =	ssyncadd.s32 $0xFFFFD800  }
0x221: {  	v1 =	vld [tilespmem:s9+$0x2900]  }
0x222: {  	v2 =	vld [tilespmem:s9+$0x2910]  }
0x223: {  	v3 =	vld [tilespmem:s9+$0x2920]  }
0x224: {  	p2 =	por $0x0, $0x0;
	v6 =	vld [tilespmem:s9+$0x2930]  }
.Ltmp24:
0x225: {  	_ = 	snop;
	(pc) =	sbr.rel @p2 .LBB2_25-.Ltmp24, $4  }
0x226: {  	v4 =	vsub.f32 v1, v0;
	v1 =	vld [tilespmem:s9+$0x2940]  }
0x227: {  	v7 =	vsub.f32 v2, v0  }
0x228: {  	v2 =	vld [tilespmem:s9+$0x2950];
	v11 =	vsub.f32 v3, v0  }
0x229: {  	p1 =	por $0x0, $0x0;
	v10 =	vsub.f32 v6, v0;
	v3 =	vld [tilespmem:s9+$0x2960];
	v5 =	vmul.f32 $1.442695020e+00, v4;
	v4 =	vmul.f32 $1.442695020e+00, v7  }
0x22a: {  	_ = 	snop  }
0x22b: {  	v6 =	vld [tilespmem:s9+$0x2970];
	(erf) = vpow2.f32 v5  }
0x22c: {  	v15 =	vld [tilespmem:s9+$0x7920]  }
0x22d: {  	s8 =	simm.s32 $0x80;
	v16 =	vld [tilespmem:s9+$0x7930];
	v5 =	vmul.f32 $1.442695020e+00, v11;
	v7 =	vsub.f32 v1, v0  }
0x22e: {  	v9 =	vld [tilespmem:s8+$0x2900];
	v8 =	vmul.f32 $1.442695020e+00, v10;
	(erf) = vpow2.f32 v4;
	v10 =	vsub.f32 v2, v0  }
0x22f: {  	v12 =	vld [tilespmem:s8+$0x2910];
	v4 =	vmul.f32 $1.442695020e+00, v7;
	(erf) = vpow2.f32 v5;
	v3 =	vsub.f32 v3, v0  }
0x230: {  	v13 =	vld [tilespmem:s8+$0x2920];
	(erf) = vpow2.f32 v8;
	v7 =	vmul.f32 $1.442695020e+00, v10;
	v10 =	vsub.f32 v6, v0  }
0x231: {  	v14 =	vld [tilespmem:s8+$0x2930];
	(erf) = vpow2.f32 v4;
	v3 =	vmul.f32 $1.442695020e+00, v3  }
0x232: {  	v5 =	vld [tilespmem:s9+$0x7900];
	v10 =	vmul.f32 $1.442695020e+00, v10;
	(erf) = vpow2.f32 v7  }
0x233: {  	v4 =	vld [tilespmem:s9+$0x7910];
	(erf) = vpow2.f32 v3  }
0x234: {  	v1 =	vld [tilespmem:s8+$0x2940];
	v8 =	vpop (erf);
	(erf) = vpow2.f32 v10  }
0x235: {  	p2 =	por $0x0, $0x0;
	v2 =	vld [tilespmem:s8+$0x2950]  }
.Ltmp25:
0x236: {  	v6 =	vld [tilespmem:s9+$0x7940];
	(pc) =	sbr.rel @p2 .LBB2_34-.Ltmp25, $4  }
0x237: {  	v3 =	vsub.f32 v9, v0;
	v5 =	vmul.f32 v8, v5;
	v8 =	vld [tilespmem:s9+$0x7950];
	v9 =	vpop (erf)  }
0x238: {  	v7 =	vld [tilespmem:s9+$0x7960];
	v10 =	vsub.f32 v12, v0;
	v17 =	vmul.f32 v9, v4;
	v4 =	vpop (erf)  }
0x239: {  	v11 =	vsub.f32 v13, v0;
	v9 =	vld [tilespmem:s9+$0x7970];
	[tilespmem:s9+$0x7900] =	vst v5;
	v5 =	vmul.f32 $1.442695020e+00, v3;
	v12 =	vmul.f32 v4, v15;
	v13 =	vpop (erf)  }
0x23a: {  	s11 =	simm.s32 $0x400;
	p1 =	por $0x1, $0x1;
	v4 =	vmul.f32 $1.442695020e+00, v10;
	v10 =	vsub.f32 v14, v0;
	v3 =	vld [tilespmem:s8+$0x2960];
	[tilespmem:s9+$0x7910] =	vst v17;
	v13 =	vmul.f32 v13, v16;
	v14 =	vpop (erf)  }
.LBB2_33:
0x23b: {  	s13 =	sshra.s32 s11, $0x2;
	p2 =	seq.s32 s11, $0x9E00;
	v11 =	vmul.f32 $1.442695020e+00, v11;
	v15 =	vld [tilespmem:s8+$0x2970];
	[tilespmem:s9+$0x7920] =	vst v12;
	v16 =	vmul.f32 v14, v6;
	v12 =	vpop (erf)  }
0x23c: {  	v10 =	vmul.f32 $1.442695020e+00, v10;
	v14 =	vld [tilespmem:s13+$0x2900];
	[tilespmem:s9+$0x7930] =	vst v13;
	v8 =	vmul.f32 v12, v8;
	v12 =	vpop (erf)  }
0x23d: {  	v1 =	vsub.f32 v1, v0;
	v13 =	vld [tilespmem:s13+$0x2910];
	(erf) = vpow2.f32 v5;
	[tilespmem:s9+$0x7940] =	vst v16;
	v5 =	vmul.f32 v12, v7;
	v6 =	vpop (erf)  }
0x23e: {  	v2 =	vsub.f32 v2, v0;
	v12 =	vld [tilespmem:s13+$0x2920];
	(erf) = vpow2.f32 v4;
	[tilespmem:s9+$0x7950] =	vst v8;
	v4 =	vmul.f32 v6, v9  }
0x23f: {  	v3 =	vsub.f32 v3, v0;
	v6 =	vmul.f32 $1.442695020e+00, v1;
	v16 =	vld [tilespmem:s13+$0x2930];
	(erf) = vpow2.f32 v11;
	[tilespmem:s9+$0x7960] =	vst v5  }
0x240: {  	v5 =	vmul.f32 $1.442695020e+00, v2;
	v1 =	vld [tilespmem:s13+$0x2940];
	v7 =	vsub.f32 v15, v0;
	(erf) = vpow2.f32 v10;
	[tilespmem:s9+$0x7970] =	vst v4;
	s9 =	smov.u32 s8;
	s8 =	smov.u32 s13  }
0x241: {  	v3 =	vmul.f32 $1.442695020e+00, v3;
	v2 =	vld [tilespmem:s8+$0x2950];
	(erf) = vpow2.f32 v6  }
0x242: {  	v4 =	vld [tilespmem:s9+$0x7900];
	v6 =	vmul.f32 $1.442695020e+00, v7;
	(erf) = vpow2.f32 v5  }
0x243: {  	v5 =	vld [tilespmem:s9+$0x7910];
	(erf) = vpow2.f32 v3  }
0x244: {  	v3 =	vld [tilespmem:s9+$0x7920];
	(erf) = vpow2.f32 v6  }
0x245: {  	v15 =	vld [tilespmem:s9+$0x7930]  }
.Ltmp26:
0x246: {  	v6 =	vld [tilespmem:s9+$0x7940];
	v7 =	vpop (erf);
	(pc) =	sbr.rel @!p2 .LBB2_33-.Ltmp26, $4  }
0x247: {  	v9 =	vsub.f32 v14, v0;
	v4 =	vmul.f32 v7, v4;
	v8 =	vld [tilespmem:s9+$0x7950];
	v7 =	vpop (erf)  }
0x248: {  	v10 =	vsub.f32 v13, v0;
	v13 =	vmul.f32 v7, v5;
	v7 =	vld [tilespmem:s9+$0x7960];
	v14 =	vpop (erf)  }
0x249: {  	v11 =	vsub.f32 v12, v0;
	v5 =	vmul.f32 $1.442695020e+00, v9;
	[tilespmem:s9+$0x7900] =	vst v4;
	v12 =	vmul.f32 v14, v3;
	v9 =	vld [tilespmem:s9+$0x7970];
	v14 =	vpop (erf)  }
0x24a: {  	s11 =	sadd.s32 $0x200, s11;
	v4 =	vmul.f32 $1.442695020e+00, v10;
	v10 =	vsub.f32 v16, v0;
	v3 =	vld [tilespmem:s8+$0x2960];
	[tilespmem:s9+$0x7910] =	vst v13;
	v13 =	vmul.f32 v14, v15;
	v14 =	vpop (erf)  }
.Ltmp27:
0x24b: {  	_ = 	snop;
	(pc) =	sbr.rel .LBB2_34-.Ltmp27, $1  }
0x24c: {  	_ =	sdelay $0x3  }
.LBB2_3:
.Ltmp28:
0x24d: {  	(pc) =	sbr.rel .LBB2_6-.Ltmp28, $2  }
0x24e: {  	_ =	sdelay $0x2  }
0x24f: {  	s8 =	simm.s32 $0x0  }
.LBB2_36:
0x250: {  	_ =	sfence.sel $0x180000  }
0x251: {  	[bflag:$0x0] =	sbarrier.arrive $0xFFFF  }
0x252: {  	_ =	strace $0x9000004A  }
0x253: {  	s0 =	stileid.u32;
	[bflag:$0x2] =	sbarrier.arrive $0xFFFF  }
0x254: {  	p0 =	sne.s32 s0, $0x0;
	s0 =	rddreg [dreg:$0x3]  }
0x255: {  	s0 =	sadd.s32 @!p0 $0x100000, s0  }
0x256: {  	[sflag:s0] =	ssyncadd.tile.s32 @!p0 $0x1;
	_ =	shalt  }
.Lfunc_end2:
_tile_overlayer_lowered:
.L_overlay_start_2:
0x257: {  	(tag) =	ssettag $0x2  }
0x258: {  	s0 =	rddreg [dreg:$0x0];
	s2 =	stileid.u32  }
0x259: {  	s1 =	rddreg [dreg:$0x1];
	p0 =	sne.s32 s2, $0x0  }
0x25a: {  	s3 =	rddreg [dreg:$0x2];
	[bflag:$0x3] =	sbarrier.arrive $0xFFFF;
	s2 =	simm.s32 @!p0 $0x1C05  }
0x25b: {  	[timem:s3], [sflag:s2] =	dma.local @!p0 [hbm:s0], s1  }
0x25c: {  	s0 =	simm.s32 @!p0 $0x5  }
0x25d: {  	_ =	swait.ge @!p0 [sflag:s0], s1  }
0x25e: {  	s1 =	ssub.s32 @!p0 $0x0, s1;
	[sflag:s0] =	ssyncset.done @!p0 $0x0  }
0x25f: {  	[sflag:s0] =	ssyncadd.s32 @!p0 s1  }
0x260: {  	[bflag:$0x3] =	sbarrier.arrive $0xFFFF  }
0x261: {  	_ =	shalt  }

// kernel: kernel.7.cloned.1.call-start
scs
__scs_entry_jumppad:
0x0: {  	(pc) =	sbr.rel $0x88, $3  }
0x1: {  	(tag) =	ssettag $0x0;
	lr =	simm.s32 $0x1  }
0x2: {  	[smem:$0x3F95] =	sst lr;
	_ =	strace $0xD0000000  }
0x3: {  	_ = 	snop  }
0x4: {  	_ = 	snop  }
0x5: {  	_ = 	snop  }
0x6: {  	_ = 	snop  }
0x7: {  	_ = 	snop  }
__scs_overlays_trampoline_lowered:
0x8: {  	[smem:$0x3FA4] =	sst s0  }
0x9: {  	[smem:$0x3FA5] =	sst s1  }
0xa: {  	[smem:$0x3FA6] =	sst s2  }
0xb: {  	[smem:$0x3FA7] =	sst s3  }
0xc: {  	[smem:$0x3FA8] =	sst s4  }
0xd: {  	[smem:$0x3FA9] =	sst s5  }
0xe: {  	[smem:$0x3FAA] =	sst s6  }
0xf: {  	[smem:$0x3FAB] =	sst s7  }
0x10: {  	[smem:$0x3FAC] =	sst s8  }
0x11: {  	[smem:$0x3FAD] =	sst s9;
	s0 =	simm.s32 @!p0 $0x0  }
0x12: {  	s1 =	sld [smem:$0x3F93];
	s0 =	simm.s32 @p0 $0x1  }
0x13: {  	[smem:$0x3FAE] =	sst s0;
	s0 =	simm.s32 @!p1 $0x0  }
0x14: {  	s2 =	sld [smem:$0x3F92];
	s0 =	simm.s32 @p1 $0x1  }
0x15: {  	[smem:$0x3FAF] =	sst s0;
	s0 =	simm.s32 @!p2 $0x0  }
0x16: {  	s3 =	sld [smem:$0x3FDB];
	s0 =	simm.s32 @p2 $0x1  }
0x17: {  	s4 =	simm.s32 $0x1BF5;
	[smem:$0x3FB1] =	sst s0  }
0x18: {  	s0 =	sld [smem:$0x3F94];
	_ =	swait.ge [sflag:s4], $0x0  }
0x19: {  	s7 =	sld [smem:$0x3F95]  }
0x1a: {  	s8 =	sadd.s32 $0xFFFFE003, lr  }
0x1b: {  	s9 =	sadd.s32 $0xFFFFFEF7, lr;
	s5 =	simm.s32 $0xFFFFFFFF;
	p2 =	slt.u32 s8, $0xFFFFF086  }
0x1c: {  	p1 =	slt.u32 s9, $0xF7A;
	s5 =	simm.s32 @!p2 $0x0  }
0x1d: {  	s5 =	simm.s32 @p1 $0x1;
	p0 =	seq.s32 s7, s2  }
0x1e: {  	s7 =	smul.u32 @!p0 $0xF7A, s2;
	p2 =	seq.s32 @!p0 s5, $0x0  }
0x1f: {  	s9 =	smul.u32 $0xF7A, s1;
	s8 =	simm.s32 @!p0 $0x1BF5;
	p2 =	por !p2, p0  }
0x20: {  	[sflag:s8] =	ssyncset.s32 @!p0 $0xFFFFF086;
	s6 =	sadd.s32 @!p0 s3, s7;
	s7 =	simm.s32 @!p0 $0x108  }
0x21: {  	s3 =	sadd.s32 s3, s9;
	s6 =	sadd.s32 @!p0 $0x88, s6;
	s7 =	simm.s32 @p2 $0x1082  }
0x22: {  	[simem:s7], [sflag:s8] =	dma.local @!p0 [hbm:s6], $0xF7A  }
0x23: {  	s9 =	sor.u32 $0xD0000000, s2;
	s6 =	simm.s32 $0x108;
	_ =	swait.ge @!p0 [sflag:s8], $0x0  }
0x24: {  	s3 =	sadd.s32 $0x88, s3;
	s6 =	simm.s32 @!p1 $0x1082;
	[sflag:s4] =	ssyncset.s32 $0xFFFFF086  }
0x25: {  	[simem:s6], [sflag:s4] =	dma.local [hbm:s3], $0xF7A  }
0x26: {  	[smem:$0x3F95] =	sst s1;
	(tag) =	ssettag s2;
	_ =	strace s9  }
0x27: {  	s1 =	sld [smem:$0x3FA5]  }
0x28: {  	s2 =	sld [smem:$0x3FA6]  }
0x29: {  	s4 =	sld [smem:$0x3FA8]  }
0x2a: {  	p0 =	seq.s32 s5, $0x0;
	s5 =	sld [smem:$0x3FA9]  }
0x2b: {  	s6 =	sld [smem:$0x3FAA]  }
0x2c: {  	s7 =	sld [smem:$0x3FAB]  }
0x2d: {  	s3 =	simm.s32 $0x108;
	s8 =	sld [smem:$0x3FAC]  }
0x2e: {  	s3 =	simm.s32 @!p0 $0x1082;
	s9 =	sld [smem:$0x3FAD]  }
0x2f: {  	lr =	sadd.s32 s0, s3;
	s0 =	sld [smem:$0x3FA4]  }
0x30: {  	s3 =	sld [smem:$0x3FA7]  }
0x31: {  	[smem:$0x3FB0] =	sst s10  }
0x32: {  	s10 =	sld [smem:$0x3FAE];
	_ =	sdelay $0x3  }
0x33: {  	p0 =	seq.s32 s10, $0x1;
	s10 =	sld [smem:$0x3FB0];
	_ =	sdelay $0x3  }
0x34: {  	[smem:$0x3FB0] =	sst s10  }
0x35: {  	s10 =	sld [smem:$0x3FAF];
	_ =	sdelay $0x3  }
0x36: {  	p1 =	seq.s32 s10, $0x1;
	s10 =	sld [smem:$0x3FB0];
	_ =	sdelay $0x3  }
0x37: {  	[smem:$0x3FB0] =	sst s10  }
0x38: {  	s10 =	sld [smem:$0x3FB1]  }
0x39: {  	_ = 	snop;
	(pc) =	sbr.ind lr, $3  }
0x3a: {  	_ = 	snop  }
0x3b: {  	_ = 	snop  }
0x3c: {  	p2 =	seq.s32 s10, $0x1;
	s10 =	sld [smem:$0x3FB0]  }
0x3d: {  	_ =	shalt  }
0x3e: {  	_ =	shalt  }
0x3f: {  	_ =	shalt  }
0x40: {  	_ =	shalt  }
0x41: {  	_ =	shalt  }
0x42: {  	_ =	shalt  }
0x43: {  	_ =	shalt  }
0x44: {  	_ =	shalt  }
0x45: {  	_ =	shalt  }
0x46: {  	_ =	shalt  }
0x47: {  	_ =	shalt  }
0x48: {  	_ =	shalt  }
0x49: {  	_ =	shalt  }
0x4a: {  	_ =	shalt  }
0x4b: {  	_ =	shalt  }
0x4c: {  	_ =	shalt  }
0x4d: {  	_ =	shalt  }
0x4e: {  	_ =	shalt  }
0x4f: {  	_ =	shalt  }
0x50: {  	_ =	shalt  }
0x51: {  	_ =	shalt  }
0x52: {  	_ =	shalt  }
0x53: {  	_ =	shalt  }
0x54: {  	_ =	shalt  }
0x55: {  	_ =	shalt  }
0x56: {  	_ =	shalt  }
0x57: {  	_ =	shalt  }
0x58: {  	_ =	shalt  }
0x59: {  	_ =	shalt  }
0x5a: {  	_ =	shalt  }
0x5b: {  	_ =	shalt  }
0x5c: {  	_ =	shalt  }
0x5d: {  	_ =	shalt  }
0x5e: {  	_ =	shalt  }
0x5f: {  	_ =	shalt  }
0x60: {  	_ =	shalt  }
0x61: {  	_ =	shalt  }
0x62: {  	_ =	shalt  }
0x63: {  	_ =	shalt  }
0x64: {  	_ =	shalt  }
0x65: {  	_ =	shalt  }
0x66: {  	_ =	shalt  }
0x67: {  	_ =	shalt  }
0x68: {  	_ =	shalt  }
0x69: {  	_ =	shalt  }
0x6a: {  	_ =	shalt  }
0x6b: {  	_ =	shalt  }
0x6c: {  	_ =	shalt  }
0x6d: {  	_ =	shalt  }
0x6e: {  	_ =	shalt  }
0x6f: {  	_ =	shalt  }
0x70: {  	_ =	shalt  }
0x71: {  	_ =	shalt  }
0x72: {  	_ =	shalt  }
0x73: {  	_ =	shalt  }
0x74: {  	_ =	shalt  }
0x75: {  	_ =	shalt  }
0x76: {  	_ =	shalt  }
0x77: {  	_ =	shalt  }
0x78: {  	_ =	shalt  }
0x79: {  	_ =	shalt  }
0x7a: {  	_ =	shalt  }
0x7b: {  	_ =	shalt  }
0x7c: {  	_ =	shalt  }
0x7d: {  	_ =	shalt  }
0x7e: {  	_ =	shalt  }
0x7f: {  	_ =	shalt  }
0x80: {  	_ =	shalt  }
0x81: {  	_ =	shalt  }
0x82: {  	_ =	shalt  }
0x83: {  	_ =	shalt  }
0x84: {  	_ =	shalt  }
0x85: {  	_ =	shalt  }
0x86: {  	_ =	shalt  }
0x87: {  	_ =	shalt  }
.Lfunc_end0:
.L_simem_size_0:
called_computation_lowered:
.L_overlay_start_0:
0x88: {  	s2 =	sld [smem:$0x3FD9]  }
0x89: {  	s3 =	sld [smem:$0x3FFE];
	_ =	sdelay $0x1  }
0x8a: {  	s1 =	srdreg.scid  }
0x8b: {  	s0 =	sand.u32 $0x1, s1  }
0x8c: {  	s17 =	sshll.u32 s0, $0xA;
	s2 =	sadd.s32 s3, s2  }
0x8d: {  	s2 =	sadd.s32 s2, s17  }
0x8e: {  	[smem:$0x3FBC] =	sst s2  }
0x8f: {  	_ = 	snop  }
0x90: {  	s2 =	sld [smem:$0x3FD0];
	(tm) =	ssettm $0x1  }
0x91: {  	s18 =	sld [smem:$0x3FFB];
	_ =	sdelay $0x3  }
0x92: {  	_ =	strace s18  }
0x93: {  	s3 =	sld [smem:$0x3FFC];
	_ =	sdelay $0x3  }
0x94: {  	_ =	strace s3  }
0x95: {  	s3 =	sld [smem:$0x3FFD];
	_ =	sdelay $0x3  }
0x96: {  	_ =	strace s3  }
0x97: {  	_ =	strace $0x8FFFFFFF  }
0x98: {  	s19 =	sld [smem:$0x3FDB];
	_ =	sdelay $0x1  }
0x99: {  	s4 =	simm.s32 $_scs_section_size  }
0x9a: {  	s5 =	simm.s32 $_size__tile_overlayer_lowered;
	s6 =	simm.s32 $_tile_overlayer_lowered  }
0x9b: {  	s22 =	simm.s32 $0x1BFF;
	s21 =	sshll.u32 s6, $0x1;
	s3 =	sadd.s32 s4, s19  }
0x9c: {  	s7 =	simm.s32 $0x0;
	s20 =	sshll.u32 s5, $0x1;
	s5 =	sadd.s32 s21, s3  }
0x9d: {  	[timem:s7], [sflag:s22] =	dma.local [hbm:s5], s20  }
0x9e: {  	_ =	swait.ge [sflag:s22], s20  }
0x9f: {  	s4 =	ssub.s32 $0x0, s20;
	[sflag:s22] =	ssyncset.done $0x0  }
0xa0: {  	[sflag:s22] =	ssyncadd.s32 s4;
	_ =	sdelay $0x1  }
0xa1: {  	s23 =	simm.s32 $0x1B8B  }
0xa2: {  	_ =	swait.ge [sflag:s23], $0x1  }
0xa3: {  	[sflag:s23] =	ssyncset.done $0x0  }
0xa4: {  	s25 =	simm.s32 $0x1B8E;
	s24 =	sld [smem:$0x3FFE];
	[sflag:s23] =	ssyncadd.s32 $0xFFFFFFFF  }
0xa5: {  	s26 =	simm.s32 $execute0_lowered;
	[smem:$0x3FD2] =	sst s25  }
0xa6: {  	s5 =	sshll.u32 s26, $0x1;
	_ =	strace $0x80000046;
	[dreg:$0x1] =	wrdreg $0xFFFFFFFF  }
0xa7: {  	s28 =	simm.s32 $_size_execute0_lowered;
	s3 =	sadd.s32 s3, s5;
	[dreg:$0x0] =	wrdreg $0x0  }
0xa8: {  	s5 =	sshll.u32 s28, $0x1;
	[dreg:$0x2] =	wrdreg s3  }
0xa9: {  	[dreg:$0x3] =	wrdreg s5  }
0xaa: {  	[dreg:$0x4] =	wrdreg $0xC0  }
0xab: {  	_ =	task [dreg:s7], $0x5FFFF  }
0xac: {  	[dreg:$0x1] =	wrdreg $0xFFFFFFFF  }
0xad: {  	[dreg:$0x0] =	wrdreg $0x60  }
0xae: {  	[dreg:$0x2] =	wrdreg s24  }
0xaf: {  	[dreg:$0x3] =	wrdreg s2  }
0xb0: {  	[dreg:$0x4] =	wrdreg $0x9  }
0xb1: {  	_ =	task.clear_ibuf [dreg:s7], $0x5FFFF;
	_ =	strace $0x90000046  }
0xb2: {  	s29 =	simm.s32 $0x9;
	_ =	strace $0x80000048  }
0xb3: {  	_ =	swait.ge [sflag:s29], $0x1  }
0xb4: {  	[sflag:s29] =	ssyncadd.s32 $0xFFFFFFFF  }
0xb5: {  	_ =	strace $0x90000048  }
0xb6: {  	_ =	sfence  }
0xb7: {  	s30 =	sld [smem:$0x0];
	_ =	sdelay $0x2  }
0xb8: {  	s31 =	sshll.u32 s1, $0xD;
	s1 =	sshrl.u32 s1, $0x2  }
0xb9: {  	s3 =	sand.u32 $0x4000, s31;
	s1 =	sadd.s32 s1, s30  }
0xba: {  	s0 =	sor.u32 s3, s0;
	s1 =	sshll.u32 s1, $0x11  }
0xbb: {  	s0 =	sor.u32 s1, s0  }
0xbc: {  	s0 =	sadd.s32 $0x8F2B, s0  }
0xbd: {  	[sflag:s0] =	ssyncadd.remote.s32 $0x1  }
0xbe: {  	_ =	sfence.sel $0xFFFF  }
0xbf: {  	[dreg:$0x0] =	wrdreg $0xFFFFFFFF;
	(pc) =	sbr.abs _section_cstart, $3  }
0xc0: {  	[dreg:$0x1] =	wrdreg $0xFFFFFFFF  }
0xc1: {  	_ =	task.clear_ibuf [dreg:s7], $0x2FFFF;
	_ =	strace $0x9FFFFFFF  }
0xc2: {  	(tm) =	ssettm $0x7FFFFFFF  }
0xc3: {  	_ =	shalt  }
tec
execute0_lowered:
.L_overlay_start_1:
0x0: {  	(tag) =	ssettag $0x1  }
0x1: {  	s0 =	rddreg [dreg:$0x0]  }
0x2: {  	s4 =	rddreg [dreg:$0x1];
	s1 =	srdreg.scid;
	s3 =	simm.s32 $0x0  }
0x3: {  	s5 =	stileid.u32;
	s28 =	simm.s32 $0xA00;
	s29 =	simm.s32 $0x1200  }
0x4: {  	s30 =	simm.s32 $0x1A00;
	s31 =	simm.s32 $0x2200;
	s15 =	simm.s32 $0x5  }
0x5: {  	s1 =	sand.u32 $0x1, s1;
	[smem:$0x7FF] =	sst s3;
	s6 =	sadd.s32 $0xC000, s0  }
0x6: {  	s7 =	sadd.s32 $0x2200, s0;
	s8 =	sadd.s32 $0xA8400, s0;
	s2 =	sshll.u32 s1, $0x4  }
0x7: {  	s9 =	sadd.s32 $0x58A400, s0;
	_ =	strace $0x80000047;
	s11 =	sor.u32 s5, s2  }
0x8: {  	s1 =	ssub.s32 $0x2, s1;
	s5 =	sadd.s32 $0x5A200, s0;
	s2 =	smul.u32 $0xA, s11  }
0x9: {  	s16 =	sshrl.u32 s1, $0x1;
	s10 =	smul.u32 $0x50, s11;
	s24 =	sor.u32 $0x60, s11  }
0xa: {  	s0 =	ssub.s32 s1, s16;
	s25 =	sor.u32 $0x80, s11;
	[dreg:$0xb] =	wrdreg s24  }
0xb: {  	s20 =	smul.u32 $0x500, s11;
	s26 =	sor.u32 $0x40, s11;
	[dreg:$0xc] =	wrdreg s25  }
0xc: {  	s16 =	simm.s32 $0x6;
	[dreg:$0xd] =	wrdreg s26;
	s0 =	smax.u32 s0, $0x1  }
0xd: {  	s25 =	simm.s32 $0x1;
	s26 =	simm.s32 $0x200;
	s24 =	simm.s32 $0x4200  }
0xe: {  	s17 =	sadd.s32 s7, s2;
	s18 =	sshrl.u32 s10, $0x3;
	[dreg:$0xe] =	wrdreg s0  }
0xf: {  	s2 =	sadd.s32 s4, s2;
	s22 =	sadd.s32 s8, s20;
	[dreg:$0x3] =	wrdreg s17  }
0x10: {  	s23 =	sadd.s32 s9, s20;
	s20 =	smov.u32 s11;
	[dreg:$0x4] =	wrdreg s2  }
0x11: {  	s0 =	simm.s32 $0x2A00;
	s19 =	sadd.s32 $0x140, s18;
	[dreg:$0x9] =	wrdreg s22  }
0x12: {  	s1 =	sadd.s32 $0x280, s18;
	[dreg:$0xa] =	wrdreg s23;
	s12 =	sadd.s32 s7, s19  }
0x13: {  	s23 =	simm.s32 $0x3A00;
	s2 =	sadd.s32 s4, s19;
	[dreg:$0x5] =	wrdreg s12  }
0x14: {  	s22 =	simm.s32 $0x4A00;
	s21 =	sadd.s32 s7, s1;
	[dreg:$0x6] =	wrdreg s2  }
0x15: {  	v2 =	vlaneseq.u32;
	s17 =	simm.s32 $0x0;
	s1 =	sadd.s32 s4, s1;
	[dreg:$0x7] =	wrdreg s21  }
0x16: {  	vm0 =	vmmov $0xffff;
	v1 =	vshrl.u32 v2, $0x3;
	s19 =	smov.u32 s4;
	s4 =	simm.s32 $0x0;
	[dreg:$0x8] =	wrdreg s1  }
0x17: {  	v0 =	vand.u32 $0x7, v2;
	v2 =	vor.u32 $0x8, v2;
	v1 =	vmul.u32 $0x8, v1;
	s2 =	simm.s32 $0x3200;
	s12 =	simm.s32 $0x3;
	s21 =	simm.s32 $0x4  }
.LBB2_1:
0x18: {  	[dreg:$0xf] =	wrdreg s4  }
0x19: {  	s1 =	rddreg [dreg:$0x3]  }
0x1a: {  	[tilespmem:s3], [sflag:$0x1] =	stream.linear.gather [hbm4b:s1+s3], $0x50, $0x38;
	[tilespmem:$0x14200] =	vst v63  }
0x1b: {  	s11 =	rddreg [dreg:$0x4];
	s4 =	simm.s32 $0x100  }
0x1c: {  	[tilespmem:s4], [sflag:$0x1] =	stream.linear.gather [hbm4b:s11+s3], $0x50, $0x38;
	[tilespmem:$0x14200] =	vst v63  }
0x1d: {  	s13 =	rddreg [dreg:$0x5];
	s10 =	simm.s32 $0x80  }
0x1e: {  	[tilespmem:s10], [sflag:$0x2] =	stream.linear.gather [hbm4b:s13+s3], $0x50, $0x38;
	[tilespmem:$0x14200] =	vst v63  }
0x1f: {  	s14 =	rddreg [dreg:$0x6];
	s18 =	simm.s32 $0x180  }
0x20: {  	[tilespmem:s18], [sflag:$0x2] =	stream.linear.gather [hbm4b:s14+s3], $0x50, $0x38;
	[tilespmem:$0x14200] =	vst v63  }
0x21: {  	_ =	swait.ge [sflag:s25], $0x50  }
0x22: {  	[sflag:s25] =	ssyncset.done $0x0  }
0x23: {  	[sflag:s25] =	ssyncadd.s32 $0xFFFFFFB0  }
0x24: {  	_ =	swait.ge [sflag:s25], $0x50  }
0x25: {  	[sflag:s25] =	ssyncset.done $0x0  }
0x26: {  	[sflag:s25] =	ssyncadd.s32 $0xFFFFFFB0  }
0x27: {  	v3 =	vld [tilespmem:$0x0];
	_ =	sdelay $0x4  }
0x28: {  	v4 =	vshll.u32 v3, $0x1  }
0x29: {  	v3 =	vand.u32 $0x7, v3;
	v4 =	vand.u32 $0xFFFFFFF0, v4  }
0x2a: {  	v3 =	vor.u32 v3, v4  }
0x2b: {  	v4 =	vperm.xlane v3, v0;
	_ =	sdelay $0x1  }
0x2c: {  	v3 =	vperm.xlane v3, v2;
	v4 =	vadd.s32 v1, v4;
	_ =	sdelay $0x1  }
0x2d: {  	v3 =	vadd.s32 v1, v3;
	_ =	sdelay $0x2  }
0x2e: {  	[tilespmem:s26], [sflag:$0x3] =	stream.indirect_vreg.gather [hbm4b:s5+s3], $0x80, v4, vm0, $0xb8;
	[tilespmem:$0x14200] =	vst v63  }
0x2f: {  	_ = 	snop  }
0x30: {  	[tilespmem:s28], [sflag:$0x3] =	stream.indirect_vreg.gather [hbm4b:s5+s3], $0x80, v3, vm0, $0xb8;
	[tilespmem:$0x14200] =	vst v63  }
0x31: {  	v3 =	vld [tilespmem:$0x10];
	_ =	sdelay $0x4  }
0x32: {  	v4 =	vshll.u32 v3, $0x1  }
0x33: {  	v3 =	vand.u32 $0x7, v3;
	v4 =	vand.u32 $0xFFFFFFF0, v4  }
0x34: {  	v3 =	vor.u32 v3, v4  }
0x35: {  	v4 =	vperm.xlane v3, v0;
	_ =	sdelay $0x1  }
0x36: {  	v3 =	vperm.xlane v3, v2;
	v4 =	vadd.s32 v1, v4;
	_ =	sdelay $0x1  }
0x37: {  	v3 =	vadd.s32 v1, v3;
	_ =	sdelay $0x2  }
0x38: {  	[tilespmem:s29], [sflag:$0x3] =	stream.indirect_vreg.gather [hbm4b:s5+s3], $0x80, v4, vm0, $0xb8;
	[tilespmem:$0x14200] =	vst v63  }
0x39: {  	_ = 	snop  }
0x3a: {  	[tilespmem:s30], [sflag:$0x3] =	stream.indirect_vreg.gather [hbm4b:s5+s3], $0x80, v3, vm0, $0xb8;
	[tilespmem:$0x14200] =	vst v63  }
0x3b: {  	v3 =	vld [tilespmem:$0x20];
	_ =	sdelay $0x4  }
0x3c: {  	v4 =	vshll.u32 v3, $0x1  }
0x3d: {  	v3 =	vand.u32 $0x7, v3;
	v4 =	vand.u32 $0xFFFFFFF0, v4  }
0x3e: {  	v3 =	vor.u32 v3, v4  }
0x3f: {  	v4 =	vperm.xlane v3, v0;
	_ =	sdelay $0x1  }
0x40: {  	v3 =	vperm.xlane v3, v2;
	v4 =	vadd.s32 v1, v4;
	_ =	sdelay $0x1  }
0x41: {  	v3 =	vadd.s32 v1, v3;
	_ =	sdelay $0x2  }
0x42: {  	[tilespmem:s31], [sflag:$0x3] =	stream.indirect_vreg.gather [hbm4b:s5+s3], $0x80, v4, vm0, $0xb8;
	[tilespmem:$0x14200] =	vst v63  }
0x43: {  	_ = 	snop  }
0x44: {  	[tilespmem:s0], [sflag:$0x3] =	stream.indirect_vreg.gather [hbm4b:s5+s3], $0x80, v3, vm0, $0xb8;
	[tilespmem:$0x14200] =	vst v63  }
0x45: {  	v3 =	vld [tilespmem:$0x30];
	_ =	sdelay $0x4  }
0x46: {  	v4 =	vshll.u32 v3, $0x1  }
0x47: {  	v3 =	vand.u32 $0x7, v3;
	v4 =	vand.u32 $0xFFFFFFF0, v4  }
0x48: {  	v3 =	vor.u32 v3, v4  }
0x49: {  	v4 =	vperm.xlane v3, v0;
	_ =	sdelay $0x1  }
0x4a: {  	v3 =	vperm.xlane v3, v2;
	v4 =	vadd.s32 v1, v4;
	_ =	sdelay $0x1  }
0x4b: {  	v3 =	vadd.s32 v1, v3;
	_ =	sdelay $0x2  }
0x4c: {  	[tilespmem:s2], [sflag:$0x3] =	stream.indirect_vreg.gather [hbm4b:s5+s3], $0x80, v4, vm0, $0xb8;
	[tilespmem:$0x14200] =	vst v63  }
0x4d: {  	_ = 	snop  }
0x4e: {  	[tilespmem:s23], [sflag:$0x3] =	stream.indirect_vreg.gather [hbm4b:s5+s3], $0x80, v3, vm0, $0xb8;
	[tilespmem:$0x14200] =	vst v63  }
0x4f: {  	v3 =	vld [tilespmem:$0x40];
	_ =	sdelay $0x4  }
0x50: {  	v4 =	vshll.u32 v3, $0x1  }
0x51: {  	v3 =	vand.u32 $0x7, v3;
	v4 =	vand.u32 $0xFFFFFFF0, v4  }
0x52: {  	v3 =	vor.u32 v3, v4  }
0x53: {  	v4 =	vperm.xlane v3, v0;
	_ =	sdelay $0x1  }
0x54: {  	v3 =	vperm.xlane v3, v2;
	v4 =	vadd.s32 v1, v4;
	_ =	sdelay $0x1  }
0x55: {  	v3 =	vadd.s32 v1, v3;
	_ =	sdelay $0x2  }
0x56: {  	[tilespmem:s24], [sflag:$0x3] =	stream.indirect_vreg.gather [hbm4b:s5+s3], $0x80, v4, vm0, $0xb8;
	[tilespmem:$0x14200] =	vst v63  }
0x57: {  	_ = 	snop  }
0x58: {  	[tilespmem:s22], [sflag:$0x3] =	stream.indirect_vreg.gather [hbm4b:s5+s3], $0x80, v3, vm0, $0xb8;
	[tilespmem:$0x14200] =	vst v63  }
0x59: {  	v3 =	vld [tilespmem:$0x100];
	_ =	sdelay $0x4  }
0x5a: {  	v4 =	vshll.u32 v3, $0x1  }
0x5b: {  	v3 =	vand.u32 $0x7, v3;
	v4 =	vand.u32 $0xFFFFFFF0, v4  }
0x5c: {  	v3 =	vor.u32 v3, v4  }
0x5d: {  	v4 =	vperm.xlane v3, v0;
	_ =	sdelay $0x1  }
0x5e: {  	v3 =	vperm.xlane v3, v2;
	v4 =	vadd.s32 v1, v4;
	_ =	sdelay $0x1  }
0x5f: {  	v3 =	vadd.s32 v1, v3;
	_ =	sdelay $0x1  }
0x60: {  	s10 =	simm.s32 $0xA200  }
0x61: {  	[tilespmem:s10], [sflag:$0x3] =	stream.indirect_vreg.gather [hbm4b:s6+s3], $0x80, v4, vm0, $0xb8;
	[tilespmem:$0x14200] =	vst v63  }
0x62: {  	s11 =	simm.s32 $0xAA00  }
0x63: {  	[tilespmem:s11], [sflag:$0x3] =	stream.indirect_vreg.gather [hbm4b:s6+s3], $0x80, v3, vm0, $0xb8;
	[tilespmem:$0x14200] =	vst v63  }
0x64: {  	v3 =	vld [tilespmem:$0x110];
	_ =	sdelay $0x4  }
0x65: {  	v4 =	vshll.u32 v3, $0x1  }
0x66: {  	v3 =	vand.u32 $0x7, v3;
	v4 =	vand.u32 $0xFFFFFFF0, v4  }
0x67: {  	v3 =	vor.u32 v3, v4  }
0x68: {  	v4 =	vperm.xlane v3, v0;
	_ =	sdelay $0x1  }
0x69: {  	v3 =	vperm.xlane v3, v2;
	v4 =	vadd.s32 v1, v4;
	_ =	sdelay $0x1  }
0x6a: {  	v3 =	vadd.s32 v1, v3;
	_ =	sdelay $0x1  }
0x6b: {  	s13 =	simm.s32 $0xB200  }
0x6c: {  	[tilespmem:s13], [sflag:$0x3] =	stream.indirect_vreg.gather [hbm4b:s6+s3], $0x80, v4, vm0, $0xb8;
	[tilespmem:$0x14200] =	vst v63  }
0x6d: {  	s14 =	simm.s32 $0xBA00  }
0x6e: {  	[tilespmem:s14], [sflag:$0x3] =	stream.indirect_vreg.gather [hbm4b:s6+s3], $0x80, v3, vm0, $0xb8;
	[tilespmem:$0x14200] =	vst v63  }
0x6f: {  	v3 =	vld [tilespmem:$0x120];
	_ =	sdelay $0x4  }
0x70: {  	v4 =	vshll.u32 v3, $0x1  }
0x71: {  	v3 =	vand.u32 $0x7, v3;
	v4 =	vand.u32 $0xFFFFFFF0, v4  }
0x72: {  	v3 =	vor.u32 v3, v4  }
0x73: {  	v4 =	vperm.xlane v3, v0;
	_ =	sdelay $0x1  }
0x74: {  	v3 =	vperm.xlane v3, v2;
	v4 =	vadd.s32 v1, v4;
	_ =	sdelay $0x1  }
0x75: {  	v3 =	vadd.s32 v1, v3;
	_ =	sdelay $0x1  }
0x76: {  	s18 =	simm.s32 $0xC200  }
0x77: {  	[tilespmem:s18], [sflag:$0x3] =	stream.indirect_vreg.gather [hbm4b:s6+s3], $0x80, v4, vm0, $0xb8;
	[tilespmem:$0x14200] =	vst v63  }
0x78: {  	s10 =	simm.s32 $0xCA00  }
0x79: {  	[tilespmem:s10], [sflag:$0x3] =	stream.indirect_vreg.gather [hbm4b:s6+s3], $0x80, v3, vm0, $0xb8;
	[tilespmem:$0x14200] =	vst v63  }
0x7a: {  	v3 =	vld [tilespmem:$0x130];
	_ =	sdelay $0x4  }
0x7b: {  	v4 =	vshll.u32 v3, $0x1  }
0x7c: {  	v3 =	vand.u32 $0x7, v3;
	v4 =	vand.u32 $0xFFFFFFF0, v4  }
0x7d: {  	v3 =	vor.u32 v3, v4  }
0x7e: {  	v4 =	vperm.xlane v3, v0;
	_ =	sdelay $0x1  }
0x7f: {  	v3 =	vperm.xlane v3, v2;
	v4 =	vadd.s32 v1, v4;
	_ =	sdelay $0x1  }
0x80: {  	v3 =	vadd.s32 v1, v3;
	_ =	sdelay $0x1  }
0x81: {  	s11 =	simm.s32 $0xD200  }
0x82: {  	[tilespmem:s11], [sflag:$0x3] =	stream.indirect_vreg.gather [hbm4b:s6+s3], $0x80, v4, vm0, $0xb8;
	[tilespmem:$0x14200] =	vst v63  }
0x83: {  	s13 =	simm.s32 $0xDA00  }
0x84: {  	[tilespmem:s13], [sflag:$0x3] =	stream.indirect_vreg.gather [hbm4b:s6+s3], $0x80, v3, vm0, $0xb8;
	[tilespmem:$0x14200] =	vst v63  }
0x85: {  	v3 =	vld [tilespmem:$0x140];
	_ =	sdelay $0x4  }
0x86: {  	v4 =	vshll.u32 v3, $0x1  }
0x87: {  	v3 =	vand.u32 $0x7, v3;
	v4 =	vand.u32 $0xFFFFFFF0, v4  }
0x88: {  	v3 =	vor.u32 v3, v4  }
0x89: {  	v4 =	vperm.xlane v3, v0;
	_ =	sdelay $0x1  }
0x8a: {  	v3 =	vperm.xlane v3, v2;
	v4 =	vadd.s32 v1, v4;
	_ =	sdelay $0x1  }
0x8b: {  	v3 =	vadd.s32 v1, v3;
	_ =	sdelay $0x1  }
0x8c: {  	s14 =	simm.s32 $0xE200  }
0x8d: {  	[tilespmem:s14], [sflag:$0x3] =	stream.indirect_vreg.gather [hbm4b:s6+s3], $0x80, v4, vm0, $0xb8;
	[tilespmem:$0x14200] =	vst v63  }
0x8e: {  	s18 =	simm.s32 $0xEA00;
	s10 =	simm.s32 $0x2  }
0x8f: {  	[tilespmem:s18], [sflag:$0x3] =	stream.indirect_vreg.gather [hbm4b:s6+s3], $0x80, v3, vm0, $0xb8;
	[tilespmem:$0x14200] =	vst v63  }
0x90: {  	_ =	swait.ge [sflag:s10], $0x50  }
0x91: {  	[sflag:s10] =	ssyncset.done $0x0  }
0x92: {  	[sflag:s10] =	ssyncadd.s32 $0xFFFFFFB0  }
0x93: {  	_ =	swait.ge [sflag:s10], $0x50  }
0x94: {  	[sflag:s10] =	ssyncset.done $0x0  }
0x95: {  	[sflag:s10] =	ssyncadd.s32 $0xFFFFFFB0  }
0x96: {  	v3 =	vld [tilespmem:$0x80];
	_ =	sdelay $0x4  }
0x97: {  	v4 =	vshll.u32 v3, $0x1  }
0x98: {  	v3 =	vand.u32 $0x7, v3;
	v4 =	vand.u32 $0xFFFFFFF0, v4  }
0x99: {  	v3 =	vor.u32 v3, v4  }
0x9a: {  	v4 =	vperm.xlane v3, v0;
	_ =	sdelay $0x1  }
0x9b: {  	v3 =	vperm.xlane v3, v2;
	v4 =	vadd.s32 v1, v4;
	_ =	sdelay $0x1  }
0x9c: {  	v3 =	vadd.s32 v1, v3;
	_ =	sdelay $0x1  }
0x9d: {  	s11 =	simm.s32 $0x5200  }
0x9e: {  	[tilespmem:s11], [sflag:$0x4] =	stream.indirect_vreg.gather [hbm4b:s5+s3], $0x80, v4, vm0, $0xb8;
	[tilespmem:$0x14200] =	vst v63  }
0x9f: {  	s13 =	simm.s32 $0x5A00  }
0xa0: {  	[tilespmem:s13], [sflag:$0x4] =	stream.indirect_vreg.gather [hbm4b:s5+s3], $0x80, v3, vm0, $0xb8;
	[tilespmem:$0x14200] =	vst v63  }
0xa1: {  	v3 =	vld [tilespmem:$0x90];
	_ =	sdelay $0x4  }
0xa2: {  	v4 =	vshll.u32 v3, $0x1  }
0xa3: {  	v3 =	vand.u32 $0x7, v3;
	v4 =	vand.u32 $0xFFFFFFF0, v4  }
0xa4: {  	v3 =	vor.u32 v3, v4  }
0xa5: {  	v4 =	vperm.xlane v3, v0;
	_ =	sdelay $0x1  }
0xa6: {  	v3 =	vperm.xlane v3, v2;
	v4 =	vadd.s32 v1, v4;
	_ =	sdelay $0x1  }
0xa7: {  	v3 =	vadd.s32 v1, v3;
	_ =	sdelay $0x1  }
0xa8: {  	s14 =	simm.s32 $0x6200  }
0xa9: {  	[tilespmem:s14], [sflag:$0x4] =	stream.indirect_vreg.gather [hbm4b:s5+s3], $0x80, v4, vm0, $0xb8;
	[tilespmem:$0x14200] =	vst v63  }
0xaa: {  	s18 =	simm.s32 $0x6A00  }
0xab: {  	[tilespmem:s18], [sflag:$0x4] =	stream.indirect_vreg.gather [hbm4b:s5+s3], $0x80, v3, vm0, $0xb8;
	[tilespmem:$0x14200] =	vst v63  }
0xac: {  	v3 =	vld [tilespmem:$0xA0];
	_ =	sdelay $0x4  }
0xad: {  	v4 =	vshll.u32 v3, $0x1  }
0xae: {  	v3 =	vand.u32 $0x7, v3;
	v4 =	vand.u32 $0xFFFFFFF0, v4  }
0xaf: {  	v3 =	vor.u32 v3, v4  }
0xb0: {  	v4 =	vperm.xlane v3, v0;
	_ =	sdelay $0x1  }
0xb1: {  	v3 =	vperm.xlane v3, v2;
	v4 =	vadd.s32 v1, v4;
	_ =	sdelay $0x1  }
0xb2: {  	v3 =	vadd.s32 v1, v3;
	_ =	sdelay $0x1  }
0xb3: {  	s10 =	simm.s32 $0x7200  }
0xb4: {  	[tilespmem:s10], [sflag:$0x4] =	stream.indirect_vreg.gather [hbm4b:s5+s3], $0x80, v4, vm0, $0xb8;
	[tilespmem:$0x14200] =	vst v63  }
0xb5: {  	s11 =	simm.s32 $0x7A00  }
0xb6: {  	[tilespmem:s11], [sflag:$0x4] =	stream.indirect_vreg.gather [hbm4b:s5+s3], $0x80, v3, vm0, $0xb8;
	[tilespmem:$0x14200] =	vst v63  }
0xb7: {  	v3 =	vld [tilespmem:$0xB0];
	_ =	sdelay $0x4  }
0xb8: {  	v4 =	vshll.u32 v3, $0x1  }
0xb9: {  	v3 =	vand.u32 $0x7, v3;
	v4 =	vand.u32 $0xFFFFFFF0, v4  }
0xba: {  	v3 =	vor.u32 v3, v4  }
0xbb: {  	v4 =	vperm.xlane v3, v0;
	_ =	sdelay $0x1  }
0xbc: {  	v3 =	vperm.xlane v3, v2;
	v4 =	vadd.s32 v1, v4;
	_ =	sdelay $0x1  }
0xbd: {  	v3 =	vadd.s32 v1, v3;
	_ =	sdelay $0x1  }
0xbe: {  	s13 =	simm.s32 $0x8200  }
0xbf: {  	[tilespmem:s13], [sflag:$0x4] =	stream.indirect_vreg.gather [hbm4b:s5+s3], $0x80, v4, vm0, $0xb8;
	[tilespmem:$0x14200] =	vst v63  }
0xc0: {  	s14 =	simm.s32 $0x8A00  }
0xc1: {  	[tilespmem:s14], [sflag:$0x4] =	stream.indirect_vreg.gather [hbm4b:s5+s3], $0x80, v3, vm0, $0xb8;
	[tilespmem:$0x14200] =	vst v63  }
0xc2: {  	v3 =	vld [tilespmem:$0xC0];
	_ =	sdelay $0x4  }
0xc3: {  	v4 =	vshll.u32 v3, $0x1  }
0xc4: {  	v3 =	vand.u32 $0x7, v3;
	v4 =	vand.u32 $0xFFFFFFF0, v4  }
0xc5: {  	v3 =	vor.u32 v3, v4  }
0xc6: {  	v4 =	vperm.xlane v3, v0;
	_ =	sdelay $0x1  }
0xc7: {  	v3 =	vperm.xlane v3, v2;
	v4 =	vadd.s32 v1, v4;
	_ =	sdelay $0x1  }
0xc8: {  	v3 =	vadd.s32 v1, v3;
	_ =	sdelay $0x1  }
0xc9: {  	s18 =	simm.s32 $0x9200  }
0xca: {  	[tilespmem:s18], [sflag:$0x4] =	stream.indirect_vreg.gather [hbm4b:s5+s3], $0x80, v4, vm0, $0xb8;
	[tilespmem:$0x14200] =	vst v63  }
0xcb: {  	s10 =	simm.s32 $0x9A00  }
0xcc: {  	[tilespmem:s10], [sflag:$0x4] =	stream.indirect_vreg.gather [hbm4b:s5+s3], $0x80, v3, vm0, $0xb8;
	[tilespmem:$0x14200] =	vst v63  }
0xcd: {  	v3 =	vld [tilespmem:$0x180];
	_ =	sdelay $0x4  }
0xce: {  	v4 =	vshll.u32 v3, $0x1  }
0xcf: {  	v3 =	vand.u32 $0x7, v3;
	v4 =	vand.u32 $0xFFFFFFF0, v4  }
0xd0: {  	v3 =	vor.u32 v3, v4  }
0xd1: {  	v4 =	vperm.xlane v3, v0;
	_ =	sdelay $0x1  }
0xd2: {  	v3 =	vperm.xlane v3, v2;
	v4 =	vadd.s32 v1, v4;
	_ =	sdelay $0x1  }
0xd3: {  	v3 =	vadd.s32 v1, v3;
	_ =	sdelay $0x1  }
0xd4: {  	s11 =	simm.s32 $0xF200  }
0xd5: {  	[tilespmem:s11], [sflag:$0x4] =	stream.indirect_vreg.gather [hbm4b:s6+s3], $0x80, v4, vm0, $0xb8;
	[tilespmem:$0x14200] =	vst v63  }
0xd6: {  	s13 =	simm.s32 $0xFA00  }
0xd7: {  	[tilespmem:s13], [sflag:$0x4] =	stream.indirect_vreg.gather [hbm4b:s6+s3], $0x80, v3, vm0, $0xb8;
	[tilespmem:$0x14200] =	vst v63  }
0xd8: {  	v3 =	vld [tilespmem:$0x190];
	_ =	sdelay $0x4  }
0xd9: {  	v4 =	vshll.u32 v3, $0x1  }
0xda: {  	v3 =	vand.u32 $0x7, v3;
	v4 =	vand.u32 $0xFFFFFFF0, v4  }
0xdb: {  	v3 =	vor.u32 v3, v4  }
0xdc: {  	v4 =	vperm.xlane v3, v0;
	_ =	sdelay $0x1  }
0xdd: {  	v3 =	vperm.xlane v3, v2;
	v4 =	vadd.s32 v1, v4;
	_ =	sdelay $0x1  }
0xde: {  	v3 =	vadd.s32 v1, v3;
	_ =	sdelay $0x1  }
0xdf: {  	s14 =	simm.s32 $0x10200  }
0xe0: {  	[tilespmem:s14], [sflag:$0x4] =	stream.indirect_vreg.gather [hbm4b:s6+s3], $0x80, v4, vm0, $0xb8;
	[tilespmem:$0x14200] =	vst v63  }
0xe1: {  	s18 =	simm.s32 $0x10A00  }
0xe2: {  	[tilespmem:s18], [sflag:$0x4] =	stream.indirect_vreg.gather [hbm4b:s6+s3], $0x80, v3, vm0, $0xb8;
	[tilespmem:$0x14200] =	vst v63  }
0xe3: {  	v3 =	vld [tilespmem:$0x1A0];
	_ =	sdelay $0x4  }
0xe4: {  	v4 =	vshll.u32 v3, $0x1  }
0xe5: {  	v3 =	vand.u32 $0x7, v3;
	v4 =	vand.u32 $0xFFFFFFF0, v4  }
0xe6: {  	v3 =	vor.u32 v3, v4  }
0xe7: {  	v4 =	vperm.xlane v3, v0;
	_ =	sdelay $0x1  }
0xe8: {  	v3 =	vperm.xlane v3, v2;
	v4 =	vadd.s32 v1, v4;
	_ =	sdelay $0x1  }
0xe9: {  	v3 =	vadd.s32 v1, v3;
	_ =	sdelay $0x1  }
0xea: {  	s10 =	simm.s32 $0x11200  }
0xeb: {  	[tilespmem:s10], [sflag:$0x4] =	stream.indirect_vreg.gather [hbm4b:s6+s3], $0x80, v4, vm0, $0xb8;
	[tilespmem:$0x14200] =	vst v63  }
0xec: {  	s11 =	simm.s32 $0x11A00  }
0xed: {  	[tilespmem:s11], [sflag:$0x4] =	stream.indirect_vreg.gather [hbm4b:s6+s3], $0x80, v3, vm0, $0xb8;
	[tilespmem:$0x14200] =	vst v63  }
0xee: {  	v3 =	vld [tilespmem:$0x1B0];
	_ =	sdelay $0x4  }
0xef: {  	v4 =	vshll.u32 v3, $0x1  }
0xf0: {  	v3 =	vand.u32 $0x7, v3;
	v4 =	vand.u32 $0xFFFFFFF0, v4  }
0xf1: {  	v3 =	vor.u32 v3, v4  }
0xf2: {  	v4 =	vperm.xlane v3, v0;
	_ =	sdelay $0x1  }
0xf3: {  	v3 =	vperm.xlane v3, v2;
	v4 =	vadd.s32 v1, v4;
	_ =	sdelay $0x1  }
0xf4: {  	v3 =	vadd.s32 v1, v3;
	_ =	sdelay $0x1  }
0xf5: {  	s13 =	simm.s32 $0x12200  }
0xf6: {  	[tilespmem:s13], [sflag:$0x4] =	stream.indirect_vreg.gather [hbm4b:s6+s3], $0x80, v4, vm0, $0xb8;
	[tilespmem:$0x14200] =	vst v63  }
0xf7: {  	s14 =	simm.s32 $0x12A00  }
0xf8: {  	[tilespmem:s14], [sflag:$0x4] =	stream.indirect_vreg.gather [hbm4b:s6+s3], $0x80, v3, vm0, $0xb8;
	[tilespmem:$0x14200] =	vst v63  }
0xf9: {  	v3 =	vld [tilespmem:$0x1C0];
	_ =	sdelay $0x4  }
0xfa: {  	v4 =	vshll.u32 v3, $0x1  }
0xfb: {  	v3 =	vand.u32 $0x7, v3;
	v4 =	vand.u32 $0xFFFFFFF0, v4  }
0xfc: {  	v3 =	vor.u32 v3, v4  }
0xfd: {  	v4 =	vperm.xlane v3, v0;
	_ =	sdelay $0x1  }
0xfe: {  	v3 =	vperm.xlane v3, v2;
	v4 =	vadd.s32 v1, v4;
	_ =	sdelay $0x1  }
0xff: {  	v3 =	vadd.s32 v1, v3;
	_ =	sdelay $0x1  }
0x100: {  	s18 =	simm.s32 $0x13200  }
0x101: {  	[tilespmem:s18], [sflag:$0x4] =	stream.indirect_vreg.gather [hbm4b:s6+s3], $0x80, v4, vm0, $0xb8;
	[tilespmem:$0x14200] =	vst v63  }
0x102: {  	s10 =	simm.s32 $0x13A00  }
0x103: {  	[tilespmem:s10], [sflag:$0x4] =	stream.indirect_vreg.gather [hbm4b:s6+s3], $0x80, v3, vm0, $0xb8;
	[tilespmem:$0x14200] =	vst v63  }
0x104: {  	_ =	swait.ge [sflag:s12], $0x5000  }
0x105: {  	[sflag:s12] =	ssyncset.done $0x0  }
0x106: {  	[sflag:s12] =	ssyncadd.s32 $0xFFFFB000  }
0x107: {  	_ =	swait.ge [sflag:s12], $0x5000  }
0x108: {  	s14 =	sand.u32 $0x7800, s3;
	[sflag:s12] =	ssyncset.done $0x0  }
0x109: {  	s18 =	sand.u32 $0x380, s3;
	s11 =	rddreg [dreg:$0x7];
	[sflag:s12] =	ssyncadd.s32 $0xFFFFB000  }
0x10a: {  	[tilespmem:s3], [sflag:$0x1] =	stream.linear.gather [hbm4b:s11+s3], $0x50, $0x38;
	[tilespmem:$0x14200] =	vst v63  }
0x10b: {  	s10 =	sor.u32 s18, s14;
	s13 =	rddreg [dreg:$0x8]  }
0x10c: {  	[tilespmem:s4], [sflag:$0x1] =	stream.linear.gather [hbm4b:s13+s3], $0x50, $0x38;
	[tilespmem:$0x14200] =	vst v63  }
0x10d: {  	v10 =	vld [tilespmem:s10+$0xA200]  }
0x10e: {  	v11 =	vld [tilespmem:s10+$0xA210]  }
0x10f: {  	v12 =	vld [tilespmem:s10+$0xA220]  }
0x110: {  	v13 =	vld [tilespmem:s10+$0xA230]  }
0x111: {  	v14 =	vld [tilespmem:s10+$0xA240]  }
0x112: {  	v15 =	vld [tilespmem:s10+$0xA250]  }
0x113: {  	v16 =	vld [tilespmem:s10+$0xA260]  }
0x114: {  	v17 =	vld [tilespmem:s10+$0xA270]  }
0x115: {  	v18 =	vld [tilespmem:s10+$0xA600]  }
0x116: {  	v9 =	vld [tilespmem:s10+$0xA610]  }
0x117: {  	v8 =	vld [tilespmem:s10+$0xA620]  }
0x118: {  	v7 =	vld [tilespmem:s10+$0xA630]  }
0x119: {  	v6 =	vld [tilespmem:s10+$0xA640]  }
0x11a: {  	v5 =	vld [tilespmem:s10+$0xA650]  }
0x11b: {  	v4 =	vld [tilespmem:s10+$0xA660]  }
0x11c: {  	v3 =	vld [tilespmem:s10+$0xA670]  }
0x11d: {  	v19 =	vld [tilespmem:s10+$0x200]  }
0x11e: {  	v20 =	vld [tilespmem:s10+$0x210]  }
0x11f: {  	v21 =	vld [tilespmem:s10+$0x220]  }
0x120: {  	v22 =	vld [tilespmem:s10+$0x230]  }
0x121: {  	v23 =	vld [tilespmem:s10+$0x240]  }
0x122: {  	v10 =	vsub.f32 v19, v10;
	v19 =	vld [tilespmem:s10+$0x250]  }
0x123: {  	v61 =	vld [tilespmem:s10+$0x260];
	v11 =	vsub.f32 v20, v11  }
0x124: {  	v62 =	vld [tilespmem:s10+$0x270];
	[tilespmem:s10+$0x200] =	vst v10;
	v10 =	vsub.f32 v21, v12  }
0x125: {  	v63 =	vld [tilespmem:s10+$0x600];
	[tilespmem:s10+$0x210] =	vst v11;
	v11 =	vsub.f32 v22, v13  }
0x126: {  	v13 =	vld [tilespmem:s10+$0x610];
	[tilespmem:s10+$0x220] =	vst v10;
	v10 =	vsub.f32 v23, v14  }
0x127: {  	v12 =	vld [tilespmem:s10+$0x620];
	[tilespmem:s10+$0x230] =	vst v11;
	v11 =	vsub.f32 v19, v15  }
0x128: {  	v14 =	vsub.f32 v61, v16;
	[tilespmem:s10+$0x240] =	vst v10;
	v10 =	vld [tilespmem:s10+$0x630]  }
0x129: {  	v16 =	vsub.f32 v62, v17;
	[tilespmem:s10+$0x250] =	vst v11;
	v11 =	vld [tilespmem:s10+$0x640]  }
0x12a: {  	s11 =	simm.s32 $0x80;
	s13 =	simm.s32 $0x100;
	v15 =	vadd.f32 v18, v63;
	[tilespmem:s10+$0x260] =	vst v14;
	v14 =	vld [tilespmem:s10+$0x650]  }
.LBB2_2:
0x12b: {  	s1 =	sand.u32 $0x7800, s13;
	s14 =	sand.u32 $0x380, s11;
	p0 =	sne.s32 s13, $0x4F00;
	[tilespmem:s10+$0x270] =	vst v16;
	v9 =	vadd.f32 v9, v13;
	v13 =	vld [tilespmem:s10+$0x660]  }
0x12c: {  	s1 =	sor.u32 s14, s1;
	[tilespmem:s10+$0x600] =	vst v15;
	v8 =	vadd.f32 v8, v12;
	v12 =	vld [tilespmem:s10+$0x670]  }
0x12d: {  	v15 =	vld [tilespmem:s1+$0xA200];
	[tilespmem:s10+$0x610] =	vst v9;
	v7 =	vadd.f32 v7, v10  }
0x12e: {  	v10 =	vld [tilespmem:s1+$0xA210];
	[tilespmem:s10+$0x620] =	vst v8;
	v6 =	vadd.f32 v6, v11  }
0x12f: {  	v11 =	vld [tilespmem:s1+$0xA220];
	[tilespmem:s10+$0x630] =	vst v7;
	v5 =	vadd.f32 v5, v14  }
0x130: {  	v14 =	vld [tilespmem:s1+$0xA230];
	[tilespmem:s10+$0x640] =	vst v6;
	v4 =	vadd.f32 v4, v13  }
0x131: {  	v13 =	vld [tilespmem:s1+$0xA240];
	[tilespmem:s10+$0x650] =	vst v5;
	v3 =	vadd.f32 v3, v12  }
0x132: {  	v12 =	vld [tilespmem:s1+$0xA250];
	[tilespmem:s10+$0x660] =	vst v4  }
0x133: {  	v16 =	vld [tilespmem:s1+$0xA260];
	[tilespmem:s10+$0x670] =	vst v3;
	s10 =	smov.u32 s1  }
0x134: {  	v17 =	vld [tilespmem:s10+$0xA270]  }
0x135: {  	v18 =	vld [tilespmem:s10+$0xA600]  }
0x136: {  	v9 =	vld [tilespmem:s10+$0xA610]  }
0x137: {  	v8 =	vld [tilespmem:s10+$0xA620]  }
0x138: {  	v7 =	vld [tilespmem:s10+$0xA630]  }
0x139: {  	v6 =	vld [tilespmem:s10+$0xA640]  }
0x13a: {  	v5 =	vld [tilespmem:s10+$0xA650]  }
0x13b: {  	v4 =	vld [tilespmem:s10+$0xA660]  }
0x13c: {  	v3 =	vld [tilespmem:s10+$0xA670]  }
0x13d: {  	v19 =	vld [tilespmem:s10+$0x200]  }
0x13e: {  	v20 =	vld [tilespmem:s10+$0x210]  }
0x13f: {  	v21 =	vld [tilespmem:s10+$0x220]  }
0x140: {  	v22 =	vld [tilespmem:s10+$0x230]  }
0x141: {  	v23 =	vld [tilespmem:s10+$0x240]  }
0x142: {  	v15 =	vsub.f32 v19, v15;
	v19 =	vld [tilespmem:s10+$0x250]  }
0x143: {  	v10 =	vsub.f32 v20, v10;
	v20 =	vld [tilespmem:s10+$0x260]  }
0x144: {  	[tilespmem:s10+$0x200] =	vst v15;
	v11 =	vsub.f32 v21, v11;
	v15 =	vld [tilespmem:s10+$0x270]  }
0x145: {  	[tilespmem:s10+$0x210] =	vst v10;
	v10 =	vsub.f32 v22, v14;
	v14 =	vld [tilespmem:s10+$0x600]  }
.Ltmp0:
0x146: {  	[tilespmem:s10+$0x220] =	vst v11;
	v11 =	vsub.f32 v23, v13;
	v13 =	vld [tilespmem:s10+$0x610];
	(pc) =	sbr.rel @p0 .LBB2_2-.Ltmp0, $4  }
0x147: {  	[tilespmem:s10+$0x230] =	vst v10;
	v19 =	vsub.f32 v19, v12;
	v12 =	vld [tilespmem:s10+$0x620]  }
0x148: {  	[tilespmem:s10+$0x240] =	vst v11;
	v20 =	vsub.f32 v20, v16;
	v10 =	vld [tilespmem:s10+$0x630]  }
0x149: {  	[tilespmem:s10+$0x250] =	vst v19;
	v16 =	vsub.f32 v15, v17;
	v11 =	vld [tilespmem:s10+$0x640]  }
0x14a: {  	s11 =	sadd.s32 $0x80, s11;
	s13 =	sadd.s32 $0x100, s13;
	[tilespmem:s10+$0x260] =	vst v20;
	v15 =	vadd.f32 v18, v14;
	v14 =	vld [tilespmem:s10+$0x650]  }
0x14b: {  	[tilespmem:s10+$0x270] =	vst v16;
	v9 =	vadd.f32 v9, v13;
	v62 =	vld [tilespmem:s10+$0x660]  }
0x14c: {  	v63 =	vld [tilespmem:s10+$0x670];
	[tilespmem:s10+$0x600] =	vst v15;
	v8 =	vadd.f32 v8, v12  }
0x14d: {  	[tilespmem:s10+$0x610] =	vst v9;
	v7 =	vadd.f32 v7, v10  }
0x14e: {  	[tilespmem:s10+$0x620] =	vst v8;
	v6 =	vadd.f32 v6, v11  }
0x14f: {  	[tilespmem:s10+$0x630] =	vst v7;
	v5 =	vadd.f32 v5, v14  }
0x150: {  	[tilespmem:s10+$0x640] =	vst v6;
	v4 =	vadd.f32 v4, v62  }
0x151: {  	v3 =	vadd.f32 v3, v63;
	[tilespmem:s10+$0x650] =	vst v5  }
0x152: {  	[tilespmem:s10+$0x660] =	vst v4  }
0x153: {  	s4 =	rddreg [dreg:$0x9];
	[tilespmem:s10+$0x670] =	vst v3  }
0x154: {  	[hbm4b:s4+s17] =	stream.linear.scatter [tilespmem:s26], [sflag:$0x5], $0x400, $0x38;
	[tilespmem:$0x14200] =	vst v63  }
0x155: {  	s1 =	sadd.s32 $0x80, s4  }
0x156: {  	[hbm4b:s1+s17] =	stream.linear.scatter [tilespmem:s28], [sflag:$0x5], $0x400, $0x38;
	[tilespmem:$0x14200] =	vst v63  }
0x157: {  	s18 =	sadd.s32 $0x100, s4  }
0x158: {  	[hbm4b:s18+s17] =	stream.linear.scatter [tilespmem:s29], [sflag:$0x5], $0x400, $0x38;
	[tilespmem:$0x14200] =	vst v63  }
0x159: {  	s10 =	sadd.s32 $0x180, s4  }
0x15a: {  	[hbm4b:s10+s17] =	stream.linear.scatter [tilespmem:s30], [sflag:$0x5], $0x400, $0x38;
	[tilespmem:$0x14200] =	vst v63  }
0x15b: {  	s11 =	sadd.s32 $0x200, s4  }
0x15c: {  	[hbm4b:s11+s17] =	stream.linear.scatter [tilespmem:s31], [sflag:$0x5], $0x400, $0x38;
	[tilespmem:$0x14200] =	vst v63  }
0x15d: {  	s13 =	sadd.s32 $0x280, s4  }
0x15e: {  	[hbm4b:s13+s17] =	stream.linear.scatter [tilespmem:s0], [sflag:$0x5], $0x400, $0x38;
	[tilespmem:$0x14200] =	vst v63  }
0x15f: {  	s14 =	sadd.s32 $0x300, s4  }
0x160: {  	[hbm4b:s14+s17] =	stream.linear.scatter [tilespmem:s2], [sflag:$0x5], $0x400, $0x38;
	[tilespmem:$0x14200] =	vst v63  }
0x161: {  	s18 =	sadd.s32 $0x380, s4  }
0x162: {  	[hbm4b:s18+s17] =	stream.linear.scatter [tilespmem:s23], [sflag:$0x5], $0x400, $0x38;
	[tilespmem:$0x14200] =	vst v63  }
0x163: {  	s10 =	sadd.s32 $0x400, s4  }
0x164: {  	[hbm4b:s10+s17] =	stream.linear.scatter [tilespmem:s24], [sflag:$0x5], $0x400, $0x38;
	[tilespmem:$0x14200] =	vst v63  }
0x165: {  	s11 =	sadd.s32 $0x480, s4  }
0x166: {  	[hbm4b:s11+s17] =	stream.linear.scatter [tilespmem:s22], [sflag:$0x5], $0x400, $0x38;
	[tilespmem:$0x14200] =	vst v63  }
0x167: {  	s4 =	rddreg [dreg:$0xa];
	s13 =	simm.s32 $0x600  }
0x168: {  	[hbm4b:s4+s17] =	stream.linear.scatter [tilespmem:s13], [sflag:$0x5], $0x400, $0x38;
	[tilespmem:$0x14200] =	vst v63  }
0x169: {  	s14 =	sadd.s32 $0x80, s4;
	s18 =	simm.s32 $0xE00  }
0x16a: {  	[hbm4b:s14+s17] =	stream.linear.scatter [tilespmem:s18], [sflag:$0x5], $0x400, $0x38;
	[tilespmem:$0x14200] =	vst v63  }
0x16b: {  	s11 =	sadd.s32 $0x100, s4;
	s13 =	simm.s32 $0x1600  }
0x16c: {  	[hbm4b:s11+s17] =	stream.linear.scatter [tilespmem:s13], [sflag:$0x5], $0x400, $0x38;
	[tilespmem:$0x14200] =	vst v63  }
0x16d: {  	s14 =	sadd.s32 $0x180, s4;
	s18 =	simm.s32 $0x1E00  }
0x16e: {  	[hbm4b:s14+s17] =	stream.linear.scatter [tilespmem:s18], [sflag:$0x5], $0x400, $0x38;
	[tilespmem:$0x14200] =	vst v63  }
0x16f: {  	s11 =	sadd.s32 $0x200, s4;
	s13 =	simm.s32 $0x2600  }
0x170: {  	[hbm4b:s11+s17] =	stream.linear.scatter [tilespmem:s13], [sflag:$0x5], $0x400, $0x38;
	[tilespmem:$0x14200] =	vst v63  }
0x171: {  	s14 =	sadd.s32 $0x280, s4;
	s18 =	simm.s32 $0x2E00  }
0x172: {  	[hbm4b:s14+s17] =	stream.linear.scatter [tilespmem:s18], [sflag:$0x5], $0x400, $0x38;
	[tilespmem:$0x14200] =	vst v63  }
0x173: {  	s11 =	sadd.s32 $0x300, s4;
	s13 =	simm.s32 $0x3600  }
0x174: {  	[hbm4b:s11+s17] =	stream.linear.scatter [tilespmem:s13], [sflag:$0x5], $0x400, $0x38;
	[tilespmem:$0x14200] =	vst v63  }
0x175: {  	s14 =	sadd.s32 $0x380, s4;
	s18 =	simm.s32 $0x3E00  }
0x176: {  	[hbm4b:s14+s17] =	stream.linear.scatter [tilespmem:s18], [sflag:$0x5], $0x400, $0x38;
	[tilespmem:$0x14200] =	vst v63  }
0x177: {  	s11 =	sadd.s32 $0x400, s4;
	s13 =	simm.s32 $0x4600  }
0x178: {  	[hbm4b:s11+s17] =	stream.linear.scatter [tilespmem:s13], [sflag:$0x5], $0x400, $0x38;
	[tilespmem:$0x14200] =	vst v63  }
0x179: {  	s10 =	simm.s32 $0x0;
	s14 =	sadd.s32 $0x480, s4;
	s18 =	simm.s32 $0x4E00  }
0x17a: {  	[hbm4b:s14+s17] =	stream.linear.scatter [tilespmem:s18], [sflag:$0x5], $0x400, $0x38;
	[tilespmem:$0x14200] =	vst v63  }
.LBB2_4:
0x17b: {  	_ =	swait.ge [sflag:s25], $0x50  }
0x17c: {  	[sflag:s25] =	ssyncset.done $0x0  }
0x17d: {  	[sflag:s25] =	ssyncadd.s32 $0xFFFFFFB0  }
0x17e: {  	_ =	swait.ge [sflag:s25], $0x50  }
0x17f: {  	[sflag:s25] =	ssyncset.done $0x0  }
0x180: {  	[sflag:s25] =	ssyncadd.s32 $0xFFFFFFB0  }
0x181: {  	_ =	swait.ge [sflag:s15], $0x2800  }
0x182: {  	[sflag:s15] =	ssyncset.done $0x0  }
0x183: {  	[sflag:s15] =	ssyncadd.s32 $0xFFFFD800  }
0x184: {  	_ =	swait.ge [sflag:s15], $0x2800  }
0x185: {  	[sflag:s15] =	ssyncset.done $0x0  }
0x186: {  	[sflag:s15] =	ssyncadd.s32 $0xFFFFD800  }
0x187: {  	v3 =	vld [tilespmem:$0x0];
	_ =	sdelay $0x4  }
0x188: {  	v4 =	vshll.u32 v3, $0x1  }
0x189: {  	v3 =	vand.u32 $0x7, v3;
	v4 =	vand.u32 $0xFFFFFFF0, v4  }
0x18a: {  	v3 =	vor.u32 v3, v4  }
0x18b: {  	v4 =	vperm.xlane v3, v0;
	_ =	sdelay $0x1  }
0x18c: {  	v3 =	vperm.xlane v3, v2;
	v4 =	vadd.s32 v1, v4;
	_ =	sdelay $0x1  }
0x18d: {  	v3 =	vadd.s32 v1, v3;
	_ =	sdelay $0x2  }
0x18e: {  	[tilespmem:s26], [sflag:$0x3] =	stream.indirect_vreg.gather [hbm4b:s5+s3], $0x80, v4, vm0, $0xb8;
	[tilespmem:$0x14200] =	vst v63  }
0x18f: {  	_ = 	snop  }
0x190: {  	[tilespmem:s28], [sflag:$0x3] =	stream.indirect_vreg.gather [hbm4b:s5+s3], $0x80, v3, vm0, $0xb8;
	[tilespmem:$0x14200] =	vst v63  }
0x191: {  	v3 =	vld [tilespmem:$0x10];
	_ =	sdelay $0x4  }
0x192: {  	v4 =	vshll.u32 v3, $0x1  }
0x193: {  	v3 =	vand.u32 $0x7, v3;
	v4 =	vand.u32 $0xFFFFFFF0, v4  }
0x194: {  	v3 =	vor.u32 v3, v4  }
0x195: {  	v4 =	vperm.xlane v3, v0;
	_ =	sdelay $0x1  }
0x196: {  	v3 =	vperm.xlane v3, v2;
	v4 =	vadd.s32 v1, v4;
	_ =	sdelay $0x1  }
0x197: {  	v3 =	vadd.s32 v1, v3;
	_ =	sdelay $0x2  }
0x198: {  	[tilespmem:s29], [sflag:$0x3] =	stream.indirect_vreg.gather [hbm4b:s5+s3], $0x80, v4, vm0, $0xb8;
	[tilespmem:$0x14200] =	vst v63  }
0x199: {  	_ = 	snop  }
0x19a: {  	[tilespmem:s30], [sflag:$0x3] =	stream.indirect_vreg.gather [hbm4b:s5+s3], $0x80, v3, vm0, $0xb8;
	[tilespmem:$0x14200] =	vst v63  }
0x19b: {  	v3 =	vld [tilespmem:$0x20];
	_ =	sdelay $0x4  }
0x19c: {  	v4 =	vshll.u32 v3, $0x1  }
0x19d: {  	v3 =	vand.u32 $0x7, v3;
	v4 =	vand.u32 $0xFFFFFFF0, v4  }
0x19e: {  	v3 =	vor.u32 v3, v4  }
0x19f: {  	v4 =	vperm.xlane v3, v0;
	_ =	sdelay $0x1  }
0x1a0: {  	v3 =	vperm.xlane v3, v2;
	v4 =	vadd.s32 v1, v4;
	_ =	sdelay $0x1  }
0x1a1: {  	v3 =	vadd.s32 v1, v3;
	_ =	sdelay $0x2  }
0x1a2: {  	[tilespmem:s31], [sflag:$0x3] =	stream.indirect_vreg.gather [hbm4b:s5+s3], $0x80, v4, vm0, $0xb8;
	[tilespmem:$0x14200] =	vst v63  }
0x1a3: {  	_ = 	snop  }
0x1a4: {  	[tilespmem:s0], [sflag:$0x3] =	stream.indirect_vreg.gather [hbm4b:s5+s3], $0x80, v3, vm0, $0xb8;
	[tilespmem:$0x14200] =	vst v63  }
0x1a5: {  	v3 =	vld [tilespmem:$0x30];
	_ =	sdelay $0x4  }
0x1a6: {  	v4 =	vshll.u32 v3, $0x1  }
0x1a7: {  	v3 =	vand.u32 $0x7, v3;
	v4 =	vand.u32 $0xFFFFFFF0, v4  }
0x1a8: {  	v3 =	vor.u32 v3, v4  }
0x1a9: {  	v4 =	vperm.xlane v3, v0;
	_ =	sdelay $0x1  }
0x1aa: {  	v3 =	vperm.xlane v3, v2;
	v4 =	vadd.s32 v1, v4;
	_ =	sdelay $0x1  }
0x1ab: {  	v3 =	vadd.s32 v1, v3;
	_ =	sdelay $0x2  }
0x1ac: {  	[tilespmem:s2], [sflag:$0x3] =	stream.indirect_vreg.gather [hbm4b:s5+s3], $0x80, v4, vm0, $0xb8;
	[tilespmem:$0x14200] =	vst v63  }
0x1ad: {  	_ = 	snop  }
0x1ae: {  	[tilespmem:s23], [sflag:$0x3] =	stream.indirect_vreg.gather [hbm4b:s5+s3], $0x80, v3, vm0, $0xb8;
	[tilespmem:$0x14200] =	vst v63  }
0x1af: {  	v3 =	vld [tilespmem:$0x40];
	_ =	sdelay $0x4  }
0x1b0: {  	v4 =	vshll.u32 v3, $0x1  }
0x1b1: {  	v3 =	vand.u32 $0x7, v3;
	v4 =	vand.u32 $0xFFFFFFF0, v4  }
0x1b2: {  	v3 =	vor.u32 v3, v4  }
0x1b3: {  	v4 =	vperm.xlane v3, v0;
	_ =	sdelay $0x1  }
0x1b4: {  	v3 =	vperm.xlane v3, v2;
	v4 =	vadd.s32 v1, v4;
	_ =	sdelay $0x1  }
0x1b5: {  	v3 =	vadd.s32 v1, v3;
	_ =	sdelay $0x2  }
0x1b6: {  	[tilespmem:s24], [sflag:$0x3] =	stream.indirect_vreg.gather [hbm4b:s5+s3], $0x80, v4, vm0, $0xb8;
	[tilespmem:$0x14200] =	vst v63  }
0x1b7: {  	_ = 	snop  }
0x1b8: {  	[tilespmem:s22], [sflag:$0x3] =	stream.indirect_vreg.gather [hbm4b:s5+s3], $0x80, v3, vm0, $0xb8;
	[tilespmem:$0x14200] =	vst v63  }
0x1b9: {  	v3 =	vld [tilespmem:$0x100];
	_ =	sdelay $0x4  }
0x1ba: {  	v4 =	vshll.u32 v3, $0x1  }
0x1bb: {  	v3 =	vand.u32 $0x7, v3;
	v4 =	vand.u32 $0xFFFFFFF0, v4  }
0x1bc: {  	v3 =	vor.u32 v3, v4  }
0x1bd: {  	v4 =	vperm.xlane v3, v0;
	_ =	sdelay $0x1  }
0x1be: {  	v3 =	vperm.xlane v3, v2;
	v4 =	vadd.s32 v1, v4;
	_ =	sdelay $0x1  }
0x1bf: {  	v3 =	vadd.s32 v1, v3;
	_ =	sdelay $0x1  }
0x1c0: {  	s1 =	simm.s32 $0xA200  }
0x1c1: {  	[tilespmem:s1], [sflag:$0x3] =	stream.indirect_vreg.gather [hbm4b:s6+s3], $0x80, v4, vm0, $0xb8;
	[tilespmem:$0x14200] =	vst v63  }
0x1c2: {  	s18 =	simm.s32 $0xAA00  }
0x1c3: {  	[tilespmem:s18], [sflag:$0x3] =	stream.indirect_vreg.gather [hbm4b:s6+s3], $0x80, v3, vm0, $0xb8;
	[tilespmem:$0x14200] =	vst v63  }
0x1c4: {  	v3 =	vld [tilespmem:$0x110];
	_ =	sdelay $0x4  }
0x1c5: {  	v4 =	vshll.u32 v3, $0x1  }
0x1c6: {  	v3 =	vand.u32 $0x7, v3;
	v4 =	vand.u32 $0xFFFFFFF0, v4  }
0x1c7: {  	v3 =	vor.u32 v3, v4  }
0x1c8: {  	v4 =	vperm.xlane v3, v0;
	_ =	sdelay $0x1  }
0x1c9: {  	v3 =	vperm.xlane v3, v2;
	v4 =	vadd.s32 v1, v4;
	_ =	sdelay $0x1  }
0x1ca: {  	v3 =	vadd.s32 v1, v3;
	_ =	sdelay $0x1  }
0x1cb: {  	s4 =	simm.s32 $0xB200  }
0x1cc: {  	[tilespmem:s4], [sflag:$0x3] =	stream.indirect_vreg.gather [hbm4b:s6+s3], $0x80, v4, vm0, $0xb8;
	[tilespmem:$0x14200] =	vst v63  }
0x1cd: {  	s11 =	simm.s32 $0xBA00  }
0x1ce: {  	[tilespmem:s11], [sflag:$0x3] =	stream.indirect_vreg.gather [hbm4b:s6+s3], $0x80, v3, vm0, $0xb8;
	[tilespmem:$0x14200] =	vst v63  }
0x1cf: {  	v3 =	vld [tilespmem:$0x120];
	_ =	sdelay $0x4  }
0x1d0: {  	v4 =	vshll.u32 v3, $0x1  }
0x1d1: {  	v3 =	vand.u32 $0x7, v3;
	v4 =	vand.u32 $0xFFFFFFF0, v4  }
0x1d2: {  	v3 =	vor.u32 v3, v4  }
0x1d3: {  	v4 =	vperm.xlane v3, v0;
	_ =	sdelay $0x1  }
0x1d4: {  	v3 =	vperm.xlane v3, v2;
	v4 =	vadd.s32 v1, v4;
	_ =	sdelay $0x1  }
0x1d5: {  	v3 =	vadd.s32 v1, v3;
	_ =	sdelay $0x1  }
0x1d6: {  	s13 =	simm.s32 $0xC200  }
0x1d7: {  	[tilespmem:s13], [sflag:$0x3] =	stream.indirect_vreg.gather [hbm4b:s6+s3], $0x80, v4, vm0, $0xb8;
	[tilespmem:$0x14200] =	vst v63  }
0x1d8: {  	s14 =	simm.s32 $0xCA00  }
0x1d9: {  	[tilespmem:s14], [sflag:$0x3] =	stream.indirect_vreg.gather [hbm4b:s6+s3], $0x80, v3, vm0, $0xb8;
	[tilespmem:$0x14200] =	vst v63  }
0x1da: {  	v3 =	vld [tilespmem:$0x130];
	_ =	sdelay $0x4  }
0x1db: {  	v4 =	vshll.u32 v3, $0x1  }
0x1dc: {  	v3 =	vand.u32 $0x7, v3;
	v4 =	vand.u32 $0xFFFFFFF0, v4  }
0x1dd: {  	v3 =	vor.u32 v3, v4  }
0x1de: {  	v4 =	vperm.xlane v3, v0;
	_ =	sdelay $0x1  }
0x1df: {  	v3 =	vperm.xlane v3, v2;
	v4 =	vadd.s32 v1, v4;
	_ =	sdelay $0x1  }
0x1e0: {  	v3 =	vadd.s32 v1, v3;
	_ =	sdelay $0x1  }
0x1e1: {  	s18 =	simm.s32 $0xD200  }
0x1e2: {  	[tilespmem:s18], [sflag:$0x3] =	stream.indirect_vreg.gather [hbm4b:s6+s3], $0x80, v4, vm0, $0xb8;
	[tilespmem:$0x14200] =	vst v63  }
0x1e3: {  	s4 =	simm.s32 $0xDA00  }
0x1e4: {  	[tilespmem:s4], [sflag:$0x3] =	stream.indirect_vreg.gather [hbm4b:s6+s3], $0x80, v3, vm0, $0xb8;
	[tilespmem:$0x14200] =	vst v63  }
0x1e5: {  	v3 =	vld [tilespmem:$0x140];
	_ =	sdelay $0x4  }
0x1e6: {  	v4 =	vshll.u32 v3, $0x1  }
0x1e7: {  	v3 =	vand.u32 $0x7, v3;
	v4 =	vand.u32 $0xFFFFFFF0, v4  }
0x1e8: {  	v3 =	vor.u32 v3, v4  }
0x1e9: {  	v4 =	vperm.xlane v3, v0;
	_ =	sdelay $0x1  }
0x1ea: {  	v3 =	vperm.xlane v3, v2;
	v4 =	vadd.s32 v1, v4;
	_ =	sdelay $0x1  }
0x1eb: {  	v3 =	vadd.s32 v1, v3;
	_ =	sdelay $0x1  }
0x1ec: {  	s11 =	simm.s32 $0xE200  }
0x1ed: {  	[tilespmem:s11], [sflag:$0x3] =	stream.indirect_vreg.gather [hbm4b:s6+s3], $0x80, v4, vm0, $0xb8;
	[tilespmem:$0x14200] =	vst v63  }
0x1ee: {  	s13 =	simm.s32 $0xEA00  }
0x1ef: {  	[tilespmem:s13], [sflag:$0x3] =	stream.indirect_vreg.gather [hbm4b:s6+s3], $0x80, v3, vm0, $0xb8;
	[tilespmem:$0x14200] =	vst v63  }
0x1f0: {  	_ =	swait.ge [sflag:s21], $0x5000  }
0x1f1: {  	[sflag:s21] =	ssyncset.done $0x0  }
0x1f2: {  	[sflag:s21] =	ssyncadd.s32 $0xFFFFB000  }
0x1f3: {  	p0 =	seq.s32 s10, $0x3D;
	_ =	swait.ge [sflag:s21], $0x5000  }
0x1f4: {  	s1 =	sshll.u32 @!p0 s10, $0x6;
	s4 =	rddreg [dreg:$0xb]  }
0x1f5: {  	s1 =	sadd.s32 @!p0 s4, s1  }
0x1f6: {  	s1 =	smul.u32 @!p0 $0xA, s1  }
0x1f7: {  	s14 =	simm.s32 @!p0 $0x80;
	[sflag:s21] =	ssyncset.done $0x0  }
0x1f8: {  	s13 =	simm.s32 @!p0 $0x0;
	[sflag:s21] =	ssyncadd.s32 $0xFFFFB000;
	s11 =	sadd.s32 @!p0 s7, s1  }
0x1f9: {  	[tilespmem:s14], [sflag:$0x2] =	stream.linear.gather @!p0 [hbm4b:s11+s13], $0x50, $0x38;
	[tilespmem:$0x14200] =	vst v63  }
0x1fa: {  	s18 =	sand.u32 $0x380, s17;
	s14 =	sand.u32 $0x7800, s17  }
0x1fb: {  	s1 =	sadd.s32 @!p0 s19, s1;
	s11 =	simm.s32 @!p0 $0x180;
	s14 =	sor.u32 s18, s14  }
0x1fc: {  	[tilespmem:s11], [sflag:$0x2] =	stream.linear.gather @!p0 [hbm4b:s1+s13], $0x50, $0x38;
	[tilespmem:$0x14200] =	vst v63  }
0x1fd: {  	v10 =	vld [tilespmem:s14+$0xF200]  }
0x1fe: {  	v11 =	vld [tilespmem:s14+$0xF210]  }
0x1ff: {  	v12 =	vld [tilespmem:s14+$0xF220]  }
0x200: {  	v13 =	vld [tilespmem:s14+$0xF230]  }
0x201: {  	v14 =	vld [tilespmem:s14+$0xF240]  }
0x202: {  	v15 =	vld [tilespmem:s14+$0xF250]  }
0x203: {  	v16 =	vld [tilespmem:s14+$0xF260]  }
0x204: {  	v17 =	vld [tilespmem:s14+$0xF270]  }
0x205: {  	v18 =	vld [tilespmem:s14+$0xF600]  }
0x206: {  	v9 =	vld [tilespmem:s14+$0xF610]  }
0x207: {  	v8 =	vld [tilespmem:s14+$0xF620]  }
0x208: {  	v7 =	vld [tilespmem:s14+$0xF630]  }
0x209: {  	v6 =	vld [tilespmem:s14+$0xF640]  }
0x20a: {  	v5 =	vld [tilespmem:s14+$0xF650]  }
0x20b: {  	v4 =	vld [tilespmem:s14+$0xF660]  }
0x20c: {  	v3 =	vld [tilespmem:s14+$0xF670]  }
0x20d: {  	v19 =	vld [tilespmem:s14+$0x5200]  }
0x20e: {  	v20 =	vld [tilespmem:s14+$0x5210]  }
0x20f: {  	v21 =	vld [tilespmem:s14+$0x5220]  }
0x210: {  	v22 =	vld [tilespmem:s14+$0x5230]  }
0x211: {  	v23 =	vld [tilespmem:s14+$0x5240]  }
0x212: {  	v10 =	vsub.f32 v19, v10;
	v19 =	vld [tilespmem:s14+$0x5250]  }
0x213: {  	v61 =	vld [tilespmem:s14+$0x5260];
	v11 =	vsub.f32 v20, v11  }
0x214: {  	v62 =	vld [tilespmem:s14+$0x5270];
	[tilespmem:s14+$0x5200] =	vst v10;
	v10 =	vsub.f32 v21, v12  }
0x215: {  	v63 =	vld [tilespmem:s14+$0x5600];
	[tilespmem:s14+$0x5210] =	vst v11;
	v11 =	vsub.f32 v22, v13  }
0x216: {  	v13 =	vld [tilespmem:s14+$0x5610];
	[tilespmem:s14+$0x5220] =	vst v10;
	v10 =	vsub.f32 v23, v14  }
0x217: {  	v12 =	vld [tilespmem:s14+$0x5620];
	[tilespmem:s14+$0x5230] =	vst v11;
	v11 =	vsub.f32 v19, v15  }
0x218: {  	v14 =	vsub.f32 v61, v16;
	[tilespmem:s14+$0x5240] =	vst v10;
	v10 =	vld [tilespmem:s14+$0x5630]  }
0x219: {  	v16 =	vsub.f32 v62, v17;
	[tilespmem:s14+$0x5250] =	vst v11;
	v11 =	vld [tilespmem:s14+$0x5640]  }
0x21a: {  	s13 =	sshll.u32 s10, $0x1;
	s11 =	simm.s32 $0x80;
	s1 =	simm.s32 $0x100;
	v15 =	vadd.f32 v18, v63;
	[tilespmem:s14+$0x5260] =	vst v14;
	v14 =	vld [tilespmem:s14+$0x5650]  }
.LBB2_5:
0x21b: {  	s4 =	sand.u32 $0x7800, s1;
	s18 =	sand.u32 $0x380, s11;
	p1 =	sne.s32 s1, $0x4F00;
	[tilespmem:s14+$0x5270] =	vst v16;
	v9 =	vadd.f32 v9, v13;
	v13 =	vld [tilespmem:s14+$0x5660]  }
0x21c: {  	s4 =	sor.u32 s18, s4;
	[tilespmem:s14+$0x5600] =	vst v15;
	v8 =	vadd.f32 v8, v12;
	v12 =	vld [tilespmem:s14+$0x5670]  }
0x21d: {  	v15 =	vld [tilespmem:s4+$0xF200];
	[tilespmem:s14+$0x5610] =	vst v9;
	v7 =	vadd.f32 v7, v10  }
0x21e: {  	v10 =	vld [tilespmem:s4+$0xF210];
	[tilespmem:s14+$0x5620] =	vst v8;
	v6 =	vadd.f32 v6, v11  }
0x21f: {  	v11 =	vld [tilespmem:s4+$0xF220];
	[tilespmem:s14+$0x5630] =	vst v7;
	v5 =	vadd.f32 v5, v14  }
0x220: {  	v14 =	vld [tilespmem:s4+$0xF230];
	[tilespmem:s14+$0x5640] =	vst v6;
	v4 =	vadd.f32 v4, v13  }
0x221: {  	v13 =	vld [tilespmem:s4+$0xF240];
	[tilespmem:s14+$0x5650] =	vst v5;
	v3 =	vadd.f32 v3, v12  }
0x222: {  	v12 =	vld [tilespmem:s4+$0xF250];
	[tilespmem:s14+$0x5660] =	vst v4  }
0x223: {  	v16 =	vld [tilespmem:s4+$0xF260];
	[tilespmem:s14+$0x5670] =	vst v3;
	s14 =	smov.u32 s4  }
0x224: {  	v17 =	vld [tilespmem:s14+$0xF270]  }
0x225: {  	v18 =	vld [tilespmem:s14+$0xF600]  }
0x226: {  	v9 =	vld [tilespmem:s14+$0xF610]  }
0x227: {  	v8 =	vld [tilespmem:s14+$0xF620]  }
0x228: {  	v7 =	vld [tilespmem:s14+$0xF630]  }
0x229: {  	v6 =	vld [tilespmem:s14+$0xF640]  }
0x22a: {  	v5 =	vld [tilespmem:s14+$0xF650]  }
0x22b: {  	v4 =	vld [tilespmem:s14+$0xF660]  }
0x22c: {  	v3 =	vld [tilespmem:s14+$0xF670]  }
0x22d: {  	v19 =	vld [tilespmem:s14+$0x5200]  }
0x22e: {  	v20 =	vld [tilespmem:s14+$0x5210]  }
0x22f: {  	v21 =	vld [tilespmem:s14+$0x5220]  }
0x230: {  	v22 =	vld [tilespmem:s14+$0x5230]  }
0x231: {  	v23 =	vld [tilespmem:s14+$0x5240]  }
0x232: {  	v15 =	vsub.f32 v19, v15;
	v19 =	vld [tilespmem:s14+$0x5250]  }
0x233: {  	v10 =	vsub.f32 v20, v10;
	v20 =	vld [tilespmem:s14+$0x5260]  }
0x234: {  	[tilespmem:s14+$0x5200] =	vst v15;
	v11 =	vsub.f32 v21, v11;
	v15 =	vld [tilespmem:s14+$0x5270]  }
0x235: {  	[tilespmem:s14+$0x5210] =	vst v10;
	v10 =	vsub.f32 v22, v14;
	v14 =	vld [tilespmem:s14+$0x5600]  }
.Ltmp1:
0x236: {  	[tilespmem:s14+$0x5220] =	vst v11;
	v11 =	vsub.f32 v23, v13;
	v13 =	vld [tilespmem:s14+$0x5610];
	(pc) =	sbr.rel @p1 .LBB2_5-.Ltmp1, $4  }
0x237: {  	[tilespmem:s14+$0x5230] =	vst v10;
	v19 =	vsub.f32 v19, v12;
	v12 =	vld [tilespmem:s14+$0x5620]  }
0x238: {  	[tilespmem:s14+$0x5240] =	vst v11;
	v20 =	vsub.f32 v20, v16;
	v10 =	vld [tilespmem:s14+$0x5630]  }
0x239: {  	[tilespmem:s14+$0x5250] =	vst v19;
	v16 =	vsub.f32 v15, v17;
	v11 =	vld [tilespmem:s14+$0x5640]  }
0x23a: {  	s11 =	sadd.s32 $0x80, s11;
	s1 =	sadd.s32 $0x100, s1;
	[tilespmem:s14+$0x5260] =	vst v20;
	v15 =	vadd.f32 v18, v14;
	v14 =	vld [tilespmem:s14+$0x5650]  }
0x23b: {  	[tilespmem:s14+$0x5270] =	vst v16;
	v9 =	vadd.f32 v9, v13;
	v13 =	vld [tilespmem:s14+$0x5660]  }
0x23c: {  	[tilespmem:s14+$0x5600] =	vst v15;
	v8 =	vadd.f32 v8, v12;
	v12 =	vld [tilespmem:s14+$0x5670]  }
0x23d: {  	[tilespmem:s14+$0x5610] =	vst v9;
	v7 =	vadd.f32 v7, v10  }
0x23e: {  	s11 =	sshll.u32 s10, $0x6;
	[tilespmem:s14+$0x5620] =	vst v8;
	v6 =	vadd.f32 v6, v11  }
0x23f: {  	s1 =	sor.u32 s11, s20;
	[tilespmem:s14+$0x5630] =	vst v7;
	v5 =	vadd.f32 v5, v14  }
0x240: {  	s1 =	smul.u32 $0x500, s1;
	[tilespmem:s14+$0x5640] =	vst v6;
	v4 =	vadd.f32 v4, v13  }
0x241: {  	[tilespmem:s14+$0x5650] =	vst v5;
	v3 =	vadd.f32 v3, v12  }
0x242: {  	s1 =	sadd.s32 $0xA000, s1;
	[tilespmem:s14+$0x5660] =	vst v4  }
0x243: {  	s18 =	simm.s32 $0x5200;
	s4 =	sadd.s32 s8, s1;
	[tilespmem:s14+$0x5670] =	vst v3  }
0x244: {  	[hbm4b:s4+s3] =	stream.linear.scatter [tilespmem:s18], [sflag:$0x6], $0x400, $0x38;
	[tilespmem:$0x14200] =	vst v63  }
0x245: {  	s14 =	sadd.s32 $0x80, s4;
	s18 =	simm.s32 $0x5A00  }
0x246: {  	[hbm4b:s14+s3] =	stream.linear.scatter [tilespmem:s18], [sflag:$0x6], $0x400, $0x38;
	[tilespmem:$0x14200] =	vst v63  }
0x247: {  	s14 =	sadd.s32 $0x100, s4;
	s18 =	simm.s32 $0x6200  }
0x248: {  	[hbm4b:s14+s3] =	stream.linear.scatter [tilespmem:s18], [sflag:$0x6], $0x400, $0x38;
	[tilespmem:$0x14200] =	vst v63  }
0x249: {  	s14 =	sadd.s32 $0x180, s4;
	s18 =	simm.s32 $0x6A00  }
0x24a: {  	[hbm4b:s14+s3] =	stream.linear.scatter [tilespmem:s18], [sflag:$0x6], $0x400, $0x38;
	[tilespmem:$0x14200] =	vst v63  }
0x24b: {  	s14 =	sadd.s32 $0x200, s4;
	s18 =	simm.s32 $0x7200  }
0x24c: {  	[hbm4b:s14+s3] =	stream.linear.scatter [tilespmem:s18], [sflag:$0x6], $0x400, $0x38;
	[tilespmem:$0x14200] =	vst v63  }
0x24d: {  	s14 =	sadd.s32 $0x280, s4;
	s18 =	simm.s32 $0x7A00  }
0x24e: {  	[hbm4b:s14+s3] =	stream.linear.scatter [tilespmem:s18], [sflag:$0x6], $0x400, $0x38;
	[tilespmem:$0x14200] =	vst v63  }
0x24f: {  	s14 =	sadd.s32 $0x300, s4;
	s18 =	simm.s32 $0x8200  }
0x250: {  	[hbm4b:s14+s3] =	stream.linear.scatter [tilespmem:s18], [sflag:$0x6], $0x400, $0x38;
	[tilespmem:$0x14200] =	vst v63  }
0x251: {  	s14 =	sadd.s32 $0x380, s4;
	s18 =	simm.s32 $0x8A00  }
0x252: {  	[hbm4b:s14+s3] =	stream.linear.scatter [tilespmem:s18], [sflag:$0x6], $0x400, $0x38;
	[tilespmem:$0x14200] =	vst v63  }
0x253: {  	s14 =	sadd.s32 $0x400, s4;
	s18 =	simm.s32 $0x9200  }
0x254: {  	[hbm4b:s14+s3] =	stream.linear.scatter [tilespmem:s18], [sflag:$0x6], $0x400, $0x38;
	[tilespmem:$0x14200] =	vst v63  }
0x255: {  	s4 =	sadd.s32 $0x480, s4;
	s18 =	simm.s32 $0x9A00  }
0x256: {  	[hbm4b:s4+s3] =	stream.linear.scatter [tilespmem:s18], [sflag:$0x6], $0x400, $0x38;
	[tilespmem:$0x14200] =	vst v63  }
0x257: {  	s1 =	sadd.s32 s9, s1;
	s18 =	simm.s32 $0x5600  }
0x258: {  	[hbm4b:s1+s3] =	stream.linear.scatter [tilespmem:s18], [sflag:$0x6], $0x400, $0x38;
	[tilespmem:$0x14200] =	vst v63  }
0x259: {  	s14 =	sadd.s32 $0x80, s1;
	s18 =	simm.s32 $0x5E00  }
0x25a: {  	[hbm4b:s14+s3] =	stream.linear.scatter [tilespmem:s18], [sflag:$0x6], $0x400, $0x38;
	[tilespmem:$0x14200] =	vst v63  }
0x25b: {  	s14 =	sadd.s32 $0x100, s1;
	s18 =	simm.s32 $0x6600  }
0x25c: {  	[hbm4b:s14+s3] =	stream.linear.scatter [tilespmem:s18], [sflag:$0x6], $0x400, $0x38;
	[tilespmem:$0x14200] =	vst v63  }
0x25d: {  	s14 =	sadd.s32 $0x180, s1;
	s18 =	simm.s32 $0x6E00  }
0x25e: {  	[hbm4b:s14+s3] =	stream.linear.scatter [tilespmem:s18], [sflag:$0x6], $0x400, $0x38;
	[tilespmem:$0x14200] =	vst v63  }
0x25f: {  	s14 =	sadd.s32 $0x200, s1;
	s18 =	simm.s32 $0x7600  }
0x260: {  	[hbm4b:s14+s3] =	stream.linear.scatter [tilespmem:s18], [sflag:$0x6], $0x400, $0x38;
	[tilespmem:$0x14200] =	vst v63  }
0x261: {  	s14 =	sadd.s32 $0x280, s1;
	s18 =	simm.s32 $0x7E00  }
0x262: {  	[hbm4b:s14+s3] =	stream.linear.scatter [tilespmem:s18], [sflag:$0x6], $0x400, $0x38;
	[tilespmem:$0x14200] =	vst v63  }
0x263: {  	s14 =	sadd.s32 $0x300, s1;
	s18 =	simm.s32 $0x8600  }
0x264: {  	[hbm4b:s14+s3] =	stream.linear.scatter [tilespmem:s18], [sflag:$0x6], $0x400, $0x38;
	[tilespmem:$0x14200] =	vst v63  }
0x265: {  	s14 =	sadd.s32 $0x380, s1;
	s18 =	simm.s32 $0x8E00  }
0x266: {  	[hbm4b:s14+s3] =	stream.linear.scatter [tilespmem:s18], [sflag:$0x6], $0x400, $0x38;
	[tilespmem:$0x14200] =	vst v63  }
0x267: {  	s14 =	sadd.s32 $0x400, s1;
	s18 =	simm.s32 $0x9600  }
0x268: {  	[hbm4b:s14+s3] =	stream.linear.scatter [tilespmem:s18], [sflag:$0x6], $0x400, $0x38;
	[tilespmem:$0x14200] =	vst v63  }
0x269: {  	s1 =	sadd.s32 $0x480, s1;
	s18 =	simm.s32 $0x9E00  }
0x26a: {  	[hbm4b:s1+s3] =	stream.linear.scatter [tilespmem:s18], [sflag:$0x6], $0x400, $0x38;
	[tilespmem:$0x14200] =	vst v63  }
0x26b: {  	s1 =	simm.s32 @!p0 $0x2  }
0x26c: {  	_ =	swait.ge @!p0 [sflag:s1], $0x50  }
0x26d: {  	[sflag:s1] =	ssyncset.done @!p0 $0x0  }
0x26e: {  	[sflag:s1] =	ssyncadd.s32 @!p0 $0xFFFFFFB0  }
0x26f: {  	_ =	swait.ge @!p0 [sflag:s1], $0x50  }
0x270: {  	[sflag:s1] =	ssyncset.done @!p0 $0x0  }
0x271: {  	[sflag:s1] =	ssyncadd.s32 @!p0 $0xFFFFFFB0;
	s1 =	simm.s32 @!p0 $0x6  }
0x272: {  	_ =	swait.ge @!p0 [sflag:s1], $0x2800  }
0x273: {  	[sflag:s1] =	ssyncset.done @!p0 $0x0  }
0x274: {  	[sflag:s1] =	ssyncadd.s32 @!p0 $0xFFFFD800  }
0x275: {  	_ =	swait.ge @!p0 [sflag:s1], $0x2800  }
0x276: {  	[sflag:s1] =	ssyncset.done @!p0 $0x0  }
0x277: {  	[sflag:s1] =	ssyncadd.s32 @!p0 $0xFFFFD800  }
0x278: {  	v3 =	vld @!p0 [tilespmem:$0x80];
	_ =	sdelay $0x4  }
0x279: {  	v4 =	vshll.u32 @!p0 v3, $0x1  }
0x27a: {  	v5 =	vlaneseq.u32 @!p0;
	v3 =	vand.u32 @!p0 $0x7, v3;
	v4 =	vand.u32 @!p0 $0xFFFFFFF0, v4  }
0x27b: {  	v6 =	vshrl.u32 @!p0 v5, $0x3;
	v3 =	vor.u32 @!p0 v3, v4;
	v4 =	vand.u32 @!p0 $0x7, v5  }
0x27c: {  	v6 =	vmul.u32 @!p0 $0x8, v6;
	v7 =	vperm.xlane @!p0 v3, v4  }
0x27d: {  	v5 =	vor.u32 @!p0 $0x8, v5  }
0x27e: {  	v3 =	vperm.xlane @!p0 v3, v5;
	v7 =	vadd.s32 @!p0 v6, v7;
	_ =	sdelay $0x1  }
0x27f: {  	v3 =	vadd.s32 @!p0 v6, v3;
	_ =	sdelay $0x1  }
0x280: {  	vm1 =	vmmov @!p0 $0xffff;
	s14 =	simm.s32 @!p0 $0x0;
	s1 =	simm.s32 @!p0 $0x5200  }
0x281: {  	[tilespmem:s1], [sflag:$0x4] =	stream.indirect_vreg.gather @!p0 [hbm4b:s5+s14], $0x80, v7, vm1, $0xb8;
	[tilespmem:$0x14200] =	vst v63  }
0x282: {  	s1 =	simm.s32 @!p0 $0x5A00  }
0x283: {  	[tilespmem:s1], [sflag:$0x4] =	stream.indirect_vreg.gather @!p0 [hbm4b:s5+s14], $0x80, v3, vm1, $0xb8;
	[tilespmem:$0x14200] =	vst v63  }
0x284: {  	v3 =	vld @!p0 [tilespmem:$0x90];
	_ =	sdelay $0x4  }
0x285: {  	v7 =	vshll.u32 @!p0 v3, $0x1  }
0x286: {  	v3 =	vand.u32 @!p0 $0x7, v3;
	v7 =	vand.u32 @!p0 $0xFFFFFFF0, v7  }
0x287: {  	v3 =	vor.u32 @!p0 v3, v7  }
0x288: {  	v7 =	vperm.xlane @!p0 v3, v4;
	_ =	sdelay $0x1  }
0x289: {  	v3 =	vperm.xlane @!p0 v3, v5;
	v7 =	vadd.s32 @!p0 v6, v7;
	_ =	sdelay $0x1  }
0x28a: {  	v3 =	vadd.s32 @!p0 v6, v3;
	_ =	sdelay $0x1  }
0x28b: {  	s1 =	simm.s32 @!p0 $0x6200  }
0x28c: {  	[tilespmem:s1], [sflag:$0x4] =	stream.indirect_vreg.gather @!p0 [hbm4b:s5+s14], $0x80, v7, vm1, $0xb8;
	[tilespmem:$0x14200] =	vst v63  }
0x28d: {  	s1 =	simm.s32 @!p0 $0x6A00  }
0x28e: {  	[tilespmem:s1], [sflag:$0x4] =	stream.indirect_vreg.gather @!p0 [hbm4b:s5+s14], $0x80, v3, vm1, $0xb8;
	[tilespmem:$0x14200] =	vst v63  }
0x28f: {  	v3 =	vld @!p0 [tilespmem:$0xA0];
	_ =	sdelay $0x4  }
0x290: {  	v7 =	vshll.u32 @!p0 v3, $0x1  }
0x291: {  	v3 =	vand.u32 @!p0 $0x7, v3;
	v7 =	vand.u32 @!p0 $0xFFFFFFF0, v7  }
0x292: {  	v3 =	vor.u32 @!p0 v3, v7  }
0x293: {  	v7 =	vperm.xlane @!p0 v3, v4;
	_ =	sdelay $0x1  }
0x294: {  	v3 =	vperm.xlane @!p0 v3, v5;
	v7 =	vadd.s32 @!p0 v6, v7;
	_ =	sdelay $0x1  }
0x295: {  	v3 =	vadd.s32 @!p0 v6, v3;
	_ =	sdelay $0x1  }
0x296: {  	s1 =	simm.s32 @!p0 $0x7200  }
0x297: {  	[tilespmem:s1], [sflag:$0x4] =	stream.indirect_vreg.gather @!p0 [hbm4b:s5+s14], $0x80, v7, vm1, $0xb8;
	[tilespmem:$0x14200] =	vst v63  }
0x298: {  	s1 =	simm.s32 @!p0 $0x7A00  }
0x299: {  	[tilespmem:s1], [sflag:$0x4] =	stream.indirect_vreg.gather @!p0 [hbm4b:s5+s14], $0x80, v3, vm1, $0xb8;
	[tilespmem:$0x14200] =	vst v63  }
0x29a: {  	v3 =	vld @!p0 [tilespmem:$0xB0];
	_ =	sdelay $0x4  }
0x29b: {  	v7 =	vshll.u32 @!p0 v3, $0x1  }
0x29c: {  	v3 =	vand.u32 @!p0 $0x7, v3;
	v7 =	vand.u32 @!p0 $0xFFFFFFF0, v7  }
0x29d: {  	v3 =	vor.u32 @!p0 v3, v7  }
0x29e: {  	v7 =	vperm.xlane @!p0 v3, v4;
	_ =	sdelay $0x1  }
0x29f: {  	v3 =	vperm.xlane @!p0 v3, v5;
	v7 =	vadd.s32 @!p0 v6, v7;
	_ =	sdelay $0x1  }
0x2a0: {  	v3 =	vadd.s32 @!p0 v6, v3;
	_ =	sdelay $0x1  }
0x2a1: {  	s1 =	simm.s32 @!p0 $0x8200  }
0x2a2: {  	[tilespmem:s1], [sflag:$0x4] =	stream.indirect_vreg.gather @!p0 [hbm4b:s5+s14], $0x80, v7, vm1, $0xb8;
	[tilespmem:$0x14200] =	vst v63  }
0x2a3: {  	s1 =	simm.s32 @!p0 $0x8A00  }
0x2a4: {  	[tilespmem:s1], [sflag:$0x4] =	stream.indirect_vreg.gather @!p0 [hbm4b:s5+s14], $0x80, v3, vm1, $0xb8;
	[tilespmem:$0x14200] =	vst v63  }
0x2a5: {  	v3 =	vld @!p0 [tilespmem:$0xC0];
	_ =	sdelay $0x4  }
0x2a6: {  	v7 =	vshll.u32 @!p0 v3, $0x1  }
0x2a7: {  	v3 =	vand.u32 @!p0 $0x7, v3;
	v7 =	vand.u32 @!p0 $0xFFFFFFF0, v7  }
0x2a8: {  	v3 =	vor.u32 @!p0 v3, v7  }
0x2a9: {  	v7 =	vperm.xlane @!p0 v3, v4;
	_ =	sdelay $0x1  }
0x2aa: {  	v3 =	vperm.xlane @!p0 v3, v5;
	v7 =	vadd.s32 @!p0 v6, v7;
	_ =	sdelay $0x1  }
0x2ab: {  	v3 =	vadd.s32 @!p0 v6, v3;
	_ =	sdelay $0x1  }
0x2ac: {  	s1 =	simm.s32 @!p0 $0x9200  }
0x2ad: {  	[tilespmem:s1], [sflag:$0x4] =	stream.indirect_vreg.gather @!p0 [hbm4b:s5+s14], $0x80, v7, vm1, $0xb8;
	[tilespmem:$0x14200] =	vst v63  }
0x2ae: {  	s1 =	simm.s32 @!p0 $0x9A00  }
0x2af: {  	[tilespmem:s1], [sflag:$0x4] =	stream.indirect_vreg.gather @!p0 [hbm4b:s5+s14], $0x80, v3, vm1, $0xb8;
	[tilespmem:$0x14200] =	vst v63  }
0x2b0: {  	v3 =	vld @!p0 [tilespmem:$0x180];
	_ =	sdelay $0x4  }
0x2b1: {  	v7 =	vshll.u32 @!p0 v3, $0x1  }
0x2b2: {  	v3 =	vand.u32 @!p0 $0x7, v3;
	v7 =	vand.u32 @!p0 $0xFFFFFFF0, v7  }
0x2b3: {  	v3 =	vor.u32 @!p0 v3, v7  }
0x2b4: {  	v7 =	vperm.xlane @!p0 v3, v4;
	_ =	sdelay $0x1  }
0x2b5: {  	v3 =	vperm.xlane @!p0 v3, v5;
	v7 =	vadd.s32 @!p0 v6, v7;
	_ =	sdelay $0x1  }
0x2b6: {  	v3 =	vadd.s32 @!p0 v6, v3;
	_ =	sdelay $0x1  }
0x2b7: {  	s1 =	simm.s32 @!p0 $0xF200  }
0x2b8: {  	[tilespmem:s1], [sflag:$0x4] =	stream.indirect_vreg.gather @!p0 [hbm4b:s6+s14], $0x80, v7, vm1, $0xb8;
	[tilespmem:$0x14200] =	vst v63  }
0x2b9: {  	s1 =	simm.s32 @!p0 $0xFA00  }
0x2ba: {  	[tilespmem:s1], [sflag:$0x4] =	stream.indirect_vreg.gather @!p0 [hbm4b:s6+s14], $0x80, v3, vm1, $0xb8;
	[tilespmem:$0x14200] =	vst v63  }
0x2bb: {  	v3 =	vld @!p0 [tilespmem:$0x190];
	_ =	sdelay $0x4  }
0x2bc: {  	v7 =	vshll.u32 @!p0 v3, $0x1  }
0x2bd: {  	v3 =	vand.u32 @!p0 $0x7, v3;
	v7 =	vand.u32 @!p0 $0xFFFFFFF0, v7  }
0x2be: {  	v3 =	vor.u32 @!p0 v3, v7  }
0x2bf: {  	v7 =	vperm.xlane @!p0 v3, v4;
	_ =	sdelay $0x1  }
0x2c0: {  	v3 =	vperm.xlane @!p0 v3, v5;
	v7 =	vadd.s32 @!p0 v6, v7;
	_ =	sdelay $0x1  }
0x2c1: {  	v3 =	vadd.s32 @!p0 v6, v3;
	_ =	sdelay $0x1  }
0x2c2: {  	s1 =	simm.s32 @!p0 $0x10200  }
0x2c3: {  	[tilespmem:s1], [sflag:$0x4] =	stream.indirect_vreg.gather @!p0 [hbm4b:s6+s14], $0x80, v7, vm1, $0xb8;
	[tilespmem:$0x14200] =	vst v63  }
0x2c4: {  	s1 =	simm.s32 @!p0 $0x10A00  }
0x2c5: {  	[tilespmem:s1], [sflag:$0x4] =	stream.indirect_vreg.gather @!p0 [hbm4b:s6+s14], $0x80, v3, vm1, $0xb8;
	[tilespmem:$0x14200] =	vst v63  }
0x2c6: {  	v3 =	vld @!p0 [tilespmem:$0x1A0];
	_ =	sdelay $0x4  }
0x2c7: {  	v7 =	vshll.u32 @!p0 v3, $0x1  }
0x2c8: {  	v3 =	vand.u32 @!p0 $0x7, v3;
	v7 =	vand.u32 @!p0 $0xFFFFFFF0, v7  }
0x2c9: {  	v3 =	vor.u32 @!p0 v3, v7  }
0x2ca: {  	v7 =	vperm.xlane @!p0 v3, v4;
	_ =	sdelay $0x1  }
0x2cb: {  	v3 =	vperm.xlane @!p0 v3, v5;
	v7 =	vadd.s32 @!p0 v6, v7;
	_ =	sdelay $0x1  }
0x2cc: {  	v3 =	vadd.s32 @!p0 v6, v3;
	_ =	sdelay $0x1  }
0x2cd: {  	s1 =	simm.s32 @!p0 $0x11200  }
0x2ce: {  	[tilespmem:s1], [sflag:$0x4] =	stream.indirect_vreg.gather @!p0 [hbm4b:s6+s14], $0x80, v7, vm1, $0xb8;
	[tilespmem:$0x14200] =	vst v63  }
0x2cf: {  	s1 =	simm.s32 @!p0 $0x11A00  }
0x2d0: {  	[tilespmem:s1], [sflag:$0x4] =	stream.indirect_vreg.gather @!p0 [hbm4b:s6+s14], $0x80, v3, vm1, $0xb8;
	[tilespmem:$0x14200] =	vst v63  }
0x2d1: {  	v3 =	vld @!p0 [tilespmem:$0x1B0];
	_ =	sdelay $0x4  }
0x2d2: {  	v7 =	vshll.u32 @!p0 v3, $0x1  }
0x2d3: {  	v3 =	vand.u32 @!p0 $0x7, v3;
	v7 =	vand.u32 @!p0 $0xFFFFFFF0, v7  }
0x2d4: {  	v3 =	vor.u32 @!p0 v3, v7  }
0x2d5: {  	v7 =	vperm.xlane @!p0 v3, v4;
	_ =	sdelay $0x1  }
0x2d6: {  	v3 =	vperm.xlane @!p0 v3, v5;
	v7 =	vadd.s32 @!p0 v6, v7;
	_ =	sdelay $0x1  }
0x2d7: {  	v3 =	vadd.s32 @!p0 v6, v3;
	_ =	sdelay $0x1  }
0x2d8: {  	s1 =	simm.s32 @!p0 $0x12200  }
0x2d9: {  	[tilespmem:s1], [sflag:$0x4] =	stream.indirect_vreg.gather @!p0 [hbm4b:s6+s14], $0x80, v7, vm1, $0xb8;
	[tilespmem:$0x14200] =	vst v63  }
0x2da: {  	s1 =	simm.s32 @!p0 $0x12A00  }
0x2db: {  	[tilespmem:s1], [sflag:$0x4] =	stream.indirect_vreg.gather @!p0 [hbm4b:s6+s14], $0x80, v3, vm1, $0xb8;
	[tilespmem:$0x14200] =	vst v63  }
0x2dc: {  	v3 =	vld @!p0 [tilespmem:$0x1C0];
	_ =	sdelay $0x4  }
0x2dd: {  	v7 =	vshll.u32 @!p0 v3, $0x1  }
0x2de: {  	v3 =	vand.u32 @!p0 $0x7, v3;
	v7 =	vand.u32 @!p0 $0xFFFFFFF0, v7  }
0x2df: {  	v3 =	vor.u32 @!p0 v3, v7  }
0x2e0: {  	v4 =	vperm.xlane @!p0 v3, v4;
	_ =	sdelay $0x1  }
0x2e1: {  	v3 =	vperm.xlane @!p0 v3, v5;
	v4 =	vadd.s32 @!p0 v6, v4;
	_ =	sdelay $0x1  }
0x2e2: {  	v3 =	vadd.s32 @!p0 v6, v3;
	_ =	sdelay $0x1  }
0x2e3: {  	s1 =	simm.s32 @!p0 $0x13200  }
0x2e4: {  	[tilespmem:s1], [sflag:$0x4] =	stream.indirect_vreg.gather @!p0 [hbm4b:s6+s14], $0x80, v4, vm1, $0xb8;
	[tilespmem:$0x14200] =	vst v63  }
0x2e5: {  	s1 =	simm.s32 @!p0 $0x13A00  }
0x2e6: {  	[tilespmem:s1], [sflag:$0x4] =	stream.indirect_vreg.gather @!p0 [hbm4b:s6+s14], $0x80, v3, vm1, $0xb8;
	[tilespmem:$0x14200] =	vst v63  }
0x2e7: {  	s1 =	sadd.s32 @!p0 $0xFFFFFF86, s13  }
0x2e8: {  	p1 =	sgt.u32 @!p0 s1, $0x7FFFFF82  }
0x2e9: {  	p1 =	por p0, !p1  }
0x2ea: {  	_ =	swait.ge @p1 [sflag:s16], $0x2800  }
0x2eb: {  	[sflag:s16] =	ssyncset.done @p1 $0x0  }
0x2ec: {  	[sflag:s16] =	ssyncadd.s32 @p1 $0xFFFFD800  }
0x2ed: {  	_ =	swait.ge @p1 [sflag:s16], $0x2800  }
0x2ee: {  	[sflag:s16] =	ssyncset.done @p1 $0x0  }
0x2ef: {  	[sflag:s16] =	ssyncadd.s32 @p1 $0xFFFFD800  }
0x2f0: {  	_ =	swait.ge [sflag:s12], $0x5000  }
0x2f1: {  	[sflag:s12] =	ssyncset.done $0x0;
	s1 =	rddreg [dreg:$0xc]  }
0x2f2: {  	[sflag:s12] =	ssyncadd.s32 $0xFFFFB000;
	s1 =	sadd.s32 @!p0 s1, s11  }
0x2f3: {  	_ =	swait.ge [sflag:s12], $0x5000;
	s1 =	smul.u32 @!p0 $0xA, s1  }
0x2f4: {  	[sflag:s12] =	ssyncset.done $0x0  }
0x2f5: {  	[sflag:s12] =	ssyncadd.s32 $0xFFFFB000;
	s4 =	sadd.s32 @!p0 s7, s1  }
0x2f6: {  	[tilespmem:s14], [sflag:$0x1] =	stream.linear.gather @!p0 [hbm4b:s4+s14], $0x50, $0x38;
	[tilespmem:$0x14200] =	vst v63  }
0x2f7: {  	s1 =	sadd.s32 @!p0 s19, s1;
	s4 =	simm.s32 @!p0 $0x100  }
0x2f8: {  	[tilespmem:s4], [sflag:$0x1] =	stream.linear.gather @!p0 [hbm4b:s1+s14], $0x50, $0x38;
	[tilespmem:$0x14200] =	vst v63  }
0x2f9: {  	s14 =	simm.s32 $0x0  }
0x2fa: {  	s18 =	sand.u32 $0x7800, s14;
	s1 =	sand.u32 $0x380, s14  }
0x2fb: {  	s13 =	sor.u32 s1, s18  }
0x2fc: {  	v10 =	vld [tilespmem:s13+$0xA200]  }
0x2fd: {  	v11 =	vld [tilespmem:s13+$0xA210]  }
0x2fe: {  	v12 =	vld [tilespmem:s13+$0xA220]  }
0x2ff: {  	v13 =	vld [tilespmem:s13+$0xA230]  }
0x300: {  	v14 =	vld [tilespmem:s13+$0xA240]  }
0x301: {  	v15 =	vld [tilespmem:s13+$0xA250]  }
0x302: {  	v16 =	vld [tilespmem:s13+$0xA260]  }
0x303: {  	v17 =	vld [tilespmem:s13+$0xA270]  }
0x304: {  	v18 =	vld [tilespmem:s13+$0xA600]  }
0x305: {  	v9 =	vld [tilespmem:s13+$0xA610]  }
0x306: {  	v8 =	vld [tilespmem:s13+$0xA620]  }
0x307: {  	v7 =	vld [tilespmem:s13+$0xA630]  }
0x308: {  	v6 =	vld [tilespmem:s13+$0xA640]  }
0x309: {  	v5 =	vld [tilespmem:s13+$0xA650]  }
0x30a: {  	v4 =	vld [tilespmem:s13+$0xA660]  }
0x30b: {  	v3 =	vld [tilespmem:s13+$0xA670]  }
0x30c: {  	v19 =	vld [tilespmem:s13+$0x200]  }
0x30d: {  	v20 =	vld [tilespmem:s13+$0x210]  }
0x30e: {  	v21 =	vld [tilespmem:s13+$0x220]  }
0x30f: {  	v22 =	vld [tilespmem:s13+$0x230]  }
0x310: {  	v23 =	vld [tilespmem:s13+$0x240]  }
0x311: {  	v10 =	vsub.f32 v19, v10;
	v19 =	vld [tilespmem:s13+$0x250]  }
0x312: {  	v61 =	vld [tilespmem:s13+$0x260];
	v11 =	vsub.f32 v20, v11  }
0x313: {  	v62 =	vld [tilespmem:s13+$0x270];
	[tilespmem:s13+$0x200] =	vst v10;
	v10 =	vsub.f32 v21, v12  }
0x314: {  	v63 =	vld [tilespmem:s13+$0x600];
	[tilespmem:s13+$0x210] =	vst v11;
	v11 =	vsub.f32 v22, v13  }
0x315: {  	v13 =	vld [tilespmem:s13+$0x610];
	[tilespmem:s13+$0x220] =	vst v10;
	v10 =	vsub.f32 v23, v14  }
0x316: {  	v12 =	vld [tilespmem:s13+$0x620];
	[tilespmem:s13+$0x230] =	vst v11;
	v11 =	vsub.f32 v19, v15  }
0x317: {  	v14 =	vsub.f32 v61, v16;
	[tilespmem:s13+$0x240] =	vst v10;
	v10 =	vld [tilespmem:s13+$0x630]  }
0x318: {  	v16 =	vsub.f32 v62, v17;
	[tilespmem:s13+$0x250] =	vst v11;
	v11 =	vld [tilespmem:s13+$0x640]  }
0x319: {  	s14 =	simm.s32 $0x80;
	s1 =	simm.s32 $0x100;
	v15 =	vadd.f32 v18, v63;
	[tilespmem:s13+$0x260] =	vst v14;
	v14 =	vld [tilespmem:s13+$0x650]  }
.LBB2_7:
0x31a: {  	s4 =	sand.u32 $0x7800, s1;
	s18 =	sand.u32 $0x380, s14;
	p0 =	sne.s32 s1, $0x4F00;
	[tilespmem:s13+$0x270] =	vst v16;
	v9 =	vadd.f32 v9, v13;
	v13 =	vld [tilespmem:s13+$0x660]  }
0x31b: {  	s4 =	sor.u32 s18, s4;
	[tilespmem:s13+$0x600] =	vst v15;
	v8 =	vadd.f32 v8, v12;
	v12 =	vld [tilespmem:s13+$0x670]  }
0x31c: {  	v15 =	vld [tilespmem:s4+$0xA200];
	[tilespmem:s13+$0x610] =	vst v9;
	v7 =	vadd.f32 v7, v10  }
0x31d: {  	v10 =	vld [tilespmem:s4+$0xA210];
	[tilespmem:s13+$0x620] =	vst v8;
	v6 =	vadd.f32 v6, v11  }
0x31e: {  	v11 =	vld [tilespmem:s4+$0xA220];
	[tilespmem:s13+$0x630] =	vst v7;
	v5 =	vadd.f32 v5, v14  }
0x31f: {  	v14 =	vld [tilespmem:s4+$0xA230];
	[tilespmem:s13+$0x640] =	vst v6;
	v4 =	vadd.f32 v4, v13  }
0x320: {  	v13 =	vld [tilespmem:s4+$0xA240];
	[tilespmem:s13+$0x650] =	vst v5;
	v3 =	vadd.f32 v3, v12  }
0x321: {  	v12 =	vld [tilespmem:s4+$0xA250];
	[tilespmem:s13+$0x660] =	vst v4  }
0x322: {  	v16 =	vld [tilespmem:s4+$0xA260];
	[tilespmem:s13+$0x670] =	vst v3;
	s13 =	smov.u32 s4  }
0x323: {  	v17 =	vld [tilespmem:s13+$0xA270]  }
0x324: {  	v18 =	vld [tilespmem:s13+$0xA600]  }
0x325: {  	v9 =	vld [tilespmem:s13+$0xA610]  }
0x326: {  	v8 =	vld [tilespmem:s13+$0xA620]  }
0x327: {  	v7 =	vld [tilespmem:s13+$0xA630]  }
0x328: {  	v6 =	vld [tilespmem:s13+$0xA640]  }
0x329: {  	v5 =	vld [tilespmem:s13+$0xA650]  }
0x32a: {  	v4 =	vld [tilespmem:s13+$0xA660]  }
0x32b: {  	v3 =	vld [tilespmem:s13+$0xA670]  }
0x32c: {  	v19 =	vld [tilespmem:s13+$0x200]  }
0x32d: {  	v20 =	vld [tilespmem:s13+$0x210]  }
0x32e: {  	v21 =	vld [tilespmem:s13+$0x220]  }
0x32f: {  	v22 =	vld [tilespmem:s13+$0x230]  }
0x330: {  	v23 =	vld [tilespmem:s13+$0x240]  }
0x331: {  	v15 =	vsub.f32 v19, v15;
	v19 =	vld [tilespmem:s13+$0x250]  }
0x332: {  	v10 =	vsub.f32 v20, v10;
	v20 =	vld [tilespmem:s13+$0x260]  }
0x333: {  	[tilespmem:s13+$0x200] =	vst v15;
	v11 =	vsub.f32 v21, v11;
	v15 =	vld [tilespmem:s13+$0x270]  }
0x334: {  	[tilespmem:s13+$0x210] =	vst v10;
	v10 =	vsub.f32 v22, v14;
	v14 =	vld [tilespmem:s13+$0x600]  }
.Ltmp2:
0x335: {  	[tilespmem:s13+$0x220] =	vst v11;
	v11 =	vsub.f32 v23, v13;
	v13 =	vld [tilespmem:s13+$0x610];
	(pc) =	sbr.rel @p0 .LBB2_7-.Ltmp2, $4  }
0x336: {  	[tilespmem:s13+$0x230] =	vst v10;
	v19 =	vsub.f32 v19, v12;
	v12 =	vld [tilespmem:s13+$0x620]  }
0x337: {  	[tilespmem:s13+$0x240] =	vst v11;
	v20 =	vsub.f32 v20, v16;
	v10 =	vld [tilespmem:s13+$0x630]  }
0x338: {  	[tilespmem:s13+$0x250] =	vst v19;
	v16 =	vsub.f32 v15, v17;
	v11 =	vld [tilespmem:s13+$0x640]  }
0x339: {  	s14 =	sadd.s32 $0x80, s14;
	s1 =	sadd.s32 $0x100, s1;
	[tilespmem:s13+$0x260] =	vst v20;
	v15 =	vadd.f32 v18, v14;
	v14 =	vld [tilespmem:s13+$0x650]  }
0x33a: {  	[tilespmem:s13+$0x270] =	vst v16;
	v9 =	vadd.f32 v9, v13;
	v62 =	vld [tilespmem:s13+$0x660]  }
0x33b: {  	v63 =	vld [tilespmem:s13+$0x670];
	[tilespmem:s13+$0x600] =	vst v15;
	v8 =	vadd.f32 v8, v12  }
0x33c: {  	[tilespmem:s13+$0x610] =	vst v9;
	v7 =	vadd.f32 v7, v10  }
0x33d: {  	[tilespmem:s13+$0x620] =	vst v8;
	v6 =	vadd.f32 v6, v11  }
0x33e: {  	s1 =	rddreg [dreg:$0xd];
	[tilespmem:s13+$0x630] =	vst v7;
	v5 =	vadd.f32 v5, v14  }
0x33f: {  	s1 =	sadd.s32 s1, s11;
	[tilespmem:s13+$0x640] =	vst v6;
	v4 =	vadd.f32 v4, v62  }
0x340: {  	s1 =	smul.u32 $0x500, s1;
	v3 =	vadd.f32 v3, v63;
	[tilespmem:s13+$0x650] =	vst v5  }
0x341: {  	[tilespmem:s13+$0x660] =	vst v4  }
0x342: {  	s4 =	sadd.s32 s8, s1;
	[tilespmem:s13+$0x670] =	vst v3  }
0x343: {  	[hbm4b:s4+s3] =	stream.linear.scatter [tilespmem:s26], [sflag:$0x5], $0x400, $0x38;
	[tilespmem:$0x14200] =	vst v63  }
0x344: {  	s14 =	sadd.s32 $0x80, s4  }
0x345: {  	[hbm4b:s14+s3] =	stream.linear.scatter [tilespmem:s28], [sflag:$0x5], $0x400, $0x38;
	[tilespmem:$0x14200] =	vst v63  }
0x346: {  	s18 =	sadd.s32 $0x100, s4  }
0x347: {  	[hbm4b:s18+s3] =	stream.linear.scatter [tilespmem:s29], [sflag:$0x5], $0x400, $0x38;
	[tilespmem:$0x14200] =	vst v63  }
0x348: {  	s13 =	sadd.s32 $0x180, s4  }
0x349: {  	[hbm4b:s13+s3] =	stream.linear.scatter [tilespmem:s30], [sflag:$0x5], $0x400, $0x38;
	[tilespmem:$0x14200] =	vst v63  }
0x34a: {  	s14 =	sadd.s32 $0x200, s4  }
0x34b: {  	[hbm4b:s14+s3] =	stream.linear.scatter [tilespmem:s31], [sflag:$0x5], $0x400, $0x38;
	[tilespmem:$0x14200] =	vst v63  }
0x34c: {  	s18 =	sadd.s32 $0x280, s4  }
0x34d: {  	[hbm4b:s18+s3] =	stream.linear.scatter [tilespmem:s0], [sflag:$0x5], $0x400, $0x38;
	[tilespmem:$0x14200] =	vst v63  }
0x34e: {  	s13 =	sadd.s32 $0x300, s4  }
0x34f: {  	[hbm4b:s13+s3] =	stream.linear.scatter [tilespmem:s2], [sflag:$0x5], $0x400, $0x38;
	[tilespmem:$0x14200] =	vst v63  }
0x350: {  	s14 =	sadd.s32 $0x380, s4  }
0x351: {  	[hbm4b:s14+s3] =	stream.linear.scatter [tilespmem:s23], [sflag:$0x5], $0x400, $0x38;
	[tilespmem:$0x14200] =	vst v63  }
0x352: {  	s18 =	sadd.s32 $0x400, s4  }
0x353: {  	[hbm4b:s18+s3] =	stream.linear.scatter [tilespmem:s24], [sflag:$0x5], $0x400, $0x38;
	[tilespmem:$0x14200] =	vst v63  }
0x354: {  	s4 =	sadd.s32 $0x480, s4  }
0x355: {  	[hbm4b:s4+s3] =	stream.linear.scatter [tilespmem:s22], [sflag:$0x5], $0x400, $0x38;
	[tilespmem:$0x14200] =	vst v63  }
0x356: {  	s1 =	sadd.s32 s9, s1;
	s13 =	simm.s32 $0x600  }
0x357: {  	[hbm4b:s1+s3] =	stream.linear.scatter [tilespmem:s13], [sflag:$0x5], $0x400, $0x38;
	[tilespmem:$0x14200] =	vst v63  }
0x358: {  	s14 =	sadd.s32 $0x80, s1;
	s18 =	simm.s32 $0xE00  }
0x359: {  	[hbm4b:s14+s3] =	stream.linear.scatter [tilespmem:s18], [sflag:$0x5], $0x400, $0x38;
	[tilespmem:$0x14200] =	vst v63  }
0x35a: {  	s11 =	sadd.s32 $0x100, s1;
	s13 =	simm.s32 $0x1600  }
0x35b: {  	[hbm4b:s11+s3] =	stream.linear.scatter [tilespmem:s13], [sflag:$0x5], $0x400, $0x38;
	[tilespmem:$0x14200] =	vst v63  }
0x35c: {  	s14 =	sadd.s32 $0x180, s1;
	s18 =	simm.s32 $0x1E00  }
0x35d: {  	[hbm4b:s14+s3] =	stream.linear.scatter [tilespmem:s18], [sflag:$0x5], $0x400, $0x38;
	[tilespmem:$0x14200] =	vst v63  }
0x35e: {  	s11 =	sadd.s32 $0x200, s1;
	s13 =	simm.s32 $0x2600  }
0x35f: {  	[hbm4b:s11+s3] =	stream.linear.scatter [tilespmem:s13], [sflag:$0x5], $0x400, $0x38;
	[tilespmem:$0x14200] =	vst v63  }
0x360: {  	s14 =	sadd.s32 $0x280, s1;
	s18 =	simm.s32 $0x2E00  }
0x361: {  	[hbm4b:s14+s3] =	stream.linear.scatter [tilespmem:s18], [sflag:$0x5], $0x400, $0x38;
	[tilespmem:$0x14200] =	vst v63  }
0x362: {  	s10 =	sadd.s32 $0x1, s10;
	s11 =	sadd.s32 $0x300, s1;
	s13 =	simm.s32 $0x3600  }
0x363: {  	[hbm4b:s11+s3] =	stream.linear.scatter [tilespmem:s13], [sflag:$0x5], $0x400, $0x38;
	[tilespmem:$0x14200] =	vst v63  }
0x364: {  	p0 =	sne.s32 s10, $0x3E;
	s14 =	sadd.s32 $0x380, s1;
	s18 =	simm.s32 $0x3E00  }
0x365: {  	[hbm4b:s14+s3] =	stream.linear.scatter [tilespmem:s18], [sflag:$0x5], $0x400, $0x38;
	[tilespmem:$0x14200] =	vst v63  }
.Ltmp3:
0x366: {  	_ = 	snop;
	(pc) =	sbr.rel @p0 .LBB2_4-.Ltmp3, $4  }
0x367: {  	s13 =	sadd.s32 $0x400, s1;
	s14 =	simm.s32 $0x4600  }
0x368: {  	[hbm4b:s13+s3] =	stream.linear.scatter [tilespmem:s14], [sflag:$0x5], $0x400, $0x38;
	[tilespmem:$0x14200] =	vst v63  }
0x369: {  	s1 =	sadd.s32 $0x480, s1;
	s18 =	simm.s32 $0x4E00  }
0x36a: {  	[hbm4b:s1+s3] =	stream.linear.scatter [tilespmem:s18], [sflag:$0x5], $0x400, $0x38;
	[tilespmem:$0x14200] =	vst v63  }
0x36b: {  	_ =	swait.ge [sflag:s15], $0x2800  }
0x36c: {  	[sflag:s15] =	ssyncset.done $0x0  }
0x36d: {  	[sflag:s15] =	ssyncadd.s32 $0xFFFFD800  }
0x36e: {  	_ =	swait.ge [sflag:s15], $0x2800  }
0x36f: {  	s4 =	rddreg [dreg:$0xf]  }
0x370: {  	s1 =	rddreg [dreg:$0xe];
	s4 =	sadd.s32 $0x1, s4  }
0x371: {  	p0 =	sne.s32 s4, s1  }
.Ltmp4:
0x372: {  	_ = 	snop;
	(pc) =	sbr.rel @p0 .LBB2_1-.Ltmp4, $3  }
0x373: {  	_ =	sdelay $0x1  }
0x374: {  	[sflag:s15] =	ssyncset.done $0x0  }
0x375: {  	[sflag:s15] =	ssyncadd.s32 $0xFFFFD800  }
0x376: {  	_ =	sfence.sel $0x180000  }
0x377: {  	[bflag:$0x0] =	sbarrier.arrive $0xFFFF  }
0x378: {  	_ =	strace $0x90000047  }
0x379: {  	s0 =	stileid.u32;
	[bflag:$0x2] =	sbarrier.arrive $0xFFFF  }
0x37a: {  	p0 =	sne.s32 s0, $0x0;
	s0 =	rddreg [dreg:$0x2]  }
0x37b: {  	s0 =	sadd.s32 @!p0 $0x100000, s0  }
0x37c: {  	[sflag:s0] =	ssyncadd.tile.s32 @!p0 $0x1;
	_ =	shalt  }
.Lfunc_end2:
_tile_overlayer_lowered:
.L_overlay_start_2:
0x37d: {  	(tag) =	ssettag $0x2  }
0x37e: {  	s0 =	rddreg [dreg:$0x0];
	s2 =	stileid.u32  }
0x37f: {  	s1 =	rddreg [dreg:$0x1];
	p0 =	sne.s32 s2, $0x0  }
0x380: {  	s3 =	rddreg [dreg:$0x2];
	[bflag:$0x3] =	sbarrier.arrive $0xFFFF;
	s2 =	simm.s32 @!p0 $0x1C07  }
0x381: {  	[timem:s3], [sflag:s2] =	dma.local @!p0 [hbm:s0], s1  }
0x382: {  	s0 =	simm.s32 @!p0 $0x7  }
0x383: {  	_ =	swait.ge @!p0 [sflag:s0], s1  }
0x384: {  	s1 =	ssub.s32 @!p0 $0x0, s1;
	[sflag:s0] =	ssyncset.done @!p0 $0x0  }
0x385: {  	[sflag:s0] =	ssyncadd.s32 @!p0 s1  }
0x386: {  	[bflag:$0x3] =	sbarrier.arrive $0xFFFF  }
0x387: {  	_ =	shalt  }

</sc_bundles>
